<compile_context>
chip_gen: v7x
topology: tpu7x:2x2x1
jax: 0.10.2.dev20260603
libtpu: 0.0.44.dev20260713+nightly
codegen_flags: <defaults>
</compile_context>

<pallas_src>
import functools

import jax
import jax.numpy as jnp
from jax import lax
from jax.experimental import pallas as pl
from jax.experimental.pallas import tpu as pltpu
from jax.experimental.pallas import tpu_sc as plsc

B = 1024
N_SLOTS = 16
VAR = 512
D_QK = 32
N_RULES = 8
EMB = 64
HID = 1024
D_IN = 1024
N_STAGES = 4

BLK_B = 128
NB = B // BLK_B
BLK_P = 128
NPAD = B + N_RULES * BLK_P
NBLK_MLP = NPAD // BLK_P

SC_CORES = 2
SC_SUBCORES = 16
SC_WORKERS = SC_CORES * SC_SUBCORES
ROWS_PER_W = B // SC_WORKERS

_SCALE = 0.1767766952966369


def _bf(x):
    return x.astype(jnp.bfloat16)


def _dot(a, b):
    return jnp.dot(_bf(a), _bf(b), preferred_element_type=jnp.float32)




def _enc_body(x_ref, w_ref, b_ref, vars_ref, v_ref):
    enc = jnp.dot(_bf(x_ref[...]), w_ref[...],
                  preferred_element_type=jnp.float32) + b_ref[...]
    for s in range(N_SLOTS):
        v_ref[s] = vars_ref[:, s, :] + enc


def _encoder(x, vars0, W_enc_b, b_enc):
    return pl.pallas_call(
        _enc_body,
        grid=(NB,),
        in_specs=[
            pl.BlockSpec((BLK_B, D_IN), lambda i: (i, 0)),
            pl.BlockSpec((D_IN, VAR), lambda i: (0, 0)),
            pl.BlockSpec((1, VAR), lambda i: (0, 0)),
            pl.BlockSpec((BLK_B, N_SLOTS, VAR), lambda i: (i, 0, 0)),
        ],
        out_specs=pl.BlockSpec((N_SLOTS, BLK_B, VAR), lambda i: (0, i, 0)),
        out_shape=jax.ShapeDtypeStruct((N_SLOTS, B, VAR), jnp.float32),
    )(x, W_enc_b, b_enc, vars0)




def _argmax_lanes(mat, n):
    m = jnp.max(mat, axis=1, keepdims=True)
    ii = lax.broadcasted_iota(jnp.int32, mat.shape, 1)
    return jnp.min(jnp.where(mat == m, ii, n), axis=1, keepdims=True)


def _routing_math(r, pos_ref, brule_ref, nact_ref):
    rr = lax.broadcasted_iota(jnp.int32, (B, N_RULES), 1)
    oh = (r == rr).astype(jnp.float32)
    bi = lax.broadcasted_iota(jnp.int32, (B, B), 0)
    bj = lax.broadcasted_iota(jnp.int32, (B, B), 1)
    lower = _bf((bi >= bj).astype(jnp.float32))
    pref = jnp.dot(lower, _bf(oh), preferred_element_type=jnp.float32)
    rank = jnp.sum(oh * pref, axis=1, keepdims=True) - 1.0
    counts = pref[B - 1:B, :]
    nblk = (counts.astype(jnp.int32) + (BLK_P - 1)) // BLK_P
    ri = lax.broadcasted_iota(jnp.int32, (N_RULES, N_RULES), 0)
    rj = lax.broadcasted_iota(jnp.int32, (N_RULES, N_RULES), 1)
    supper = _bf((ri < rj).astype(jnp.float32))
    blkoff = jnp.dot(_bf(nblk.astype(jnp.float32)), supper,
                     preferred_element_type=jnp.float32)
    start = jnp.sum(oh * blkoff, axis=1, keepdims=True)
    pos_ref[...] = (start * BLK_P + rank).astype(jnp.int32)
    total = jnp.sum(nblk.astype(jnp.float32), axis=1, keepdims=True)
    nact_ref[...] = total.astype(jnp.int32)
    jcol = lax.broadcasted_iota(jnp.int32, (NBLK_MLP, N_RULES), 0)
    jclamp = jnp.minimum(jcol.astype(jnp.float32),
                         jnp.broadcast_to(total, (NBLK_MLP, N_RULES)) - 1.0)
    bo = jnp.broadcast_to(blkoff, (NBLK_MLP, N_RULES))
    cnt = jnp.sum((bo <= jclamp).astype(jnp.float32),
                  axis=1, keepdims=True)
    brule_ref[...] = cnt.astype(jnp.int32) - 1


def _sel_body(apply_prev, *refs):
    if apply_prev:
        (v_ref, vnew_ref, sprev_ref, wqkc_ref, wkvr_ref, remb_ref, wqpc_ref,
         vout_ref, inp_ref, sstar_ref, rstar_ref, pos_ref, brule_ref,
         nact_ref, racc_ref) = refs
        sprev = sprev_ref[...]
        vnew = vnew_ref[...]
        for s in range(N_SLOTS):
            vout_ref[s] = jnp.where(sprev == s, vnew, v_ref[s])
        vsrc = vout_ref
    else:
        (v_ref, wqkc_ref, wkvr_ref, remb_ref, wqpc_ref,
         inp_ref, sstar_ref, rstar_ref, pos_ref, brule_ref,
         nact_ref, racc_ref) = refs
        vsrc = v_ref
    vs = [vsrc[s] for s in range(N_SLOTS)]

    vstack = _bf(vsrc[...].reshape(N_SLOTS * BLK_B, VAR))
    qkc = jnp.dot(vstack, wqkc_ref[...],
                  preferred_element_type=jnp.float32)
    k = jnp.dot(_bf(remb_ref[...]), wkvr_ref[...],
                preferred_element_type=jnp.float32)
    logits_all = lax.dot_general(_bf(qkc[:, :D_QK]), _bf(k),
                                 (((1,), (1,)), ((), ())),
                                 preferred_element_type=jnp.float32)
    flat = jnp.concatenate(
        [logits_all[s * BLK_B:(s + 1) * BLK_B, :] for s in range(N_SLOTS)],
        axis=1) * _SCALE
    idx = _argmax_lanes(flat, N_SLOTS * N_RULES)
    sstar = idx >> 3
    rstar = idx & (N_RULES - 1)

    var_primary = jnp.zeros((BLK_B, VAR), jnp.float32)
    for s in range(N_SLOTS):
        var_primary = var_primary + jnp.where(sstar == s, vs[s], 0.0)

    qp = jnp.dot(_bf(var_primary), wqpc_ref[...],
                 preferred_element_type=jnp.float32)
    qpf = _bf(qp).astype(jnp.float32)

    def _fold_sum(x):
        w = x.shape[1]
        while w > 1:
            w //= 2
            x = x[:, :w] + x[:, w:2 * w]
        return x

    ctx_cols = [
        _fold_sum(_bf(qpf * _bf(qkc[s * BLK_B:(s + 1) * BLK_B, D_QK:])
                      .astype(jnp.float32)).astype(jnp.float32))
        for s in range(N_SLOTS)
    ]
    ctx_logits = jnp.concatenate(ctx_cols, axis=1) * _SCALE
    cidx = _argmax_lanes(ctx_logits, N_SLOTS)
    var_context = jnp.zeros((BLK_B, VAR), jnp.float32)
    for s in range(N_SLOTS):
        var_context = var_context + jnp.where(cidx == s, vs[s], 0.0)

    inp_ref[...] = jnp.concatenate([var_primary, var_context], axis=1)
    sstar_ref[...] = sstar
    rstar_ref[...] = rstar

    i = pl.program_id(0)
    racc_ref[pl.ds(i * BLK_B, BLK_B), :] = rstar

    @pl.when(i == NB - 1)
    def _():
        _routing_math(racc_ref[...], pos_ref, brule_ref, nact_ref)


def _selection(v, weights, prev=None):
    Wqkc_b, Wk_vr_b, rule_emb, Wq_pc_b = weights
    apply_prev = prev is not None
    wspecs = [
        pl.BlockSpec((VAR, 2 * D_QK), lambda i: (0, 0)),
        pl.BlockSpec((EMB, D_QK), lambda i: (0, 0)),
        pl.BlockSpec((N_RULES, EMB), lambda i: (0, 0)),
        pl.BlockSpec((VAR, D_QK), lambda i: (0, 0)),
    ]
    in_specs = [pl.BlockSpec((N_SLOTS, BLK_B, VAR), lambda i: (0, i, 0))]
    args = [v]
    if apply_prev:
        vnew, sprev = prev
        in_specs += [
            pl.BlockSpec((BLK_B, VAR), lambda i: (i, 0)),
            pl.BlockSpec((BLK_B, 1), lambda i: (i, 0)),
        ]
        args += [vnew, sprev]
    in_specs += wspecs
    args += [Wqkc_b, Wk_vr_b, rule_emb, Wq_pc_b]

    out_specs = [
        pl.BlockSpec((BLK_B, 2 * VAR), lambda i: (i, 0)),
        pl.BlockSpec((BLK_B, 1), lambda i: (i, 0)),
        pl.BlockSpec((BLK_B, 1), lambda i: (i, 0)),
        pl.BlockSpec((B, 1), lambda i: (0, 0)),
        pl.BlockSpec((NBLK_MLP, 1), lambda i: (0, 0)),
        pl.BlockSpec((1, 1), lambda i: (0, 0)),
    ]
    out_shape = [
        jax.ShapeDtypeStruct((B, 2 * VAR), jnp.float32),
        jax.ShapeDtypeStruct((B, 1), jnp.int32),
        jax.ShapeDtypeStruct((B, 1), jnp.int32),
        jax.ShapeDtypeStruct((B, 1), jnp.int32),
        jax.ShapeDtypeStruct((NBLK_MLP, 1), jnp.int32),
        jax.ShapeDtypeStruct((1, 1), jnp.int32),
    ]
    if apply_prev:
        out_specs = [pl.BlockSpec((N_SLOTS, BLK_B, VAR),
                                  lambda i: (0, i, 0))] + out_specs
        out_shape = [jax.ShapeDtypeStruct((N_SLOTS, B, VAR),
                                          jnp.float32)] + out_shape

    res = pl.pallas_call(
        functools.partial(_sel_body, apply_prev),
        grid=(NB,),
        in_specs=in_specs,
        out_specs=out_specs,
        out_shape=out_shape,
        scratch_shapes=[pltpu.VMEM((B, 1), jnp.int32)],
    )(*args)
    if apply_prev:
        vnext, inp, sstar, rstar, pos, brule, nact = res
    else:
        inp, sstar, rstar, pos, brule, nact = res
        vnext = v
    return vnext, inp, sstar, rstar, pos, brule, nact



@functools.cache
def _sc_scatter_kernel():
    mesh = plsc.VectorSubcoreMesh(core_axis_name="c", subcore_axis_name="s")

    @functools.partial(
        pl.kernel,
        mesh=mesh,
        out_type=jax.ShapeDtypeStruct((NPAD, 2 * VAR), jnp.float32),
        scratch_types=[
            pltpu.VMEM((ROWS_PER_W,), jnp.int32),
            pltpu.VMEM((ROWS_PER_W, 2 * VAR), jnp.float32),
            pltpu.SemaphoreType.DMA,
        ],
    )
    def body(inp_hbm, pos_hbm, out_hbm, pos_v, rows_v, sem):
        wid = lax.axis_index("s") * SC_CORES + lax.axis_index("c")
        base = wid * ROWS_PER_W
        pltpu.sync_copy(pos_hbm.at[pl.ds(base, ROWS_PER_W)], pos_v)
        pltpu.sync_copy(inp_hbm.at[pl.ds(base, ROWS_PER_W)], rows_v)
        pltpu.async_copy(rows_v, out_hbm.at[pos_v], sem).wait()

    return body


def _sc_scatter(inp, pos):
    return _sc_scatter_kernel()(inp, pos)


@functools.cache
def _sc_gather_kernel():
    mesh = plsc.VectorSubcoreMesh(core_axis_name="c", subcore_axis_name="s")

    @functools.partial(
        pl.kernel,
        mesh=mesh,
        out_type=jax.ShapeDtypeStruct((B, VAR), jnp.float32),
        scratch_types=[
            pltpu.VMEM((ROWS_PER_W,), jnp.int32),
            pltpu.VMEM((ROWS_PER_W, VAR), jnp.float32),
            pltpu.SemaphoreType.DMA,
        ],
    )
    def body(outsrt_hbm, pos_hbm, vnew_hbm, pos_v, rows_v, sem):
        wid = lax.axis_index("s") * SC_CORES + lax.axis_index("c")
        base = wid * ROWS_PER_W
        pltpu.sync_copy(pos_hbm.at[pl.ds(base, ROWS_PER_W)], pos_v)
        pltpu.async_copy(outsrt_hbm.at[pos_v], rows_v, sem).wait()
        pltpu.sync_copy(rows_v, vnew_hbm.at[pl.ds(base, ROWS_PER_W)])

    return body


def _sc_gather(outsrt, pos):
    return _sc_gather_kernel()(outsrt, pos)




def _mlp_body(brule_ref, nact_ref, inp_ref, w1_ref, b1_ref, w2_ref, b2_ref,
              out_ref):
    del brule_ref

    @pl.when(pl.program_id(0) < nact_ref[0])
    def _():
        h = jnp.dot(_bf(inp_ref[...]), w1_ref[0],
                    preferred_element_type=jnp.float32) + b1_ref[0]
        h = jnp.maximum(h, 0.0)
        out_ref[...] = jnp.dot(_bf(h), w2_ref[0],
                               preferred_element_type=jnp.float32) + b2_ref[0]


def _grouped_mlp(inp_sorted, brule, nact, W1_b, b1, W2_b, b2):
    grid_spec = pltpu.PrefetchScalarGridSpec(
        num_scalar_prefetch=2,
        grid=(NBLK_MLP,),
        in_specs=[
            pl.BlockSpec((BLK_P, 2 * VAR), lambda j, br, na: (j, 0)),
            pl.BlockSpec((1, 2 * VAR, HID), lambda j, br, na: (br[j], 0, 0)),
            pl.BlockSpec((1, 1, HID), lambda j, br, na: (br[j], 0, 0)),
            pl.BlockSpec((1, HID, VAR), lambda j, br, na: (br[j], 0, 0)),
            pl.BlockSpec((1, 1, VAR), lambda j, br, na: (br[j], 0, 0)),
        ],
        out_specs=pl.BlockSpec((BLK_P, VAR), lambda j, br, na: (j, 0)),
    )
    return pl.pallas_call(
        _mlp_body,
        grid_spec=grid_spec,
        out_shape=jax.ShapeDtypeStruct((NPAD, VAR), jnp.float32),
    )(brule, nact, inp_sorted, W1_b, b1, W2_b, b2)




def _apply_body(v_ref, vnew_ref, sprev_ref, vout_ref):
    sprev = sprev_ref[...]
    vnew = vnew_ref[...]
    for s in range(N_SLOTS):
        vout_ref[:, s, :] = jnp.where(sprev == s, vnew, v_ref[s])


def _apply(v, vnew, sstar):
    return pl.pallas_call(
        _apply_body,
        grid=(NB,),
        in_specs=[
            pl.BlockSpec((N_SLOTS, BLK_B, VAR), lambda i: (0, i, 0)),
            pl.BlockSpec((BLK_B, VAR), lambda i: (i, 0)),
            pl.BlockSpec((BLK_B, 1), lambda i: (i, 0)),
        ],
        out_specs=pl.BlockSpec((BLK_B, N_SLOTS, VAR), lambda i: (i, 0, 0)),
        out_shape=jax.ShapeDtypeStruct((B, N_SLOTS, VAR), jnp.float32),
    )(v, vnew, sstar)




def kernel(x, vars0, W_enc, b_enc, Wq_vr, Wk_vr, Wq_pc, Wk_pc, rule_emb,
           rule_W1, rule_b1, rule_W2, rule_b2):
    W_enc_b = _bf(W_enc)
    Wqkc_b = jnp.concatenate([_bf(Wq_vr), _bf(Wk_pc)], axis=1)
    Wk_vr_b = _bf(Wk_vr)
    Wq_pc_b = _bf(Wq_pc)
    W1_b = _bf(rule_W1)
    W2_b = _bf(rule_W2)
    sel_w = (Wqkc_b, Wk_vr_b, rule_emb, Wq_pc_b)

    v = _encoder(x, vars0, W_enc_b, b_enc.reshape(1, VAR))
    prev = None
    for _ in range(N_STAGES):
        v, inp, sstar, rstar, pos, brule, nact = _selection(v, sel_w, prev)
        pos1 = pos.reshape(B)
        inp_sorted = _sc_scatter(inp, pos1)
        out_sorted = _grouped_mlp(inp_sorted, brule.reshape(NBLK_MLP),
                                  nact.reshape(1),
                                  W1_b, rule_b1.reshape(N_RULES, 1, HID),
                                  W2_b, rule_b2.reshape(N_RULES, 1, VAR))
        vnew = _sc_gather(out_sorted, pos1)
        prev = (vnew, sstar)
    return _apply(v, prev[0], prev[1])

# --- scband reference (transcript-rebuilt; emitter-appended) ---
"""Pipeline reference for scband-sequential-nps-42820823941255 (READ-ONLY COPY).

The authoritative reference and input builder live on the scoring server;
editing this copy changes nothing except your own understanding.
"""

import jax, jax.numpy as jnp
import numpy as np

B = 1024
N_SLOTS = 16
VAR = 512
D_QK = 32
N_RULES = 8
EMB = 64
HID = 1024
D_IN = 1024
N_STAGES = 4


def setup_inputs(seed: int = 0) -> dict:
    key = jax.random.key(seed)
    ks = jax.random.split(key, 14)
    s = 0.02
    return {
        "x": jax.random.normal(ks[0], (B, D_IN), dtype=jnp.float32),
        "vars0": jax.random.normal(ks[1], (B, N_SLOTS, VAR), dtype=jnp.float32),
        "W_enc": jax.random.normal(ks[2], (D_IN, VAR), dtype=jnp.float32) * s,
        "b_enc": jnp.zeros((VAR,), dtype=jnp.float32),
        "Wq_vr": jax.random.normal(ks[3], (VAR, D_QK), dtype=jnp.float32) * s,
        "Wk_vr": jax.random.normal(ks[4], (EMB, D_QK), dtype=jnp.float32) * s,
        "Wq_pc": jax.random.normal(ks[5], (VAR, D_QK), dtype=jnp.float32) * s,
        "Wk_pc": jax.random.normal(ks[6], (VAR, D_QK), dtype=jnp.float32) * s,
        "rule_emb": jax.random.normal(ks[7], (N_RULES, EMB), dtype=jnp.float32),
        "rule_W1": jax.random.normal(ks[8], (N_RULES, 2 * VAR, HID), dtype=jnp.float32) * s,
        "rule_b1": jnp.zeros((N_RULES, HID), dtype=jnp.float32),
        "rule_W2": jax.random.normal(ks[9], (N_RULES, HID, VAR), dtype=jnp.float32) * s,
        "rule_b2": jnp.zeros((N_RULES, VAR), dtype=jnp.float32),
    }


def _argmax_onehot(logits):
    idx = jnp.argmax(logits, axis=-1)
    return jax.nn.one_hot(idx, logits.shape[-1], dtype=logits.dtype)


def reference(x, vars0, W_enc, b_enc, Wq_vr, Wk_vr, Wq_pc, Wk_pc, rule_emb,
              rule_W1, rule_b1, rule_W2, rule_b2):
    scale = 1.0 / jnp.sqrt(jnp.float32(D_QK))
    # encoder: vars + projected x broadcast over slots
    v = vars0 + (x @ W_enc + b_enc)[:, None, :]
    for _ in range(N_STAGES):
        # select primary slot and rule (joint top-1 over slots x rules)
        q = v @ Wq_vr                                   # [B, S, d_qk]
        k = rule_emb @ Wk_vr                            # [R, d_qk]
        logits = jnp.einsum("bsd,rd->bsr", q, k) * scale
        flat = logits.reshape(logits.shape[0], -1)
        prm = _argmax_onehot(flat).reshape(-1, N_SLOTS, N_RULES)
        primary_mask = prm.sum(axis=2)                  # [B, S]
        rule_mask = prm.sum(axis=1)                     # [B, R]
        var_primary = (v * primary_mask[..., None]).sum(axis=1)  # [B, V]
        # select context slot
        qp = var_primary @ Wq_pc                        # [B, d_qk]
        kc = v @ Wk_pc                                  # [B, S, d_qk]
        ctx_logits = jnp.einsum("bd,bsd->bs", qp, kc) * scale
        context_mask = _argmax_onehot(ctx_logits)       # [B, S]
        var_context = (v * context_mask[..., None]).sum(axis=1)  # [B, V]
        # apply all rules (2-layer MLPs on [primary; context]) then mask-select
        inp = jnp.concatenate([var_primary, var_context], axis=-1)  # [B, 2V]
        h = jax.nn.relu(jnp.einsum("bi,rih->brh", inp, rule_W1) + rule_b1[None])
        out = jnp.einsum("brh,rhv->brv", h, rule_W2) + rule_b2[None]  # [B, R, V]
        rule_outputs = jnp.transpose(out, (0, 2, 1))    # [B, V, R]
        var_primary_new = (rule_outputs * rule_mask[:, None, :]).sum(axis=2)  # [B, V]
        # write back: replace the primary slot, keep others
        pm_bool = jax.lax.stop_gradient(primary_mask) > 0.5
        v = jnp.where(pm_bool[..., None], var_primary_new[:, None, :], v)
    return v

if __name__ == "__main__":
    import jax
    _d = setup_inputs()
    print(jax.jit(kernel)(*tuple(_d.values())))

</pallas_src>

<mosaic_0001>
#map = affine_map<(d0, d1) -> (0, 0)>
#map1 = affine_map<(d0, d1) -> (0)>
module attributes {stable_mosaic.version = 14 : i64} {
  func.func @body(%arg0: i32, %arg1: i32, %arg2: memref<2048x512xf32, #tpu.memory_space<hbm>>, %arg3: memref<1024xi32, #tpu.memory_space<hbm>>, %arg4: memref<1024x512xf32, #tpu.memory_space<hbm>>, %arg5: memref<32xi32, #tpu.memory_space<vmem>>, %arg6: memref<32x512xf32, #tpu.memory_space<vmem>>, %arg7: memref<!tpu.dma_semaphore, #tpu.memory_space<semaphore_mem>>) attributes {dimension_semantics = [#tpu.dimension_semantics<core_parallel>, #tpu.dimension_semantics<subcore_parallel>], iteration_bounds = array<i64: 2, 16>, scalar_prefetch = 0 : i64, scratch_operands = 3 : i64, tpu.core_type = #tpu.core_type<sc_vector_subcore>, window_params = [{transform_indices = #map}, {transform_indices = #map1}, {transform_indices = #map}]} {
    %mul3A = arith.constant 2 : i32
    %mul3A_0 = arith.muli %arg1, %mul3A : i32
    %add3A = arith.addi %mul3A_0, %arg0 : i32
    %mul3A_1 = arith.constant 32 : i32
    %mul3A_2 = arith.muli %add3A, %mul3A_1 : i32
    "tpu.region"() ({
      %run_scoped3A = tpu.sem_alloc : memref<!tpu.dma_semaphore, #tpu.memory_space<semaphore_mem>>
      %dma_start3A_7 = tpu.memref_slice %arg3[%mul3A_2] : memref<1024xi32, #tpu.memory_space<hbm>> -> memref<32xi32, #tpu.memory_space<hbm>>
      %dma_start3A_8 = tpu.memref_slice %arg3[%mul3A_2] : memref<1024xi32, #tpu.memory_space<hbm>> -> memref<32xi32, #tpu.memory_space<hbm>>
      tpu.enqueue_dma source(%dma_start3A_8 : memref<32xi32, #tpu.memory_space<hbm>>) target(%arg5 : memref<32xi32, #tpu.memory_space<vmem>>) target_semaphore(%run_scoped3A : memref<!tpu.dma_semaphore, #tpu.memory_space<semaphore_mem>>)
      %dma_wait3A_9 = tpu.memref_slice %arg3[%mul3A_2] : memref<1024xi32, #tpu.memory_space<hbm>> -> memref<32xi32, #tpu.memory_space<hbm>>
      %dma_wait3A_10 = tpu.memref_slice %arg3[%mul3A_2] : memref<1024xi32, #tpu.memory_space<hbm>> -> memref<32xi32, #tpu.memory_space<hbm>>
      tpu.wait_dma2 semaphore(%run_scoped3A : memref<!tpu.dma_semaphore, #tpu.memory_space<semaphore_mem>>) src(%dma_wait3A_10 : memref<32xi32, #tpu.memory_space<hbm>>) dst(%arg5 : memref<32xi32, #tpu.memory_space<vmem>>)
      tpu.yield
    }) : () -> ()
    %dma_start3A = arith.constant 0 : i32
    %dma_start3A_3 = arith.constant 0 : i32
    %dma_start3A_4 = tpu.memref_slice %arg2[%dma_start3A, %dma_start3A_3] : memref<2048x512xf32, #tpu.memory_space<hbm>> -> memref<2048x512xf32, #tpu.memory_space<hbm>>
    tpu.enqueue_indirect_dma source(%dma_start3A_4 : memref<2048x512xf32, #tpu.memory_space<hbm>>) target(%arg6 : memref<32x512xf32, #tpu.memory_space<vmem>>) offsets(%arg5 : memref<32xi32, #tpu.memory_space<vmem>>) semaphore(%arg7 : memref<!tpu.dma_semaphore, #tpu.memory_space<semaphore_mem>>)
    %dma_wait3A = arith.constant 0 : i32
    %dma_wait3A_5 = arith.constant 0 : i32
    %dma_wait3A_6 = tpu.memref_slice %arg2[%dma_wait3A, %dma_wait3A_5] : memref<2048x512xf32, #tpu.memory_space<hbm>> -> memref<2048x512xf32, #tpu.memory_space<hbm>>
    tpu.wait_indirect_dma semaphore(%arg7 : memref<!tpu.dma_semaphore, #tpu.memory_space<semaphore_mem>>) src(%dma_wait3A_6 : memref<2048x512xf32, #tpu.memory_space<hbm>>) dst(%arg6 : memref<32x512xf32, #tpu.memory_space<vmem>>)
    "tpu.region"() ({
      %run_scoped3A = tpu.sem_alloc : memref<!tpu.dma_semaphore, #tpu.memory_space<semaphore_mem>>
      %dma_start3A_7 = arith.constant 0 : i32
      %dma_start3A_8 = tpu.memref_slice %arg4[%mul3A_2, %dma_start3A_7] : memref<1024x512xf32, #tpu.memory_space<hbm>> -> memref<32x512xf32, #tpu.memory_space<hbm>>
      %dma_start3A_9 = arith.constant 0 : i32
      %dma_start3A_10 = tpu.memref_slice %arg4[%mul3A_2, %dma_start3A_9] : memref<1024x512xf32, #tpu.memory_space<hbm>> -> memref<32x512xf32, #tpu.memory_space<hbm>>
      tpu.enqueue_dma source(%arg6 : memref<32x512xf32, #tpu.memory_space<vmem>>) target(%dma_start3A_10 : memref<32x512xf32, #tpu.memory_space<hbm>>) target_semaphore(%run_scoped3A : memref<!tpu.dma_semaphore, #tpu.memory_space<semaphore_mem>>)
      %dma_wait3A_11 = arith.constant 0 : i32
      %dma_wait3A_12 = tpu.memref_slice %arg4[%mul3A_2, %dma_wait3A_11] : memref<1024x512xf32, #tpu.memory_space<hbm>> -> memref<32x512xf32, #tpu.memory_space<hbm>>
      %dma_wait3A_13 = arith.constant 0 : i32
      %dma_wait3A_14 = tpu.memref_slice %arg4[%mul3A_2, %dma_wait3A_13] : memref<1024x512xf32, #tpu.memory_space<hbm>> -> memref<32x512xf32, #tpu.memory_space<hbm>>
      tpu.wait_dma2 semaphore(%run_scoped3A : memref<!tpu.dma_semaphore, #tpu.memory_space<semaphore_mem>>) src(%arg6 : memref<32x512xf32, #tpu.memory_space<vmem>>) dst(%dma_wait3A_14 : memref<32x512xf32, #tpu.memory_space<hbm>>)
      tpu.yield
    }) : () -> ()
    return
  }
}

#map = affine_map<(d0, d1) -> (0, 0)>
#map1 = affine_map<(d0, d1) -> (0)>
module attributes {stable_mosaic.version = 14 : i64} {
  func.func @body(%arg0: i32, %arg1: i32, %arg2: memref<1024x1024xf32, #tpu.memory_space<hbm>>, %arg3: memref<1024xi32, #tpu.memory_space<hbm>>, %arg4: memref<2048x1024xf32, #tpu.memory_space<hbm>>, %arg5: memref<32xi32, #tpu.memory_space<vmem>>, %arg6: memref<32x1024xf32, #tpu.memory_space<vmem>>, %arg7: memref<!tpu.dma_semaphore, #tpu.memory_space<semaphore_mem>>) attributes {dimension_semantics = [#tpu.dimension_semantics<core_parallel>, #tpu.dimension_semantics<subcore_parallel>], iteration_bounds = array<i64: 2, 16>, scalar_prefetch = 0 : i64, scratch_operands = 3 : i64, tpu.core_type = #tpu.core_type<sc_vector_subcore>, window_params = [{transform_indices = #map}, {transform_indices = #map1}, {transform_indices = #map}]} {
    %mul3A = arith.constant 2 : i32
    %mul3A_0 = arith.muli %arg1, %mul3A : i32
    %add3A = arith.addi %mul3A_0, %arg0 : i32
    %mul3A_1 = arith.constant 32 : i32
    %mul3A_2 = arith.muli %add3A, %mul3A_1 : i32
    "tpu.region"() ({
      %run_scoped3A = tpu.sem_alloc : memref<!tpu.dma_semaphore, #tpu.memory_space<semaphore_mem>>
      %dma_start3A_7 = tpu.memref_slice %arg3[%mul3A_2] : memref<1024xi32, #tpu.memory_space<hbm>> -> memref<32xi32, #tpu.memory_space<hbm>>
      %dma_start3A_8 = tpu.memref_slice %arg3[%mul3A_2] : memref<1024xi32, #tpu.memory_space<hbm>> -> memref<32xi32, #tpu.memory_space<hbm>>
      tpu.enqueue_dma source(%dma_start3A_8 : memref<32xi32, #tpu.memory_space<hbm>>) target(%arg5 : memref<32xi32, #tpu.memory_space<vmem>>) target_semaphore(%run_scoped3A : memref<!tpu.dma_semaphore, #tpu.memory_space<semaphore_mem>>)
      %dma_wait3A_9 = tpu.memref_slice %arg3[%mul3A_2] : memref<1024xi32, #tpu.memory_space<hbm>> -> memref<32xi32, #tpu.memory_space<hbm>>
      %dma_wait3A_10 = tpu.memref_slice %arg3[%mul3A_2] : memref<1024xi32, #tpu.memory_space<hbm>> -> memref<32xi32, #tpu.memory_space<hbm>>
      tpu.wait_dma2 semaphore(%run_scoped3A : memref<!tpu.dma_semaphore, #tpu.memory_space<semaphore_mem>>) src(%dma_wait3A_10 : memref<32xi32, #tpu.memory_space<hbm>>) dst(%arg5 : memref<32xi32, #tpu.memory_space<vmem>>)
      tpu.yield
    }) : () -> ()
    "tpu.region"() ({
      %run_scoped3A = tpu.sem_alloc : memref<!tpu.dma_semaphore, #tpu.memory_space<semaphore_mem>>
      %dma_start3A_7 = arith.constant 0 : i32
      %dma_start3A_8 = tpu.memref_slice %arg2[%mul3A_2, %dma_start3A_7] : memref<1024x1024xf32, #tpu.memory_space<hbm>> -> memref<32x1024xf32, #tpu.memory_space<hbm>>
      %dma_start3A_9 = arith.constant 0 : i32
      %dma_start3A_10 = tpu.memref_slice %arg2[%mul3A_2, %dma_start3A_9] : memref<1024x1024xf32, #tpu.memory_space<hbm>> -> memref<32x1024xf32, #tpu.memory_space<hbm>>
      tpu.enqueue_dma source(%dma_start3A_10 : memref<32x1024xf32, #tpu.memory_space<hbm>>) target(%arg6 : memref<32x1024xf32, #tpu.memory_space<vmem>>) target_semaphore(%run_scoped3A : memref<!tpu.dma_semaphore, #tpu.memory_space<semaphore_mem>>)
      %dma_wait3A_11 = arith.constant 0 : i32
      %dma_wait3A_12 = tpu.memref_slice %arg2[%mul3A_2, %dma_wait3A_11] : memref<1024x1024xf32, #tpu.memory_space<hbm>> -> memref<32x1024xf32, #tpu.memory_space<hbm>>
      %dma_wait3A_13 = arith.constant 0 : i32
      %dma_wait3A_14 = tpu.memref_slice %arg2[%mul3A_2, %dma_wait3A_13] : memref<1024x1024xf32, #tpu.memory_space<hbm>> -> memref<32x1024xf32, #tpu.memory_space<hbm>>
      tpu.wait_dma2 semaphore(%run_scoped3A : memref<!tpu.dma_semaphore, #tpu.memory_space<semaphore_mem>>) src(%dma_wait3A_14 : memref<32x1024xf32, #tpu.memory_space<hbm>>) dst(%arg6 : memref<32x1024xf32, #tpu.memory_space<vmem>>)
      tpu.yield
    }) : () -> ()
    %dma_start3A = arith.constant 0 : i32
    %dma_start3A_3 = arith.constant 0 : i32
    %dma_start3A_4 = tpu.memref_slice %arg4[%dma_start3A, %dma_start3A_3] : memref<2048x1024xf32, #tpu.memory_space<hbm>> -> memref<2048x1024xf32, #tpu.memory_space<hbm>>
    tpu.enqueue_indirect_dma source(%arg6 : memref<32x1024xf32, #tpu.memory_space<vmem>>) target(%dma_start3A_4 : memref<2048x1024xf32, #tpu.memory_space<hbm>>) offsets(%arg5 : memref<32xi32, #tpu.memory_space<vmem>>) semaphore(%arg7 : memref<!tpu.dma_semaphore, #tpu.memory_space<semaphore_mem>>)
    %dma_wait3A = arith.constant 0 : i32
    %dma_wait3A_5 = arith.constant 0 : i32
    %dma_wait3A_6 = tpu.memref_slice %arg4[%dma_wait3A, %dma_wait3A_5] : memref<2048x1024xf32, #tpu.memory_space<hbm>> -> memref<2048x1024xf32, #tpu.memory_space<hbm>>
    tpu.wait_indirect_dma semaphore(%arg7 : memref<!tpu.dma_semaphore, #tpu.memory_space<semaphore_mem>>) src(%arg6 : memref<32x1024xf32, #tpu.memory_space<vmem>>) dst(%dma_wait3A_6 : memref<2048x1024xf32, #tpu.memory_space<hbm>>)
    return
  }
}

#map = affine_map<(d0, d1) -> (0, 0)>
#map1 = affine_map<(d0, d1) -> (0)>
module attributes {stable_mosaic.version = 14 : i64} {
  func.func @body(%arg0: i32, %arg1: i32, %arg2: memref<2048x512xf32, #tpu.memory_space<hbm>>, %arg3: memref<1024xi32, #tpu.memory_space<hbm>>, %arg4: memref<1024x512xf32, #tpu.memory_space<hbm>>, %arg5: memref<32xi32, #tpu.memory_space<vmem>>, %arg6: memref<32x512xf32, #tpu.memory_space<vmem>>, %arg7: memref<!tpu.dma_semaphore, #tpu.memory_space<semaphore_mem>>) attributes {dimension_semantics = [#tpu.dimension_semantics<core_parallel>, #tpu.dimension_semantics<subcore_parallel>], iteration_bounds = array<i64: 2, 16>, scalar_prefetch = 0 : i64, scratch_operands = 3 : i64, tpu.core_type = #tpu.core_type<sc_vector_subcore>, window_params = [{transform_indices = #map}, {transform_indices = #map1}, {transform_indices = #map}]} {
    %mul3A = arith.constant 2 : i32
    %mul3A_0 = arith.muli %arg1, %mul3A : i32
    %add3A = arith.addi %mul3A_0, %arg0 : i32
    %mul3A_1 = arith.constant 32 : i32
    %mul3A_2 = arith.muli %add3A, %mul3A_1 : i32
    "tpu.region"() ({
      %run_scoped3A = tpu.sem_alloc : memref<!tpu.dma_semaphore, #tpu.memory_space<semaphore_mem>>
      %dma_start3A_7 = tpu.memref_slice %arg3[%mul3A_2] : memref<1024xi32, #tpu.memory_space<hbm>> -> memref<32xi32, #tpu.memory_space<hbm>>
      %dma_start3A_8 = tpu.memref_slice %arg3[%mul3A_2] : memref<1024xi32, #tpu.memory_space<hbm>> -> memref<32xi32, #tpu.memory_space<hbm>>
      tpu.enqueue_dma source(%dma_start3A_8 : memref<32xi32, #tpu.memory_space<hbm>>) target(%arg5 : memref<32xi32, #tpu.memory_space<vmem>>) target_semaphore(%run_scoped3A : memref<!tpu.dma_semaphore, #tpu.memory_space<semaphore_mem>>)
      %dma_wait3A_9 = tpu.memref_slice %arg3[%mul3A_2] : memref<1024xi32, #tpu.memory_space<hbm>> -> memref<32xi32, #tpu.memory_space<hbm>>
      %dma_wait3A_10 = tpu.memref_slice %arg3[%mul3A_2] : memref<1024xi32, #tpu.memory_space<hbm>> -> memref<32xi32, #tpu.memory_space<hbm>>
      tpu.wait_dma2 semaphore(%run_scoped3A : memref<!tpu.dma_semaphore, #tpu.memory_space<semaphore_mem>>) src(%dma_wait3A_10 : memref<32xi32, #tpu.memory_space<hbm>>) dst(%arg5 : memref<32xi32, #tpu.memory_space<vmem>>)
      tpu.yield
    }) : () -> ()
    %dma_start3A = arith.constant 0 : i32
    %dma_start3A_3 = arith.constant 0 : i32
    %dma_start3A_4 = tpu.memref_slice %arg2[%dma_start3A, %dma_start3A_3] : memref<2048x512xf32, #tpu.memory_space<hbm>> -> memref<2048x512xf32, #tpu.memory_space<hbm>>
    tpu.enqueue_indirect_dma source(%dma_start3A_4 : memref<2048x512xf32, #tpu.memory_space<hbm>>) target(%arg6 : memref<32x512xf32, #tpu.memory_space<vmem>>) offsets(%arg5 : memref<32xi32, #tpu.memory_space<vmem>>) semaphore(%arg7 : memref<!tpu.dma_semaphore, #tpu.memory_space<semaphore_mem>>)
    %dma_wait3A = arith.constant 0 : i32
    %dma_wait3A_5 = arith.constant 0 : i32
    %dma_wait3A_6 = tpu.memref_slice %arg2[%dma_wait3A, %dma_wait3A_5] : memref<2048x512xf32, #tpu.memory_space<hbm>> -> memref<2048x512xf32, #tpu.memory_space<hbm>>
    tpu.wait_indirect_dma semaphore(%arg7 : memref<!tpu.dma_semaphore, #tpu.memory_space<semaphore_mem>>) src(%dma_wait3A_6 : memref<2048x512xf32, #tpu.memory_space<hbm>>) dst(%arg6 : memref<32x512xf32, #tpu.memory_space<vmem>>)
    "tpu.region"() ({
      %run_scoped3A = tpu.sem_alloc : memref<!tpu.dma_semaphore, #tpu.memory_space<semaphore_mem>>
      %dma_start3A_7 = arith.constant 0 : i32
      %dma_start3A_8 = tpu.memref_slice %arg4[%mul3A_2, %dma_start3A_7] : memref<1024x512xf32, #tpu.memory_space<hbm>> -> memref<32x512xf32, #tpu.memory_space<hbm>>
      %dma_start3A_9 = arith.constant 0 : i32
      %dma_start3A_10 = tpu.memref_slice %arg4[%mul3A_2, %dma_start3A_9] : memref<1024x512xf32, #tpu.memory_space<hbm>> -> memref<32x512xf32, #tpu.memory_space<hbm>>
      tpu.enqueue_dma source(%arg6 : memref<32x512xf32, #tpu.memory_space<vmem>>) target(%dma_start3A_10 : memref<32x512xf32, #tpu.memory_space<hbm>>) target_semaphore(%run_scoped3A : memref<!tpu.dma_semaphore, #tpu.memory_space<semaphore_mem>>)
      %dma_wait3A_11 = arith.constant 0 : i32
      %dma_wait3A_12 = tpu.memref_slice %arg4[%mul3A_2, %dma_wait3A_11] : memref<1024x512xf32, #tpu.memory_space<hbm>> -> memref<32x512xf32, #tpu.memory_space<hbm>>
      %dma_wait3A_13 = arith.constant 0 : i32
      %dma_wait3A_14 = tpu.memref_slice %arg4[%mul3A_2, %dma_wait3A_13] : memref<1024x512xf32, #tpu.memory_space<hbm>> -> memref<32x512xf32, #tpu.memory_space<hbm>>
      tpu.wait_dma2 semaphore(%run_scoped3A : memref<!tpu.dma_semaphore, #tpu.memory_space<semaphore_mem>>) src(%arg6 : memref<32x512xf32, #tpu.memory_space<vmem>>) dst(%dma_wait3A_14 : memref<32x512xf32, #tpu.memory_space<hbm>>)
      tpu.yield
    }) : () -> ()
    return
  }
}

#map = affine_map<(d0, d1) -> (0, 0)>
#map1 = affine_map<(d0, d1) -> (0)>
module attributes {stable_mosaic.version = 14 : i64} {
  func.func @body(%arg0: i32, %arg1: i32, %arg2: memref<1024x1024xf32, #tpu.memory_space<hbm>>, %arg3: memref<1024xi32, #tpu.memory_space<hbm>>, %arg4: memref<2048x1024xf32, #tpu.memory_space<hbm>>, %arg5: memref<32xi32, #tpu.memory_space<vmem>>, %arg6: memref<32x1024xf32, #tpu.memory_space<vmem>>, %arg7: memref<!tpu.dma_semaphore, #tpu.memory_space<semaphore_mem>>) attributes {dimension_semantics = [#tpu.dimension_semantics<core_parallel>, #tpu.dimension_semantics<subcore_parallel>], iteration_bounds = array<i64: 2, 16>, scalar_prefetch = 0 : i64, scratch_operands = 3 : i64, tpu.core_type = #tpu.core_type<sc_vector_subcore>, window_params = [{transform_indices = #map}, {transform_indices = #map1}, {transform_indices = #map}]} {
    %mul3A = arith.constant 2 : i32
    %mul3A_0 = arith.muli %arg1, %mul3A : i32
    %add3A = arith.addi %mul3A_0, %arg0 : i32
    %mul3A_1 = arith.constant 32 : i32
    %mul3A_2 = arith.muli %add3A, %mul3A_1 : i32
    "tpu.region"() ({
      %run_scoped3A = tpu.sem_alloc : memref<!tpu.dma_semaphore, #tpu.memory_space<semaphore_mem>>
      %dma_start3A_7 = tpu.memref_slice %arg3[%mul3A_2] : memref<1024xi32, #tpu.memory_space<hbm>> -> memref<32xi32, #tpu.memory_space<hbm>>
      %dma_start3A_8 = tpu.memref_slice %arg3[%mul3A_2] : memref<1024xi32, #tpu.memory_space<hbm>> -> memref<32xi32, #tpu.memory_space<hbm>>
      tpu.enqueue_dma source(%dma_start3A_8 : memref<32xi32, #tpu.memory_space<hbm>>) target(%arg5 : memref<32xi32, #tpu.memory_space<vmem>>) target_semaphore(%run_scoped3A : memref<!tpu.dma_semaphore, #tpu.memory_space<semaphore_mem>>)
      %dma_wait3A_9 = tpu.memref_slice %arg3[%mul3A_2] : memref<1024xi32, #tpu.memory_space<hbm>> -> memref<32xi32, #tpu.memory_space<hbm>>
      %dma_wait3A_10 = tpu.memref_slice %arg3[%mul3A_2] : memref<1024xi32, #tpu.memory_space<hbm>> -> memref<32xi32, #tpu.memory_space<hbm>>
      tpu.wait_dma2 semaphore(%run_scoped3A : memref<!tpu.dma_semaphore, #tpu.memory_space<semaphore_mem>>) src(%dma_wait3A_10 : memref<32xi32, #tpu.memory_space<hbm>>) dst(%arg5 : memref<32xi32, #tpu.memory_space<vmem>>)
      tpu.yield
    }) : () -> ()
    "tpu.region"() ({
      %run_scoped3A = tpu.sem_alloc : memref<!tpu.dma_semaphore, #tpu.memory_space<semaphore_mem>>
      %dma_start3A_7 = arith.constant 0 : i32
      %dma_start3A_8 = tpu.memref_slice %arg2[%mul3A_2, %dma_start3A_7] : memref<1024x1024xf32, #tpu.memory_space<hbm>> -> memref<32x1024xf32, #tpu.memory_space<hbm>>
      %dma_start3A_9 = arith.constant 0 : i32
      %dma_start3A_10 = tpu.memref_slice %arg2[%mul3A_2, %dma_start3A_9] : memref<1024x1024xf32, #tpu.memory_space<hbm>> -> memref<32x1024xf32, #tpu.memory_space<hbm>>
      tpu.enqueue_dma source(%dma_start3A_10 : memref<32x1024xf32, #tpu.memory_space<hbm>>) target(%arg6 : memref<32x1024xf32, #tpu.memory_space<vmem>>) target_semaphore(%run_scoped3A : memref<!tpu.dma_semaphore, #tpu.memory_space<semaphore_mem>>)
      %dma_wait3A_11 = arith.constant 0 : i32
      %dma_wait3A_12 = tpu.memref_slice %arg2[%mul3A_2, %dma_wait3A_11] : memref<1024x1024xf32, #tpu.memory_space<hbm>> -> memref<32x1024xf32, #tpu.memory_space<hbm>>
      %dma_wait3A_13 = arith.constant 0 : i32
      %dma_wait3A_14 = tpu.memref_slice %arg2[%mul3A_2, %dma_wait3A_13] : memref<1024x1024xf32, #tpu.memory_space<hbm>> -> memref<32x1024xf32, #tpu.memory_space<hbm>>
      tpu.wait_dma2 semaphore(%run_scoped3A : memref<!tpu.dma_semaphore, #tpu.memory_space<semaphore_mem>>) src(%dma_wait3A_14 : memref<32x1024xf32, #tpu.memory_space<hbm>>) dst(%arg6 : memref<32x1024xf32, #tpu.memory_space<vmem>>)
      tpu.yield
    }) : () -> ()
    %dma_start3A = arith.constant 0 : i32
    %dma_start3A_3 = arith.constant 0 : i32
    %dma_start3A_4 = tpu.memref_slice %arg4[%dma_start3A, %dma_start3A_3] : memref<2048x1024xf32, #tpu.memory_space<hbm>> -> memref<2048x1024xf32, #tpu.memory_space<hbm>>
    tpu.enqueue_indirect_dma source(%arg6 : memref<32x1024xf32, #tpu.memory_space<vmem>>) target(%dma_start3A_4 : memref<2048x1024xf32, #tpu.memory_space<hbm>>) offsets(%arg5 : memref<32xi32, #tpu.memory_space<vmem>>) semaphore(%arg7 : memref<!tpu.dma_semaphore, #tpu.memory_space<semaphore_mem>>)
    %dma_wait3A = arith.constant 0 : i32
    %dma_wait3A_5 = arith.constant 0 : i32
    %dma_wait3A_6 = tpu.memref_slice %arg4[%dma_wait3A, %dma_wait3A_5] : memref<2048x1024xf32, #tpu.memory_space<hbm>> -> memref<2048x1024xf32, #tpu.memory_space<hbm>>
    tpu.wait_indirect_dma semaphore(%arg7 : memref<!tpu.dma_semaphore, #tpu.memory_space<semaphore_mem>>) src(%arg6 : memref<32x1024xf32, #tpu.memory_space<vmem>>) dst(%dma_wait3A_6 : memref<2048x1024xf32, #tpu.memory_space<hbm>>)
    return
  }
}

#map = affine_map<(d0, d1) -> (0, 0)>
#map1 = affine_map<(d0, d1) -> (0)>
module attributes {stable_mosaic.version = 14 : i64} {
  func.func @body(%arg0: i32, %arg1: i32, %arg2: memref<1024x1024xf32, #tpu.memory_space<hbm>>, %arg3: memref<1024xi32, #tpu.memory_space<hbm>>, %arg4: memref<2048x1024xf32, #tpu.memory_space<hbm>>, %arg5: memref<32xi32, #tpu.memory_space<vmem>>, %arg6: memref<32x1024xf32, #tpu.memory_space<vmem>>, %arg7: memref<!tpu.dma_semaphore, #tpu.memory_space<semaphore_mem>>) attributes {dimension_semantics = [#tpu.dimension_semantics<core_parallel>, #tpu.dimension_semantics<subcore_parallel>], iteration_bounds = array<i64: 2, 16>, scalar_prefetch = 0 : i64, scratch_operands = 3 : i64, tpu.core_type = #tpu.core_type<sc_vector_subcore>, window_params = [{transform_indices = #map}, {transform_indices = #map1}, {transform_indices = #map}]} {
    %mul3A = arith.constant 2 : i32
    %mul3A_0 = arith.muli %arg1, %mul3A : i32
    %add3A = arith.addi %mul3A_0, %arg0 : i32
    %mul3A_1 = arith.constant 32 : i32
    %mul3A_2 = arith.muli %add3A, %mul3A_1 : i32
    "tpu.region"() ({
      %run_scoped3A = tpu.sem_alloc : memref<!tpu.dma_semaphore, #tpu.memory_space<semaphore_mem>>
      %dma_start3A_7 = tpu.memref_slice %arg3[%mul3A_2] : memref<1024xi32, #tpu.memory_space<hbm>> -> memref<32xi32, #tpu.memory_space<hbm>>
      %dma_start3A_8 = tpu.memref_slice %arg3[%mul3A_2] : memref<1024xi32, #tpu.memory_space<hbm>> -> memref<32xi32, #tpu.memory_space<hbm>>
      tpu.enqueue_dma source(%dma_start3A_8 : memref<32xi32, #tpu.memory_space<hbm>>) target(%arg5 : memref<32xi32, #tpu.memory_space<vmem>>) target_semaphore(%run_scoped3A : memref<!tpu.dma_semaphore, #tpu.memory_space<semaphore_mem>>)
      %dma_wait3A_9 = tpu.memref_slice %arg3[%mul3A_2] : memref<1024xi32, #tpu.memory_space<hbm>> -> memref<32xi32, #tpu.memory_space<hbm>>
      %dma_wait3A_10 = tpu.memref_slice %arg3[%mul3A_2] : memref<1024xi32, #tpu.memory_space<hbm>> -> memref<32xi32, #tpu.memory_space<hbm>>
      tpu.wait_dma2 semaphore(%run_scoped3A : memref<!tpu.dma_semaphore, #tpu.memory_space<semaphore_mem>>) src(%dma_wait3A_10 : memref<32xi32, #tpu.memory_space<hbm>>) dst(%arg5 : memref<32xi32, #tpu.memory_space<vmem>>)
      tpu.yield
    }) : () -> ()
    "tpu.region"() ({
      %run_scoped3A = tpu.sem_alloc : memref<!tpu.dma_semaphore, #tpu.memory_space<semaphore_mem>>
      %dma_start3A_7 = arith.constant 0 : i32
      %dma_start3A_8 = tpu.memref_slice %arg2[%mul3A_2, %dma_start3A_7] : memref<1024x1024xf32, #tpu.memory_space<hbm>> -> memref<32x1024xf32, #tpu.memory_space<hbm>>
      %dma_start3A_9 = arith.constant 0 : i32
      %dma_start3A_10 = tpu.memref_slice %arg2[%mul3A_2, %dma_start3A_9] : memref<1024x1024xf32, #tpu.memory_space<hbm>> -> memref<32x1024xf32, #tpu.memory_space<hbm>>
      tpu.enqueue_dma source(%dma_start3A_10 : memref<32x1024xf32, #tpu.memory_space<hbm>>) target(%arg6 : memref<32x1024xf32, #tpu.memory_space<vmem>>) target_semaphore(%run_scoped3A : memref<!tpu.dma_semaphore, #tpu.memory_space<semaphore_mem>>)
      %dma_wait3A_11 = arith.constant 0 : i32
      %dma_wait3A_12 = tpu.memref_slice %arg2[%mul3A_2, %dma_wait3A_11] : memref<1024x1024xf32, #tpu.memory_space<hbm>> -> memref<32x1024xf32, #tpu.memory_space<hbm>>
      %dma_wait3A_13 = arith.constant 0 : i32
      %dma_wait3A_14 = tpu.memref_slice %arg2[%mul3A_2, %dma_wait3A_13] : memref<1024x1024xf32, #tpu.memory_space<hbm>> -> memref<32x1024xf32, #tpu.memory_space<hbm>>
      tpu.wait_dma2 semaphore(%run_scoped3A : memref<!tpu.dma_semaphore, #tpu.memory_space<semaphore_mem>>) src(%dma_wait3A_14 : memref<32x1024xf32, #tpu.memory_space<hbm>>) dst(%arg6 : memref<32x1024xf32, #tpu.memory_space<vmem>>)
      tpu.yield
    }) : () -> ()
    %dma_start3A = arith.constant 0 : i32
    %dma_start3A_3 = arith.constant 0 : i32
    %dma_start3A_4 = tpu.memref_slice %arg4[%dma_start3A, %dma_start3A_3] : memref<2048x1024xf32, #tpu.memory_space<hbm>> -> memref<2048x1024xf32, #tpu.memory_space<hbm>>
    tpu.enqueue_indirect_dma source(%arg6 : memref<32x1024xf32, #tpu.memory_space<vmem>>) target(%dma_start3A_4 : memref<2048x1024xf32, #tpu.memory_space<hbm>>) offsets(%arg5 : memref<32xi32, #tpu.memory_space<vmem>>) semaphore(%arg7 : memref<!tpu.dma_semaphore, #tpu.memory_space<semaphore_mem>>)
    %dma_wait3A = arith.constant 0 : i32
    %dma_wait3A_5 = arith.constant 0 : i32
    %dma_wait3A_6 = tpu.memref_slice %arg4[%dma_wait3A, %dma_wait3A_5] : memref<2048x1024xf32, #tpu.memory_space<hbm>> -> memref<2048x1024xf32, #tpu.memory_space<hbm>>
    tpu.wait_indirect_dma semaphore(%arg7 : memref<!tpu.dma_semaphore, #tpu.memory_space<semaphore_mem>>) src(%arg6 : memref<32x1024xf32, #tpu.memory_space<vmem>>) dst(%dma_wait3A_6 : memref<2048x1024xf32, #tpu.memory_space<hbm>>)
    return
  }
}

#map = affine_map<(d0, d1) -> (0, 0)>
#map1 = affine_map<(d0, d1) -> (0)>
module attributes {stable_mosaic.version = 14 : i64} {
  func.func @body(%arg0: i32, %arg1: i32, %arg2: memref<2048x512xf32, #tpu.memory_space<hbm>>, %arg3: memref<1024xi32, #tpu.memory_space<hbm>>, %arg4: memref<1024x512xf32, #tpu.memory_space<hbm>>, %arg5: memref<32xi32, #tpu.memory_space<vmem>>, %arg6: memref<32x512xf32, #tpu.memory_space<vmem>>, %arg7: memref<!tpu.dma_semaphore, #tpu.memory_space<semaphore_mem>>) attributes {dimension_semantics = [#tpu.dimension_semantics<core_parallel>, #tpu.dimension_semantics<subcore_parallel>], iteration_bounds = array<i64: 2, 16>, scalar_prefetch = 0 : i64, scratch_operands = 3 : i64, tpu.core_type = #tpu.core_type<sc_vector_subcore>, window_params = [{transform_indices = #map}, {transform_indices = #map1}, {transform_indices = #map}]} {
    %mul3A = arith.constant 2 : i32
    %mul3A_0 = arith.muli %arg1, %mul3A : i32
    %add3A = arith.addi %mul3A_0, %arg0 : i32
    %mul3A_1 = arith.constant 32 : i32
    %mul3A_2 = arith.muli %add3A, %mul3A_1 : i32
    "tpu.region"() ({
      %run_scoped3A = tpu.sem_alloc : memref<!tpu.dma_semaphore, #tpu.memory_space<semaphore_mem>>
      %dma_start3A_7 = tpu.memref_slice %arg3[%mul3A_2] : memref<1024xi32, #tpu.memory_space<hbm>> -> memref<32xi32, #tpu.memory_space<hbm>>
      %dma_start3A_8 = tpu.memref_slice %arg3[%mul3A_2] : memref<1024xi32, #tpu.memory_space<hbm>> -> memref<32xi32, #tpu.memory_space<hbm>>
      tpu.enqueue_dma source(%dma_start3A_8 : memref<32xi32, #tpu.memory_space<hbm>>) target(%arg5 : memref<32xi32, #tpu.memory_space<vmem>>) target_semaphore(%run_scoped3A : memref<!tpu.dma_semaphore, #tpu.memory_space<semaphore_mem>>)
      %dma_wait3A_9 = tpu.memref_slice %arg3[%mul3A_2] : memref<1024xi32, #tpu.memory_space<hbm>> -> memref<32xi32, #tpu.memory_space<hbm>>
      %dma_wait3A_10 = tpu.memref_slice %arg3[%mul3A_2] : memref<1024xi32, #tpu.memory_space<hbm>> -> memref<32xi32, #tpu.memory_space<hbm>>
      tpu.wait_dma2 semaphore(%run_scoped3A : memref<!tpu.dma_semaphore, #tpu.memory_space<semaphore_mem>>) src(%dma_wait3A_10 : memref<32xi32, #tpu.memory_space<hbm>>) dst(%arg5 : memref<32xi32, #tpu.memory_space<vmem>>)
      tpu.yield
    }) : () -> ()
    %dma_start3A = arith.constant 0 : i32
    %dma_start3A_3 = arith.constant 0 : i32
    %dma_start3A_4 = tpu.memref_slice %arg2[%dma_start3A, %dma_start3A_3] : memref<2048x512xf32, #tpu.memory_space<hbm>> -> memref<2048x512xf32, #tpu.memory_space<hbm>>
    tpu.enqueue_indirect_dma source(%dma_start3A_4 : memref<2048x512xf32, #tpu.memory_space<hbm>>) target(%arg6 : memref<32x512xf32, #tpu.memory_space<vmem>>) offsets(%arg5 : memref<32xi32, #tpu.memory_space<vmem>>) semaphore(%arg7 : memref<!tpu.dma_semaphore, #tpu.memory_space<semaphore_mem>>)
    %dma_wait3A = arith.constant 0 : i32
    %dma_wait3A_5 = arith.constant 0 : i32
    %dma_wait3A_6 = tpu.memref_slice %arg2[%dma_wait3A, %dma_wait3A_5] : memref<2048x512xf32, #tpu.memory_space<hbm>> -> memref<2048x512xf32, #tpu.memory_space<hbm>>
    tpu.wait_indirect_dma semaphore(%arg7 : memref<!tpu.dma_semaphore, #tpu.memory_space<semaphore_mem>>) src(%dma_wait3A_6 : memref<2048x512xf32, #tpu.memory_space<hbm>>) dst(%arg6 : memref<32x512xf32, #tpu.memory_space<vmem>>)
    "tpu.region"() ({
      %run_scoped3A = tpu.sem_alloc : memref<!tpu.dma_semaphore, #tpu.memory_space<semaphore_mem>>
      %dma_start3A_7 = arith.constant 0 : i32
      %dma_start3A_8 = tpu.memref_slice %arg4[%mul3A_2, %dma_start3A_7] : memref<1024x512xf32, #tpu.memory_space<hbm>> -> memref<32x512xf32, #tpu.memory_space<hbm>>
      %dma_start3A_9 = arith.constant 0 : i32
      %dma_start3A_10 = tpu.memref_slice %arg4[%mul3A_2, %dma_start3A_9] : memref<1024x512xf32, #tpu.memory_space<hbm>> -> memref<32x512xf32, #tpu.memory_space<hbm>>
      tpu.enqueue_dma source(%arg6 : memref<32x512xf32, #tpu.memory_space<vmem>>) target(%dma_start3A_10 : memref<32x512xf32, #tpu.memory_space<hbm>>) target_semaphore(%run_scoped3A : memref<!tpu.dma_semaphore, #tpu.memory_space<semaphore_mem>>)
      %dma_wait3A_11 = arith.constant 0 : i32
      %dma_wait3A_12 = tpu.memref_slice %arg4[%mul3A_2, %dma_wait3A_11] : memref<1024x512xf32, #tpu.memory_space<hbm>> -> memref<32x512xf32, #tpu.memory_space<hbm>>
      %dma_wait3A_13 = arith.constant 0 : i32
      %dma_wait3A_14 = tpu.memref_slice %arg4[%mul3A_2, %dma_wait3A_13] : memref<1024x512xf32, #tpu.memory_space<hbm>> -> memref<32x512xf32, #tpu.memory_space<hbm>>
      tpu.wait_dma2 semaphore(%run_scoped3A : memref<!tpu.dma_semaphore, #tpu.memory_space<semaphore_mem>>) src(%arg6 : memref<32x512xf32, #tpu.memory_space<vmem>>) dst(%dma_wait3A_14 : memref<32x512xf32, #tpu.memory_space<hbm>>)
      tpu.yield
    }) : () -> ()
    return
  }
}

#map = affine_map<(d0, d1) -> (0, 0)>
#map1 = affine_map<(d0, d1) -> (0)>
module attributes {stable_mosaic.version = 14 : i64} {
  func.func @body(%arg0: i32, %arg1: i32, %arg2: memref<1024x1024xf32, #tpu.memory_space<hbm>>, %arg3: memref<1024xi32, #tpu.memory_space<hbm>>, %arg4: memref<2048x1024xf32, #tpu.memory_space<hbm>>, %arg5: memref<32xi32, #tpu.memory_space<vmem>>, %arg6: memref<32x1024xf32, #tpu.memory_space<vmem>>, %arg7: memref<!tpu.dma_semaphore, #tpu.memory_space<semaphore_mem>>) attributes {dimension_semantics = [#tpu.dimension_semantics<core_parallel>, #tpu.dimension_semantics<subcore_parallel>], iteration_bounds = array<i64: 2, 16>, scalar_prefetch = 0 : i64, scratch_operands = 3 : i64, tpu.core_type = #tpu.core_type<sc_vector_subcore>, window_params = [{transform_indices = #map}, {transform_indices = #map1}, {transform_indices = #map}]} {
    %mul3A = arith.constant 2 : i32
    %mul3A_0 = arith.muli %arg1, %mul3A : i32
    %add3A = arith.addi %mul3A_0, %arg0 : i32
    %mul3A_1 = arith.constant 32 : i32
    %mul3A_2 = arith.muli %add3A, %mul3A_1 : i32
    "tpu.region"() ({
      %run_scoped3A = tpu.sem_alloc : memref<!tpu.dma_semaphore, #tpu.memory_space<semaphore_mem>>
      %dma_start3A_7 = tpu.memref_slice %arg3[%mul3A_2] : memref<1024xi32, #tpu.memory_space<hbm>> -> memref<32xi32, #tpu.memory_space<hbm>>
      %dma_start3A_8 = tpu.memref_slice %arg3[%mul3A_2] : memref<1024xi32, #tpu.memory_space<hbm>> -> memref<32xi32, #tpu.memory_space<hbm>>
      tpu.enqueue_dma source(%dma_start3A_8 : memref<32xi32, #tpu.memory_space<hbm>>) target(%arg5 : memref<32xi32, #tpu.memory_space<vmem>>) target_semaphore(%run_scoped3A : memref<!tpu.dma_semaphore, #tpu.memory_space<semaphore_mem>>)
      %dma_wait3A_9 = tpu.memref_slice %arg3[%mul3A_2] : memref<1024xi32, #tpu.memory_space<hbm>> -> memref<32xi32, #tpu.memory_space<hbm>>
      %dma_wait3A_10 = tpu.memref_slice %arg3[%mul3A_2] : memref<1024xi32, #tpu.memory_space<hbm>> -> memref<32xi32, #tpu.memory_space<hbm>>
      tpu.wait_dma2 semaphore(%run_scoped3A : memref<!tpu.dma_semaphore, #tpu.memory_space<semaphore_mem>>) src(%dma_wait3A_10 : memref<32xi32, #tpu.memory_space<hbm>>) dst(%arg5 : memref<32xi32, #tpu.memory_space<vmem>>)
      tpu.yield
    }) : () -> ()
    "tpu.region"() ({
      %run_scoped3A = tpu.sem_alloc : memref<!tpu.dma_semaphore, #tpu.memory_space<semaphore_mem>>
      %dma_start3A_7 = arith.constant 0 : i32
      %dma_start3A_8 = tpu.memref_slice %arg2[%mul3A_2, %dma_start3A_7] : memref<1024x1024xf32, #tpu.memory_space<hbm>> -> memref<32x1024xf32, #tpu.memory_space<hbm>>
      %dma_start3A_9 = arith.constant 0 : i32
      %dma_start3A_10 = tpu.memref_slice %arg2[%mul3A_2, %dma_start3A_9] : memref<1024x1024xf32, #tpu.memory_space<hbm>> -> memref<32x1024xf32, #tpu.memory_space<hbm>>
      tpu.enqueue_dma source(%dma_start3A_10 : memref<32x1024xf32, #tpu.memory_space<hbm>>) target(%arg6 : memref<32x1024xf32, #tpu.memory_space<vmem>>) target_semaphore(%run_scoped3A : memref<!tpu.dma_semaphore, #tpu.memory_space<semaphore_mem>>)
      %dma_wait3A_11 = arith.constant 0 : i32
      %dma_wait3A_12 = tpu.memref_slice %arg2[%mul3A_2, %dma_wait3A_11] : memref<1024x1024xf32, #tpu.memory_space<hbm>> -> memref<32x1024xf32, #tpu.memory_space<hbm>>
      %dma_wait3A_13 = arith.constant 0 : i32
      %dma_wait3A_14 = tpu.memref_slice %arg2[%mul3A_2, %dma_wait3A_13] : memref<1024x1024xf32, #tpu.memory_space<hbm>> -> memref<32x1024xf32, #tpu.memory_space<hbm>>
      tpu.wait_dma2 semaphore(%run_scoped3A : memref<!tpu.dma_semaphore, #tpu.memory_space<semaphore_mem>>) src(%dma_wait3A_14 : memref<32x1024xf32, #tpu.memory_space<hbm>>) dst(%arg6 : memref<32x1024xf32, #tpu.memory_space<vmem>>)
      tpu.yield
    }) : () -> ()
    %dma_start3A = arith.constant 0 : i32
    %dma_start3A_3 = arith.constant 0 : i32
    %dma_start3A_4 = tpu.memref_slice %arg4[%dma_start3A, %dma_start3A_3] : memref<2048x1024xf32, #tpu.memory_space<hbm>> -> memref<2048x1024xf32, #tpu.memory_space<hbm>>
    tpu.enqueue_indirect_dma source(%arg6 : memref<32x1024xf32, #tpu.memory_space<vmem>>) target(%dma_start3A_4 : memref<2048x1024xf32, #tpu.memory_space<hbm>>) offsets(%arg5 : memref<32xi32, #tpu.memory_space<vmem>>) semaphore(%arg7 : memref<!tpu.dma_semaphore, #tpu.memory_space<semaphore_mem>>)
    %dma_wait3A = arith.constant 0 : i32
    %dma_wait3A_5 = arith.constant 0 : i32
    %dma_wait3A_6 = tpu.memref_slice %arg4[%dma_wait3A, %dma_wait3A_5] : memref<2048x1024xf32, #tpu.memory_space<hbm>> -> memref<2048x1024xf32, #tpu.memory_space<hbm>>
    tpu.wait_indirect_dma semaphore(%arg7 : memref<!tpu.dma_semaphore, #tpu.memory_space<semaphore_mem>>) src(%arg6 : memref<32x1024xf32, #tpu.memory_space<vmem>>) dst(%dma_wait3A_6 : memref<2048x1024xf32, #tpu.memory_space<hbm>>)
    return
  }
}

#map = affine_map<(d0, d1) -> (0, 0)>
#map1 = affine_map<(d0, d1) -> (0)>
module attributes {stable_mosaic.version = 14 : i64} {
  func.func @body(%arg0: i32, %arg1: i32, %arg2: memref<2048x512xf32, #tpu.memory_space<hbm>>, %arg3: memref<1024xi32, #tpu.memory_space<hbm>>, %arg4: memref<1024x512xf32, #tpu.memory_space<hbm>>, %arg5: memref<32xi32, #tpu.memory_space<vmem>>, %arg6: memref<32x512xf32, #tpu.memory_space<vmem>>, %arg7: memref<!tpu.dma_semaphore, #tpu.memory_space<semaphore_mem>>) attributes {dimension_semantics = [#tpu.dimension_semantics<core_parallel>, #tpu.dimension_semantics<subcore_parallel>], iteration_bounds = array<i64: 2, 16>, scalar_prefetch = 0 : i64, scratch_operands = 3 : i64, tpu.core_type = #tpu.core_type<sc_vector_subcore>, window_params = [{transform_indices = #map}, {transform_indices = #map1}, {transform_indices = #map}]} {
    %mul3A = arith.constant 2 : i32
    %mul3A_0 = arith.muli %arg1, %mul3A : i32
    %add3A = arith.addi %mul3A_0, %arg0 : i32
    %mul3A_1 = arith.constant 32 : i32
    %mul3A_2 = arith.muli %add3A, %mul3A_1 : i32
    "tpu.region"() ({
      %run_scoped3A = tpu.sem_alloc : memref<!tpu.dma_semaphore, #tpu.memory_space<semaphore_mem>>
      %dma_start3A_7 = tpu.memref_slice %arg3[%mul3A_2] : memref<1024xi32, #tpu.memory_space<hbm>> -> memref<32xi32, #tpu.memory_space<hbm>>
      %dma_start3A_8 = tpu.memref_slice %arg3[%mul3A_2] : memref<1024xi32, #tpu.memory_space<hbm>> -> memref<32xi32, #tpu.memory_space<hbm>>
      tpu.enqueue_dma source(%dma_start3A_8 : memref<32xi32, #tpu.memory_space<hbm>>) target(%arg5 : memref<32xi32, #tpu.memory_space<vmem>>) target_semaphore(%run_scoped3A : memref<!tpu.dma_semaphore, #tpu.memory_space<semaphore_mem>>)
      %dma_wait3A_9 = tpu.memref_slice %arg3[%mul3A_2] : memref<1024xi32, #tpu.memory_space<hbm>> -> memref<32xi32, #tpu.memory_space<hbm>>
      %dma_wait3A_10 = tpu.memref_slice %arg3[%mul3A_2] : memref<1024xi32, #tpu.memory_space<hbm>> -> memref<32xi32, #tpu.memory_space<hbm>>
      tpu.wait_dma2 semaphore(%run_scoped3A : memref<!tpu.dma_semaphore, #tpu.memory_space<semaphore_mem>>) src(%dma_wait3A_10 : memref<32xi32, #tpu.memory_space<hbm>>) dst(%arg5 : memref<32xi32, #tpu.memory_space<vmem>>)
      tpu.yield
    }) : () -> ()
    %dma_start3A = arith.constant 0 : i32
    %dma_start3A_3 = arith.constant 0 : i32
    %dma_start3A_4 = tpu.memref_slice %arg2[%dma_start3A, %dma_start3A_3] : memref<2048x512xf32, #tpu.memory_space<hbm>> -> memref<2048x512xf32, #tpu.memory_space<hbm>>
    tpu.enqueue_indirect_dma source(%dma_start3A_4 : memref<2048x512xf32, #tpu.memory_space<hbm>>) target(%arg6 : memref<32x512xf32, #tpu.memory_space<vmem>>) offsets(%arg5 : memref<32xi32, #tpu.memory_space<vmem>>) semaphore(%arg7 : memref<!tpu.dma_semaphore, #tpu.memory_space<semaphore_mem>>)
    %dma_wait3A = arith.constant 0 : i32
    %dma_wait3A_5 = arith.constant 0 : i32
    %dma_wait3A_6 = tpu.memref_slice %arg2[%dma_wait3A, %dma_wait3A_5] : memref<2048x512xf32, #tpu.memory_space<hbm>> -> memref<2048x512xf32, #tpu.memory_space<hbm>>
    tpu.wait_indirect_dma semaphore(%arg7 : memref<!tpu.dma_semaphore, #tpu.memory_space<semaphore_mem>>) src(%dma_wait3A_6 : memref<2048x512xf32, #tpu.memory_space<hbm>>) dst(%arg6 : memref<32x512xf32, #tpu.memory_space<vmem>>)
    "tpu.region"() ({
      %run_scoped3A = tpu.sem_alloc : memref<!tpu.dma_semaphore, #tpu.memory_space<semaphore_mem>>
      %dma_start3A_7 = arith.constant 0 : i32
      %dma_start3A_8 = tpu.memref_slice %arg4[%mul3A_2, %dma_start3A_7] : memref<1024x512xf32, #tpu.memory_space<hbm>> -> memref<32x512xf32, #tpu.memory_space<hbm>>
      %dma_start3A_9 = arith.constant 0 : i32
      %dma_start3A_10 = tpu.memref_slice %arg4[%mul3A_2, %dma_start3A_9] : memref<1024x512xf32, #tpu.memory_space<hbm>> -> memref<32x512xf32, #tpu.memory_space<hbm>>
      tpu.enqueue_dma source(%arg6 : memref<32x512xf32, #tpu.memory_space<vmem>>) target(%dma_start3A_10 : memref<32x512xf32, #tpu.memory_space<hbm>>) target_semaphore(%run_scoped3A : memref<!tpu.dma_semaphore, #tpu.memory_space<semaphore_mem>>)
      %dma_wait3A_11 = arith.constant 0 : i32
      %dma_wait3A_12 = tpu.memref_slice %arg4[%mul3A_2, %dma_wait3A_11] : memref<1024x512xf32, #tpu.memory_space<hbm>> -> memref<32x512xf32, #tpu.memory_space<hbm>>
      %dma_wait3A_13 = arith.constant 0 : i32
      %dma_wait3A_14 = tpu.memref_slice %arg4[%mul3A_2, %dma_wait3A_13] : memref<1024x512xf32, #tpu.memory_space<hbm>> -> memref<32x512xf32, #tpu.memory_space<hbm>>
      tpu.wait_dma2 semaphore(%run_scoped3A : memref<!tpu.dma_semaphore, #tpu.memory_space<semaphore_mem>>) src(%arg6 : memref<32x512xf32, #tpu.memory_space<vmem>>) dst(%dma_wait3A_14 : memref<32x512xf32, #tpu.memory_space<hbm>>)
      tpu.yield
    }) : () -> ()
    return
  }
}

module attributes {stable_mosaic.version = 14 : i64} {
  func.func @_enc_body(%arg0: i32, %arg1: memref<128x1024xf32, #tpu.memory_space<vmem>>, %arg2: memref<1024x512xbf16, #tpu.memory_space<vmem>>, %arg3: memref<1x512xf32, #tpu.memory_space<vmem>>, %arg4: memref<128x16x512xf32, #tpu.memory_space<vmem>>, %arg5: memref<16x128x512xf32, #tpu.memory_space<vmem>>) attributes {dimension_semantics = [#tpu.dimension_semantics<arbitrary>], iteration_bounds = array<i64: 8>, scalar_prefetch = 0 : i64, scratch_operands = 0 : i64, tpu.core_type = #tpu.core_type<tc>, window_params = [{transform_indices = @transform_0, window_bounds = array<i64: 128, 1024>}, {pipeline_mode = #tpu.pipeline_mode<synchronous>, transform_indices = @transform_1, window_bounds = array<i64: 1024, 512>}, {pipeline_mode = #tpu.pipeline_mode<synchronous>, transform_indices = @transform_2, window_bounds = array<i64: 1, 512>}, {transform_indices = @transform_3, window_bounds = array<i64: 128, 16, 512>}, {transform_indices = @transform_4, window_bounds = array<i64: 16, 128, 512>}]} {
    %get3A = arith.constant 0 : index
    %get3A_0 = arith.constant 0 : index
    %get3A_1 = vector.load %arg1[%get3A, %get3A_0] : memref<128x1024xf32, #tpu.memory_space<vmem>>, vector<128x1024xf32>
    %convert_element_type3A = arith.truncf %get3A_1 : vector<128x1024xf32> to vector<128x1024xbf16>
    %get3A_2 = arith.constant 0 : index
    %get3A_3 = arith.constant 0 : index
    %get3A_4 = vector.load %arg2[%get3A_2, %get3A_3] : memref<1024x512xbf16, #tpu.memory_space<vmem>>, vector<1024x512xbf16>
    %dot_general3A = arith.constant dense<0.000000e+00> : vector<128x512xf32>
    %dot_general3A_5 = tpu.matmul %convert_element_type3A, %get3A_4, %dot_general3A {dimension_numbers = #tpu.dot_dimension_numbers<[1], [0], [0], [1], [0, 0, 1, 1], [], []>, transpose_lhs_hint = false} : vector<128x1024xbf16>, vector<1024x512xbf16>, vector<128x512xf32> -> vector<128x512xf32>
    %get3A_6 = arith.constant 0 : index
    %get3A_7 = arith.constant 0 : index
    %get3A_8 = vector.load %arg3[%get3A_6, %get3A_7] : memref<1x512xf32, #tpu.memory_space<vmem>>, vector<1x512xf32>
    %add3A = vector.broadcast %get3A_8 : vector<1x512xf32> to vector<128x512xf32>
    %add3A_9 = arith.addf %dot_general3A_5, %add3A : vector<128x512xf32>
    %get3A_10 = arith.constant 0 : index
    %get3A_11 = arith.constant 0 : index
    %get3A_12 = arith.constant 0 : index
    %get3A_13 = vector.load %arg4[%get3A_10, %get3A_11, %get3A_12] : memref<128x16x512xf32, #tpu.memory_space<vmem>>, vector<128x1x512xf32>
    %get3A_14 = vector.shape_cast %get3A_13 : vector<128x1x512xf32> to vector<128x512xf32>
    %add3A_15 = arith.addf %get3A_14, %add3A_9 : vector<128x512xf32>
    %swap3A = arith.constant 0 : index
    %swap3A_16 = arith.constant 0 : index
    %swap3A_17 = arith.constant 0 : index
    %swap3A_18 = vector.load %arg5[%swap3A, %swap3A_16, %swap3A_17] : memref<16x128x512xf32, #tpu.memory_space<vmem>>, vector<1x128x512xf32>
    %swap3A_19 = vector.shape_cast %swap3A_18 : vector<1x128x512xf32> to vector<128x512xf32>
    %swap3A_20 = vector.shape_cast %add3A_15 : vector<128x512xf32> to vector<1x128x512xf32>
    tpu.vector_store %arg5[%swap3A, %swap3A_16, %swap3A_17], %swap3A_20 {strides = array<i32>} : memref<16x128x512xf32, #tpu.memory_space<vmem>>, vector<1x128x512xf32>,
    %get3A_21 = arith.constant 0 : index
    %get3A_22 = arith.constant 1 : index
    %get3A_23 = arith.constant 0 : index
    %get3A_24 = vector.load %arg4[%get3A_21, %get3A_22, %get3A_23] : memref<128x16x512xf32, #tpu.memory_space<vmem>>, vector<128x1x512xf32>
    %get3A_25 = vector.shape_cast %get3A_24 : vector<128x1x512xf32> to vector<128x512xf32>
    %add3A_26 = arith.addf %get3A_25, %add3A_9 : vector<128x512xf32>
    %swap3A_27 = arith.constant 1 : index
    %swap3A_28 = arith.constant 0 : index
    %swap3A_29 = arith.constant 0 : index
    %swap3A_30 = vector.load %arg5[%swap3A_27, %swap3A_28, %swap3A_29] : memref<16x128x512xf32, #tpu.memory_space<vmem>>, vector<1x128x512xf32>
    %swap3A_31 = vector.shape_cast %swap3A_30 : vector<1x128x512xf32> to vector<128x512xf32>
    %swap3A_32 = vector.shape_cast %add3A_26 : vector<128x512xf32> to vector<1x128x512xf32>
    tpu.vector_store %arg5[%swap3A_27, %swap3A_28, %swap3A_29], %swap3A_32 {strides = array<i32>} : memref<16x128x512xf32, #tpu.memory_space<vmem>>, vector<1x128x512xf32>,
    %get3A_33 = arith.constant 0 : index
    %get3A_34 = arith.constant 2 : index
    %get3A_35 = arith.constant 0 : index
    %get3A_36 = vector.load %arg4[%get3A_33, %get3A_34, %get3A_35] : memref<128x16x512xf32, #tpu.memory_space<vmem>>, vector<128x1x512xf32>
    %get3A_37 = vector.shape_cast %get3A_36 : vector<128x1x512xf32> to vector<128x512xf32>
    %add3A_38 = arith.addf %get3A_37, %add3A_9 : vector<128x512xf32>
    %swap3A_39 = arith.constant 2 : index
    %swap3A_40 = arith.constant 0 : index
    %swap3A_41 = arith.constant 0 : index
    %swap3A_42 = vector.load %arg5[%swap3A_39, %swap3A_40, %swap3A_41] : memref<16x128x512xf32, #tpu.memory_space<vmem>>, vector<1x128x512xf32>
    %swap3A_43 = vector.shape_cast %swap3A_42 : vector<1x128x512xf32> to vector<128x512xf32>
    %swap3A_44 = vector.shape_cast %add3A_38 : vector<128x512xf32> to vector<1x128x512xf32>
    tpu.vector_store %arg5[%swap3A_39, %swap3A_40, %swap3A_41], %swap3A_44 {strides = array<i32>} : memref<16x128x512xf32, #tpu.memory_space<vmem>>, vector<1x128x512xf32>,
    %get3A_45 = arith.constant 0 : index
    %get3A_46 = arith.constant 3 : index
    %get3A_47 = arith.constant 0 : index
    %get3A_48 = vector.load %arg4[%get3A_45, %get3A_46, %get3A_47] : memref<128x16x512xf32, #tpu.memory_space<vmem>>, vector<128x1x512xf32>
    %get3A_49 = vector.shape_cast %get3A_48 : vector<128x1x512xf32> to vector<128x512xf32>
    %add3A_50 = arith.addf %get3A_49, %add3A_9 : vector<128x512xf32>
    %swap3A_51 = arith.constant 3 : index
    %swap3A_52 = arith.constant 0 : index
    %swap3A_53 = arith.constant 0 : index
    %swap3A_54 = vector.load %arg5[%swap3A_51, %swap3A_52, %swap3A_53] : memref<16x128x512xf32, #tpu.memory_space<vmem>>, vector<1x128x512xf32>
    %swap3A_55 = vector.shape_cast %swap3A_54 : vector<1x128x512xf32> to vector<128x512xf32>
    %swap3A_56 = vector.shape_cast %add3A_50 : vector<128x512xf32> to vector<1x128x512xf32>
    tpu.vector_store %arg5[%swap3A_51, %swap3A_52, %swap3A_53], %swap3A_56 {strides = array<i32>} : memref<16x128x512xf32, #tpu.memory_space<vmem>>, vector<1x128x512xf32>,
    %get3A_57 = arith.constant 0 : index
    %get3A_58 = arith.constant 4 : index
    %get3A_59 = arith.constant 0 : index
    %get3A_60 = vector.load %arg4[%get3A_57, %get3A_58, %get3A_59] : memref<128x16x512xf32, #tpu.memory_space<vmem>>, vector<128x1x512xf32>
    %get3A_61 = vector.shape_cast %get3A_60 : vector<128x1x512xf32> to vector<128x512xf32>
    %add3A_62 = arith.addf %get3A_61, %add3A_9 : vector<128x512xf32>
    %swap3A_63 = arith.constant 4 : index
    %swap3A_64 = arith.constant 0 : index
    %swap3A_65 = arith.constant 0 : index
    %swap3A_66 = vector.load %arg5[%swap3A_63, %swap3A_64, %swap3A_65] : memref<16x128x512xf32, #tpu.memory_space<vmem>>, vector<1x128x512xf32>
    %swap3A_67 = vector.shape_cast %swap3A_66 : vector<1x128x512xf32> to vector<128x512xf32>
    %swap3A_68 = vector.shape_cast %add3A_62 : vector<128x512xf32> to vector<1x128x512xf32>
    tpu.vector_store %arg5[%swap3A_63, %swap3A_64, %swap3A_65], %swap3A_68 {strides = array<i32>} : memref<16x128x512xf32, #tpu.memory_space<vmem>>, vector<1x128x512xf32>,
    %get3A_69 = arith.constant 0 : index
    %get3A_70 = arith.constant 5 : index
    %get3A_71 = arith.constant 0 : index
    %get3A_72 = vector.load %arg4[%get3A_69, %get3A_70, %get3A_71] : memref<128x16x512xf32, #tpu.memory_space<vmem>>, vector<128x1x512xf32>
    %get3A_73 = vector.shape_cast %get3A_72 : vector<128x1x512xf32> to vector<128x512xf32>
    %add3A_74 = arith.addf %get3A_73, %add3A_9 : vector<128x512xf32>
    %swap3A_75 = arith.constant 5 : index
    %swap3A_76 = arith.constant 0 : index
    %swap3A_77 = arith.constant 0 : index
    %swap3A_78 = vector.load %arg5[%swap3A_75, %swap3A_76, %swap3A_77] : memref<16x128x512xf32, #tpu.memory_space<vmem>>, vector<1x128x512xf32>
    %swap3A_79 = vector.shape_cast %swap3A_78 : vector<1x128x512xf32> to vector<128x512xf32>
    %swap3A_80 = vector.shape_cast %add3A_74 : vector<128x512xf32> to vector<1x128x512xf32>
    tpu.vector_store %arg5[%swap3A_75, %swap3A_76, %swap3A_77], %swap3A_80 {strides = array<i32>} : memref<16x128x512xf32, #tpu.memory_space<vmem>>, vector<1x128x512xf32>,
    %get3A_81 = arith.constant 0 : index
    %get3A_82 = arith.constant 6 : index
    %get3A_83 = arith.constant 0 : index
    %get3A_84 = vector.load %arg4[%get3A_81, %get3A_82, %get3A_83] : memref<128x16x512xf32, #tpu.memory_space<vmem>>, vector<128x1x512xf32>
    %get3A_85 = vector.shape_cast %get3A_84 : vector<128x1x512xf32> to vector<128x512xf32>
    %add3A_86 = arith.addf %get3A_85, %add3A_9 : vector<128x512xf32>
    %swap3A_87 = arith.constant 6 : index
    %swap3A_88 = arith.constant 0 : index
    %swap3A_89 = arith.constant 0 : index
    %swap3A_90 = vector.load %arg5[%swap3A_87, %swap3A_88, %swap3A_89] : memref<16x128x512xf32, #tpu.memory_space<vmem>>, vector<1x128x512xf32>
    %swap3A_91 = vector.shape_cast %swap3A_90 : vector<1x128x512xf32> to vector<128x512xf32>
    %swap3A_92 = vector.shape_cast %add3A_86 : vector<128x512xf32> to vector<1x128x512xf32>
    tpu.vector_store %arg5[%swap3A_87, %swap3A_88, %swap3A_89], %swap3A_92 {strides = array<i32>} : memref<16x128x512xf32, #tpu.memory_space<vmem>>, vector<1x128x512xf32>,
    %get3A_93 = arith.constant 0 : index
    %get3A_94 = arith.constant 7 : index
    %get3A_95 = arith.constant 0 : index
    %get3A_96 = vector.load %arg4[%get3A_93, %get3A_94, %get3A_95] : memref<128x16x512xf32, #tpu.memory_space<vmem>>, vector<128x1x512xf32>
    %get3A_97 = vector.shape_cast %get3A_96 : vector<128x1x512xf32> to vector<128x512xf32>
    %add3A_98 = arith.addf %get3A_97, %add3A_9 : vector<128x512xf32>
    %swap3A_99 = arith.constant 7 : index
    %swap3A_100 = arith.constant 0 : index
    %swap3A_101 = arith.constant 0 : index
    %swap3A_102 = vector.load %arg5[%swap3A_99, %swap3A_100, %swap3A_101] : memref<16x128x512xf32, #tpu.memory_space<vmem>>, vector<1x128x512xf32>
    %swap3A_103 = vector.shape_cast %swap3A_102 : vector<1x128x512xf32> to vector<128x512xf32>
    %swap3A_104 = vector.shape_cast %add3A_98 : vector<128x512xf32> to vector<1x128x512xf32>
    tpu.vector_store %arg5[%swap3A_99, %swap3A_100, %swap3A_101], %swap3A_104 {strides = array<i32>} : memref<16x128x512xf32, #tpu.memory_space<vmem>>, vector<1x128x512xf32>,
    %get3A_105 = arith.constant 0 : index
    %get3A_106 = arith.constant 8 : index
    %get3A_107 = arith.constant 0 : index
    %get3A_108 = vector.load %arg4[%get3A_105, %get3A_106, %get3A_107] : memref<128x16x512xf32, #tpu.memory_space<vmem>>, vector<128x1x512xf32>
    %get3A_109 = vector.shape_cast %get3A_108 : vector<128x1x512xf32> to vector<128x512xf32>
    %add3A_110 = arith.addf %get3A_109, %add3A_9 : vector<128x512xf32>
    %swap3A_111 = arith.constant 8 : index
    %swap3A_112 = arith.constant 0 : index
    %swap3A_113 = arith.constant 0 : index
    %swap3A_114 = vector.load %arg5[%swap3A_111, %swap3A_112, %swap3A_113] : memref<16x128x512xf32, #tpu.memory_space<vmem>>, vector<1x128x512xf32>
    %swap3A_115 = vector.shape_cast %swap3A_114 : vector<1x128x512xf32> to vector<128x512xf32>
    %swap3A_116 = vector.shape_cast %add3A_110 : vector<128x512xf32> to vector<1x128x512xf32>
    tpu.vector_store %arg5[%swap3A_111, %swap3A_112, %swap3A_113], %swap3A_116 {strides = array<i32>} : memref<16x128x512xf32, #tpu.memory_space<vmem>>, vector<1x128x512xf32>,
    %get3A_117 = arith.constant 0 : index
    %get3A_118 = arith.constant 9 : index
    %get3A_119 = arith.constant 0 : index
    %get3A_120 = vector.load %arg4[%get3A_117, %get3A_118, %get3A_119] : memref<128x16x512xf32, #tpu.memory_space<vmem>>, vector<128x1x512xf32>
    %get3A_121 = vector.shape_cast %get3A_120 : vector<128x1x512xf32> to vector<128x512xf32>
    %add3A_122 = arith.addf %get3A_121, %add3A_9 : vector<128x512xf32>
    %swap3A_123 = arith.constant 9 : index
    %swap3A_124 = arith.constant 0 : index
    %swap3A_125 = arith.constant 0 : index
    %swap3A_126 = vector.load %arg5[%swap3A_123, %swap3A_124, %swap3A_125] : memref<16x128x512xf32, #tpu.memory_space<vmem>>, vector<1x128x512xf32>
    %swap3A_127 = vector.shape_cast %swap3A_126 : vector<1x128x512xf32> to vector<128x512xf32>
    %swap3A_128 = vector.shape_cast %add3A_122 : vector<128x512xf32> to vector<1x128x512xf32>
    tpu.vector_store %arg5[%swap3A_123, %swap3A_124, %swap3A_125], %swap3A_128 {strides = array<i32>} : memref<16x128x512xf32, #tpu.memory_space<vmem>>, vector<1x128x512xf32>,
    %get3A_129 = arith.constant 0 : index
    %get3A_130 = arith.constant 10 : index
    %get3A_131 = arith.constant 0 : index
    %get3A_132 = vector.load %arg4[%get3A_129, %get3A_130, %get3A_131] : memref<128x16x512xf32, #tpu.memory_space<vmem>>, vector<128x1x512xf32>
    %get3A_133 = vector.shape_cast %get3A_132 : vector<128x1x512xf32> to vector<128x512xf32>
    %add3A_134 = arith.addf %get3A_133, %add3A_9 : vector<128x512xf32>
    %swap3A_135 = arith.constant 10 : index
    %swap3A_136 = arith.constant 0 : index
    %swap3A_137 = arith.constant 0 : index
    %swap3A_138 = vector.load %arg5[%swap3A_135, %swap3A_136, %swap3A_137] : memref<16x128x512xf32, #tpu.memory_space<vmem>>, vector<1x128x512xf32>
    %swap3A_139 = vector.shape_cast %swap3A_138 : vector<1x128x512xf32> to vector<128x512xf32>
    %swap3A_140 = vector.shape_cast %add3A_134 : vector<128x512xf32> to vector<1x128x512xf32>
    tpu.vector_store %arg5[%swap3A_135, %swap3A_136, %swap3A_137], %swap3A_140 {strides = array<i32>} : memref<16x128x512xf32, #tpu.memory_space<vmem>>, vector<1x128x512xf32>,
    %get3A_141 = arith.constant 0 : index
    %get3A_142 = arith.constant 11 : index
    %get3A_143 = arith.constant 0 : index
    %get3A_144 = vector.load %arg4[%get3A_141, %get3A_142, %get3A_143] : memref<128x16x512xf32, #tpu.memory_space<vmem>>, vector<128x1x512xf32>
    %get3A_145 = vector.shape_cast %get3A_144 : vector<128x1x512xf32> to vector<128x512xf32>
    %add3A_146 = arith.addf %get3A_145, %add3A_9 : vector<128x512xf32>
    %swap3A_147 = arith.constant 11 : index
    %swap3A_148 = arith.constant 0 : index
    %swap3A_149 = arith.constant 0 : index
    %swap3A_150 = vector.load %arg5[%swap3A_147, %swap3A_148, %swap3A_149] : memref<16x128x512xf32, #tpu.memory_space<vmem>>, vector<1x128x512xf32>
    %swap3A_151 = vector.shape_cast %swap3A_150 : vector<1x128x512xf32> to vector<128x512xf32>
    %swap3A_152 = vector.shape_cast %add3A_146 : vector<128x512xf32> to vector<1x128x512xf32>
    tpu.vector_store %arg5[%swap3A_147, %swap3A_148, %swap3A_149], %swap3A_152 {strides = array<i32>} : memref<16x128x512xf32, #tpu.memory_space<vmem>>, vector<1x128x512xf32>,
    %get3A_153 = arith.constant 0 : index
    %get3A_154 = arith.constant 12 : index
    %get3A_155 = arith.constant 0 : index
    %get3A_156 = vector.load %arg4[%get3A_153, %get3A_154, %get3A_155] : memref<128x16x512xf32, #tpu.memory_space<vmem>>, vector<128x1x512xf32>
    %get3A_157 = vector.shape_cast %get3A_156 : vector<128x1x512xf32> to vector<128x512xf32>
    %add3A_158 = arith.addf %get3A_157, %add3A_9 : vector<128x512xf32>
    %swap3A_159 = arith.constant 12 : index
    %swap3A_160 = arith.constant 0 : index
    %swap3A_161 = arith.constant 0 : index
    %swap3A_162 = vector.load %arg5[%swap3A_159, %swap3A_160, %swap3A_161] : memref<16x128x512xf32, #tpu.memory_space<vmem>>, vector<1x128x512xf32>
    %swap3A_163 = vector.shape_cast %swap3A_162 : vector<1x128x512xf32> to vector<128x512xf32>
    %swap3A_164 = vector.shape_cast %add3A_158 : vector<128x512xf32> to vector<1x128x512xf32>
    tpu.vector_store %arg5[%swap3A_159, %swap3A_160, %swap3A_161], %swap3A_164 {strides = array<i32>} : memref<16x128x512xf32, #tpu.memory_space<vmem>>, vector<1x128x512xf32>,
    %get3A_165 = arith.constant 0 : index
    %get3A_166 = arith.constant 13 : index
    %get3A_167 = arith.constant 0 : index
    %get3A_168 = vector.load %arg4[%get3A_165, %get3A_166, %get3A_167] : memref<128x16x512xf32, #tpu.memory_space<vmem>>, vector<128x1x512xf32>
    %get3A_169 = vector.shape_cast %get3A_168 : vector<128x1x512xf32> to vector<128x512xf32>
    %add3A_170 = arith.addf %get3A_169, %add3A_9 : vector<128x512xf32>
    %swap3A_171 = arith.constant 13 : index
    %swap3A_172 = arith.constant 0 : index
    %swap3A_173 = arith.constant 0 : index
    %swap3A_174 = vector.load %arg5[%swap3A_171, %swap3A_172, %swap3A_173] : memref<16x128x512xf32, #tpu.memory_space<vmem>>, vector<1x128x512xf32>
    %swap3A_175 = vector.shape_cast %swap3A_174 : vector<1x128x512xf32> to vector<128x512xf32>
    %swap3A_176 = vector.shape_cast %add3A_170 : vector<128x512xf32> to vector<1x128x512xf32>
    tpu.vector_store %arg5[%swap3A_171, %swap3A_172, %swap3A_173], %swap3A_176 {strides = array<i32>} : memref<16x128x512xf32, #tpu.memory_space<vmem>>, vector<1x128x512xf32>,
    %get3A_177 = arith.constant 0 : index
    %get3A_178 = arith.constant 14 : index
    %get3A_179 = arith.constant 0 : index
    %get3A_180 = vector.load %arg4[%get3A_177, %get3A_178, %get3A_179] : memref<128x16x512xf32, #tpu.memory_space<vmem>>, vector<128x1x512xf32>
    %get3A_181 = vector.shape_cast %get3A_180 : vector<128x1x512xf32> to vector<128x512xf32>
    %add3A_182 = arith.addf %get3A_181, %add3A_9 : vector<128x512xf32>
    %swap3A_183 = arith.constant 14 : index
    %swap3A_184 = arith.constant 0 : index
    %swap3A_185 = arith.constant 0 : index
    %swap3A_186 = vector.load %arg5[%swap3A_183, %swap3A_184, %swap3A_185] : memref<16x128x512xf32, #tpu.memory_space<vmem>>, vector<1x128x512xf32>
    %swap3A_187 = vector.shape_cast %swap3A_186 : vector<1x128x512xf32> to vector<128x512xf32>
    %swap3A_188 = vector.shape_cast %add3A_182 : vector<128x512xf32> to vector<1x128x512xf32>
    tpu.vector_store %arg5[%swap3A_183, %swap3A_184, %swap3A_185], %swap3A_188 {strides = array<i32>} : memref<16x128x512xf32, #tpu.memory_space<vmem>>, vector<1x128x512xf32>,
    %get3A_189 = arith.constant 0 : index
    %get3A_190 = arith.constant 15 : index
    %get3A_191 = arith.constant 0 : index
    %get3A_192 = vector.load %arg4[%get3A_189, %get3A_190, %get3A_191] : memref<128x16x512xf32, #tpu.memory_space<vmem>>, vector<128x1x512xf32>
    %get3A_193 = vector.shape_cast %get3A_192 : vector<128x1x512xf32> to vector<128x512xf32>
    %add3A_194 = arith.addf %get3A_193, %add3A_9 : vector<128x512xf32>
    %swap3A_195 = arith.constant 15 : index
    %swap3A_196 = arith.constant 0 : index
    %swap3A_197 = arith.constant 0 : index
    %swap3A_198 = vector.load %arg5[%swap3A_195, %swap3A_196, %swap3A_197] : memref<16x128x512xf32, #tpu.memory_space<vmem>>, vector<1x128x512xf32>
    %swap3A_199 = vector.shape_cast %swap3A_198 : vector<1x128x512xf32> to vector<128x512xf32>
    %swap3A_200 = vector.shape_cast %add3A_194 : vector<128x512xf32> to vector<1x128x512xf32>
    tpu.vector_store %arg5[%swap3A_195, %swap3A_196, %swap3A_197], %swap3A_200 {strides = array<i32>} : memref<16x128x512xf32, #tpu.memory_space<vmem>>, vector<1x128x512xf32>,
    return
  }
  func.func @transform_0(%arg0: i32) -> (i32, i32) {
    %c0_i32 = arith.constant 0 : i32
    %c0_i32_0 = arith.constant 0 : i32
    return %arg0, %c0_i32 : i32, i32
  }
  func.func @transform_1(%arg0: i32) -> (i32, i32) {
    %c0_i32 = arith.constant 0 : i32
    %c0_i32_0 = arith.constant 0 : i32
    %c0_i32_1 = arith.constant 0 : i32
    return %c0_i32, %c0_i32_0 : i32, i32
  }
  func.func @transform_2(%arg0: i32) -> (i32, i32) {
    %c0_i32 = arith.constant 0 : i32
    %c0_i32_0 = arith.constant 0 : i32
    %c0_i32_1 = arith.constant 0 : i32
    return %c0_i32, %c0_i32_0 : i32, i32
  }
  func.func @transform_3(%arg0: i32) -> (i32, i32, i32) {
    %c0_i32 = arith.constant 0 : i32
    %c0_i32_0 = arith.constant 0 : i32
    %c0_i32_1 = arith.constant 0 : i32
    return %arg0, %c0_i32, %c0_i32_0 : i32, i32, i32
  }
  func.func @transform_4(%arg0: i32) -> (i32, i32, i32) {
    %c0_i32 = arith.constant 0 : i32
    %c0_i32_0 = arith.constant 0 : i32
    %c0_i32_1 = arith.constant 0 : i32
    return %c0_i32, %arg0, %c0_i32_0 : i32, i32, i32
  }
}

module attributes {stable_mosaic.version = 14 : i64} {
  func.func @_sel_body(%arg0: i32, %arg1: memref<16x128x512xf32, #tpu.memory_space<vmem>>, %arg2: memref<512x64xbf16, #tpu.memory_space<vmem>>, %arg3: memref<64x32xbf16, #tpu.memory_space<vmem>>, %arg4: memref<8x64xf32, #tpu.memory_space<vmem>>, %arg5: memref<512x32xbf16, #tpu.memory_space<vmem>>, %arg6: memref<128x1024xf32, #tpu.memory_space<vmem>>, %arg7: memref<128x1xi32, #tpu.memory_space<vmem>>, %arg8: memref<128x1xi32, #tpu.memory_space<vmem>>, %arg9: memref<1024x1xi32, #tpu.memory_space<vmem>>, %arg10: memref<16x1xi32, #tpu.memory_space<vmem>>, %arg11: memref<1x1xi32, #tpu.memory_space<vmem>>, %arg12: memref<1024x1xi32, #tpu.memory_space<vmem>>) attributes {dimension_semantics = [#tpu.dimension_semantics<arbitrary>], iteration_bounds = array<i64: 8>, scalar_prefetch = 0 : i64, scratch_operands = 1 : i64, tpu.core_type = #tpu.core_type<tc>, window_params = [{transform_indices = @transform_0, window_bounds = array<i64: 16, 128, 512>}, {pipeline_mode = #tpu.pipeline_mode<synchronous>, transform_indices = @transform_1, window_bounds = array<i64: 512, 64>}, {pipeline_mode = #tpu.pipeline_mode<synchronous>, transform_indices = @transform_2, window_bounds = array<i64: 64, 32>}, {pipeline_mode = #tpu.pipeline_mode<synchronous>, transform_indices = @transform_3, window_bounds = array<i64: 8, 64>}, {pipeline_mode = #tpu.pipeline_mode<synchronous>, transform_indices = @transform_4, window_bounds = array<i64: 512, 32>}, {transform_indices = @transform_5, window_bounds = array<i64: 128, 1024>}, {transform_indices = @transform_6, window_bounds = array<i64: 128, 1>}, {transform_indices = @transform_7, window_bounds = array<i64: 128, 1>}, {pipeline_mode = #tpu.pipeline_mode<synchronous>, transform_indices = @transform_8, window_bounds = array<i64: 1024, 1>}, {pipeline_mode = #tpu.pipeline_mode<synchronous>, transform_indices = @transform_9, window_bounds = array<i64: 16, 1>}, {pipeline_mode = #tpu.pipeline_mode<synchronous>, transform_indices = @transform_10, window_bounds = array<i64: 1, 1>}]} {
    %get3A = arith.constant 0 : index
    %get3A_0 = arith.constant 0 : index
    %get3A_1 = arith.constant 0 : index
    %get3A_2 = vector.load %arg1[%get3A, %get3A_0, %get3A_1] : memref<16x128x512xf32, #tpu.memory_space<vmem>>, vector<1x128x512xf32>
    %get3A_3 = vector.shape_cast %get3A_2 : vector<1x128x512xf32> to vector<128x512xf32>
    %get3A_4 = arith.constant 1 : index
    %get3A_5 = arith.constant 0 : index
    %get3A_6 = arith.constant 0 : index
    %get3A_7 = vector.load %arg1[%get3A_4, %get3A_5, %get3A_6] : memref<16x128x512xf32, #tpu.memory_space<vmem>>, vector<1x128x512xf32>
    %get3A_8 = vector.shape_cast %get3A_7 : vector<1x128x512xf32> to vector<128x512xf32>
    %get3A_9 = arith.constant 2 : index
    %get3A_10 = arith.constant 0 : index
    %get3A_11 = arith.constant 0 : index
    %get3A_12 = vector.load %arg1[%get3A_9, %get3A_10, %get3A_11] : memref<16x128x512xf32, #tpu.memory_space<vmem>>, vector<1x128x512xf32>
    %get3A_13 = vector.shape_cast %get3A_12 : vector<1x128x512xf32> to vector<128x512xf32>
    %get3A_14 = arith.constant 3 : index
    %get3A_15 = arith.constant 0 : index
    %get3A_16 = arith.constant 0 : index
    %get3A_17 = vector.load %arg1[%get3A_14, %get3A_15, %get3A_16] : memref<16x128x512xf32, #tpu.memory_space<vmem>>, vector<1x128x512xf32>
    %get3A_18 = vector.shape_cast %get3A_17 : vector<1x128x512xf32> to vector<128x512xf32>
    %get3A_19 = arith.constant 4 : index
    %get3A_20 = arith.constant 0 : index
    %get3A_21 = arith.constant 0 : index
    %get3A_22 = vector.load %arg1[%get3A_19, %get3A_20, %get3A_21] : memref<16x128x512xf32, #tpu.memory_space<vmem>>, vector<1x128x512xf32>
    %get3A_23 = vector.shape_cast %get3A_22 : vector<1x128x512xf32> to vector<128x512xf32>
    %get3A_24 = arith.constant 5 : index
    %get3A_25 = arith.constant 0 : index
    %get3A_26 = arith.constant 0 : index
    %get3A_27 = vector.load %arg1[%get3A_24, %get3A_25, %get3A_26] : memref<16x128x512xf32, #tpu.memory_space<vmem>>, vector<1x128x512xf32>
    %get3A_28 = vector.shape_cast %get3A_27 : vector<1x128x512xf32> to vector<128x512xf32>
    %get3A_29 = arith.constant 6 : index
    %get3A_30 = arith.constant 0 : index
    %get3A_31 = arith.constant 0 : index
    %get3A_32 = vector.load %arg1[%get3A_29, %get3A_30, %get3A_31] : memref<16x128x512xf32, #tpu.memory_space<vmem>>, vector<1x128x512xf32>
    %get3A_33 = vector.shape_cast %get3A_32 : vector<1x128x512xf32> to vector<128x512xf32>
    %get3A_34 = arith.constant 7 : index
    %get3A_35 = arith.constant 0 : index
    %get3A_36 = arith.constant 0 : index
    %get3A_37 = vector.load %arg1[%get3A_34, %get3A_35, %get3A_36] : memref<16x128x512xf32, #tpu.memory_space<vmem>>, vector<1x128x512xf32>
    %get3A_38 = vector.shape_cast %get3A_37 : vector<1x128x512xf32> to vector<128x512xf32>
    %get3A_39 = arith.constant 8 : index
    %get3A_40 = arith.constant 0 : index
    %get3A_41 = arith.constant 0 : index
    %get3A_42 = vector.load %arg1[%get3A_39, %get3A_40, %get3A_41] : memref<16x128x512xf32, #tpu.memory_space<vmem>>, vector<1x128x512xf32>
    %get3A_43 = vector.shape_cast %get3A_42 : vector<1x128x512xf32> to vector<128x512xf32>
    %get3A_44 = arith.constant 9 : index
    %get3A_45 = arith.constant 0 : index
    %get3A_46 = arith.constant 0 : index
    %get3A_47 = vector.load %arg1[%get3A_44, %get3A_45, %get3A_46] : memref<16x128x512xf32, #tpu.memory_space<vmem>>, vector<1x128x512xf32>
    %get3A_48 = vector.shape_cast %get3A_47 : vector<1x128x512xf32> to vector<128x512xf32>
    %get3A_49 = arith.constant 10 : index
    %get3A_50 = arith.constant 0 : index
    %get3A_51 = arith.constant 0 : index
    %get3A_52 = vector.load %arg1[%get3A_49, %get3A_50, %get3A_51] : memref<16x128x512xf32, #tpu.memory_space<vmem>>, vector<1x128x512xf32>
    %get3A_53 = vector.shape_cast %get3A_52 : vector<1x128x512xf32> to vector<128x512xf32>
    %get3A_54 = arith.constant 11 : index
    %get3A_55 = arith.constant 0 : index
    %get3A_56 = arith.constant 0 : index
    %get3A_57 = vector.load %arg1[%get3A_54, %get3A_55, %get3A_56] : memref<16x128x512xf32, #tpu.memory_space<vmem>>, vector<1x128x512xf32>
    %get3A_58 = vector.shape_cast %get3A_57 : vector<1x128x512xf32> to vector<128x512xf32>
    %get3A_59 = arith.constant 12 : index
    %get3A_60 = arith.constant 0 : index
    %get3A_61 = arith.constant 0 : index
    %get3A_62 = vector.load %arg1[%get3A_59, %get3A_60, %get3A_61] : memref<16x128x512xf32, #tpu.memory_space<vmem>>, vector<1x128x512xf32>
    %get3A_63 = vector.shape_cast %get3A_62 : vector<1x128x512xf32> to vector<128x512xf32>
    %get3A_64 = arith.constant 13 : index
    %get3A_65 = arith.constant 0 : index
    %get3A_66 = arith.constant 0 : index
    %get3A_67 = vector.load %arg1[%get3A_64, %get3A_65, %get3A_66] : memref<16x128x512xf32, #tpu.memory_space<vmem>>, vector<1x128x512xf32>
    %get3A_68 = vector.shape_cast %get3A_67 : vector<1x128x512xf32> to vector<128x512xf32>
    %get3A_69 = arith.constant 14 : index
    %get3A_70 = arith.constant 0 : index
    %get3A_71 = arith.constant 0 : index
    %get3A_72 = vector.load %arg1[%get3A_69, %get3A_70, %get3A_71] : memref<16x128x512xf32, #tpu.memory_space<vmem>>, vector<1x128x512xf32>
    %get3A_73 = vector.shape_cast %get3A_72 : vector<1x128x512xf32> to vector<128x512xf32>
    %get3A_74 = arith.constant 15 : index
    %get3A_75 = arith.constant 0 : index
    %get3A_76 = arith.constant 0 : index
    %get3A_77 = vector.load %arg1[%get3A_74, %get3A_75, %get3A_76] : memref<16x128x512xf32, #tpu.memory_space<vmem>>, vector<1x128x512xf32>
    %get3A_78 = vector.shape_cast %get3A_77 : vector<1x128x512xf32> to vector<128x512xf32>
    %get3A_79 = arith.constant 0 : index
    %get3A_80 = arith.constant 0 : index
    %get3A_81 = arith.constant 0 : index
    %get3A_82 = vector.load %arg1[%get3A_79, %get3A_80, %get3A_81] : memref<16x128x512xf32, #tpu.memory_space<vmem>>, vector<16x128x512xf32>
    %reshape3A = vector.shape_cast %get3A_82 : vector<16x128x512xf32> to vector<2048x512xf32>
    %convert_element_type3A = arith.truncf %reshape3A : vector<2048x512xf32> to vector<2048x512xbf16>
    %get3A_83 = arith.constant 0 : index
    %get3A_84 = arith.constant 0 : index
    %get3A_85 = vector.load %arg2[%get3A_83, %get3A_84] : memref<512x64xbf16, #tpu.memory_space<vmem>>, vector<512x64xbf16>
    %dot_general3A = arith.constant dense<0.000000e+00> : vector<2048x64xf32>
    %dot_general3A_86 = tpu.matmul %convert_element_type3A, %get3A_85, %dot_general3A {dimension_numbers = #tpu.dot_dimension_numbers<[1], [0], [0], [1], [0, 0, 1, 1], [], []>, transpose_lhs_hint = false} : vector<2048x512xbf16>, vector<512x64xbf16>, vector<2048x64xf32> -> vector<2048x64xf32>
    %get3A_87 = arith.constant 0 : index
    %get3A_88 = arith.constant 0 : index
    %get3A_89 = vector.load %arg4[%get3A_87, %get3A_88] : memref<8x64xf32, #tpu.memory_space<vmem>>, vector<8x64xf32>
    %convert_element_type3A_90 = arith.truncf %get3A_89 : vector<8x64xf32> to vector<8x64xbf16>
    %get3A_91 = arith.constant 0 : index
    %get3A_92 = arith.constant 0 : index
    %get3A_93 = vector.load %arg3[%get3A_91, %get3A_92] : memref<64x32xbf16, #tpu.memory_space<vmem>>, vector<64x32xbf16>
    %dot_general3A_94 = arith.constant dense<0.000000e+00> : vector<8x32xf32>
    %dot_general3A_95 = tpu.matmul %convert_element_type3A_90, %get3A_93, %dot_general3A_94 {dimension_numbers = #tpu.dot_dimension_numbers<[1], [0], [0], [1], [0, 0, 1, 1], [], []>, transpose_lhs_hint = false} : vector<8x64xbf16>, vector<64x32xbf16>, vector<8x32xf32> -> vector<8x32xf32>
    %slice3A = vector.extract_strided_slice %dot_general3A_86 {offsets = [0, 0], sizes = [2048, 32], strides = [1, 1]} : vector<2048x64xf32> to vector<2048x32xf32>
    %convert_element_type3A_96 = arith.truncf %slice3A : vector<2048x32xf32> to vector<2048x32xbf16>
    %convert_element_type3A_97 = arith.truncf %dot_general3A_95 : vector<8x32xf32> to vector<8x32xbf16>
    %dot_general3A_98 = arith.constant dense<0.000000e+00> : vector<2048x8xf32>
    %dot_general3A_99 = tpu.matmul %convert_element_type3A_96, %convert_element_type3A_97, %dot_general3A_98 {dimension_numbers = #tpu.dot_dimension_numbers<[1], [1], [0], [0], [0, 0, 1, 0], [], []>, transpose_lhs_hint = false} : vector<2048x32xbf16>, vector<8x32xbf16>, vector<2048x8xf32> -> vector<2048x8xf32>
    %slice3A_100 = vector.extract_strided_slice %dot_general3A_99 {offsets = [0, 0], sizes = [128, 8], strides = [1, 1]} : vector<2048x8xf32> to vector<128x8xf32>
    %slice3A_101 = vector.extract_strided_slice %dot_general3A_99 {offsets = [128, 0], sizes = [128, 8], strides = [1, 1]} : vector<2048x8xf32> to vector<128x8xf32>
    %slice3A_102 = vector.extract_strided_slice %dot_general3A_99 {offsets = [256, 0], sizes = [128, 8], strides = [1, 1]} : vector<2048x8xf32> to vector<128x8xf32>
    %slice3A_103 = vector.extract_strided_slice %dot_general3A_99 {offsets = [384, 0], sizes = [128, 8], strides = [1, 1]} : vector<2048x8xf32> to vector<128x8xf32>
    %slice3A_104 = vector.extract_strided_slice %dot_general3A_99 {offsets = [512, 0], sizes = [128, 8], strides = [1, 1]} : vector<2048x8xf32> to vector<128x8xf32>
    %slice3A_105 = vector.extract_strided_slice %dot_general3A_99 {offsets = [640, 0], sizes = [128, 8], strides = [1, 1]} : vector<2048x8xf32> to vector<128x8xf32>
    %slice3A_106 = vector.extract_strided_slice %dot_general3A_99 {offsets = [768, 0], sizes = [128, 8], strides = [1, 1]} : vector<2048x8xf32> to vector<128x8xf32>
    %slice3A_107 = vector.extract_strided_slice %dot_general3A_99 {offsets = [896, 0], sizes = [128, 8], strides = [1, 1]} : vector<2048x8xf32> to vector<128x8xf32>
    %slice3A_108 = vector.extract_strided_slice %dot_general3A_99 {offsets = [1024, 0], sizes = [128, 8], strides = [1, 1]} : vector<2048x8xf32> to vector<128x8xf32>
    %slice3A_109 = vector.extract_strided_slice %dot_general3A_99 {offsets = [1152, 0], sizes = [128, 8], strides = [1, 1]} : vector<2048x8xf32> to vector<128x8xf32>
    %slice3A_110 = vector.extract_strided_slice %dot_general3A_99 {offsets = [1280, 0], sizes = [128, 8], strides = [1, 1]} : vector<2048x8xf32> to vector<128x8xf32>
    %slice3A_111 = vector.extract_strided_slice %dot_general3A_99 {offsets = [1408, 0], sizes = [128, 8], strides = [1, 1]} : vector<2048x8xf32> to vector<128x8xf32>
    %slice3A_112 = vector.extract_strided_slice %dot_general3A_99 {offsets = [1536, 0], sizes = [128, 8], strides = [1, 1]} : vector<2048x8xf32> to vector<128x8xf32>
    %slice3A_113 = vector.extract_strided_slice %dot_general3A_99 {offsets = [1664, 0], sizes = [128, 8], strides = [1, 1]} : vector<2048x8xf32> to vector<128x8xf32>
    %slice3A_114 = vector.extract_strided_slice %dot_general3A_99 {offsets = [1792, 0], sizes = [128, 8], strides = [1, 1]} : vector<2048x8xf32> to vector<128x8xf32>
    %slice3A_115 = vector.extract_strided_slice %dot_general3A_99 {offsets = [1920, 0], sizes = [128, 8], strides = [1, 1]} : vector<2048x8xf32> to vector<128x8xf32>
    %concatenate3A = tpu.concatenate %slice3A_100, %slice3A_101, %slice3A_102, %slice3A_103, %slice3A_104, %slice3A_105, %slice3A_106, %slice3A_107, %slice3A_108, %slice3A_109, %slice3A_110, %slice3A_111, %slice3A_112, %slice3A_113, %slice3A_114, %slice3A_115 in 1 : vector<128x8xf32>, vector<128x8xf32>, vector<128x8xf32>, vector<128x8xf32>, vector<128x8xf32>, vector<128x8xf32>, vector<128x8xf32>, vector<128x8xf32>, vector<128x8xf32>, vector<128x8xf32>, vector<128x8xf32>, vector<128x8xf32>, vector<128x8xf32>, vector<128x8xf32>, vector<128x8xf32>, vector<128x8xf32> -> vector<128x128xf32>
    %mul3A = arith.constant 0.176776692 : f32
    %mul3A_116 = vector.broadcast %mul3A : f32 to vector<128x128xf32>
    %mul3A_117 = arith.mulf %concatenate3A, %mul3A_116 : vector<128x128xf32>
    %reduce_max3A = arith.constant dense<0xFF800000> : vector<128xf32>
    %reduce_max3A_118 = vector.multi_reduction <maximumf>, %mul3A_117, %reduce_max3A [1] : vector<128x128xf32> to vector<128xf32>
    %broadcast_in_dim3A = vector.shape_cast %reduce_max3A_118 : vector<128xf32> to vector<128x1xf32>
    %iota3A = tpu.iota {dimensions = array<i32: 1>} : vector<128x128xi32>
    %eq3A = vector.broadcast %broadcast_in_dim3A : vector<128x1xf32> to vector<128x128xf32>
    %eq3A_119 = arith.cmpf oeq, %mul3A_117, %eq3A : vector<128x128xf32>
    %jit3A = arith.constant 128 : i32
    %broadcast_in_dim3A_120 = vector.broadcast %jit3A : i32 to vector<128x128xi32>
    %select_n3A = arith.select %eq3A_119, %iota3A, %broadcast_in_dim3A_120 : vector<128x128xi1>, vector<128x128xi32>
    %reduce_min3A = arith.constant dense<2147483647> : vector<128xi32>
    %reduce_min3A_121 = vector.multi_reduction <minsi>, %select_n3A, %reduce_min3A [1] : vector<128x128xi32> to vector<128xi32>
    %broadcast_in_dim3A_122 = vector.shape_cast %reduce_min3A_121 : vector<128xi32> to vector<128x1xi32>
    %shift_right_arithmetic3A = arith.constant 3 : i32
    %shift_right_arithmetic3A_123 = vector.broadcast %shift_right_arithmetic3A : i32 to vector<128x1xi32>
    %shift_right_arithmetic3A_124 = arith.shrsi %broadcast_in_dim3A_122, %shift_right_arithmetic3A_123 : vector<128x1xi32>
    %and3A = arith.constant 7 : i32
    %and3A_125 = vector.broadcast %and3A : i32 to vector<128x1xi32>
    %and3A_126 = arith.andi %broadcast_in_dim3A_122, %and3A_125 : vector<128x1xi32>
    %broadcast_in_dim3A_127 = arith.constant 0.000000e+00 : f32
    %broadcast_in_dim3A_128 = vector.broadcast %broadcast_in_dim3A_127 : f32 to vector<128x512xf32>
    %eq3A_129 = arith.constant 0 : i32
    %eq3A_130 = vector.broadcast %eq3A_129 : i32 to vector<128x1xi32>
    %eq3A_131 = arith.cmpi eq, %shift_right_arithmetic3A_124, %eq3A_130 : vector<128x1xi32>
    %jit3A_132 = arith.constant 0.000000e+00 : f32
    %broadcast_in_dim3A_133 = vector.shape_cast %eq3A_131 : vector<128x1xi1> to vector<128x1xi1>
    %broadcast_in_dim3A_134 = vector.broadcast %broadcast_in_dim3A_133 : vector<128x1xi1> to vector<128x512xi1>
    %broadcast_in_dim3A_135 = vector.broadcast %jit3A_132 : f32 to vector<128x512xf32>
    %select_n3A_136 = arith.select %broadcast_in_dim3A_134, %get3A_3, %broadcast_in_dim3A_135 : vector<128x512xi1>, vector<128x512xf32>
    %add3A = arith.addf %broadcast_in_dim3A_128, %select_n3A_136 : vector<128x512xf32>
    %eq3A_137 = arith.constant 1 : i32
    %eq3A_138 = vector.broadcast %eq3A_137 : i32 to vector<128x1xi32>
    %eq3A_139 = arith.cmpi eq, %shift_right_arithmetic3A_124, %eq3A_138 : vector<128x1xi32>
    %jit3A_140 = arith.constant 0.000000e+00 : f32
    %broadcast_in_dim3A_141 = vector.shape_cast %eq3A_139 : vector<128x1xi1> to vector<128x1xi1>
    %broadcast_in_dim3A_142 = vector.broadcast %broadcast_in_dim3A_141 : vector<128x1xi1> to vector<128x512xi1>
    %broadcast_in_dim3A_143 = vector.broadcast %jit3A_140 : f32 to vector<128x512xf32>
    %select_n3A_144 = arith.select %broadcast_in_dim3A_142, %get3A_8, %broadcast_in_dim3A_143 : vector<128x512xi1>, vector<128x512xf32>
    %add3A_145 = arith.addf %add3A, %select_n3A_144 : vector<128x512xf32>
    %eq3A_146 = arith.constant 2 : i32
    %eq3A_147 = vector.broadcast %eq3A_146 : i32 to vector<128x1xi32>
    %eq3A_148 = arith.cmpi eq, %shift_right_arithmetic3A_124, %eq3A_147 : vector<128x1xi32>
    %jit3A_149 = arith.constant 0.000000e+00 : f32
    %broadcast_in_dim3A_150 = vector.shape_cast %eq3A_148 : vector<128x1xi1> to vector<128x1xi1>
    %broadcast_in_dim3A_151 = vector.broadcast %broadcast_in_dim3A_150 : vector<128x1xi1> to vector<128x512xi1>
    %broadcast_in_dim3A_152 = vector.broadcast %jit3A_149 : f32 to vector<128x512xf32>
    %select_n3A_153 = arith.select %broadcast_in_dim3A_151, %get3A_13, %broadcast_in_dim3A_152 : vector<128x512xi1>, vector<128x512xf32>
    %add3A_154 = arith.addf %add3A_145, %select_n3A_153 : vector<128x512xf32>
    %eq3A_155 = arith.constant 3 : i32
    %eq3A_156 = vector.broadcast %eq3A_155 : i32 to vector<128x1xi32>
    %eq3A_157 = arith.cmpi eq, %shift_right_arithmetic3A_124, %eq3A_156 : vector<128x1xi32>
    %jit3A_158 = arith.constant 0.000000e+00 : f32
    %broadcast_in_dim3A_159 = vector.shape_cast %eq3A_157 : vector<128x1xi1> to vector<128x1xi1>
    %broadcast_in_dim3A_160 = vector.broadcast %broadcast_in_dim3A_159 : vector<128x1xi1> to vector<128x512xi1>
    %broadcast_in_dim3A_161 = vector.broadcast %jit3A_158 : f32 to vector<128x512xf32>
    %select_n3A_162 = arith.select %broadcast_in_dim3A_160, %get3A_18, %broadcast_in_dim3A_161 : vector<128x512xi1>, vector<128x512xf32>
    %add3A_163 = arith.addf %add3A_154, %select_n3A_162 : vector<128x512xf32>
    %eq3A_164 = arith.constant 4 : i32
    %eq3A_165 = vector.broadcast %eq3A_164 : i32 to vector<128x1xi32>
    %eq3A_166 = arith.cmpi eq, %shift_right_arithmetic3A_124, %eq3A_165 : vector<128x1xi32>
    %jit3A_167 = arith.constant 0.000000e+00 : f32
    %broadcast_in_dim3A_168 = vector.shape_cast %eq3A_166 : vector<128x1xi1> to vector<128x1xi1>
    %broadcast_in_dim3A_169 = vector.broadcast %broadcast_in_dim3A_168 : vector<128x1xi1> to vector<128x512xi1>
    %broadcast_in_dim3A_170 = vector.broadcast %jit3A_167 : f32 to vector<128x512xf32>
    %select_n3A_171 = arith.select %broadcast_in_dim3A_169, %get3A_23, %broadcast_in_dim3A_170 : vector<128x512xi1>, vector<128x512xf32>
    %add3A_172 = arith.addf %add3A_163, %select_n3A_171 : vector<128x512xf32>
    %eq3A_173 = arith.constant 5 : i32
    %eq3A_174 = vector.broadcast %eq3A_173 : i32 to vector<128x1xi32>
    %eq3A_175 = arith.cmpi eq, %shift_right_arithmetic3A_124, %eq3A_174 : vector<128x1xi32>
    %jit3A_176 = arith.constant 0.000000e+00 : f32
    %broadcast_in_dim3A_177 = vector.shape_cast %eq3A_175 : vector<128x1xi1> to vector<128x1xi1>
    %broadcast_in_dim3A_178 = vector.broadcast %broadcast_in_dim3A_177 : vector<128x1xi1> to vector<128x512xi1>
    %broadcast_in_dim3A_179 = vector.broadcast %jit3A_176 : f32 to vector<128x512xf32>
    %select_n3A_180 = arith.select %broadcast_in_dim3A_178, %get3A_28, %broadcast_in_dim3A_179 : vector<128x512xi1>, vector<128x512xf32>
    %add3A_181 = arith.addf %add3A_172, %select_n3A_180 : vector<128x512xf32>
    %eq3A_182 = arith.constant 6 : i32
    %eq3A_183 = vector.broadcast %eq3A_182 : i32 to vector<128x1xi32>
    %eq3A_184 = arith.cmpi eq, %shift_right_arithmetic3A_124, %eq3A_183 : vector<128x1xi32>
    %jit3A_185 = arith.constant 0.000000e+00 : f32
    %broadcast_in_dim3A_186 = vector.shape_cast %eq3A_184 : vector<128x1xi1> to vector<128x1xi1>
    %broadcast_in_dim3A_187 = vector.broadcast %broadcast_in_dim3A_186 : vector<128x1xi1> to vector<128x512xi1>
    %broadcast_in_dim3A_188 = vector.broadcast %jit3A_185 : f32 to vector<128x512xf32>
    %select_n3A_189 = arith.select %broadcast_in_dim3A_187, %get3A_33, %broadcast_in_dim3A_188 : vector<128x512xi1>, vector<128x512xf32>
    %add3A_190 = arith.addf %add3A_181, %select_n3A_189 : vector<128x512xf32>
    %eq3A_191 = arith.constant 7 : i32
    %eq3A_192 = vector.broadcast %eq3A_191 : i32 to vector<128x1xi32>
    %eq3A_193 = arith.cmpi eq, %shift_right_arithmetic3A_124, %eq3A_192 : vector<128x1xi32>
    %jit3A_194 = arith.constant 0.000000e+00 : f32
    %broadcast_in_dim3A_195 = vector.shape_cast %eq3A_193 : vector<128x1xi1> to vector<128x1xi1>
    %broadcast_in_dim3A_196 = vector.broadcast %broadcast_in_dim3A_195 : vector<128x1xi1> to vector<128x512xi1>
    %broadcast_in_dim3A_197 = vector.broadcast %jit3A_194 : f32 to vector<128x512xf32>
    %select_n3A_198 = arith.select %broadcast_in_dim3A_196, %get3A_38, %broadcast_in_dim3A_197 : vector<128x512xi1>, vector<128x512xf32>
    %add3A_199 = arith.addf %add3A_190, %select_n3A_198 : vector<128x512xf32>
    %eq3A_200 = arith.constant 8 : i32
    %eq3A_201 = vector.broadcast %eq3A_200 : i32 to vector<128x1xi32>
    %eq3A_202 = arith.cmpi eq, %shift_right_arithmetic3A_124, %eq3A_201 : vector<128x1xi32>
    %jit3A_203 = arith.constant 0.000000e+00 : f32
    %broadcast_in_dim3A_204 = vector.shape_cast %eq3A_202 : vector<128x1xi1> to vector<128x1xi1>
    %broadcast_in_dim3A_205 = vector.broadcast %broadcast_in_dim3A_204 : vector<128x1xi1> to vector<128x512xi1>
    %broadcast_in_dim3A_206 = vector.broadcast %jit3A_203 : f32 to vector<128x512xf32>
    %select_n3A_207 = arith.select %broadcast_in_dim3A_205, %get3A_43, %broadcast_in_dim3A_206 : vector<128x512xi1>, vector<128x512xf32>
    %add3A_208 = arith.addf %add3A_199, %select_n3A_207 : vector<128x512xf32>
    %eq3A_209 = arith.constant 9 : i32
    %eq3A_210 = vector.broadcast %eq3A_209 : i32 to vector<128x1xi32>
    %eq3A_211 = arith.cmpi eq, %shift_right_arithmetic3A_124, %eq3A_210 : vector<128x1xi32>
    %jit3A_212 = arith.constant 0.000000e+00 : f32
    %broadcast_in_dim3A_213 = vector.shape_cast %eq3A_211 : vector<128x1xi1> to vector<128x1xi1>
    %broadcast_in_dim3A_214 = vector.broadcast %broadcast_in_dim3A_213 : vector<128x1xi1> to vector<128x512xi1>
    %broadcast_in_dim3A_215 = vector.broadcast %jit3A_212 : f32 to vector<128x512xf32>
    %select_n3A_216 = arith.select %broadcast_in_dim3A_214, %get3A_48, %broadcast_in_dim3A_215 : vector<128x512xi1>, vector<128x512xf32>
    %add3A_217 = arith.addf %add3A_208, %select_n3A_216 : vector<128x512xf32>
    %eq3A_218 = arith.constant 10 : i32
    %eq3A_219 = vector.broadcast %eq3A_218 : i32 to vector<128x1xi32>
    %eq3A_220 = arith.cmpi eq, %shift_right_arithmetic3A_124, %eq3A_219 : vector<128x1xi32>
    %jit3A_221 = arith.constant 0.000000e+00 : f32
    %broadcast_in_dim3A_222 = vector.shape_cast %eq3A_220 : vector<128x1xi1> to vector<128x1xi1>
    %broadcast_in_dim3A_223 = vector.broadcast %broadcast_in_dim3A_222 : vector<128x1xi1> to vector<128x512xi1>
    %broadcast_in_dim3A_224 = vector.broadcast %jit3A_221 : f32 to vector<128x512xf32>
    %select_n3A_225 = arith.select %broadcast_in_dim3A_223, %get3A_53, %broadcast_in_dim3A_224 : vector<128x512xi1>, vector<128x512xf32>
    %add3A_226 = arith.addf %add3A_217, %select_n3A_225 : vector<128x512xf32>
    %eq3A_227 = arith.constant 11 : i32
    %eq3A_228 = vector.broadcast %eq3A_227 : i32 to vector<128x1xi32>
    %eq3A_229 = arith.cmpi eq, %shift_right_arithmetic3A_124, %eq3A_228 : vector<128x1xi32>
    %jit3A_230 = arith.constant 0.000000e+00 : f32
    %broadcast_in_dim3A_231 = vector.shape_cast %eq3A_229 : vector<128x1xi1> to vector<128x1xi1>
    %broadcast_in_dim3A_232 = vector.broadcast %broadcast_in_dim3A_231 : vector<128x1xi1> to vector<128x512xi1>
    %broadcast_in_dim3A_233 = vector.broadcast %jit3A_230 : f32 to vector<128x512xf32>
    %select_n3A_234 = arith.select %broadcast_in_dim3A_232, %get3A_58, %broadcast_in_dim3A_233 : vector<128x512xi1>, vector<128x512xf32>
    %add3A_235 = arith.addf %add3A_226, %select_n3A_234 : vector<128x512xf32>
    %eq3A_236 = arith.constant 12 : i32
    %eq3A_237 = vector.broadcast %eq3A_236 : i32 to vector<128x1xi32>
    %eq3A_238 = arith.cmpi eq, %shift_right_arithmetic3A_124, %eq3A_237 : vector<128x1xi32>
    %jit3A_239 = arith.constant 0.000000e+00 : f32
    %broadcast_in_dim3A_240 = vector.shape_cast %eq3A_238 : vector<128x1xi1> to vector<128x1xi1>
    %broadcast_in_dim3A_241 = vector.broadcast %broadcast_in_dim3A_240 : vector<128x1xi1> to vector<128x512xi1>
    %broadcast_in_dim3A_242 = vector.broadcast %jit3A_239 : f32 to vector<128x512xf32>
    %select_n3A_243 = arith.select %broadcast_in_dim3A_241, %get3A_63, %broadcast_in_dim3A_242 : vector<128x512xi1>, vector<128x512xf32>
    %add3A_244 = arith.addf %add3A_235, %select_n3A_243 : vector<128x512xf32>
    %eq3A_245 = arith.constant 13 : i32
    %eq3A_246 = vector.broadcast %eq3A_245 : i32 to vector<128x1xi32>
    %eq3A_247 = arith.cmpi eq, %shift_right_arithmetic3A_124, %eq3A_246 : vector<128x1xi32>
    %jit3A_248 = arith.constant 0.000000e+00 : f32
    %broadcast_in_dim3A_249 = vector.shape_cast %eq3A_247 : vector<128x1xi1> to vector<128x1xi1>
    %broadcast_in_dim3A_250 = vector.broadcast %broadcast_in_dim3A_249 : vector<128x1xi1> to vector<128x512xi1>
    %broadcast_in_dim3A_251 = vector.broadcast %jit3A_248 : f32 to vector<128x512xf32>
    %select_n3A_252 = arith.select %broadcast_in_dim3A_250, %get3A_68, %broadcast_in_dim3A_251 : vector<128x512xi1>, vector<128x512xf32>
    %add3A_253 = arith.addf %add3A_244, %select_n3A_252 : vector<128x512xf32>
    %eq3A_254 = arith.constant 14 : i32
    %eq3A_255 = vector.broadcast %eq3A_254 : i32 to vector<128x1xi32>
    %eq3A_256 = arith.cmpi eq, %shift_right_arithmetic3A_124, %eq3A_255 : vector<128x1xi32>
    %jit3A_257 = arith.constant 0.000000e+00 : f32
    %broadcast_in_dim3A_258 = vector.shape_cast %eq3A_256 : vector<128x1xi1> to vector<128x1xi1>
    %broadcast_in_dim3A_259 = vector.broadcast %broadcast_in_dim3A_258 : vector<128x1xi1> to vector<128x512xi1>
    %broadcast_in_dim3A_260 = vector.broadcast %jit3A_257 : f32 to vector<128x512xf32>
    %select_n3A_261 = arith.select %broadcast_in_dim3A_259, %get3A_73, %broadcast_in_dim3A_260 : vector<128x512xi1>, vector<128x512xf32>
    %add3A_262 = arith.addf %add3A_253, %select_n3A_261 : vector<128x512xf32>
    %eq3A_263 = arith.constant 15 : i32
    %eq3A_264 = vector.broadcast %eq3A_263 : i32 to vector<128x1xi32>
    %eq3A_265 = arith.cmpi eq, %shift_right_arithmetic3A_124, %eq3A_264 : vector<128x1xi32>
    %jit3A_266 = arith.constant 0.000000e+00 : f32
    %broadcast_in_dim3A_267 = vector.shape_cast %eq3A_265 : vector<128x1xi1> to vector<128x1xi1>
    %broadcast_in_dim3A_268 = vector.broadcast %broadcast_in_dim3A_267 : vector<128x1xi1> to vector<128x512xi1>
    %broadcast_in_dim3A_269 = vector.broadcast %jit3A_266 : f32 to vector<128x512xf32>
    %select_n3A_270 = arith.select %broadcast_in_dim3A_268, %get3A_78, %broadcast_in_dim3A_269 : vector<128x512xi1>, vector<128x512xf32>
    %add3A_271 = arith.addf %add3A_262, %select_n3A_270 : vector<128x512xf32>
    %convert_element_type3A_272 = arith.truncf %add3A_271 : vector<128x512xf32> to vector<128x512xbf16>
    %get3A_273 = arith.constant 0 : index
    %get3A_274 = arith.constant 0 : index
    %get3A_275 = vector.load %arg5[%get3A_273, %get3A_274] : memref<512x32xbf16, #tpu.memory_space<vmem>>, vector<512x32xbf16>
    %dot_general3A_276 = arith.constant dense<0.000000e+00> : vector<128x32xf32>
    %dot_general3A_277 = tpu.matmul %convert_element_type3A_272, %get3A_275, %dot_general3A_276 {dimension_numbers = #tpu.dot_dimension_numbers<[1], [0], [0], [1], [0, 0, 1, 1], [], []>, transpose_lhs_hint = false} : vector<128x512xbf16>, vector<512x32xbf16>, vector<128x32xf32> -> vector<128x32xf32>
    %convert_element_type3A_278 = arith.truncf %dot_general3A_277 : vector<128x32xf32> to vector<128x32xbf16>
    %convert_element_type3A_279 = arith.extf %convert_element_type3A_278 : vector<128x32xbf16> to vector<128x32xf32>
    %slice3A_280 = vector.extract_strided_slice %dot_general3A_86 {offsets = [0, 32], sizes = [128, 32], strides = [1, 1]} : vector<2048x64xf32> to vector<128x32xf32>
    %convert_element_type3A_281 = arith.truncf %slice3A_280 : vector<128x32xf32> to vector<128x32xbf16>
    %convert_element_type3A_282 = arith.extf %convert_element_type3A_281 : vector<128x32xbf16> to vector<128x32xf32>
    %mul3A_283 = arith.mulf %convert_element_type3A_279, %convert_element_type3A_282 : vector<128x32xf32>
    %convert_element_type3A_284 = arith.truncf %mul3A_283 : vector<128x32xf32> to vector<128x32xbf16>
    %convert_element_type3A_285 = arith.extf %convert_element_type3A_284 : vector<128x32xbf16> to vector<128x32xf32>
    %slice3A_286 = vector.extract_strided_slice %convert_element_type3A_285 {offsets = [0, 0], sizes = [128, 16], strides = [1, 1]} : vector<128x32xf32> to vector<128x16xf32>
    %slice3A_287 = vector.extract_strided_slice %convert_element_type3A_285 {offsets = [0, 16], sizes = [128, 16], strides = [1, 1]} : vector<128x32xf32> to vector<128x16xf32>
    %add3A_288 = arith.addf %slice3A_286, %slice3A_287 : vector<128x16xf32>
    %slice3A_289 = vector.extract_strided_slice %add3A_288 {offsets = [0, 0], sizes = [128, 8], strides = [1, 1]} : vector<128x16xf32> to vector<128x8xf32>
    %slice3A_290 = vector.extract_strided_slice %add3A_288 {offsets = [0, 8], sizes = [128, 8], strides = [1, 1]} : vector<128x16xf32> to vector<128x8xf32>
    %add3A_291 = arith.addf %slice3A_289, %slice3A_290 : vector<128x8xf32>
    %slice3A_292 = vector.extract_strided_slice %add3A_291 {offsets = [0, 0], sizes = [128, 4], strides = [1, 1]} : vector<128x8xf32> to vector<128x4xf32>
    %slice3A_293 = vector.extract_strided_slice %add3A_291 {offsets = [0, 4], sizes = [128, 4], strides = [1, 1]} : vector<128x8xf32> to vector<128x4xf32>
    %add3A_294 = arith.addf %slice3A_292, %slice3A_293 : vector<128x4xf32>
    %slice3A_295 = vector.extract_strided_slice %add3A_294 {offsets = [0, 0], sizes = [128, 2], strides = [1, 1]} : vector<128x4xf32> to vector<128x2xf32>
    %slice3A_296 = vector.extract_strided_slice %add3A_294 {offsets = [0, 2], sizes = [128, 2], strides = [1, 1]} : vector<128x4xf32> to vector<128x2xf32>
    %add3A_297 = arith.addf %slice3A_295, %slice3A_296 : vector<128x2xf32>
    %slice3A_298 = vector.extract_strided_slice %add3A_297 {offsets = [0, 0], sizes = [128, 1], strides = [1, 1]} : vector<128x2xf32> to vector<128x1xf32>
    %slice3A_299 = vector.extract_strided_slice %add3A_297 {offsets = [0, 1], sizes = [128, 1], strides = [1, 1]} : vector<128x2xf32> to vector<128x1xf32>
    %add3A_300 = arith.addf %slice3A_298, %slice3A_299 : vector<128x1xf32>
    %slice3A_301 = vector.extract_strided_slice %dot_general3A_86 {offsets = [128, 32], sizes = [128, 32], strides = [1, 1]} : vector<2048x64xf32> to vector<128x32xf32>
    %convert_element_type3A_302 = arith.truncf %slice3A_301 : vector<128x32xf32> to vector<128x32xbf16>
    %convert_element_type3A_303 = arith.extf %convert_element_type3A_302 : vector<128x32xbf16> to vector<128x32xf32>
    %mul3A_304 = arith.mulf %convert_element_type3A_279, %convert_element_type3A_303 : vector<128x32xf32>
    %convert_element_type3A_305 = arith.truncf %mul3A_304 : vector<128x32xf32> to vector<128x32xbf16>
    %convert_element_type3A_306 = arith.extf %convert_element_type3A_305 : vector<128x32xbf16> to vector<128x32xf32>
    %slice3A_307 = vector.extract_strided_slice %convert_element_type3A_306 {offsets = [0, 0], sizes = [128, 16], strides = [1, 1]} : vector<128x32xf32> to vector<128x16xf32>
    %slice3A_308 = vector.extract_strided_slice %convert_element_type3A_306 {offsets = [0, 16], sizes = [128, 16], strides = [1, 1]} : vector<128x32xf32> to vector<128x16xf32>
    %add3A_309 = arith.addf %slice3A_307, %slice3A_308 : vector<128x16xf32>
    %slice3A_310 = vector.extract_strided_slice %add3A_309 {offsets = [0, 0], sizes = [128, 8], strides = [1, 1]} : vector<128x16xf32> to vector<128x8xf32>
    %slice3A_311 = vector.extract_strided_slice %add3A_309 {offsets = [0, 8], sizes = [128, 8], strides = [1, 1]} : vector<128x16xf32> to vector<128x8xf32>
    %add3A_312 = arith.addf %slice3A_310, %slice3A_311 : vector<128x8xf32>
    %slice3A_313 = vector.extract_strided_slice %add3A_312 {offsets = [0, 0], sizes = [128, 4], strides = [1, 1]} : vector<128x8xf32> to vector<128x4xf32>
    %slice3A_314 = vector.extract_strided_slice %add3A_312 {offsets = [0, 4], sizes = [128, 4], strides = [1, 1]} : vector<128x8xf32> to vector<128x4xf32>
    %add3A_315 = arith.addf %slice3A_313, %slice3A_314 : vector<128x4xf32>
    %slice3A_316 = vector.extract_strided_slice %add3A_315 {offsets = [0, 0], sizes = [128, 2], strides = [1, 1]} : vector<128x4xf32> to vector<128x2xf32>
    %slice3A_317 = vector.extract_strided_slice %add3A_315 {offsets = [0, 2], sizes = [128, 2], strides = [1, 1]} : vector<128x4xf32> to vector<128x2xf32>
    %add3A_318 = arith.addf %slice3A_316, %slice3A_317 : vector<128x2xf32>
    %slice3A_319 = vector.extract_strided_slice %add3A_318 {offsets = [0, 0], sizes = [128, 1], strides = [1, 1]} : vector<128x2xf32> to vector<128x1xf32>
    %slice3A_320 = vector.extract_strided_slice %add3A_318 {offsets = [0, 1], sizes = [128, 1], strides = [1, 1]} : vector<128x2xf32> to vector<128x1xf32>
    %add3A_321 = arith.addf %slice3A_319, %slice3A_320 : vector<128x1xf32>
    %slice3A_322 = vector.extract_strided_slice %dot_general3A_86 {offsets = [256, 32], sizes = [128, 32], strides = [1, 1]} : vector<2048x64xf32> to vector<128x32xf32>
    %convert_element_type3A_323 = arith.truncf %slice3A_322 : vector<128x32xf32> to vector<128x32xbf16>
    %convert_element_type3A_324 = arith.extf %convert_element_type3A_323 : vector<128x32xbf16> to vector<128x32xf32>
    %mul3A_325 = arith.mulf %convert_element_type3A_279, %convert_element_type3A_324 : vector<128x32xf32>
    %convert_element_type3A_326 = arith.truncf %mul3A_325 : vector<128x32xf32> to vector<128x32xbf16>
    %convert_element_type3A_327 = arith.extf %convert_element_type3A_326 : vector<128x32xbf16> to vector<128x32xf32>
    %slice3A_328 = vector.extract_strided_slice %convert_element_type3A_327 {offsets = [0, 0], sizes = [128, 16], strides = [1, 1]} : vector<128x32xf32> to vector<128x16xf32>
    %slice3A_329 = vector.extract_strided_slice %convert_element_type3A_327 {offsets = [0, 16], sizes = [128, 16], strides = [1, 1]} : vector<128x32xf32> to vector<128x16xf32>
    %add3A_330 = arith.addf %slice3A_328, %slice3A_329 : vector<128x16xf32>
    %slice3A_331 = vector.extract_strided_slice %add3A_330 {offsets = [0, 0], sizes = [128, 8], strides = [1, 1]} : vector<128x16xf32> to vector<128x8xf32>
    %slice3A_332 = vector.extract_strided_slice %add3A_330 {offsets = [0, 8], sizes = [128, 8], strides = [1, 1]} : vector<128x16xf32> to vector<128x8xf32>
    %add3A_333 = arith.addf %slice3A_331, %slice3A_332 : vector<128x8xf32>
    %slice3A_334 = vector.extract_strided_slice %add3A_333 {offsets = [0, 0], sizes = [128, 4], strides = [1, 1]} : vector<128x8xf32> to vector<128x4xf32>
    %slice3A_335 = vector.extract_strided_slice %add3A_333 {offsets = [0, 4], sizes = [128, 4], strides = [1, 1]} : vector<128x8xf32> to vector<128x4xf32>
    %add3A_336 = arith.addf %slice3A_334, %slice3A_335 : vector<128x4xf32>
    %slice3A_337 = vector.extract_strided_slice %add3A_336 {offsets = [0, 0], sizes = [128, 2], strides = [1, 1]} : vector<128x4xf32> to vector<128x2xf32>
    %slice3A_338 = vector.extract_strided_slice %add3A_336 {offsets = [0, 2], sizes = [128, 2], strides = [1, 1]} : vector<128x4xf32> to vector<128x2xf32>
    %add3A_339 = arith.addf %slice3A_337, %slice3A_338 : vector<128x2xf32>
    %slice3A_340 = vector.extract_strided_slice %add3A_339 {offsets = [0, 0], sizes = [128, 1], strides = [1, 1]} : vector<128x2xf32> to vector<128x1xf32>
    %slice3A_341 = vector.extract_strided_slice %add3A_339 {offsets = [0, 1], sizes = [128, 1], strides = [1, 1]} : vector<128x2xf32> to vector<128x1xf32>
    %add3A_342 = arith.addf %slice3A_340, %slice3A_341 : vector<128x1xf32>
    %slice3A_343 = vector.extract_strided_slice %dot_general3A_86 {offsets = [384, 32], sizes = [128, 32], strides = [1, 1]} : vector<2048x64xf32> to vector<128x32xf32>
    %convert_element_type3A_344 = arith.truncf %slice3A_343 : vector<128x32xf32> to vector<128x32xbf16>
    %convert_element_type3A_345 = arith.extf %convert_element_type3A_344 : vector<128x32xbf16> to vector<128x32xf32>
    %mul3A_346 = arith.mulf %convert_element_type3A_279, %convert_element_type3A_345 : vector<128x32xf32>
    %convert_element_type3A_347 = arith.truncf %mul3A_346 : vector<128x32xf32> to vector<128x32xbf16>
    %convert_element_type3A_348 = arith.extf %convert_element_type3A_347 : vector<128x32xbf16> to vector<128x32xf32>
    %slice3A_349 = vector.extract_strided_slice %convert_element_type3A_348 {offsets = [0, 0], sizes = [128, 16], strides = [1, 1]} : vector<128x32xf32> to vector<128x16xf32>
    %slice3A_350 = vector.extract_strided_slice %convert_element_type3A_348 {offsets = [0, 16], sizes = [128, 16], strides = [1, 1]} : vector<128x32xf32> to vector<128x16xf32>
    %add3A_351 = arith.addf %slice3A_349, %slice3A_350 : vector<128x16xf32>
    %slice3A_352 = vector.extract_strided_slice %add3A_351 {offsets = [0, 0], sizes = [128, 8], strides = [1, 1]} : vector<128x16xf32> to vector<128x8xf32>
    %slice3A_353 = vector.extract_strided_slice %add3A_351 {offsets = [0, 8], sizes = [128, 8], strides = [1, 1]} : vector<128x16xf32> to vector<128x8xf32>
    %add3A_354 = arith.addf %slice3A_352, %slice3A_353 : vector<128x8xf32>
    %slice3A_355 = vector.extract_strided_slice %add3A_354 {offsets = [0, 0], sizes = [128, 4], strides = [1, 1]} : vector<128x8xf32> to vector<128x4xf32>
    %slice3A_356 = vector.extract_strided_slice %add3A_354 {offsets = [0, 4], sizes = [128, 4], strides = [1, 1]} : vector<128x8xf32> to vector<128x4xf32>
    %add3A_357 = arith.addf %slice3A_355, %slice3A_356 : vector<128x4xf32>
    %slice3A_358 = vector.extract_strided_slice %add3A_357 {offsets = [0, 0], sizes = [128, 2], strides = [1, 1]} : vector<128x4xf32> to vector<128x2xf32>
    %slice3A_359 = vector.extract_strided_slice %add3A_357 {offsets = [0, 2], sizes = [128, 2], strides = [1, 1]} : vector<128x4xf32> to vector<128x2xf32>
    %add3A_360 = arith.addf %slice3A_358, %slice3A_359 : vector<128x2xf32>
    %slice3A_361 = vector.extract_strided_slice %add3A_360 {offsets = [0, 0], sizes = [128, 1], strides = [1, 1]} : vector<128x2xf32> to vector<128x1xf32>
    %slice3A_362 = vector.extract_strided_slice %add3A_360 {offsets = [0, 1], sizes = [128, 1], strides = [1, 1]} : vector<128x2xf32> to vector<128x1xf32>
    %add3A_363 = arith.addf %slice3A_361, %slice3A_362 : vector<128x1xf32>
    %slice3A_364 = vector.extract_strided_slice %dot_general3A_86 {offsets = [512, 32], sizes = [128, 32], strides = [1, 1]} : vector<2048x64xf32> to vector<128x32xf32>
    %convert_element_type3A_365 = arith.truncf %slice3A_364 : vector<128x32xf32> to vector<128x32xbf16>
    %convert_element_type3A_366 = arith.extf %convert_element_type3A_365 : vector<128x32xbf16> to vector<128x32xf32>
    %mul3A_367 = arith.mulf %convert_element_type3A_279, %convert_element_type3A_366 : vector<128x32xf32>
    %convert_element_type3A_368 = arith.truncf %mul3A_367 : vector<128x32xf32> to vector<128x32xbf16>
    %convert_element_type3A_369 = arith.extf %convert_element_type3A_368 : vector<128x32xbf16> to vector<128x32xf32>
    %slice3A_370 = vector.extract_strided_slice %convert_element_type3A_369 {offsets = [0, 0], sizes = [128, 16], strides = [1, 1]} : vector<128x32xf32> to vector<128x16xf32>
    %slice3A_371 = vector.extract_strided_slice %convert_element_type3A_369 {offsets = [0, 16], sizes = [128, 16], strides = [1, 1]} : vector<128x32xf32> to vector<128x16xf32>
    %add3A_372 = arith.addf %slice3A_370, %slice3A_371 : vector<128x16xf32>
    %slice3A_373 = vector.extract_strided_slice %add3A_372 {offsets = [0, 0], sizes = [128, 8], strides = [1, 1]} : vector<128x16xf32> to vector<128x8xf32>
    %slice3A_374 = vector.extract_strided_slice %add3A_372 {offsets = [0, 8], sizes = [128, 8], strides = [1, 1]} : vector<128x16xf32> to vector<128x8xf32>
    %add3A_375 = arith.addf %slice3A_373, %slice3A_374 : vector<128x8xf32>
    %slice3A_376 = vector.extract_strided_slice %add3A_375 {offsets = [0, 0], sizes = [128, 4], strides = [1, 1]} : vector<128x8xf32> to vector<128x4xf32>
    %slice3A_377 = vector.extract_strided_slice %add3A_375 {offsets = [0, 4], sizes = [128, 4], strides = [1, 1]} : vector<128x8xf32> to vector<128x4xf32>
    %add3A_378 = arith.addf %slice3A_376, %slice3A_377 : vector<128x4xf32>
    %slice3A_379 = vector.extract_strided_slice %add3A_378 {offsets = [0, 0], sizes = [128, 2], strides = [1, 1]} : vector<128x4xf32> to vector<128x2xf32>
    %slice3A_380 = vector.extract_strided_slice %add3A_378 {offsets = [0, 2], sizes = [128, 2], strides = [1, 1]} : vector<128x4xf32> to vector<128x2xf32>
    %add3A_381 = arith.addf %slice3A_379, %slice3A_380 : vector<128x2xf32>
    %slice3A_382 = vector.extract_strided_slice %add3A_381 {offsets = [0, 0], sizes = [128, 1], strides = [1, 1]} : vector<128x2xf32> to vector<128x1xf32>
    %slice3A_383 = vector.extract_strided_slice %add3A_381 {offsets = [0, 1], sizes = [128, 1], strides = [1, 1]} : vector<128x2xf32> to vector<128x1xf32>
    %add3A_384 = arith.addf %slice3A_382, %slice3A_383 : vector<128x1xf32>
    %slice3A_385 = vector.extract_strided_slice %dot_general3A_86 {offsets = [640, 32], sizes = [128, 32], strides = [1, 1]} : vector<2048x64xf32> to vector<128x32xf32>
    %convert_element_type3A_386 = arith.truncf %slice3A_385 : vector<128x32xf32> to vector<128x32xbf16>
    %convert_element_type3A_387 = arith.extf %convert_element_type3A_386 : vector<128x32xbf16> to vector<128x32xf32>
    %mul3A_388 = arith.mulf %convert_element_type3A_279, %convert_element_type3A_387 : vector<128x32xf32>
    %convert_element_type3A_389 = arith.truncf %mul3A_388 : vector<128x32xf32> to vector<128x32xbf16>
    %convert_element_type3A_390 = arith.extf %convert_element_type3A_389 : vector<128x32xbf16> to vector<128x32xf32>
    %slice3A_391 = vector.extract_strided_slice %convert_element_type3A_390 {offsets = [0, 0], sizes = [128, 16], strides = [1, 1]} : vector<128x32xf32> to vector<128x16xf32>
    %slice3A_392 = vector.extract_strided_slice %convert_element_type3A_390 {offsets = [0, 16], sizes = [128, 16], strides = [1, 1]} : vector<128x32xf32> to vector<128x16xf32>
    %add3A_393 = arith.addf %slice3A_391, %slice3A_392 : vector<128x16xf32>
    %slice3A_394 = vector.extract_strided_slice %add3A_393 {offsets = [0, 0], sizes = [128, 8], strides = [1, 1]} : vector<128x16xf32> to vector<128x8xf32>
    %slice3A_395 = vector.extract_strided_slice %add3A_393 {offsets = [0, 8], sizes = [128, 8], strides = [1, 1]} : vector<128x16xf32> to vector<128x8xf32>
    %add3A_396 = arith.addf %slice3A_394, %slice3A_395 : vector<128x8xf32>
    %slice3A_397 = vector.extract_strided_slice %add3A_396 {offsets = [0, 0], sizes = [128, 4], strides = [1, 1]} : vector<128x8xf32> to vector<128x4xf32>
    %slice3A_398 = vector.extract_strided_slice %add3A_396 {offsets = [0, 4], sizes = [128, 4], strides = [1, 1]} : vector<128x8xf32> to vector<128x4xf32>
    %add3A_399 = arith.addf %slice3A_397, %slice3A_398 : vector<128x4xf32>
    %slice3A_400 = vector.extract_strided_slice %add3A_399 {offsets = [0, 0], sizes = [128, 2], strides = [1, 1]} : vector<128x4xf32> to vector<128x2xf32>
    %slice3A_401 = vector.extract_strided_slice %add3A_399 {offsets = [0, 2], sizes = [128, 2], strides = [1, 1]} : vector<128x4xf32> to vector<128x2xf32>
    %add3A_402 = arith.addf %slice3A_400, %slice3A_401 : vector<128x2xf32>
    %slice3A_403 = vector.extract_strided_slice %add3A_402 {offsets = [0, 0], sizes = [128, 1], strides = [1, 1]} : vector<128x2xf32> to vector<128x1xf32>
    %slice3A_404 = vector.extract_strided_slice %add3A_402 {offsets = [0, 1], sizes = [128, 1], strides = [1, 1]} : vector<128x2xf32> to vector<128x1xf32>
    %add3A_405 = arith.addf %slice3A_403, %slice3A_404 : vector<128x1xf32>
    %slice3A_406 = vector.extract_strided_slice %dot_general3A_86 {offsets = [768, 32], sizes = [128, 32], strides = [1, 1]} : vector<2048x64xf32> to vector<128x32xf32>
    %convert_element_type3A_407 = arith.truncf %slice3A_406 : vector<128x32xf32> to vector<128x32xbf16>
    %convert_element_type3A_408 = arith.extf %convert_element_type3A_407 : vector<128x32xbf16> to vector<128x32xf32>
    %mul3A_409 = arith.mulf %convert_element_type3A_279, %convert_element_type3A_408 : vector<128x32xf32>
    %convert_element_type3A_410 = arith.truncf %mul3A_409 : vector<128x32xf32> to vector<128x32xbf16>
    %convert_element_type3A_411 = arith.extf %convert_element_type3A_410 : vector<128x32xbf16> to vector<128x32xf32>
    %slice3A_412 = vector.extract_strided_slice %convert_element_type3A_411 {offsets = [0, 0], sizes = [128, 16], strides = [1, 1]} : vector<128x32xf32> to vector<128x16xf32>
    %slice3A_413 = vector.extract_strided_slice %convert_element_type3A_411 {offsets = [0, 16], sizes = [128, 16], strides = [1, 1]} : vector<128x32xf32> to vector<128x16xf32>
    %add3A_414 = arith.addf %slice3A_412, %slice3A_413 : vector<128x16xf32>
    %slice3A_415 = vector.extract_strided_slice %add3A_414 {offsets = [0, 0], sizes = [128, 8], strides = [1, 1]} : vector<128x16xf32> to vector<128x8xf32>
    %slice3A_416 = vector.extract_strided_slice %add3A_414 {offsets = [0, 8], sizes = [128, 8], strides = [1, 1]} : vector<128x16xf32> to vector<128x8xf32>
    %add3A_417 = arith.addf %slice3A_415, %slice3A_416 : vector<128x8xf32>
    %slice3A_418 = vector.extract_strided_slice %add3A_417 {offsets = [0, 0], sizes = [128, 4], strides = [1, 1]} : vector<128x8xf32> to vector<128x4xf32>
    %slice3A_419 = vector.extract_strided_slice %add3A_417 {offsets = [0, 4], sizes = [128, 4], strides = [1, 1]} : vector<128x8xf32> to vector<128x4xf32>
    %add3A_420 = arith.addf %slice3A_418, %slice3A_419 : vector<128x4xf32>
    %slice3A_421 = vector.extract_strided_slice %add3A_420 {offsets = [0, 0], sizes = [128, 2], strides = [1, 1]} : vector<128x4xf32> to vector<128x2xf32>
    %slice3A_422 = vector.extract_strided_slice %add3A_420 {offsets = [0, 2], sizes = [128, 2], strides = [1, 1]} : vector<128x4xf32> to vector<128x2xf32>
    %add3A_423 = arith.addf %slice3A_421, %slice3A_422 : vector<128x2xf32>
    %slice3A_424 = vector.extract_strided_slice %add3A_423 {offsets = [0, 0], sizes = [128, 1], strides = [1, 1]} : vector<128x2xf32> to vector<128x1xf32>
    %slice3A_425 = vector.extract_strided_slice %add3A_423 {offsets = [0, 1], sizes = [128, 1], strides = [1, 1]} : vector<128x2xf32> to vector<128x1xf32>
    %add3A_426 = arith.addf %slice3A_424, %slice3A_425 : vector<128x1xf32>
    %slice3A_427 = vector.extract_strided_slice %dot_general3A_86 {offsets = [896, 32], sizes = [128, 32], strides = [1, 1]} : vector<2048x64xf32> to vector<128x32xf32>
    %convert_element_type3A_428 = arith.truncf %slice3A_427 : vector<128x32xf32> to vector<128x32xbf16>
    %convert_element_type3A_429 = arith.extf %convert_element_type3A_428 : vector<128x32xbf16> to vector<128x32xf32>
    %mul3A_430 = arith.mulf %convert_element_type3A_279, %convert_element_type3A_429 : vector<128x32xf32>
    %convert_element_type3A_431 = arith.truncf %mul3A_430 : vector<128x32xf32> to vector<128x32xbf16>
    %convert_element_type3A_432 = arith.extf %convert_element_type3A_431 : vector<128x32xbf16> to vector<128x32xf32>
    %slice3A_433 = vector.extract_strided_slice %convert_element_type3A_432 {offsets = [0, 0], sizes = [128, 16], strides = [1, 1]} : vector<128x32xf32> to vector<128x16xf32>
    %slice3A_434 = vector.extract_strided_slice %convert_element_type3A_432 {offsets = [0, 16], sizes = [128, 16], strides = [1, 1]} : vector<128x32xf32> to vector<128x16xf32>
    %add3A_435 = arith.addf %slice3A_433, %slice3A_434 : vector<128x16xf32>
    %slice3A_436 = vector.extract_strided_slice %add3A_435 {offsets = [0, 0], sizes = [128, 8], strides = [1, 1]} : vector<128x16xf32> to vector<128x8xf32>
    %slice3A_437 = vector.extract_strided_slice %add3A_435 {offsets = [0, 8], sizes = [128, 8], strides = [1, 1]} : vector<128x16xf32> to vector<128x8xf32>
    %add3A_438 = arith.addf %slice3A_436, %slice3A_437 : vector<128x8xf32>
    %slice3A_439 = vector.extract_strided_slice %add3A_438 {offsets = [0, 0], sizes = [128, 4], strides = [1, 1]} : vector<128x8xf32> to vector<128x4xf32>
    %slice3A_440 = vector.extract_strided_slice %add3A_438 {offsets = [0, 4], sizes = [128, 4], strides = [1, 1]} : vector<128x8xf32> to vector<128x4xf32>
    %add3A_441 = arith.addf %slice3A_439, %slice3A_440 : vector<128x4xf32>
    %slice3A_442 = vector.extract_strided_slice %add3A_441 {offsets = [0, 0], sizes = [128, 2], strides = [1, 1]} : vector<128x4xf32> to vector<128x2xf32>
    %slice3A_443 = vector.extract_strided_slice %add3A_441 {offsets = [0, 2], sizes = [128, 2], strides = [1, 1]} : vector<128x4xf32> to vector<128x2xf32>
    %add3A_444 = arith.addf %slice3A_442, %slice3A_443 : vector<128x2xf32>
    %slice3A_445 = vector.extract_strided_slice %add3A_444 {offsets = [0, 0], sizes = [128, 1], strides = [1, 1]} : vector<128x2xf32> to vector<128x1xf32>
    %slice3A_446 = vector.extract_strided_slice %add3A_444 {offsets = [0, 1], sizes = [128, 1], strides = [1, 1]} : vector<128x2xf32> to vector<128x1xf32>
    %add3A_447 = arith.addf %slice3A_445, %slice3A_446 : vector<128x1xf32>
    %slice3A_448 = vector.extract_strided_slice %dot_general3A_86 {offsets = [1024, 32], sizes = [128, 32], strides = [1, 1]} : vector<2048x64xf32> to vector<128x32xf32>
    %convert_element_type3A_449 = arith.truncf %slice3A_448 : vector<128x32xf32> to vector<128x32xbf16>
    %convert_element_type3A_450 = arith.extf %convert_element_type3A_449 : vector<128x32xbf16> to vector<128x32xf32>
    %mul3A_451 = arith.mulf %convert_element_type3A_279, %convert_element_type3A_450 : vector<128x32xf32>
    %convert_element_type3A_452 = arith.truncf %mul3A_451 : vector<128x32xf32> to vector<128x32xbf16>
    %convert_element_type3A_453 = arith.extf %convert_element_type3A_452 : vector<128x32xbf16> to vector<128x32xf32>
    %slice3A_454 = vector.extract_strided_slice %convert_element_type3A_453 {offsets = [0, 0], sizes = [128, 16], strides = [1, 1]} : vector<128x32xf32> to vector<128x16xf32>
    %slice3A_455 = vector.extract_strided_slice %convert_element_type3A_453 {offsets = [0, 16], sizes = [128, 16], strides = [1, 1]} : vector<128x32xf32> to vector<128x16xf32>
    %add3A_456 = arith.addf %slice3A_454, %slice3A_455 : vector<128x16xf32>
    %slice3A_457 = vector.extract_strided_slice %add3A_456 {offsets = [0, 0], sizes = [128, 8], strides = [1, 1]} : vector<128x16xf32> to vector<128x8xf32>
    %slice3A_458 = vector.extract_strided_slice %add3A_456 {offsets = [0, 8], sizes = [128, 8], strides = [1, 1]} : vector<128x16xf32> to vector<128x8xf32>
    %add3A_459 = arith.addf %slice3A_457, %slice3A_458 : vector<128x8xf32>
    %slice3A_460 = vector.extract_strided_slice %add3A_459 {offsets = [0, 0], sizes = [128, 4], strides = [1, 1]} : vector<128x8xf32> to vector<128x4xf32>
    %slice3A_461 = vector.extract_strided_slice %add3A_459 {offsets = [0, 4], sizes = [128, 4], strides = [1, 1]} : vector<128x8xf32> to vector<128x4xf32>
    %add3A_462 = arith.addf %slice3A_460, %slice3A_461 : vector<128x4xf32>
    %slice3A_463 = vector.extract_strided_slice %add3A_462 {offsets = [0, 0], sizes = [128, 2], strides = [1, 1]} : vector<128x4xf32> to vector<128x2xf32>
    %slice3A_464 = vector.extract_strided_slice %add3A_462 {offsets = [0, 2], sizes = [128, 2], strides = [1, 1]} : vector<128x4xf32> to vector<128x2xf32>
    %add3A_465 = arith.addf %slice3A_463, %slice3A_464 : vector<128x2xf32>
    %slice3A_466 = vector.extract_strided_slice %add3A_465 {offsets = [0, 0], sizes = [128, 1], strides = [1, 1]} : vector<128x2xf32> to vector<128x1xf32>
    %slice3A_467 = vector.extract_strided_slice %add3A_465 {offsets = [0, 1], sizes = [128, 1], strides = [1, 1]} : vector<128x2xf32> to vector<128x1xf32>
    %add3A_468 = arith.addf %slice3A_466, %slice3A_467 : vector<128x1xf32>
    %slice3A_469 = vector.extract_strided_slice %dot_general3A_86 {offsets = [1152, 32], sizes = [128, 32], strides = [1, 1]} : vector<2048x64xf32> to vector<128x32xf32>
    %convert_element_type3A_470 = arith.truncf %slice3A_469 : vector<128x32xf32> to vector<128x32xbf16>
    %convert_element_type3A_471 = arith.extf %convert_element_type3A_470 : vector<128x32xbf16> to vector<128x32xf32>
    %mul3A_472 = arith.mulf %convert_element_type3A_279, %convert_element_type3A_471 : vector<128x32xf32>
    %convert_element_type3A_473 = arith.truncf %mul3A_472 : vector<128x32xf32> to vector<128x32xbf16>
    %convert_element_type3A_474 = arith.extf %convert_element_type3A_473 : vector<128x32xbf16> to vector<128x32xf32>
    %slice3A_475 = vector.extract_strided_slice %convert_element_type3A_474 {offsets = [0, 0], sizes = [128, 16], strides = [1, 1]} : vector<128x32xf32> to vector<128x16xf32>
    %slice3A_476 = vector.extract_strided_slice %convert_element_type3A_474 {offsets = [0, 16], sizes = [128, 16], strides = [1, 1]} : vector<128x32xf32> to vector<128x16xf32>
    %add3A_477 = arith.addf %slice3A_475, %slice3A_476 : vector<128x16xf32>
    %slice3A_478 = vector.extract_strided_slice %add3A_477 {offsets = [0, 0], sizes = [128, 8], strides = [1, 1]} : vector<128x16xf32> to vector<128x8xf32>
    %slice3A_479 = vector.extract_strided_slice %add3A_477 {offsets = [0, 8], sizes = [128, 8], strides = [1, 1]} : vector<128x16xf32> to vector<128x8xf32>
    %add3A_480 = arith.addf %slice3A_478, %slice3A_479 : vector<128x8xf32>
    %slice3A_481 = vector.extract_strided_slice %add3A_480 {offsets = [0, 0], sizes = [128, 4], strides = [1, 1]} : vector<128x8xf32> to vector<128x4xf32>
    %slice3A_482 = vector.extract_strided_slice %add3A_480 {offsets = [0, 4], sizes = [128, 4], strides = [1, 1]} : vector<128x8xf32> to vector<128x4xf32>
    %add3A_483 = arith.addf %slice3A_481, %slice3A_482 : vector<128x4xf32>
    %slice3A_484 = vector.extract_strided_slice %add3A_483 {offsets = [0, 0], sizes = [128, 2], strides = [1, 1]} : vector<128x4xf32> to vector<128x2xf32>
    %slice3A_485 = vector.extract_strided_slice %add3A_483 {offsets = [0, 2], sizes = [128, 2], strides = [1, 1]} : vector<128x4xf32> to vector<128x2xf32>
    %add3A_486 = arith.addf %slice3A_484, %slice3A_485 : vector<128x2xf32>
    %slice3A_487 = vector.extract_strided_slice %add3A_486 {offsets = [0, 0], sizes = [128, 1], strides = [1, 1]} : vector<128x2xf32> to vector<128x1xf32>
    %slice3A_488 = vector.extract_strided_slice %add3A_486 {offsets = [0, 1], sizes = [128, 1], strides = [1, 1]} : vector<128x2xf32> to vector<128x1xf32>
    %add3A_489 = arith.addf %slice3A_487, %slice3A_488 : vector<128x1xf32>
    %slice3A_490 = vector.extract_strided_slice %dot_general3A_86 {offsets = [1280, 32], sizes = [128, 32], strides = [1, 1]} : vector<2048x64xf32> to vector<128x32xf32>
    %convert_element_type3A_491 = arith.truncf %slice3A_490 : vector<128x32xf32> to vector<128x32xbf16>
    %convert_element_type3A_492 = arith.extf %convert_element_type3A_491 : vector<128x32xbf16> to vector<128x32xf32>
    %mul3A_493 = arith.mulf %convert_element_type3A_279, %convert_element_type3A_492 : vector<128x32xf32>
    %convert_element_type3A_494 = arith.truncf %mul3A_493 : vector<128x32xf32> to vector<128x32xbf16>
    %convert_element_type3A_495 = arith.extf %convert_element_type3A_494 : vector<128x32xbf16> to vector<128x32xf32>
    %slice3A_496 = vector.extract_strided_slice %convert_element_type3A_495 {offsets = [0, 0], sizes = [128, 16], strides = [1, 1]} : vector<128x32xf32> to vector<128x16xf32>
    %slice3A_497 = vector.extract_strided_slice %convert_element_type3A_495 {offsets = [0, 16], sizes = [128, 16], strides = [1, 1]} : vector<128x32xf32> to vector<128x16xf32>
    %add3A_498 = arith.addf %slice3A_496, %slice3A_497 : vector<128x16xf32>
    %slice3A_499 = vector.extract_strided_slice %add3A_498 {offsets = [0, 0], sizes = [128, 8], strides = [1, 1]} : vector<128x16xf32> to vector<128x8xf32>
    %slice3A_500 = vector.extract_strided_slice %add3A_498 {offsets = [0, 8], sizes = [128, 8], strides = [1, 1]} : vector<128x16xf32> to vector<128x8xf32>
    %add3A_501 = arith.addf %slice3A_499, %slice3A_500 : vector<128x8xf32>
    %slice3A_502 = vector.extract_strided_slice %add3A_501 {offsets = [0, 0], sizes = [128, 4], strides = [1, 1]} : vector<128x8xf32> to vector<128x4xf32>
    %slice3A_503 = vector.extract_strided_slice %add3A_501 {offsets = [0, 4], sizes = [128, 4], strides = [1, 1]} : vector<128x8xf32> to vector<128x4xf32>
    %add3A_504 = arith.addf %slice3A_502, %slice3A_503 : vector<128x4xf32>
    %slice3A_505 = vector.extract_strided_slice %add3A_504 {offsets = [0, 0], sizes = [128, 2], strides = [1, 1]} : vector<128x4xf32> to vector<128x2xf32>
    %slice3A_506 = vector.extract_strided_slice %add3A_504 {offsets = [0, 2], sizes = [128, 2], strides = [1, 1]} : vector<128x4xf32> to vector<128x2xf32>
    %add3A_507 = arith.addf %slice3A_505, %slice3A_506 : vector<128x2xf32>
    %slice3A_508 = vector.extract_strided_slice %add3A_507 {offsets = [0, 0], sizes = [128, 1], strides = [1, 1]} : vector<128x2xf32> to vector<128x1xf32>
    %slice3A_509 = vector.extract_strided_slice %add3A_507 {offsets = [0, 1], sizes = [128, 1], strides = [1, 1]} : vector<128x2xf32> to vector<128x1xf32>
    %add3A_510 = arith.addf %slice3A_508, %slice3A_509 : vector<128x1xf32>
    %slice3A_511 = vector.extract_strided_slice %dot_general3A_86 {offsets = [1408, 32], sizes = [128, 32], strides = [1, 1]} : vector<2048x64xf32> to vector<128x32xf32>
    %convert_element_type3A_512 = arith.truncf %slice3A_511 : vector<128x32xf32> to vector<128x32xbf16>
    %convert_element_type3A_513 = arith.extf %convert_element_type3A_512 : vector<128x32xbf16> to vector<128x32xf32>
    %mul3A_514 = arith.mulf %convert_element_type3A_279, %convert_element_type3A_513 : vector<128x32xf32>
    %convert_element_type3A_515 = arith.truncf %mul3A_514 : vector<128x32xf32> to vector<128x32xbf16>
    %convert_element_type3A_516 = arith.extf %convert_element_type3A_515 : vector<128x32xbf16> to vector<128x32xf32>
    %slice3A_517 = vector.extract_strided_slice %convert_element_type3A_516 {offsets = [0, 0], sizes = [128, 16], strides = [1, 1]} : vector<128x32xf32> to vector<128x16xf32>
    %slice3A_518 = vector.extract_strided_slice %convert_element_type3A_516 {offsets = [0, 16], sizes = [128, 16], strides = [1, 1]} : vector<128x32xf32> to vector<128x16xf32>
    %add3A_519 = arith.addf %slice3A_517, %slice3A_518 : vector<128x16xf32>
    %slice3A_520 = vector.extract_strided_slice %add3A_519 {offsets = [0, 0], sizes = [128, 8], strides = [1, 1]} : vector<128x16xf32> to vector<128x8xf32>
    %slice3A_521 = vector.extract_strided_slice %add3A_519 {offsets = [0, 8], sizes = [128, 8], strides = [1, 1]} : vector<128x16xf32> to vector<128x8xf32>
    %add3A_522 = arith.addf %slice3A_520, %slice3A_521 : vector<128x8xf32>
    %slice3A_523 = vector.extract_strided_slice %add3A_522 {offsets = [0, 0], sizes = [128, 4], strides = [1, 1]} : vector<128x8xf32> to vector<128x4xf32>
    %slice3A_524 = vector.extract_strided_slice %add3A_522 {offsets = [0, 4], sizes = [128, 4], strides = [1, 1]} : vector<128x8xf32> to vector<128x4xf32>
    %add3A_525 = arith.addf %slice3A_523, %slice3A_524 : vector<128x4xf32>
    %slice3A_526 = vector.extract_strided_slice %add3A_525 {offsets = [0, 0], sizes = [128, 2], strides = [1, 1]} : vector<128x4xf32> to vector<128x2xf32>
    %slice3A_527 = vector.extract_strided_slice %add3A_525 {offsets = [0, 2], sizes = [128, 2], strides = [1, 1]} : vector<128x4xf32> to vector<128x2xf32>
    %add3A_528 = arith.addf %slice3A_526, %slice3A_527 : vector<128x2xf32>
    %slice3A_529 = vector.extract_strided_slice %add3A_528 {offsets = [0, 0], sizes = [128, 1], strides = [1, 1]} : vector<128x2xf32> to vector<128x1xf32>
    %slice3A_530 = vector.extract_strided_slice %add3A_528 {offsets = [0, 1], sizes = [128, 1], strides = [1, 1]} : vector<128x2xf32> to vector<128x1xf32>
    %add3A_531 = arith.addf %slice3A_529, %slice3A_530 : vector<128x1xf32>
    %slice3A_532 = vector.extract_strided_slice %dot_general3A_86 {offsets = [1536, 32], sizes = [128, 32], strides = [1, 1]} : vector<2048x64xf32> to vector<128x32xf32>
    %convert_element_type3A_533 = arith.truncf %slice3A_532 : vector<128x32xf32> to vector<128x32xbf16>
    %convert_element_type3A_534 = arith.extf %convert_element_type3A_533 : vector<128x32xbf16> to vector<128x32xf32>
    %mul3A_535 = arith.mulf %convert_element_type3A_279, %convert_element_type3A_534 : vector<128x32xf32>
    %convert_element_type3A_536 = arith.truncf %mul3A_535 : vector<128x32xf32> to vector<128x32xbf16>
    %convert_element_type3A_537 = arith.extf %convert_element_type3A_536 : vector<128x32xbf16> to vector<128x32xf32>
    %slice3A_538 = vector.extract_strided_slice %convert_element_type3A_537 {offsets = [0, 0], sizes = [128, 16], strides = [1, 1]} : vector<128x32xf32> to vector<128x16xf32>
    %slice3A_539 = vector.extract_strided_slice %convert_element_type3A_537 {offsets = [0, 16], sizes = [128, 16], strides = [1, 1]} : vector<128x32xf32> to vector<128x16xf32>
    %add3A_540 = arith.addf %slice3A_538, %slice3A_539 : vector<128x16xf32>
    %slice3A_541 = vector.extract_strided_slice %add3A_540 {offsets = [0, 0], sizes = [128, 8], strides = [1, 1]} : vector<128x16xf32> to vector<128x8xf32>
    %slice3A_542 = vector.extract_strided_slice %add3A_540 {offsets = [0, 8], sizes = [128, 8], strides = [1, 1]} : vector<128x16xf32> to vector<128x8xf32>
    %add3A_543 = arith.addf %slice3A_541, %slice3A_542 : vector<128x8xf32>
    %slice3A_544 = vector.extract_strided_slice %add3A_543 {offsets = [0, 0], sizes = [128, 4], strides = [1, 1]} : vector<128x8xf32> to vector<128x4xf32>
    %slice3A_545 = vector.extract_strided_slice %add3A_543 {offsets = [0, 4], sizes = [128, 4], strides = [1, 1]} : vector<128x8xf32> to vector<128x4xf32>
    %add3A_546 = arith.addf %slice3A_544, %slice3A_545 : vector<128x4xf32>
    %slice3A_547 = vector.extract_strided_slice %add3A_546 {offsets = [0, 0], sizes = [128, 2], strides = [1, 1]} : vector<128x4xf32> to vector<128x2xf32>
    %slice3A_548 = vector.extract_strided_slice %add3A_546 {offsets = [0, 2], sizes = [128, 2], strides = [1, 1]} : vector<128x4xf32> to vector<128x2xf32>
    %add3A_549 = arith.addf %slice3A_547, %slice3A_548 : vector<128x2xf32>
    %slice3A_550 = vector.extract_strided_slice %add3A_549 {offsets = [0, 0], sizes = [128, 1], strides = [1, 1]} : vector<128x2xf32> to vector<128x1xf32>
    %slice3A_551 = vector.extract_strided_slice %add3A_549 {offsets = [0, 1], sizes = [128, 1], strides = [1, 1]} : vector<128x2xf32> to vector<128x1xf32>
    %add3A_552 = arith.addf %slice3A_550, %slice3A_551 : vector<128x1xf32>
    %slice3A_553 = vector.extract_strided_slice %dot_general3A_86 {offsets = [1664, 32], sizes = [128, 32], strides = [1, 1]} : vector<2048x64xf32> to vector<128x32xf32>
    %convert_element_type3A_554 = arith.truncf %slice3A_553 : vector<128x32xf32> to vector<128x32xbf16>
    %convert_element_type3A_555 = arith.extf %convert_element_type3A_554 : vector<128x32xbf16> to vector<128x32xf32>
    %mul3A_556 = arith.mulf %convert_element_type3A_279, %convert_element_type3A_555 : vector<128x32xf32>
    %convert_element_type3A_557 = arith.truncf %mul3A_556 : vector<128x32xf32> to vector<128x32xbf16>
    %convert_element_type3A_558 = arith.extf %convert_element_type3A_557 : vector<128x32xbf16> to vector<128x32xf32>
    %slice3A_559 = vector.extract_strided_slice %convert_element_type3A_558 {offsets = [0, 0], sizes = [128, 16], strides = [1, 1]} : vector<128x32xf32> to vector<128x16xf32>
    %slice3A_560 = vector.extract_strided_slice %convert_element_type3A_558 {offsets = [0, 16], sizes = [128, 16], strides = [1, 1]} : vector<128x32xf32> to vector<128x16xf32>
    %add3A_561 = arith.addf %slice3A_559, %slice3A_560 : vector<128x16xf32>
    %slice3A_562 = vector.extract_strided_slice %add3A_561 {offsets = [0, 0], sizes = [128, 8], strides = [1, 1]} : vector<128x16xf32> to vector<128x8xf32>
    %slice3A_563 = vector.extract_strided_slice %add3A_561 {offsets = [0, 8], sizes = [128, 8], strides = [1, 1]} : vector<128x16xf32> to vector<128x8xf32>
    %add3A_564 = arith.addf %slice3A_562, %slice3A_563 : vector<128x8xf32>
    %slice3A_565 = vector.extract_strided_slice %add3A_564 {offsets = [0, 0], sizes = [128, 4], strides = [1, 1]} : vector<128x8xf32> to vector<128x4xf32>
    %slice3A_566 = vector.extract_strided_slice %add3A_564 {offsets = [0, 4], sizes = [128, 4], strides = [1, 1]} : vector<128x8xf32> to vector<128x4xf32>
    %add3A_567 = arith.addf %slice3A_565, %slice3A_566 : vector<128x4xf32>
    %slice3A_568 = vector.extract_strided_slice %add3A_567 {offsets = [0, 0], sizes = [128, 2], strides = [1, 1]} : vector<128x4xf32> to vector<128x2xf32>
    %slice3A_569 = vector.extract_strided_slice %add3A_567 {offsets = [0, 2], sizes = [128, 2], strides = [1, 1]} : vector<128x4xf32> to vector<128x2xf32>
    %add3A_570 = arith.addf %slice3A_568, %slice3A_569 : vector<128x2xf32>
    %slice3A_571 = vector.extract_strided_slice %add3A_570 {offsets = [0, 0], sizes = [128, 1], strides = [1, 1]} : vector<128x2xf32> to vector<128x1xf32>
    %slice3A_572 = vector.extract_strided_slice %add3A_570 {offsets = [0, 1], sizes = [128, 1], strides = [1, 1]} : vector<128x2xf32> to vector<128x1xf32>
    %add3A_573 = arith.addf %slice3A_571, %slice3A_572 : vector<128x1xf32>
    %slice3A_574 = vector.extract_strided_slice %dot_general3A_86 {offsets = [1792, 32], sizes = [128, 32], strides = [1, 1]} : vector<2048x64xf32> to vector<128x32xf32>
    %convert_element_type3A_575 = arith.truncf %slice3A_574 : vector<128x32xf32> to vector<128x32xbf16>
    %convert_element_type3A_576 = arith.extf %convert_element_type3A_575 : vector<128x32xbf16> to vector<128x32xf32>
    %mul3A_577 = arith.mulf %convert_element_type3A_279, %convert_element_type3A_576 : vector<128x32xf32>
    %convert_element_type3A_578 = arith.truncf %mul3A_577 : vector<128x32xf32> to vector<128x32xbf16>
    %convert_element_type3A_579 = arith.extf %convert_element_type3A_578 : vector<128x32xbf16> to vector<128x32xf32>
    %slice3A_580 = vector.extract_strided_slice %convert_element_type3A_579 {offsets = [0, 0], sizes = [128, 16], strides = [1, 1]} : vector<128x32xf32> to vector<128x16xf32>
    %slice3A_581 = vector.extract_strided_slice %convert_element_type3A_579 {offsets = [0, 16], sizes = [128, 16], strides = [1, 1]} : vector<128x32xf32> to vector<128x16xf32>
    %add3A_582 = arith.addf %slice3A_580, %slice3A_581 : vector<128x16xf32>
    %slice3A_583 = vector.extract_strided_slice %add3A_582 {offsets = [0, 0], sizes = [128, 8], strides = [1, 1]} : vector<128x16xf32> to vector<128x8xf32>
    %slice3A_584 = vector.extract_strided_slice %add3A_582 {offsets = [0, 8], sizes = [128, 8], strides = [1, 1]} : vector<128x16xf32> to vector<128x8xf32>
    %add3A_585 = arith.addf %slice3A_583, %slice3A_584 : vector<128x8xf32>
    %slice3A_586 = vector.extract_strided_slice %add3A_585 {offsets = [0, 0], sizes = [128, 4], strides = [1, 1]} : vector<128x8xf32> to vector<128x4xf32>
    %slice3A_587 = vector.extract_strided_slice %add3A_585 {offsets = [0, 4], sizes = [128, 4], strides = [1, 1]} : vector<128x8xf32> to vector<128x4xf32>
    %add3A_588 = arith.addf %slice3A_586, %slice3A_587 : vector<128x4xf32>
    %slice3A_589 = vector.extract_strided_slice %add3A_588 {offsets = [0, 0], sizes = [128, 2], strides = [1, 1]} : vector<128x4xf32> to vector<128x2xf32>
    %slice3A_590 = vector.extract_strided_slice %add3A_588 {offsets = [0, 2], sizes = [128, 2], strides = [1, 1]} : vector<128x4xf32> to vector<128x2xf32>
    %add3A_591 = arith.addf %slice3A_589, %slice3A_590 : vector<128x2xf32>
    %slice3A_592 = vector.extract_strided_slice %add3A_591 {offsets = [0, 0], sizes = [128, 1], strides = [1, 1]} : vector<128x2xf32> to vector<128x1xf32>
    %slice3A_593 = vector.extract_strided_slice %add3A_591 {offsets = [0, 1], sizes = [128, 1], strides = [1, 1]} : vector<128x2xf32> to vector<128x1xf32>
    %add3A_594 = arith.addf %slice3A_592, %slice3A_593 : vector<128x1xf32>
    %slice3A_595 = vector.extract_strided_slice %dot_general3A_86 {offsets = [1920, 32], sizes = [128, 32], strides = [1, 1]} : vector<2048x64xf32> to vector<128x32xf32>
    %convert_element_type3A_596 = arith.truncf %slice3A_595 : vector<128x32xf32> to vector<128x32xbf16>
    %convert_element_type3A_597 = arith.extf %convert_element_type3A_596 : vector<128x32xbf16> to vector<128x32xf32>
    %mul3A_598 = arith.mulf %convert_element_type3A_279, %convert_element_type3A_597 : vector<128x32xf32>
    %convert_element_type3A_599 = arith.truncf %mul3A_598 : vector<128x32xf32> to vector<128x32xbf16>
    %convert_element_type3A_600 = arith.extf %convert_element_type3A_599 : vector<128x32xbf16> to vector<128x32xf32>
    %slice3A_601 = vector.extract_strided_slice %convert_element_type3A_600 {offsets = [0, 0], sizes = [128, 16], strides = [1, 1]} : vector<128x32xf32> to vector<128x16xf32>
    %slice3A_602 = vector.extract_strided_slice %convert_element_type3A_600 {offsets = [0, 16], sizes = [128, 16], strides = [1, 1]} : vector<128x32xf32> to vector<128x16xf32>
    %add3A_603 = arith.addf %slice3A_601, %slice3A_602 : vector<128x16xf32>
    %slice3A_604 = vector.extract_strided_slice %add3A_603 {offsets = [0, 0], sizes = [128, 8], strides = [1, 1]} : vector<128x16xf32> to vector<128x8xf32>
    %slice3A_605 = vector.extract_strided_slice %add3A_603 {offsets = [0, 8], sizes = [128, 8], strides = [1, 1]} : vector<128x16xf32> to vector<128x8xf32>
    %add3A_606 = arith.addf %slice3A_604, %slice3A_605 : vector<128x8xf32>
    %slice3A_607 = vector.extract_strided_slice %add3A_606 {offsets = [0, 0], sizes = [128, 4], strides = [1, 1]} : vector<128x8xf32> to vector<128x4xf32>
    %slice3A_608 = vector.extract_strided_slice %add3A_606 {offsets = [0, 4], sizes = [128, 4], strides = [1, 1]} : vector<128x8xf32> to vector<128x4xf32>
    %add3A_609 = arith.addf %slice3A_607, %slice3A_608 : vector<128x4xf32>
    %slice3A_610 = vector.extract_strided_slice %add3A_609 {offsets = [0, 0], sizes = [128, 2], strides = [1, 1]} : vector<128x4xf32> to vector<128x2xf32>
    %slice3A_611 = vector.extract_strided_slice %add3A_609 {offsets = [0, 2], sizes = [128, 2], strides = [1, 1]} : vector<128x4xf32> to vector<128x2xf32>
    %add3A_612 = arith.addf %slice3A_610, %slice3A_611 : vector<128x2xf32>
    %slice3A_613 = vector.extract_strided_slice %add3A_612 {offsets = [0, 0], sizes = [128, 1], strides = [1, 1]} : vector<128x2xf32> to vector<128x1xf32>
    %slice3A_614 = vector.extract_strided_slice %add3A_612 {offsets = [0, 1], sizes = [128, 1], strides = [1, 1]} : vector<128x2xf32> to vector<128x1xf32>
    %add3A_615 = arith.addf %slice3A_613, %slice3A_614 : vector<128x1xf32>
    %concatenate3A_616 = tpu.concatenate %add3A_300, %add3A_321, %add3A_342, %add3A_363, %add3A_384, %add3A_405, %add3A_426, %add3A_447, %add3A_468, %add3A_489, %add3A_510, %add3A_531, %add3A_552, %add3A_573, %add3A_594, %add3A_615 in 1 : vector<128x1xf32>, vector<128x1xf32>, vector<128x1xf32>, vector<128x1xf32>, vector<128x1xf32>, vector<128x1xf32>, vector<128x1xf32>, vector<128x1xf32>, vector<128x1xf32>, vector<128x1xf32>, vector<128x1xf32>, vector<128x1xf32>, vector<128x1xf32>, vector<128x1xf32>, vector<128x1xf32>, vector<128x1xf32> -> vector<128x16xf32>
    %mul3A_617 = arith.constant 0.176776692 : f32
    %mul3A_618 = vector.broadcast %mul3A_617 : f32 to vector<128x16xf32>
    %mul3A_619 = arith.mulf %concatenate3A_616, %mul3A_618 : vector<128x16xf32>
    %reduce_max3A_620 = arith.constant dense<0xFF800000> : vector<128xf32>
    %reduce_max3A_621 = vector.multi_reduction <maximumf>, %mul3A_619, %reduce_max3A_620 [1] : vector<128x16xf32> to vector<128xf32>
    %broadcast_in_dim3A_622 = vector.shape_cast %reduce_max3A_621 : vector<128xf32> to vector<128x1xf32>
    %iota3A_623 = tpu.iota {dimensions = array<i32: 1>} : vector<128x16xi32>
    %eq3A_624 = vector.broadcast %broadcast_in_dim3A_622 : vector<128x1xf32> to vector<128x16xf32>
    %eq3A_625 = arith.cmpf oeq, %mul3A_619, %eq3A_624 : vector<128x16xf32>
    %jit3A_626 = arith.constant 16 : i32
    %broadcast_in_dim3A_627 = vector.broadcast %jit3A_626 : i32 to vector<128x16xi32>
    %select_n3A_628 = arith.select %eq3A_625, %iota3A_623, %broadcast_in_dim3A_627 : vector<128x16xi1>, vector<128x16xi32>
    %reduce_min3A_629 = arith.constant dense<2147483647> : vector<128xi32>
    %reduce_min3A_630 = vector.multi_reduction <minsi>, %select_n3A_628, %reduce_min3A_629 [1] : vector<128x16xi32> to vector<128xi32>
    %broadcast_in_dim3A_631 = vector.shape_cast %reduce_min3A_630 : vector<128xi32> to vector<128x1xi32>
    %broadcast_in_dim3A_632 = arith.constant 0.000000e+00 : f32
    %broadcast_in_dim3A_633 = vector.broadcast %broadcast_in_dim3A_632 : f32 to vector<128x512xf32>
    %eq3A_634 = arith.constant 0 : i32
    %eq3A_635 = vector.broadcast %eq3A_634 : i32 to vector<128x1xi32>
    %eq3A_636 = arith.cmpi eq, %broadcast_in_dim3A_631, %eq3A_635 : vector<128x1xi32>
    %jit3A_637 = arith.constant 0.000000e+00 : f32
    %broadcast_in_dim3A_638 = vector.shape_cast %eq3A_636 : vector<128x1xi1> to vector<128x1xi1>
    %broadcast_in_dim3A_639 = vector.broadcast %broadcast_in_dim3A_638 : vector<128x1xi1> to vector<128x512xi1>
    %broadcast_in_dim3A_640 = vector.broadcast %jit3A_637 : f32 to vector<128x512xf32>
    %select_n3A_641 = arith.select %broadcast_in_dim3A_639, %get3A_3, %broadcast_in_dim3A_640 : vector<128x512xi1>, vector<128x512xf32>
    %add3A_642 = arith.addf %broadcast_in_dim3A_633, %select_n3A_641 : vector<128x512xf32>
    %eq3A_643 = arith.constant 1 : i32
    %eq3A_644 = vector.broadcast %eq3A_643 : i32 to vector<128x1xi32>
    %eq3A_645 = arith.cmpi eq, %broadcast_in_dim3A_631, %eq3A_644 : vector<128x1xi32>
    %jit3A_646 = arith.constant 0.000000e+00 : f32
    %broadcast_in_dim3A_647 = vector.shape_cast %eq3A_645 : vector<128x1xi1> to vector<128x1xi1>
    %broadcast_in_dim3A_648 = vector.broadcast %broadcast_in_dim3A_647 : vector<128x1xi1> to vector<128x512xi1>
    %broadcast_in_dim3A_649 = vector.broadcast %jit3A_646 : f32 to vector<128x512xf32>
    %select_n3A_650 = arith.select %broadcast_in_dim3A_648, %get3A_8, %broadcast_in_dim3A_649 : vector<128x512xi1>, vector<128x512xf32>
    %add3A_651 = arith.addf %add3A_642, %select_n3A_650 : vector<128x512xf32>
    %eq3A_652 = arith.constant 2 : i32
    %eq3A_653 = vector.broadcast %eq3A_652 : i32 to vector<128x1xi32>
    %eq3A_654 = arith.cmpi eq, %broadcast_in_dim3A_631, %eq3A_653 : vector<128x1xi32>
    %jit3A_655 = arith.constant 0.000000e+00 : f32
    %broadcast_in_dim3A_656 = vector.shape_cast %eq3A_654 : vector<128x1xi1> to vector<128x1xi1>
    %broadcast_in_dim3A_657 = vector.broadcast %broadcast_in_dim3A_656 : vector<128x1xi1> to vector<128x512xi1>
    %broadcast_in_dim3A_658 = vector.broadcast %jit3A_655 : f32 to vector<128x512xf32>
    %select_n3A_659 = arith.select %broadcast_in_dim3A_657, %get3A_13, %broadcast_in_dim3A_658 : vector<128x512xi1>, vector<128x512xf32>
    %add3A_660 = arith.addf %add3A_651, %select_n3A_659 : vector<128x512xf32>
    %eq3A_661 = arith.constant 3 : i32
    %eq3A_662 = vector.broadcast %eq3A_661 : i32 to vector<128x1xi32>
    %eq3A_663 = arith.cmpi eq, %broadcast_in_dim3A_631, %eq3A_662 : vector<128x1xi32>
    %jit3A_664 = arith.constant 0.000000e+00 : f32
    %broadcast_in_dim3A_665 = vector.shape_cast %eq3A_663 : vector<128x1xi1> to vector<128x1xi1>
    %broadcast_in_dim3A_666 = vector.broadcast %broadcast_in_dim3A_665 : vector<128x1xi1> to vector<128x512xi1>
    %broadcast_in_dim3A_667 = vector.broadcast %jit3A_664 : f32 to vector<128x512xf32>
    %select_n3A_668 = arith.select %broadcast_in_dim3A_666, %get3A_18, %broadcast_in_dim3A_667 : vector<128x512xi1>, vector<128x512xf32>
    %add3A_669 = arith.addf %add3A_660, %select_n3A_668 : vector<128x512xf32>
    %eq3A_670 = arith.constant 4 : i32
    %eq3A_671 = vector.broadcast %eq3A_670 : i32 to vector<128x1xi32>
    %eq3A_672 = arith.cmpi eq, %broadcast_in_dim3A_631, %eq3A_671 : vector<128x1xi32>
    %jit3A_673 = arith.constant 0.000000e+00 : f32
    %broadcast_in_dim3A_674 = vector.shape_cast %eq3A_672 : vector<128x1xi1> to vector<128x1xi1>
    %broadcast_in_dim3A_675 = vector.broadcast %broadcast_in_dim3A_674 : vector<128x1xi1> to vector<128x512xi1>
    %broadcast_in_dim3A_676 = vector.broadcast %jit3A_673 : f32 to vector<128x512xf32>
    %select_n3A_677 = arith.select %broadcast_in_dim3A_675, %get3A_23, %broadcast_in_dim3A_676 : vector<128x512xi1>, vector<128x512xf32>
    %add3A_678 = arith.addf %add3A_669, %select_n3A_677 : vector<128x512xf32>
    %eq3A_679 = arith.constant 5 : i32
    %eq3A_680 = vector.broadcast %eq3A_679 : i32 to vector<128x1xi32>
    %eq3A_681 = arith.cmpi eq, %broadcast_in_dim3A_631, %eq3A_680 : vector<128x1xi32>
    %jit3A_682 = arith.constant 0.000000e+00 : f32
    %broadcast_in_dim3A_683 = vector.shape_cast %eq3A_681 : vector<128x1xi1> to vector<128x1xi1>
    %broadcast_in_dim3A_684 = vector.broadcast %broadcast_in_dim3A_683 : vector<128x1xi1> to vector<128x512xi1>
    %broadcast_in_dim3A_685 = vector.broadcast %jit3A_682 : f32 to vector<128x512xf32>
    %select_n3A_686 = arith.select %broadcast_in_dim3A_684, %get3A_28, %broadcast_in_dim3A_685 : vector<128x512xi1>, vector<128x512xf32>
    %add3A_687 = arith.addf %add3A_678, %select_n3A_686 : vector<128x512xf32>
    %eq3A_688 = arith.constant 6 : i32
    %eq3A_689 = vector.broadcast %eq3A_688 : i32 to vector<128x1xi32>
    %eq3A_690 = arith.cmpi eq, %broadcast_in_dim3A_631, %eq3A_689 : vector<128x1xi32>
    %jit3A_691 = arith.constant 0.000000e+00 : f32
    %broadcast_in_dim3A_692 = vector.shape_cast %eq3A_690 : vector<128x1xi1> to vector<128x1xi1>
    %broadcast_in_dim3A_693 = vector.broadcast %broadcast_in_dim3A_692 : vector<128x1xi1> to vector<128x512xi1>
    %broadcast_in_dim3A_694 = vector.broadcast %jit3A_691 : f32 to vector<128x512xf32>
    %select_n3A_695 = arith.select %broadcast_in_dim3A_693, %get3A_33, %broadcast_in_dim3A_694 : vector<128x512xi1>, vector<128x512xf32>
    %add3A_696 = arith.addf %add3A_687, %select_n3A_695 : vector<128x512xf32>
    %eq3A_697 = arith.constant 7 : i32
    %eq3A_698 = vector.broadcast %eq3A_697 : i32 to vector<128x1xi32>
    %eq3A_699 = arith.cmpi eq, %broadcast_in_dim3A_631, %eq3A_698 : vector<128x1xi32>
    %jit3A_700 = arith.constant 0.000000e+00 : f32
    %broadcast_in_dim3A_701 = vector.shape_cast %eq3A_699 : vector<128x1xi1> to vector<128x1xi1>
    %broadcast_in_dim3A_702 = vector.broadcast %broadcast_in_dim3A_701 : vector<128x1xi1> to vector<128x512xi1>
    %broadcast_in_dim3A_703 = vector.broadcast %jit3A_700 : f32 to vector<128x512xf32>
    %select_n3A_704 = arith.select %broadcast_in_dim3A_702, %get3A_38, %broadcast_in_dim3A_703 : vector<128x512xi1>, vector<128x512xf32>
    %add3A_705 = arith.addf %add3A_696, %select_n3A_704 : vector<128x512xf32>
    %eq3A_706 = arith.constant 8 : i32
    %eq3A_707 = vector.broadcast %eq3A_706 : i32 to vector<128x1xi32>
    %eq3A_708 = arith.cmpi eq, %broadcast_in_dim3A_631, %eq3A_707 : vector<128x1xi32>
    %jit3A_709 = arith.constant 0.000000e+00 : f32
    %broadcast_in_dim3A_710 = vector.shape_cast %eq3A_708 : vector<128x1xi1> to vector<128x1xi1>
    %broadcast_in_dim3A_711 = vector.broadcast %broadcast_in_dim3A_710 : vector<128x1xi1> to vector<128x512xi1>
    %broadcast_in_dim3A_712 = vector.broadcast %jit3A_709 : f32 to vector<128x512xf32>
    %select_n3A_713 = arith.select %broadcast_in_dim3A_711, %get3A_43, %broadcast_in_dim3A_712 : vector<128x512xi1>, vector<128x512xf32>
    %add3A_714 = arith.addf %add3A_705, %select_n3A_713 : vector<128x512xf32>
    %eq3A_715 = arith.constant 9 : i32
    %eq3A_716 = vector.broadcast %eq3A_715 : i32 to vector<128x1xi32>
    %eq3A_717 = arith.cmpi eq, %broadcast_in_dim3A_631, %eq3A_716 : vector<128x1xi32>
    %jit3A_718 = arith.constant 0.000000e+00 : f32
    %broadcast_in_dim3A_719 = vector.shape_cast %eq3A_717 : vector<128x1xi1> to vector<128x1xi1>
    %broadcast_in_dim3A_720 = vector.broadcast %broadcast_in_dim3A_719 : vector<128x1xi1> to vector<128x512xi1>
    %broadcast_in_dim3A_721 = vector.broadcast %jit3A_718 : f32 to vector<128x512xf32>
    %select_n3A_722 = arith.select %broadcast_in_dim3A_720, %get3A_48, %broadcast_in_dim3A_721 : vector<128x512xi1>, vector<128x512xf32>
    %add3A_723 = arith.addf %add3A_714, %select_n3A_722 : vector<128x512xf32>
    %eq3A_724 = arith.constant 10 : i32
    %eq3A_725 = vector.broadcast %eq3A_724 : i32 to vector<128x1xi32>
    %eq3A_726 = arith.cmpi eq, %broadcast_in_dim3A_631, %eq3A_725 : vector<128x1xi32>
    %jit3A_727 = arith.constant 0.000000e+00 : f32
    %broadcast_in_dim3A_728 = vector.shape_cast %eq3A_726 : vector<128x1xi1> to vector<128x1xi1>
    %broadcast_in_dim3A_729 = vector.broadcast %broadcast_in_dim3A_728 : vector<128x1xi1> to vector<128x512xi1>
    %broadcast_in_dim3A_730 = vector.broadcast %jit3A_727 : f32 to vector<128x512xf32>
    %select_n3A_731 = arith.select %broadcast_in_dim3A_729, %get3A_53, %broadcast_in_dim3A_730 : vector<128x512xi1>, vector<128x512xf32>
    %add3A_732 = arith.addf %add3A_723, %select_n3A_731 : vector<128x512xf32>
    %eq3A_733 = arith.constant 11 : i32
    %eq3A_734 = vector.broadcast %eq3A_733 : i32 to vector<128x1xi32>
    %eq3A_735 = arith.cmpi eq, %broadcast_in_dim3A_631, %eq3A_734 : vector<128x1xi32>
    %jit3A_736 = arith.constant 0.000000e+00 : f32
    %broadcast_in_dim3A_737 = vector.shape_cast %eq3A_735 : vector<128x1xi1> to vector<128x1xi1>
    %broadcast_in_dim3A_738 = vector.broadcast %broadcast_in_dim3A_737 : vector<128x1xi1> to vector<128x512xi1>
    %broadcast_in_dim3A_739 = vector.broadcast %jit3A_736 : f32 to vector<128x512xf32>
    %select_n3A_740 = arith.select %broadcast_in_dim3A_738, %get3A_58, %broadcast_in_dim3A_739 : vector<128x512xi1>, vector<128x512xf32>
    %add3A_741 = arith.addf %add3A_732, %select_n3A_740 : vector<128x512xf32>
    %eq3A_742 = arith.constant 12 : i32
    %eq3A_743 = vector.broadcast %eq3A_742 : i32 to vector<128x1xi32>
    %eq3A_744 = arith.cmpi eq, %broadcast_in_dim3A_631, %eq3A_743 : vector<128x1xi32>
    %jit3A_745 = arith.constant 0.000000e+00 : f32
    %broadcast_in_dim3A_746 = vector.shape_cast %eq3A_744 : vector<128x1xi1> to vector<128x1xi1>
    %broadcast_in_dim3A_747 = vector.broadcast %broadcast_in_dim3A_746 : vector<128x1xi1> to vector<128x512xi1>
    %broadcast_in_dim3A_748 = vector.broadcast %jit3A_745 : f32 to vector<128x512xf32>
    %select_n3A_749 = arith.select %broadcast_in_dim3A_747, %get3A_63, %broadcast_in_dim3A_748 : vector<128x512xi1>, vector<128x512xf32>
    %add3A_750 = arith.addf %add3A_741, %select_n3A_749 : vector<128x512xf32>
    %eq3A_751 = arith.constant 13 : i32
    %eq3A_752 = vector.broadcast %eq3A_751 : i32 to vector<128x1xi32>
    %eq3A_753 = arith.cmpi eq, %broadcast_in_dim3A_631, %eq3A_752 : vector<128x1xi32>
    %jit3A_754 = arith.constant 0.000000e+00 : f32
    %broadcast_in_dim3A_755 = vector.shape_cast %eq3A_753 : vector<128x1xi1> to vector<128x1xi1>
    %broadcast_in_dim3A_756 = vector.broadcast %broadcast_in_dim3A_755 : vector<128x1xi1> to vector<128x512xi1>
    %broadcast_in_dim3A_757 = vector.broadcast %jit3A_754 : f32 to vector<128x512xf32>
    %select_n3A_758 = arith.select %broadcast_in_dim3A_756, %get3A_68, %broadcast_in_dim3A_757 : vector<128x512xi1>, vector<128x512xf32>
    %add3A_759 = arith.addf %add3A_750, %select_n3A_758 : vector<128x512xf32>
    %eq3A_760 = arith.constant 14 : i32
    %eq3A_761 = vector.broadcast %eq3A_760 : i32 to vector<128x1xi32>
    %eq3A_762 = arith.cmpi eq, %broadcast_in_dim3A_631, %eq3A_761 : vector<128x1xi32>
    %jit3A_763 = arith.constant 0.000000e+00 : f32
    %broadcast_in_dim3A_764 = vector.shape_cast %eq3A_762 : vector<128x1xi1> to vector<128x1xi1>
    %broadcast_in_dim3A_765 = vector.broadcast %broadcast_in_dim3A_764 : vector<128x1xi1> to vector<128x512xi1>
    %broadcast_in_dim3A_766 = vector.broadcast %jit3A_763 : f32 to vector<128x512xf32>
    %select_n3A_767 = arith.select %broadcast_in_dim3A_765, %get3A_73, %broadcast_in_dim3A_766 : vector<128x512xi1>, vector<128x512xf32>
    %add3A_768 = arith.addf %add3A_759, %select_n3A_767 : vector<128x512xf32>
    %eq3A_769 = arith.constant 15 : i32
    %eq3A_770 = vector.broadcast %eq3A_769 : i32 to vector<128x1xi32>
    %eq3A_771 = arith.cmpi eq, %broadcast_in_dim3A_631, %eq3A_770 : vector<128x1xi32>
    %jit3A_772 = arith.constant 0.000000e+00 : f32
    %broadcast_in_dim3A_773 = vector.shape_cast %eq3A_771 : vector<128x1xi1> to vector<128x1xi1>
    %broadcast_in_dim3A_774 = vector.broadcast %broadcast_in_dim3A_773 : vector<128x1xi1> to vector<128x512xi1>
    %broadcast_in_dim3A_775 = vector.broadcast %jit3A_772 : f32 to vector<128x512xf32>
    %select_n3A_776 = arith.select %broadcast_in_dim3A_774, %get3A_78, %broadcast_in_dim3A_775 : vector<128x512xi1>, vector<128x512xf32>
    %add3A_777 = arith.addf %add3A_768, %select_n3A_776 : vector<128x512xf32>
    %concatenate3A_778 = tpu.concatenate %add3A_271, %add3A_777 in 1 : vector<128x512xf32>, vector<128x512xf32> -> vector<128x1024xf32>
    %swap3A = arith.constant 0 : index
    %swap3A_779 = arith.constant 0 : index
    %swap3A_780 = vector.load %arg6[%swap3A, %swap3A_779] : memref<128x1024xf32, #tpu.memory_space<vmem>>, vector<128x1024xf32>
    tpu.vector_store %arg6[%swap3A, %swap3A_779], %concatenate3A_778 {strides = array<i32>} : memref<128x1024xf32, #tpu.memory_space<vmem>>, vector<128x1024xf32>,
    %swap3A_781 = arith.constant 0 : index
    %swap3A_782 = arith.constant 0 : index
    %swap3A_783 = vector.load %arg7[%swap3A_781, %swap3A_782] : memref<128x1xi32, #tpu.memory_space<vmem>>, vector<128x1xi32>
    tpu.vector_store %arg7[%swap3A_781, %swap3A_782], %shift_right_arithmetic3A_124 {strides = array<i32>} : memref<128x1xi32, #tpu.memory_space<vmem>>, vector<128x1xi32>,
    %swap3A_784 = arith.constant 0 : index
    %swap3A_785 = arith.constant 0 : index
    %swap3A_786 = vector.load %arg8[%swap3A_784, %swap3A_785] : memref<128x1xi32, #tpu.memory_space<vmem>>, vector<128x1xi32>
    tpu.vector_store %arg8[%swap3A_784, %swap3A_785], %and3A_126 {strides = array<i32>} : memref<128x1xi32, #tpu.memory_space<vmem>>, vector<128x1xi32>,
    %mul3A_787 = arith.constant 128 : i32
    %mul3A_788 = arith.muli %arg0, %mul3A_787 : i32
    %swap3A_789 = arith.index_cast %mul3A_788 : i32 to index
    %swap3A_790 = arith.constant 0 : index
    %swap3A_791 = vector.load %arg12[%swap3A_789, %swap3A_790] : memref<1024x1xi32, #tpu.memory_space<vmem>>, vector<128x1xi32>
    tpu.vector_store %arg12[%swap3A_789, %swap3A_790], %and3A_126 {strides = array<i32>} : memref<1024x1xi32, #tpu.memory_space<vmem>>, vector<128x1xi32>,
    %eq3A_792 = arith.constant 7 : i32
    %eq3A_793 = arith.cmpi eq, %arg0, %eq3A_792 : i32
    %convert_element_type3A_794 = arith.extui %eq3A_793 : i1 to i32
    %cond3A = arith.constant 0 : i32
    %cond3A_795 = arith.cmpi ne, %convert_element_type3A_794, %cond3A : i32
    scf.if %cond3A_795 {
      %get3A_796 = arith.constant 0 : index
      %get3A_797 = arith.constant 0 : index
      %get3A_798 = vector.load %arg12[%get3A_796, %get3A_797] : memref<1024x1xi32, #tpu.memory_space<vmem>>, vector<1024x1xi32>
      %iota3A_799 = tpu.iota {dimensions = array<i32: 1>} : vector<1024x8xi32>
      %eq3A_800 = vector.broadcast %get3A_798 : vector<1024x1xi32> to vector<1024x8xi32>
      %eq3A_801 = arith.cmpi eq, %eq3A_800, %iota3A_799 : vector<1024x8xi32>
      %convert_element_type3A_802 = arith.extui %eq3A_801 : vector<1024x8xi1> to vector<1024x8xi32>
      %convert_element_type3A_803 = arith.sitofp %convert_element_type3A_802 : vector<1024x8xi32> to vector<1024x8xf32>
      %iota3A_804 = tpu.iota {dimensions = array<i32: 0>} : vector<1024x1024xi32>
      %iota3A_805 = tpu.iota {dimensions = array<i32: 1>} : vector<1024x1024xi32>
      %ge3A = arith.cmpi sge, %iota3A_804, %iota3A_805 : vector<1024x1024xi32>
      %convert_element_type3A_806 = arith.extui %ge3A : vector<1024x1024xi1> to vector<1024x1024xi32>
      %convert_element_type3A_807 = arith.sitofp %convert_element_type3A_806 : vector<1024x1024xi32> to vector<1024x1024xf32>
      %convert_element_type3A_808 = arith.truncf %convert_element_type3A_807 : vector<1024x1024xf32> to vector<1024x1024xbf16>
      %convert_element_type3A_809 = arith.truncf %convert_element_type3A_803 : vector<1024x8xf32> to vector<1024x8xbf16>
      %dot_general3A_810 = arith.constant dense<0.000000e+00> : vector<1024x8xf32>
      %dot_general3A_811 = tpu.matmul %convert_element_type3A_808, %convert_element_type3A_809, %dot_general3A_810 {dimension_numbers = #tpu.dot_dimension_numbers<[1], [0], [0], [1], [0, 0, 1, 1], [], []>, transpose_lhs_hint = false} : vector<1024x1024xbf16>, vector<1024x8xbf16>, vector<1024x8xf32> -> vector<1024x8xf32>
      %mul3A_812 = arith.mulf %convert_element_type3A_803, %dot_general3A_811 : vector<1024x8xf32>
      %reduce_sum3A = arith.constant dense<0.000000e+00> : vector<1024xf32>
      %reduce_sum3A_813 = vector.multi_reduction <add>, %mul3A_812, %reduce_sum3A [1] : vector<1024x8xf32> to vector<1024xf32>
      %broadcast_in_dim3A_814 = vector.shape_cast %reduce_sum3A_813 : vector<1024xf32> to vector<1024x1xf32>
      %sub3A = arith.constant 1.000000e+00 : f32
      %sub3A_815 = vector.broadcast %sub3A : f32 to vector<1024x1xf32>
      %sub3A_816 = arith.subf %broadcast_in_dim3A_814, %sub3A_815 : vector<1024x1xf32>
      %slice3A_817 = vector.extract_strided_slice %dot_general3A_811 {offsets = [1023, 0], sizes = [1, 8], strides = [1, 1]} : vector<1024x8xf32> to vector<1x8xf32>
      %convert_element_type3A_818 = arith.fptosi %slice3A_817 : vector<1x8xf32> to vector<1x8xi32>
      %add3A_819 = arith.constant 127 : i32
      %add3A_820 = vector.broadcast %add3A_819 : i32 to vector<1x8xi32>
      %add3A_821 = arith.addi %convert_element_type3A_818, %add3A_820 : vector<1x8xi32>
      %jit3A_822 = arith.constant 128 : i32
      %div3A = vector.broadcast %jit3A_822 : i32 to vector<1x8xi32>
      %div3A_823 = arith.divsi %add3A_821, %div3A : vector<1x8xi32>
      %sign3A = arith.constant 0 : i32
      %sign3A_824 = vector.broadcast %sign3A : i32 to vector<1x8xi32>
      %sign3A_825 = arith.cmpi sgt, %add3A_821, %sign3A_824 : vector<1x8xi32>
      %sign3A_826 = arith.extui %sign3A_825 : vector<1x8xi1> to vector<1x8xi32>
      %sign3A_827 = arith.constant 0 : i32
      %sign3A_828 = vector.broadcast %sign3A_827 : i32 to vector<1x8xi32>
      %sign3A_829 = arith.cmpi slt, %add3A_821, %sign3A_828 : vector<1x8xi32>
      %sign3A_830 = arith.extui %sign3A_829 : vector<1x8xi1> to vector<1x8xi32>
      %sign3A_831 = arith.subi %sign3A_826, %sign3A_830 : vector<1x8xi32>
      %sign3A_832 = arith.constant 0 : i32
      %sign3A_833 = arith.cmpi sgt, %jit3A_822, %sign3A_832 : i32
      %sign3A_834 = arith.extui %sign3A_833 : i1 to i32
      %sign3A_835 = arith.constant 0 : i32
      %sign3A_836 = arith.cmpi slt, %jit3A_822, %sign3A_835 : i32
      %sign3A_837 = arith.extui %sign3A_836 : i1 to i32
      %sign3A_838 = arith.subi %sign3A_834, %sign3A_837 : i32
      %ne3A = vector.broadcast %sign3A_838 : i32 to vector<1x8xi32>
      %ne3A_839 = arith.cmpi ne, %sign3A_831, %ne3A : vector<1x8xi32>
      %rem3A = vector.broadcast %jit3A_822 : i32 to vector<1x8xi32>
      %rem3A_840 = arith.remsi %add3A_821, %rem3A : vector<1x8xi32>
      %ne3A_841 = arith.constant 0 : i32
      %ne3A_842 = vector.broadcast %ne3A_841 : i32 to vector<1x8xi32>
      %ne3A_843 = arith.cmpi ne, %rem3A_840, %ne3A_842 : vector<1x8xi32>
      %and3A_844 = arith.andi %ne3A_839, %ne3A_843 : vector<1x8xi1>
      %sub3A_845 = arith.constant 1 : i32
      %sub3A_846 = vector.broadcast %sub3A_845 : i32 to vector<1x8xi32>
      %sub3A_847 = arith.subi %div3A_823, %sub3A_846 : vector<1x8xi32>
      %select_n3A_848 = arith.select %and3A_844, %sub3A_847, %div3A_823 : vector<1x8xi1>, vector<1x8xi32>
      %iota3A_849 = tpu.iota {dimensions = array<i32: 0>} : vector<8x8xi32>
      %iota3A_850 = tpu.iota {dimensions = array<i32: 1>} : vector<8x8xi32>
      %lt3A = arith.cmpi slt, %iota3A_849, %iota3A_850 : vector<8x8xi32>
      %convert_element_type3A_851 = arith.extui %lt3A : vector<8x8xi1> to vector<8x8xi32>
      %convert_element_type3A_852 = arith.sitofp %convert_element_type3A_851 : vector<8x8xi32> to vector<8x8xf32>
      %convert_element_type3A_853 = arith.truncf %convert_element_type3A_852 : vector<8x8xf32> to vector<8x8xbf16>
      %convert_element_type3A_854 = arith.sitofp %select_n3A_848 : vector<1x8xi32> to vector<1x8xf32>
      %convert_element_type3A_855 = arith.truncf %convert_element_type3A_854 : vector<1x8xf32> to vector<1x8xbf16>
      %dot_general3A_856 = arith.constant dense<0.000000e+00> : vector<1x8xf32>
      %dot_general3A_857 = tpu.matmul %convert_element_type3A_855, %convert_element_type3A_853, %dot_general3A_856 {dimension_numbers = #tpu.dot_dimension_numbers<[1], [0], [0], [1], [0, 0, 1, 1], [], []>, transpose_lhs_hint = false} : vector<1x8xbf16>, vector<8x8xbf16>, vector<1x8xf32> -> vector<1x8xf32>
      %mul3A_858 = vector.broadcast %dot_general3A_857 : vector<1x8xf32> to vector<1024x8xf32>
      %mul3A_859 = arith.mulf %convert_element_type3A_803, %mul3A_858 : vector<1024x8xf32>
      %reduce_sum3A_860 = arith.constant dense<0.000000e+00> : vector<1024xf32>
      %reduce_sum3A_861 = vector.multi_reduction <add>, %mul3A_859, %reduce_sum3A_860 [1] : vector<1024x8xf32> to vector<1024xf32>
      %broadcast_in_dim3A_862 = vector.shape_cast %reduce_sum3A_861 : vector<1024xf32> to vector<1024x1xf32>
      %mul3A_863 = arith.constant 1.280000e+02 : f32
      %mul3A_864 = vector.broadcast %mul3A_863 : f32 to vector<1024x1xf32>
      %mul3A_865 = arith.mulf %broadcast_in_dim3A_862, %mul3A_864 : vector<1024x1xf32>
      %add3A_866 = arith.addf %mul3A_865, %sub3A_816 : vector<1024x1xf32>
      %convert_element_type3A_867 = arith.fptosi %add3A_866 : vector<1024x1xf32> to vector<1024x1xi32>
      %swap3A_868 = arith.constant 0 : index
      %swap3A_869 = arith.constant 0 : index
      %swap3A_870 = vector.load %arg9[%swap3A_868, %swap3A_869] : memref<1024x1xi32, #tpu.memory_space<vmem>>, vector<1024x1xi32>
      tpu.vector_store %arg9[%swap3A_868, %swap3A_869], %convert_element_type3A_867 {strides = array<i32>} : memref<1024x1xi32, #tpu.memory_space<vmem>>, vector<1024x1xi32>,
      %convert_element_type3A_871 = arith.sitofp %select_n3A_848 : vector<1x8xi32> to vector<1x8xf32>
      %reduce_sum3A_872 = arith.constant dense<0.000000e+00> : vector<1xf32>
      %reduce_sum3A_873 = vector.multi_reduction <add>, %convert_element_type3A_871, %reduce_sum3A_872 [1] : vector<1x8xf32> to vector<1xf32>
      %broadcast_in_dim3A_874 = vector.shape_cast %reduce_sum3A_873 : vector<1xf32> to vector<1x1xf32>
      %convert_element_type3A_875 = arith.fptosi %broadcast_in_dim3A_874 : vector<1x1xf32> to vector<1x1xi32>
      %swap3A_876 = arith.constant 0 : index
      %swap3A_877 = arith.constant 0 : index
      %swap3A_878 = vector.load %arg11[%swap3A_876, %swap3A_877] : memref<1x1xi32, #tpu.memory_space<vmem>>, vector<1x1xi32>
      tpu.vector_store %arg11[%swap3A_876, %swap3A_877], %convert_element_type3A_875 {strides = array<i32>} : memref<1x1xi32, #tpu.memory_space<vmem>>, vector<1x1xi32>,
      %iota3A_879 = tpu.iota {dimensions = array<i32: 0>} : vector<16x8xi32>
      %convert_element_type3A_880 = arith.sitofp %iota3A_879 : vector<16x8xi32> to vector<16x8xf32>
      %broadcast_in_dim3A_881 = vector.shape_cast %broadcast_in_dim3A_874 : vector<1x1xf32> to vector<1x1xf32>
      %broadcast_in_dim3A_882 = vector.broadcast %broadcast_in_dim3A_881 : vector<1x1xf32> to vector<16x8xf32>
      %sub3A_883 = arith.constant 1.000000e+00 : f32
      %sub3A_884 = vector.broadcast %sub3A_883 : f32 to vector<16x8xf32>
      %sub3A_885 = arith.subf %broadcast_in_dim3A_882, %sub3A_884 : vector<16x8xf32>
      %min3A = arith.minimumf %convert_element_type3A_880, %sub3A_885 : vector<16x8xf32>
      %broadcast_in_dim3A_886 = vector.shape_cast %dot_general3A_857 : vector<1x8xf32> to vector<1x8xf32>
      %broadcast_in_dim3A_887 = vector.broadcast %broadcast_in_dim3A_886 : vector<1x8xf32> to vector<16x8xf32>
      %le3A = arith.cmpf ole, %broadcast_in_dim3A_887, %min3A : vector<16x8xf32>
      %convert_element_type3A_888 = arith.extui %le3A : vector<16x8xi1> to vector<16x8xi32>
      %convert_element_type3A_889 = arith.sitofp %convert_element_type3A_888 : vector<16x8xi32> to vector<16x8xf32>
      %reduce_sum3A_890 = arith.constant dense<0.000000e+00> : vector<16xf32>
      %reduce_sum3A_891 = vector.multi_reduction <add>, %convert_element_type3A_889, %reduce_sum3A_890 [1] : vector<16x8xf32> to vector<16xf32>
      %broadcast_in_dim3A_892 = vector.shape_cast %reduce_sum3A_891 : vector<16xf32> to vector<16x1xf32>
      %convert_element_type3A_893 = arith.fptosi %broadcast_in_dim3A_892 : vector<16x1xf32> to vector<16x1xi32>
      %sub3A_894 = arith.constant 1 : i32
      %sub3A_895 = vector.broadcast %sub3A_894 : i32 to vector<16x1xi32>
      %sub3A_896 = arith.subi %convert_element_type3A_893, %sub3A_895 : vector<16x1xi32>
      %swap3A_897 = arith.constant 0 : index
      %swap3A_898 = arith.constant 0 : index
      %swap3A_899 = vector.load %arg10[%swap3A_897, %swap3A_898] : memref<16x1xi32, #tpu.memory_space<vmem>>, vector<16x1xi32>
      tpu.vector_store %arg10[%swap3A_897, %swap3A_898], %sub3A_896 {strides = array<i32>} : memref<16x1xi32, #tpu.memory_space<vmem>>, vector<16x1xi32>,
    } else {
    }
    return
  }
  func.func @transform_0(%arg0: i32) -> (i32, i32, i32) {
    %c0_i32 = arith.constant 0 : i32
    %c0_i32_0 = arith.constant 0 : i32
    %c0_i32_1 = arith.constant 0 : i32
    return %c0_i32, %arg0, %c0_i32_0 : i32, i32, i32
  }
  func.func @transform_1(%arg0: i32) -> (i32, i32) {
    %c0_i32 = arith.constant 0 : i32
    %c0_i32_0 = arith.constant 0 : i32
    %c0_i32_1 = arith.constant 0 : i32
    return %c0_i32, %c0_i32_0 : i32, i32
  }
  func.func @transform_2(%arg0: i32) -> (i32, i32) {
    %c0_i32 = arith.constant 0 : i32
    %c0_i32_0 = arith.constant 0 : i32
    %c0_i32_1 = arith.constant 0 : i32
    return %c0_i32, %c0_i32_0 : i32, i32
  }
  func.func @transform_3(%arg0: i32) -> (i32, i32) {
    %c0_i32 = arith.constant 0 : i32
    %c0_i32_0 = arith.constant 0 : i32
    %c0_i32_1 = arith.constant 0 : i32
    return %c0_i32, %c0_i32_0 : i32, i32
  }
  func.func @transform_4(%arg0: i32) -> (i32, i32) {
    %c0_i32 = arith.constant 0 : i32
    %c0_i32_0 = arith.constant 0 : i32
    %c0_i32_1 = arith.constant 0 : i32
    return %c0_i32, %c0_i32_0 : i32, i32
  }
  func.func @transform_5(%arg0: i32) -> (i32, i32) {
    %c0_i32 = arith.constant 0 : i32
    %c0_i32_0 = arith.constant 0 : i32
    return %arg0, %c0_i32 : i32, i32
  }
  func.func @transform_6(%arg0: i32) -> (i32, i32) {
    %c0_i32 = arith.constant 0 : i32
    %c0_i32_0 = arith.constant 0 : i32
    return %arg0, %c0_i32 : i32, i32
  }
  func.func @transform_7(%arg0: i32) -> (i32, i32) {
    %c0_i32 = arith.constant 0 : i32
    %c0_i32_0 = arith.constant 0 : i32
    return %arg0, %c0_i32 : i32, i32
  }
  func.func @transform_8(%arg0: i32) -> (i32, i32) {
    %c0_i32 = arith.constant 0 : i32
    %c0_i32_0 = arith.constant 0 : i32
    %c0_i32_1 = arith.constant 0 : i32
    return %c0_i32, %c0_i32_0 : i32, i32
  }
  func.func @transform_9(%arg0: i32) -> (i32, i32) {
    %c0_i32 = arith.constant 0 : i32
    %c0_i32_0 = arith.constant 0 : i32
    %c0_i32_1 = arith.constant 0 : i32
    return %c0_i32, %c0_i32_0 : i32, i32
  }
  func.func @transform_10(%arg0: i32) -> (i32, i32) {
    %c0_i32 = arith.constant 0 : i32
    %c0_i32_0 = arith.constant 0 : i32
    %c0_i32_1 = arith.constant 0 : i32
    return %c0_i32, %c0_i32_0 : i32, i32
  }
}

module attributes {stable_mosaic.version = 14 : i64} {
  func.func @_mlp_body(%arg0: i32, %arg1: memref<16xi32, #tpu.memory_space<smem>>, %arg2: memref<1xi32, #tpu.memory_space<smem>>, %arg3: memref<128x1024xf32, #tpu.memory_space<vmem>>, %arg4: memref<1x1024x1024xbf16, #tpu.memory_space<vmem>>, %arg5: memref<1x1x1024xf32, #tpu.memory_space<vmem>>, %arg6: memref<1x1024x512xbf16, #tpu.memory_space<vmem>>, %arg7: memref<1x1x512xf32, #tpu.memory_space<vmem>>, %arg8: memref<128x512xf32, #tpu.memory_space<vmem>>) attributes {dimension_semantics = [#tpu.dimension_semantics<arbitrary>], iteration_bounds = array<i64: 16>, scalar_prefetch = 2 : i64, scratch_operands = 0 : i64, tpu.core_type = #tpu.core_type<tc>, window_params = [{transform_indices = @transform_0, window_bounds = array<i64: 128, 1024>}, {transform_indices = @transform_1, window_bounds = array<i64: 1, 1024, 1024>}, {transform_indices = @transform_2, window_bounds = array<i64: 1, 1, 1024>}, {transform_indices = @transform_3, window_bounds = array<i64: 1, 1024, 512>}, {transform_indices = @transform_4, window_bounds = array<i64: 1, 1, 512>}, {transform_indices = @transform_5, window_bounds = array<i64: 128, 512>}]} {
    %get3A = arith.constant 0 : index
    %get3A_0 = memref.load %arg2[%get3A] : memref<1xi32, #tpu.memory_space<smem>>
    %lt3A = arith.cmpi slt, %arg0, %get3A_0 : i32
    %convert_element_type3A = arith.extui %lt3A : i1 to i32
    %cond3A = arith.constant 0 : i32
    %cond3A_1 = arith.cmpi ne, %convert_element_type3A, %cond3A : i32
    scf.if %cond3A_1 {
      %get3A_2 = arith.constant 0 : index
      %get3A_3 = arith.constant 0 : index
      %get3A_4 = vector.load %arg3[%get3A_2, %get3A_3] : memref<128x1024xf32, #tpu.memory_space<vmem>>, vector<128x1024xf32>
      %convert_element_type3A_5 = arith.truncf %get3A_4 : vector<128x1024xf32> to vector<128x1024xbf16>
      %get3A_6 = arith.constant 0 : index
      %get3A_7 = arith.constant 0 : index
      %get3A_8 = arith.constant 0 : index
      %get3A_9 = vector.load %arg4[%get3A_6, %get3A_7, %get3A_8] : memref<1x1024x1024xbf16, #tpu.memory_space<vmem>>, vector<1x1024x1024xbf16>
      %get3A_10 = vector.shape_cast %get3A_9 : vector<1x1024x1024xbf16> to vector<1024x1024xbf16>
      %dot_general3A = arith.constant dense<0.000000e+00> : vector<128x1024xf32>
      %dot_general3A_11 = tpu.matmul %convert_element_type3A_5, %get3A_10, %dot_general3A {dimension_numbers = #tpu.dot_dimension_numbers<[1], [0], [0], [1], [0, 0, 1, 1], [], []>, transpose_lhs_hint = false} : vector<128x1024xbf16>, vector<1024x1024xbf16>, vector<128x1024xf32> -> vector<128x1024xf32>
      %get3A_12 = arith.constant 0 : index
      %get3A_13 = arith.constant 0 : index
      %get3A_14 = arith.constant 0 : index
      %get3A_15 = vector.load %arg5[%get3A_12, %get3A_13, %get3A_14] : memref<1x1x1024xf32, #tpu.memory_space<vmem>>, vector<1x1x1024xf32>
      %get3A_16 = vector.shape_cast %get3A_15 : vector<1x1x1024xf32> to vector<1x1024xf32>
      %add3A = vector.broadcast %get3A_16 : vector<1x1024xf32> to vector<128x1024xf32>
      %add3A_17 = arith.addf %dot_general3A_11, %add3A : vector<128x1024xf32>
      %max3A = arith.constant 0.000000e+00 : f32
      %max3A_18 = vector.broadcast %max3A : f32 to vector<128x1024xf32>
      %max3A_19 = arith.maximumf %add3A_17, %max3A_18 : vector<128x1024xf32>
      %convert_element_type3A_20 = arith.truncf %max3A_19 : vector<128x1024xf32> to vector<128x1024xbf16>
      %get3A_21 = arith.constant 0 : index
      %get3A_22 = arith.constant 0 : index
      %get3A_23 = arith.constant 0 : index
      %get3A_24 = vector.load %arg6[%get3A_21, %get3A_22, %get3A_23] : memref<1x1024x512xbf16, #tpu.memory_space<vmem>>, vector<1x1024x512xbf16>
      %get3A_25 = vector.shape_cast %get3A_24 : vector<1x1024x512xbf16> to vector<1024x512xbf16>
      %dot_general3A_26 = arith.constant dense<0.000000e+00> : vector<128x512xf32>
      %dot_general3A_27 = tpu.matmul %convert_element_type3A_20, %get3A_25, %dot_general3A_26 {dimension_numbers = #tpu.dot_dimension_numbers<[1], [0], [0], [1], [0, 0, 1, 1], [], []>, transpose_lhs_hint = false} : vector<128x1024xbf16>, vector<1024x512xbf16>, vector<128x512xf32> -> vector<128x512xf32>
      %get3A_28 = arith.constant 0 : index
      %get3A_29 = arith.constant 0 : index
      %get3A_30 = arith.constant 0 : index
      %get3A_31 = vector.load %arg7[%get3A_28, %get3A_29, %get3A_30] : memref<1x1x512xf32, #tpu.memory_space<vmem>>, vector<1x1x512xf32>
      %get3A_32 = vector.shape_cast %get3A_31 : vector<1x1x512xf32> to vector<1x512xf32>
      %add3A_33 = vector.broadcast %get3A_32 : vector<1x512xf32> to vector<128x512xf32>
      %add3A_34 = arith.addf %dot_general3A_27, %add3A_33 : vector<128x512xf32>
      %swap3A = arith.constant 0 : index
      %swap3A_35 = arith.constant 0 : index
      %swap3A_36 = vector.load %arg8[%swap3A, %swap3A_35] : memref<128x512xf32, #tpu.memory_space<vmem>>, vector<128x512xf32>
      tpu.vector_store %arg8[%swap3A, %swap3A_35], %add3A_34 {strides = array<i32>} : memref<128x512xf32, #tpu.memory_space<vmem>>, vector<128x512xf32>,
    } else {
    }
    return
  }
  func.func @transform_0(%arg0: i32, %arg1: memref<16xi32, #tpu.memory_space<smem>>, %arg2: memref<1xi32, #tpu.memory_space<smem>>) -> (i32, i32) {
    %c0_i32 = arith.constant 0 : i32
    %c0_i32_0 = arith.constant 0 : i32
    return %arg0, %c0_i32 : i32, i32
  }
  func.func @transform_1(%arg0: i32, %arg1: memref<16xi32, #tpu.memory_space<smem>>, %arg2: memref<1xi32, #tpu.memory_space<smem>>) -> (i32, i32, i32) {
    %get3A = arith.index_cast %arg0 : i32 to index
    %get3A_0 = memref.load %arg1[%get3A] : memref<16xi32, #tpu.memory_space<smem>>
    %c0_i32 = arith.constant 0 : i32
    %c0_i32_1 = arith.constant 0 : i32
    %c0_i32_2 = arith.constant 0 : i32
    return %get3A_0, %c0_i32, %c0_i32_1 : i32, i32, i32
  }
  func.func @transform_2(%arg0: i32, %arg1: memref<16xi32, #tpu.memory_space<smem>>, %arg2: memref<1xi32, #tpu.memory_space<smem>>) -> (i32, i32, i32) {
    %get3A = arith.index_cast %arg0 : i32 to index
    %get3A_0 = memref.load %arg1[%get3A] : memref<16xi32, #tpu.memory_space<smem>>
    %c0_i32 = arith.constant 0 : i32
    %c0_i32_1 = arith.constant 0 : i32
    %c0_i32_2 = arith.constant 0 : i32
    return %get3A_0, %c0_i32, %c0_i32_1 : i32, i32, i32
  }
  func.func @transform_3(%arg0: i32, %arg1: memref<16xi32, #tpu.memory_space<smem>>, %arg2: memref<1xi32, #tpu.memory_space<smem>>) -> (i32, i32, i32) {
    %get3A = arith.index_cast %arg0 : i32 to index
    %get3A_0 = memref.load %arg1[%get3A] : memref<16xi32, #tpu.memory_space<smem>>
    %c0_i32 = arith.constant 0 : i32
    %c0_i32_1 = arith.constant 0 : i32
    %c0_i32_2 = arith.constant 0 : i32
    return %get3A_0, %c0_i32, %c0_i32_1 : i32, i32, i32
  }
  func.func @transform_4(%arg0: i32, %arg1: memref<16xi32, #tpu.memory_space<smem>>, %arg2: memref<1xi32, #tpu.memory_space<smem>>) -> (i32, i32, i32) {
    %get3A = arith.index_cast %arg0 : i32 to index
    %get3A_0 = memref.load %arg1[%get3A] : memref<16xi32, #tpu.memory_space<smem>>
    %c0_i32 = arith.constant 0 : i32
    %c0_i32_1 = arith.constant 0 : i32
    %c0_i32_2 = arith.constant 0 : i32
    return %get3A_0, %c0_i32, %c0_i32_1 : i32, i32, i32
  }
  func.func @transform_5(%arg0: i32, %arg1: memref<16xi32, #tpu.memory_space<smem>>, %arg2: memref<1xi32, #tpu.memory_space<smem>>) -> (i32, i32) {
    %c0_i32 = arith.constant 0 : i32
    %c0_i32_0 = arith.constant 0 : i32
    return %arg0, %c0_i32 : i32, i32
  }
}

module attributes {stable_mosaic.version = 14 : i64} {
  func.func @_sel_body(%arg0: i32, %arg1: memref<16x128x512xf32, #tpu.memory_space<vmem>>, %arg2: memref<128x512xf32, #tpu.memory_space<vmem>>, %arg3: memref<128x1xi32, #tpu.memory_space<vmem>>, %arg4: memref<512x64xbf16, #tpu.memory_space<vmem>>, %arg5: memref<64x32xbf16, #tpu.memory_space<vmem>>, %arg6: memref<8x64xf32, #tpu.memory_space<vmem>>, %arg7: memref<512x32xbf16, #tpu.memory_space<vmem>>, %arg8: memref<16x128x512xf32, #tpu.memory_space<vmem>>, %arg9: memref<128x1024xf32, #tpu.memory_space<vmem>>, %arg10: memref<128x1xi32, #tpu.memory_space<vmem>>, %arg11: memref<128x1xi32, #tpu.memory_space<vmem>>, %arg12: memref<1024x1xi32, #tpu.memory_space<vmem>>, %arg13: memref<16x1xi32, #tpu.memory_space<vmem>>, %arg14: memref<1x1xi32, #tpu.memory_space<vmem>>, %arg15: memref<1024x1xi32, #tpu.memory_space<vmem>>) attributes {dimension_semantics = [#tpu.dimension_semantics<arbitrary>], iteration_bounds = array<i64: 8>, scalar_prefetch = 0 : i64, scratch_operands = 1 : i64, tpu.core_type = #tpu.core_type<tc>, window_params = [{transform_indices = @transform_0, window_bounds = array<i64: 16, 128, 512>}, {transform_indices = @transform_1, window_bounds = array<i64: 128, 512>}, {transform_indices = @transform_2, window_bounds = array<i64: 128, 1>}, {pipeline_mode = #tpu.pipeline_mode<synchronous>, transform_indices = @transform_3, window_bounds = array<i64: 512, 64>}, {pipeline_mode = #tpu.pipeline_mode<synchronous>, transform_indices = @transform_4, window_bounds = array<i64: 64, 32>}, {pipeline_mode = #tpu.pipeline_mode<synchronous>, transform_indices = @transform_5, window_bounds = array<i64: 8, 64>}, {pipeline_mode = #tpu.pipeline_mode<synchronous>, transform_indices = @transform_6, window_bounds = array<i64: 512, 32>}, {transform_indices = @transform_7, window_bounds = array<i64: 16, 128, 512>}, {transform_indices = @transform_8, window_bounds = array<i64: 128, 1024>}, {transform_indices = @transform_9, window_bounds = array<i64: 128, 1>}, {transform_indices = @transform_10, window_bounds = array<i64: 128, 1>}, {pipeline_mode = #tpu.pipeline_mode<synchronous>, transform_indices = @transform_11, window_bounds = array<i64: 1024, 1>}, {pipeline_mode = #tpu.pipeline_mode<synchronous>, transform_indices = @transform_12, window_bounds = array<i64: 16, 1>}, {pipeline_mode = #tpu.pipeline_mode<synchronous>, transform_indices = @transform_13, window_bounds = array<i64: 1, 1>}]} {
    %get3A = arith.constant 0 : index
    %get3A_0 = arith.constant 0 : index
    %get3A_1 = vector.load %arg3[%get3A, %get3A_0] : memref<128x1xi32, #tpu.memory_space<vmem>>, vector<128x1xi32>
    %get3A_2 = arith.constant 0 : index
    %get3A_3 = arith.constant 0 : index
    %get3A_4 = vector.load %arg2[%get3A_2, %get3A_3] : memref<128x512xf32, #tpu.memory_space<vmem>>, vector<128x512xf32>
    %eq3A = arith.constant 0 : i32
    %eq3A_5 = vector.broadcast %eq3A : i32 to vector<128x1xi32>
    %eq3A_6 = arith.cmpi eq, %get3A_1, %eq3A_5 : vector<128x1xi32>
    %get3A_7 = arith.constant 0 : index
    %get3A_8 = arith.constant 0 : index
    %get3A_9 = arith.constant 0 : index
    %get3A_10 = vector.load %arg1[%get3A_7, %get3A_8, %get3A_9] : memref<16x128x512xf32, #tpu.memory_space<vmem>>, vector<1x128x512xf32>
    %get3A_11 = vector.shape_cast %get3A_10 : vector<1x128x512xf32> to vector<128x512xf32>
    %broadcast_in_dim3A = vector.shape_cast %eq3A_6 : vector<128x1xi1> to vector<128x1xi1>
    %broadcast_in_dim3A_12 = vector.broadcast %broadcast_in_dim3A : vector<128x1xi1> to vector<128x512xi1>
    %select_n3A = arith.select %broadcast_in_dim3A_12, %get3A_4, %get3A_11 : vector<128x512xi1>, vector<128x512xf32>
    %swap3A = arith.constant 0 : index
    %swap3A_13 = arith.constant 0 : index
    %swap3A_14 = arith.constant 0 : index
    %swap3A_15 = vector.load %arg8[%swap3A, %swap3A_13, %swap3A_14] : memref<16x128x512xf32, #tpu.memory_space<vmem>>, vector<1x128x512xf32>
    %swap3A_16 = vector.shape_cast %swap3A_15 : vector<1x128x512xf32> to vector<128x512xf32>
    %swap3A_17 = vector.shape_cast %select_n3A : vector<128x512xf32> to vector<1x128x512xf32>
    tpu.vector_store %arg8[%swap3A, %swap3A_13, %swap3A_14], %swap3A_17 {strides = array<i32>} : memref<16x128x512xf32, #tpu.memory_space<vmem>>, vector<1x128x512xf32>,
    %eq3A_18 = arith.constant 1 : i32
    %eq3A_19 = vector.broadcast %eq3A_18 : i32 to vector<128x1xi32>
    %eq3A_20 = arith.cmpi eq, %get3A_1, %eq3A_19 : vector<128x1xi32>
    %get3A_21 = arith.constant 1 : index
    %get3A_22 = arith.constant 0 : index
    %get3A_23 = arith.constant 0 : index
    %get3A_24 = vector.load %arg1[%get3A_21, %get3A_22, %get3A_23] : memref<16x128x512xf32, #tpu.memory_space<vmem>>, vector<1x128x512xf32>
    %get3A_25 = vector.shape_cast %get3A_24 : vector<1x128x512xf32> to vector<128x512xf32>
    %broadcast_in_dim3A_26 = vector.shape_cast %eq3A_20 : vector<128x1xi1> to vector<128x1xi1>
    %broadcast_in_dim3A_27 = vector.broadcast %broadcast_in_dim3A_26 : vector<128x1xi1> to vector<128x512xi1>
    %select_n3A_28 = arith.select %broadcast_in_dim3A_27, %get3A_4, %get3A_25 : vector<128x512xi1>, vector<128x512xf32>
    %swap3A_29 = arith.constant 1 : index
    %swap3A_30 = arith.constant 0 : index
    %swap3A_31 = arith.constant 0 : index
    %swap3A_32 = vector.load %arg8[%swap3A_29, %swap3A_30, %swap3A_31] : memref<16x128x512xf32, #tpu.memory_space<vmem>>, vector<1x128x512xf32>
    %swap3A_33 = vector.shape_cast %swap3A_32 : vector<1x128x512xf32> to vector<128x512xf32>
    %swap3A_34 = vector.shape_cast %select_n3A_28 : vector<128x512xf32> to vector<1x128x512xf32>
    tpu.vector_store %arg8[%swap3A_29, %swap3A_30, %swap3A_31], %swap3A_34 {strides = array<i32>} : memref<16x128x512xf32, #tpu.memory_space<vmem>>, vector<1x128x512xf32>,
    %eq3A_35 = arith.constant 2 : i32
    %eq3A_36 = vector.broadcast %eq3A_35 : i32 to vector<128x1xi32>
    %eq3A_37 = arith.cmpi eq, %get3A_1, %eq3A_36 : vector<128x1xi32>
    %get3A_38 = arith.constant 2 : index
    %get3A_39 = arith.constant 0 : index
    %get3A_40 = arith.constant 0 : index
    %get3A_41 = vector.load %arg1[%get3A_38, %get3A_39, %get3A_40] : memref<16x128x512xf32, #tpu.memory_space<vmem>>, vector<1x128x512xf32>
    %get3A_42 = vector.shape_cast %get3A_41 : vector<1x128x512xf32> to vector<128x512xf32>
    %broadcast_in_dim3A_43 = vector.shape_cast %eq3A_37 : vector<128x1xi1> to vector<128x1xi1>
    %broadcast_in_dim3A_44 = vector.broadcast %broadcast_in_dim3A_43 : vector<128x1xi1> to vector<128x512xi1>
    %select_n3A_45 = arith.select %broadcast_in_dim3A_44, %get3A_4, %get3A_42 : vector<128x512xi1>, vector<128x512xf32>
    %swap3A_46 = arith.constant 2 : index
    %swap3A_47 = arith.constant 0 : index
    %swap3A_48 = arith.constant 0 : index
    %swap3A_49 = vector.load %arg8[%swap3A_46, %swap3A_47, %swap3A_48] : memref<16x128x512xf32, #tpu.memory_space<vmem>>, vector<1x128x512xf32>
    %swap3A_50 = vector.shape_cast %swap3A_49 : vector<1x128x512xf32> to vector<128x512xf32>
    %swap3A_51 = vector.shape_cast %select_n3A_45 : vector<128x512xf32> to vector<1x128x512xf32>
    tpu.vector_store %arg8[%swap3A_46, %swap3A_47, %swap3A_48], %swap3A_51 {strides = array<i32>} : memref<16x128x512xf32, #tpu.memory_space<vmem>>, vector<1x128x512xf32>,
    %eq3A_52 = arith.constant 3 : i32
    %eq3A_53 = vector.broadcast %eq3A_52 : i32 to vector<128x1xi32>
    %eq3A_54 = arith.cmpi eq, %get3A_1, %eq3A_53 : vector<128x1xi32>
    %get3A_55 = arith.constant 3 : index
    %get3A_56 = arith.constant 0 : index
    %get3A_57 = arith.constant 0 : index
    %get3A_58 = vector.load %arg1[%get3A_55, %get3A_56, %get3A_57] : memref<16x128x512xf32, #tpu.memory_space<vmem>>, vector<1x128x512xf32>
    %get3A_59 = vector.shape_cast %get3A_58 : vector<1x128x512xf32> to vector<128x512xf32>
    %broadcast_in_dim3A_60 = vector.shape_cast %eq3A_54 : vector<128x1xi1> to vector<128x1xi1>
    %broadcast_in_dim3A_61 = vector.broadcast %broadcast_in_dim3A_60 : vector<128x1xi1> to vector<128x512xi1>
    %select_n3A_62 = arith.select %broadcast_in_dim3A_61, %get3A_4, %get3A_59 : vector<128x512xi1>, vector<128x512xf32>
    %swap3A_63 = arith.constant 3 : index
    %swap3A_64 = arith.constant 0 : index
    %swap3A_65 = arith.constant 0 : index
    %swap3A_66 = vector.load %arg8[%swap3A_63, %swap3A_64, %swap3A_65] : memref<16x128x512xf32, #tpu.memory_space<vmem>>, vector<1x128x512xf32>
    %swap3A_67 = vector.shape_cast %swap3A_66 : vector<1x128x512xf32> to vector<128x512xf32>
    %swap3A_68 = vector.shape_cast %select_n3A_62 : vector<128x512xf32> to vector<1x128x512xf32>
    tpu.vector_store %arg8[%swap3A_63, %swap3A_64, %swap3A_65], %swap3A_68 {strides = array<i32>} : memref<16x128x512xf32, #tpu.memory_space<vmem>>, vector<1x128x512xf32>,
    %eq3A_69 = arith.constant 4 : i32
    %eq3A_70 = vector.broadcast %eq3A_69 : i32 to vector<128x1xi32>
    %eq3A_71 = arith.cmpi eq, %get3A_1, %eq3A_70 : vector<128x1xi32>
    %get3A_72 = arith.constant 4 : index
    %get3A_73 = arith.constant 0 : index
    %get3A_74 = arith.constant 0 : index
    %get3A_75 = vector.load %arg1[%get3A_72, %get3A_73, %get3A_74] : memref<16x128x512xf32, #tpu.memory_space<vmem>>, vector<1x128x512xf32>
    %get3A_76 = vector.shape_cast %get3A_75 : vector<1x128x512xf32> to vector<128x512xf32>
    %broadcast_in_dim3A_77 = vector.shape_cast %eq3A_71 : vector<128x1xi1> to vector<128x1xi1>
    %broadcast_in_dim3A_78 = vector.broadcast %broadcast_in_dim3A_77 : vector<128x1xi1> to vector<128x512xi1>
    %select_n3A_79 = arith.select %broadcast_in_dim3A_78, %get3A_4, %get3A_76 : vector<128x512xi1>, vector<128x512xf32>
    %swap3A_80 = arith.constant 4 : index
    %swap3A_81 = arith.constant 0 : index
    %swap3A_82 = arith.constant 0 : index
    %swap3A_83 = vector.load %arg8[%swap3A_80, %swap3A_81, %swap3A_82] : memref<16x128x512xf32, #tpu.memory_space<vmem>>, vector<1x128x512xf32>
    %swap3A_84 = vector.shape_cast %swap3A_83 : vector<1x128x512xf32> to vector<128x512xf32>
    %swap3A_85 = vector.shape_cast %select_n3A_79 : vector<128x512xf32> to vector<1x128x512xf32>
    tpu.vector_store %arg8[%swap3A_80, %swap3A_81, %swap3A_82], %swap3A_85 {strides = array<i32>} : memref<16x128x512xf32, #tpu.memory_space<vmem>>, vector<1x128x512xf32>,
    %eq3A_86 = arith.constant 5 : i32
    %eq3A_87 = vector.broadcast %eq3A_86 : i32 to vector<128x1xi32>
    %eq3A_88 = arith.cmpi eq, %get3A_1, %eq3A_87 : vector<128x1xi32>
    %get3A_89 = arith.constant 5 : index
    %get3A_90 = arith.constant 0 : index
    %get3A_91 = arith.constant 0 : index
    %get3A_92 = vector.load %arg1[%get3A_89, %get3A_90, %get3A_91] : memref<16x128x512xf32, #tpu.memory_space<vmem>>, vector<1x128x512xf32>
    %get3A_93 = vector.shape_cast %get3A_92 : vector<1x128x512xf32> to vector<128x512xf32>
    %broadcast_in_dim3A_94 = vector.shape_cast %eq3A_88 : vector<128x1xi1> to vector<128x1xi1>
    %broadcast_in_dim3A_95 = vector.broadcast %broadcast_in_dim3A_94 : vector<128x1xi1> to vector<128x512xi1>
    %select_n3A_96 = arith.select %broadcast_in_dim3A_95, %get3A_4, %get3A_93 : vector<128x512xi1>, vector<128x512xf32>
    %swap3A_97 = arith.constant 5 : index
    %swap3A_98 = arith.constant 0 : index
    %swap3A_99 = arith.constant 0 : index
    %swap3A_100 = vector.load %arg8[%swap3A_97, %swap3A_98, %swap3A_99] : memref<16x128x512xf32, #tpu.memory_space<vmem>>, vector<1x128x512xf32>
    %swap3A_101 = vector.shape_cast %swap3A_100 : vector<1x128x512xf32> to vector<128x512xf32>
    %swap3A_102 = vector.shape_cast %select_n3A_96 : vector<128x512xf32> to vector<1x128x512xf32>
    tpu.vector_store %arg8[%swap3A_97, %swap3A_98, %swap3A_99], %swap3A_102 {strides = array<i32>} : memref<16x128x512xf32, #tpu.memory_space<vmem>>, vector<1x128x512xf32>,
    %eq3A_103 = arith.constant 6 : i32
    %eq3A_104 = vector.broadcast %eq3A_103 : i32 to vector<128x1xi32>
    %eq3A_105 = arith.cmpi eq, %get3A_1, %eq3A_104 : vector<128x1xi32>
    %get3A_106 = arith.constant 6 : index
    %get3A_107 = arith.constant 0 : index
    %get3A_108 = arith.constant 0 : index
    %get3A_109 = vector.load %arg1[%get3A_106, %get3A_107, %get3A_108] : memref<16x128x512xf32, #tpu.memory_space<vmem>>, vector<1x128x512xf32>
    %get3A_110 = vector.shape_cast %get3A_109 : vector<1x128x512xf32> to vector<128x512xf32>
    %broadcast_in_dim3A_111 = vector.shape_cast %eq3A_105 : vector<128x1xi1> to vector<128x1xi1>
    %broadcast_in_dim3A_112 = vector.broadcast %broadcast_in_dim3A_111 : vector<128x1xi1> to vector<128x512xi1>
    %select_n3A_113 = arith.select %broadcast_in_dim3A_112, %get3A_4, %get3A_110 : vector<128x512xi1>, vector<128x512xf32>
    %swap3A_114 = arith.constant 6 : index
    %swap3A_115 = arith.constant 0 : index
    %swap3A_116 = arith.constant 0 : index
    %swap3A_117 = vector.load %arg8[%swap3A_114, %swap3A_115, %swap3A_116] : memref<16x128x512xf32, #tpu.memory_space<vmem>>, vector<1x128x512xf32>
    %swap3A_118 = vector.shape_cast %swap3A_117 : vector<1x128x512xf32> to vector<128x512xf32>
    %swap3A_119 = vector.shape_cast %select_n3A_113 : vector<128x512xf32> to vector<1x128x512xf32>
    tpu.vector_store %arg8[%swap3A_114, %swap3A_115, %swap3A_116], %swap3A_119 {strides = array<i32>} : memref<16x128x512xf32, #tpu.memory_space<vmem>>, vector<1x128x512xf32>,
    %eq3A_120 = arith.constant 7 : i32
    %eq3A_121 = vector.broadcast %eq3A_120 : i32 to vector<128x1xi32>
    %eq3A_122 = arith.cmpi eq, %get3A_1, %eq3A_121 : vector<128x1xi32>
    %get3A_123 = arith.constant 7 : index
    %get3A_124 = arith.constant 0 : index
    %get3A_125 = arith.constant 0 : index
    %get3A_126 = vector.load %arg1[%get3A_123, %get3A_124, %get3A_125] : memref<16x128x512xf32, #tpu.memory_space<vmem>>, vector<1x128x512xf32>
    %get3A_127 = vector.shape_cast %get3A_126 : vector<1x128x512xf32> to vector<128x512xf32>
    %broadcast_in_dim3A_128 = vector.shape_cast %eq3A_122 : vector<128x1xi1> to vector<128x1xi1>
    %broadcast_in_dim3A_129 = vector.broadcast %broadcast_in_dim3A_128 : vector<128x1xi1> to vector<128x512xi1>
    %select_n3A_130 = arith.select %broadcast_in_dim3A_129, %get3A_4, %get3A_127 : vector<128x512xi1>, vector<128x512xf32>
    %swap3A_131 = arith.constant 7 : index
    %swap3A_132 = arith.constant 0 : index
    %swap3A_133 = arith.constant 0 : index
    %swap3A_134 = vector.load %arg8[%swap3A_131, %swap3A_132, %swap3A_133] : memref<16x128x512xf32, #tpu.memory_space<vmem>>, vector<1x128x512xf32>
    %swap3A_135 = vector.shape_cast %swap3A_134 : vector<1x128x512xf32> to vector<128x512xf32>
    %swap3A_136 = vector.shape_cast %select_n3A_130 : vector<128x512xf32> to vector<1x128x512xf32>
    tpu.vector_store %arg8[%swap3A_131, %swap3A_132, %swap3A_133], %swap3A_136 {strides = array<i32>} : memref<16x128x512xf32, #tpu.memory_space<vmem>>, vector<1x128x512xf32>,
    %eq3A_137 = arith.constant 8 : i32
    %eq3A_138 = vector.broadcast %eq3A_137 : i32 to vector<128x1xi32>
    %eq3A_139 = arith.cmpi eq, %get3A_1, %eq3A_138 : vector<128x1xi32>
    %get3A_140 = arith.constant 8 : index
    %get3A_141 = arith.constant 0 : index
    %get3A_142 = arith.constant 0 : index
    %get3A_143 = vector.load %arg1[%get3A_140, %get3A_141, %get3A_142] : memref<16x128x512xf32, #tpu.memory_space<vmem>>, vector<1x128x512xf32>
    %get3A_144 = vector.shape_cast %get3A_143 : vector<1x128x512xf32> to vector<128x512xf32>
    %broadcast_in_dim3A_145 = vector.shape_cast %eq3A_139 : vector<128x1xi1> to vector<128x1xi1>
    %broadcast_in_dim3A_146 = vector.broadcast %broadcast_in_dim3A_145 : vector<128x1xi1> to vector<128x512xi1>
    %select_n3A_147 = arith.select %broadcast_in_dim3A_146, %get3A_4, %get3A_144 : vector<128x512xi1>, vector<128x512xf32>
    %swap3A_148 = arith.constant 8 : index
    %swap3A_149 = arith.constant 0 : index
    %swap3A_150 = arith.constant 0 : index
    %swap3A_151 = vector.load %arg8[%swap3A_148, %swap3A_149, %swap3A_150] : memref<16x128x512xf32, #tpu.memory_space<vmem>>, vector<1x128x512xf32>
    %swap3A_152 = vector.shape_cast %swap3A_151 : vector<1x128x512xf32> to vector<128x512xf32>
    %swap3A_153 = vector.shape_cast %select_n3A_147 : vector<128x512xf32> to vector<1x128x512xf32>
    tpu.vector_store %arg8[%swap3A_148, %swap3A_149, %swap3A_150], %swap3A_153 {strides = array<i32>} : memref<16x128x512xf32, #tpu.memory_space<vmem>>, vector<1x128x512xf32>,
    %eq3A_154 = arith.constant 9 : i32
    %eq3A_155 = vector.broadcast %eq3A_154 : i32 to vector<128x1xi32>
    %eq3A_156 = arith.cmpi eq, %get3A_1, %eq3A_155 : vector<128x1xi32>
    %get3A_157 = arith.constant 9 : index
    %get3A_158 = arith.constant 0 : index
    %get3A_159 = arith.constant 0 : index
    %get3A_160 = vector.load %arg1[%get3A_157, %get3A_158, %get3A_159] : memref<16x128x512xf32, #tpu.memory_space<vmem>>, vector<1x128x512xf32>
    %get3A_161 = vector.shape_cast %get3A_160 : vector<1x128x512xf32> to vector<128x512xf32>
    %broadcast_in_dim3A_162 = vector.shape_cast %eq3A_156 : vector<128x1xi1> to vector<128x1xi1>
    %broadcast_in_dim3A_163 = vector.broadcast %broadcast_in_dim3A_162 : vector<128x1xi1> to vector<128x512xi1>
    %select_n3A_164 = arith.select %broadcast_in_dim3A_163, %get3A_4, %get3A_161 : vector<128x512xi1>, vector<128x512xf32>
    %swap3A_165 = arith.constant 9 : index
    %swap3A_166 = arith.constant 0 : index
    %swap3A_167 = arith.constant 0 : index
    %swap3A_168 = vector.load %arg8[%swap3A_165, %swap3A_166, %swap3A_167] : memref<16x128x512xf32, #tpu.memory_space<vmem>>, vector<1x128x512xf32>
    %swap3A_169 = vector.shape_cast %swap3A_168 : vector<1x128x512xf32> to vector<128x512xf32>
    %swap3A_170 = vector.shape_cast %select_n3A_164 : vector<128x512xf32> to vector<1x128x512xf32>
    tpu.vector_store %arg8[%swap3A_165, %swap3A_166, %swap3A_167], %swap3A_170 {strides = array<i32>} : memref<16x128x512xf32, #tpu.memory_space<vmem>>, vector<1x128x512xf32>,
    %eq3A_171 = arith.constant 10 : i32
    %eq3A_172 = vector.broadcast %eq3A_171 : i32 to vector<128x1xi32>
    %eq3A_173 = arith.cmpi eq, %get3A_1, %eq3A_172 : vector<128x1xi32>
    %get3A_174 = arith.constant 10 : index
    %get3A_175 = arith.constant 0 : index
    %get3A_176 = arith.constant 0 : index
    %get3A_177 = vector.load %arg1[%get3A_174, %get3A_175, %get3A_176] : memref<16x128x512xf32, #tpu.memory_space<vmem>>, vector<1x128x512xf32>
    %get3A_178 = vector.shape_cast %get3A_177 : vector<1x128x512xf32> to vector<128x512xf32>
    %broadcast_in_dim3A_179 = vector.shape_cast %eq3A_173 : vector<128x1xi1> to vector<128x1xi1>
    %broadcast_in_dim3A_180 = vector.broadcast %broadcast_in_dim3A_179 : vector<128x1xi1> to vector<128x512xi1>
    %select_n3A_181 = arith.select %broadcast_in_dim3A_180, %get3A_4, %get3A_178 : vector<128x512xi1>, vector<128x512xf32>
    %swap3A_182 = arith.constant 10 : index
    %swap3A_183 = arith.constant 0 : index
    %swap3A_184 = arith.constant 0 : index
    %swap3A_185 = vector.load %arg8[%swap3A_182, %swap3A_183, %swap3A_184] : memref<16x128x512xf32, #tpu.memory_space<vmem>>, vector<1x128x512xf32>
    %swap3A_186 = vector.shape_cast %swap3A_185 : vector<1x128x512xf32> to vector<128x512xf32>
    %swap3A_187 = vector.shape_cast %select_n3A_181 : vector<128x512xf32> to vector<1x128x512xf32>
    tpu.vector_store %arg8[%swap3A_182, %swap3A_183, %swap3A_184], %swap3A_187 {strides = array<i32>} : memref<16x128x512xf32, #tpu.memory_space<vmem>>, vector<1x128x512xf32>,
    %eq3A_188 = arith.constant 11 : i32
    %eq3A_189 = vector.broadcast %eq3A_188 : i32 to vector<128x1xi32>
    %eq3A_190 = arith.cmpi eq, %get3A_1, %eq3A_189 : vector<128x1xi32>
    %get3A_191 = arith.constant 11 : index
    %get3A_192 = arith.constant 0 : index
    %get3A_193 = arith.constant 0 : index
    %get3A_194 = vector.load %arg1[%get3A_191, %get3A_192, %get3A_193] : memref<16x128x512xf32, #tpu.memory_space<vmem>>, vector<1x128x512xf32>
    %get3A_195 = vector.shape_cast %get3A_194 : vector<1x128x512xf32> to vector<128x512xf32>
    %broadcast_in_dim3A_196 = vector.shape_cast %eq3A_190 : vector<128x1xi1> to vector<128x1xi1>
    %broadcast_in_dim3A_197 = vector.broadcast %broadcast_in_dim3A_196 : vector<128x1xi1> to vector<128x512xi1>
    %select_n3A_198 = arith.select %broadcast_in_dim3A_197, %get3A_4, %get3A_195 : vector<128x512xi1>, vector<128x512xf32>
    %swap3A_199 = arith.constant 11 : index
    %swap3A_200 = arith.constant 0 : index
    %swap3A_201 = arith.constant 0 : index
    %swap3A_202 = vector.load %arg8[%swap3A_199, %swap3A_200, %swap3A_201] : memref<16x128x512xf32, #tpu.memory_space<vmem>>, vector<1x128x512xf32>
    %swap3A_203 = vector.shape_cast %swap3A_202 : vector<1x128x512xf32> to vector<128x512xf32>
    %swap3A_204 = vector.shape_cast %select_n3A_198 : vector<128x512xf32> to vector<1x128x512xf32>
    tpu.vector_store %arg8[%swap3A_199, %swap3A_200, %swap3A_201], %swap3A_204 {strides = array<i32>} : memref<16x128x512xf32, #tpu.memory_space<vmem>>, vector<1x128x512xf32>,
    %eq3A_205 = arith.constant 12 : i32
    %eq3A_206 = vector.broadcast %eq3A_205 : i32 to vector<128x1xi32>
    %eq3A_207 = arith.cmpi eq, %get3A_1, %eq3A_206 : vector<128x1xi32>
    %get3A_208 = arith.constant 12 : index
    %get3A_209 = arith.constant 0 : index
    %get3A_210 = arith.constant 0 : index
    %get3A_211 = vector.load %arg1[%get3A_208, %get3A_209, %get3A_210] : memref<16x128x512xf32, #tpu.memory_space<vmem>>, vector<1x128x512xf32>
    %get3A_212 = vector.shape_cast %get3A_211 : vector<1x128x512xf32> to vector<128x512xf32>
    %broadcast_in_dim3A_213 = vector.shape_cast %eq3A_207 : vector<128x1xi1> to vector<128x1xi1>
    %broadcast_in_dim3A_214 = vector.broadcast %broadcast_in_dim3A_213 : vector<128x1xi1> to vector<128x512xi1>
    %select_n3A_215 = arith.select %broadcast_in_dim3A_214, %get3A_4, %get3A_212 : vector<128x512xi1>, vector<128x512xf32>
    %swap3A_216 = arith.constant 12 : index
    %swap3A_217 = arith.constant 0 : index
    %swap3A_218 = arith.constant 0 : index
    %swap3A_219 = vector.load %arg8[%swap3A_216, %swap3A_217, %swap3A_218] : memref<16x128x512xf32, #tpu.memory_space<vmem>>, vector<1x128x512xf32>
    %swap3A_220 = vector.shape_cast %swap3A_219 : vector<1x128x512xf32> to vector<128x512xf32>
    %swap3A_221 = vector.shape_cast %select_n3A_215 : vector<128x512xf32> to vector<1x128x512xf32>
    tpu.vector_store %arg8[%swap3A_216, %swap3A_217, %swap3A_218], %swap3A_221 {strides = array<i32>} : memref<16x128x512xf32, #tpu.memory_space<vmem>>, vector<1x128x512xf32>,
    %eq3A_222 = arith.constant 13 : i32
    %eq3A_223 = vector.broadcast %eq3A_222 : i32 to vector<128x1xi32>
    %eq3A_224 = arith.cmpi eq, %get3A_1, %eq3A_223 : vector<128x1xi32>
    %get3A_225 = arith.constant 13 : index
    %get3A_226 = arith.constant 0 : index
    %get3A_227 = arith.constant 0 : index
    %get3A_228 = vector.load %arg1[%get3A_225, %get3A_226, %get3A_227] : memref<16x128x512xf32, #tpu.memory_space<vmem>>, vector<1x128x512xf32>
    %get3A_229 = vector.shape_cast %get3A_228 : vector<1x128x512xf32> to vector<128x512xf32>
    %broadcast_in_dim3A_230 = vector.shape_cast %eq3A_224 : vector<128x1xi1> to vector<128x1xi1>
    %broadcast_in_dim3A_231 = vector.broadcast %broadcast_in_dim3A_230 : vector<128x1xi1> to vector<128x512xi1>
    %select_n3A_232 = arith.select %broadcast_in_dim3A_231, %get3A_4, %get3A_229 : vector<128x512xi1>, vector<128x512xf32>
    %swap3A_233 = arith.constant 13 : index
    %swap3A_234 = arith.constant 0 : index
    %swap3A_235 = arith.constant 0 : index
    %swap3A_236 = vector.load %arg8[%swap3A_233, %swap3A_234, %swap3A_235] : memref<16x128x512xf32, #tpu.memory_space<vmem>>, vector<1x128x512xf32>
    %swap3A_237 = vector.shape_cast %swap3A_236 : vector<1x128x512xf32> to vector<128x512xf32>
    %swap3A_238 = vector.shape_cast %select_n3A_232 : vector<128x512xf32> to vector<1x128x512xf32>
    tpu.vector_store %arg8[%swap3A_233, %swap3A_234, %swap3A_235], %swap3A_238 {strides = array<i32>} : memref<16x128x512xf32, #tpu.memory_space<vmem>>, vector<1x128x512xf32>,
    %eq3A_239 = arith.constant 14 : i32
    %eq3A_240 = vector.broadcast %eq3A_239 : i32 to vector<128x1xi32>
    %eq3A_241 = arith.cmpi eq, %get3A_1, %eq3A_240 : vector<128x1xi32>
    %get3A_242 = arith.constant 14 : index
    %get3A_243 = arith.constant 0 : index
    %get3A_244 = arith.constant 0 : index
    %get3A_245 = vector.load %arg1[%get3A_242, %get3A_243, %get3A_244] : memref<16x128x512xf32, #tpu.memory_space<vmem>>, vector<1x128x512xf32>
    %get3A_246 = vector.shape_cast %get3A_245 : vector<1x128x512xf32> to vector<128x512xf32>
    %broadcast_in_dim3A_247 = vector.shape_cast %eq3A_241 : vector<128x1xi1> to vector<128x1xi1>
    %broadcast_in_dim3A_248 = vector.broadcast %broadcast_in_dim3A_247 : vector<128x1xi1> to vector<128x512xi1>
    %select_n3A_249 = arith.select %broadcast_in_dim3A_248, %get3A_4, %get3A_246 : vector<128x512xi1>, vector<128x512xf32>
    %swap3A_250 = arith.constant 14 : index
    %swap3A_251 = arith.constant 0 : index
    %swap3A_252 = arith.constant 0 : index
    %swap3A_253 = vector.load %arg8[%swap3A_250, %swap3A_251, %swap3A_252] : memref<16x128x512xf32, #tpu.memory_space<vmem>>, vector<1x128x512xf32>
    %swap3A_254 = vector.shape_cast %swap3A_253 : vector<1x128x512xf32> to vector<128x512xf32>
    %swap3A_255 = vector.shape_cast %select_n3A_249 : vector<128x512xf32> to vector<1x128x512xf32>
    tpu.vector_store %arg8[%swap3A_250, %swap3A_251, %swap3A_252], %swap3A_255 {strides = array<i32>} : memref<16x128x512xf32, #tpu.memory_space<vmem>>, vector<1x128x512xf32>,
    %eq3A_256 = arith.constant 15 : i32
    %eq3A_257 = vector.broadcast %eq3A_256 : i32 to vector<128x1xi32>
    %eq3A_258 = arith.cmpi eq, %get3A_1, %eq3A_257 : vector<128x1xi32>
    %get3A_259 = arith.constant 15 : index
    %get3A_260 = arith.constant 0 : index
    %get3A_261 = arith.constant 0 : index
    %get3A_262 = vector.load %arg1[%get3A_259, %get3A_260, %get3A_261] : memref<16x128x512xf32, #tpu.memory_space<vmem>>, vector<1x128x512xf32>
    %get3A_263 = vector.shape_cast %get3A_262 : vector<1x128x512xf32> to vector<128x512xf32>
    %broadcast_in_dim3A_264 = vector.shape_cast %eq3A_258 : vector<128x1xi1> to vector<128x1xi1>
    %broadcast_in_dim3A_265 = vector.broadcast %broadcast_in_dim3A_264 : vector<128x1xi1> to vector<128x512xi1>
    %select_n3A_266 = arith.select %broadcast_in_dim3A_265, %get3A_4, %get3A_263 : vector<128x512xi1>, vector<128x512xf32>
    %swap3A_267 = arith.constant 15 : index
    %swap3A_268 = arith.constant 0 : index
    %swap3A_269 = arith.constant 0 : index
    %swap3A_270 = vector.load %arg8[%swap3A_267, %swap3A_268, %swap3A_269] : memref<16x128x512xf32, #tpu.memory_space<vmem>>, vector<1x128x512xf32>
    %swap3A_271 = vector.shape_cast %swap3A_270 : vector<1x128x512xf32> to vector<128x512xf32>
    %swap3A_272 = vector.shape_cast %select_n3A_266 : vector<128x512xf32> to vector<1x128x512xf32>
    tpu.vector_store %arg8[%swap3A_267, %swap3A_268, %swap3A_269], %swap3A_272 {strides = array<i32>} : memref<16x128x512xf32, #tpu.memory_space<vmem>>, vector<1x128x512xf32>,
    %get3A_273 = arith.constant 0 : index
    %get3A_274 = arith.constant 0 : index
    %get3A_275 = arith.constant 0 : index
    %get3A_276 = vector.load %arg8[%get3A_273, %get3A_274, %get3A_275] : memref<16x128x512xf32, #tpu.memory_space<vmem>>, vector<1x128x512xf32>
    %get3A_277 = vector.shape_cast %get3A_276 : vector<1x128x512xf32> to vector<128x512xf32>
    %get3A_278 = arith.constant 1 : index
    %get3A_279 = arith.constant 0 : index
    %get3A_280 = arith.constant 0 : index
    %get3A_281 = vector.load %arg8[%get3A_278, %get3A_279, %get3A_280] : memref<16x128x512xf32, #tpu.memory_space<vmem>>, vector<1x128x512xf32>
    %get3A_282 = vector.shape_cast %get3A_281 : vector<1x128x512xf32> to vector<128x512xf32>
    %get3A_283 = arith.constant 2 : index
    %get3A_284 = arith.constant 0 : index
    %get3A_285 = arith.constant 0 : index
    %get3A_286 = vector.load %arg8[%get3A_283, %get3A_284, %get3A_285] : memref<16x128x512xf32, #tpu.memory_space<vmem>>, vector<1x128x512xf32>
    %get3A_287 = vector.shape_cast %get3A_286 : vector<1x128x512xf32> to vector<128x512xf32>
    %get3A_288 = arith.constant 3 : index
    %get3A_289 = arith.constant 0 : index
    %get3A_290 = arith.constant 0 : index
    %get3A_291 = vector.load %arg8[%get3A_288, %get3A_289, %get3A_290] : memref<16x128x512xf32, #tpu.memory_space<vmem>>, vector<1x128x512xf32>
    %get3A_292 = vector.shape_cast %get3A_291 : vector<1x128x512xf32> to vector<128x512xf32>
    %get3A_293 = arith.constant 4 : index
    %get3A_294 = arith.constant 0 : index
    %get3A_295 = arith.constant 0 : index
    %get3A_296 = vector.load %arg8[%get3A_293, %get3A_294, %get3A_295] : memref<16x128x512xf32, #tpu.memory_space<vmem>>, vector<1x128x512xf32>
    %get3A_297 = vector.shape_cast %get3A_296 : vector<1x128x512xf32> to vector<128x512xf32>
    %get3A_298 = arith.constant 5 : index
    %get3A_299 = arith.constant 0 : index
    %get3A_300 = arith.constant 0 : index
    %get3A_301 = vector.load %arg8[%get3A_298, %get3A_299, %get3A_300] : memref<16x128x512xf32, #tpu.memory_space<vmem>>, vector<1x128x512xf32>
    %get3A_302 = vector.shape_cast %get3A_301 : vector<1x128x512xf32> to vector<128x512xf32>
    %get3A_303 = arith.constant 6 : index
    %get3A_304 = arith.constant 0 : index
    %get3A_305 = arith.constant 0 : index
    %get3A_306 = vector.load %arg8[%get3A_303, %get3A_304, %get3A_305] : memref<16x128x512xf32, #tpu.memory_space<vmem>>, vector<1x128x512xf32>
    %get3A_307 = vector.shape_cast %get3A_306 : vector<1x128x512xf32> to vector<128x512xf32>
    %get3A_308 = arith.constant 7 : index
    %get3A_309 = arith.constant 0 : index
    %get3A_310 = arith.constant 0 : index
    %get3A_311 = vector.load %arg8[%get3A_308, %get3A_309, %get3A_310] : memref<16x128x512xf32, #tpu.memory_space<vmem>>, vector<1x128x512xf32>
    %get3A_312 = vector.shape_cast %get3A_311 : vector<1x128x512xf32> to vector<128x512xf32>
    %get3A_313 = arith.constant 8 : index
    %get3A_314 = arith.constant 0 : index
    %get3A_315 = arith.constant 0 : index
    %get3A_316 = vector.load %arg8[%get3A_313, %get3A_314, %get3A_315] : memref<16x128x512xf32, #tpu.memory_space<vmem>>, vector<1x128x512xf32>
    %get3A_317 = vector.shape_cast %get3A_316 : vector<1x128x512xf32> to vector<128x512xf32>
    %get3A_318 = arith.constant 9 : index
    %get3A_319 = arith.constant 0 : index
    %get3A_320 = arith.constant 0 : index
    %get3A_321 = vector.load %arg8[%get3A_318, %get3A_319, %get3A_320] : memref<16x128x512xf32, #tpu.memory_space<vmem>>, vector<1x128x512xf32>
    %get3A_322 = vector.shape_cast %get3A_321 : vector<1x128x512xf32> to vector<128x512xf32>
    %get3A_323 = arith.constant 10 : index
    %get3A_324 = arith.constant 0 : index
    %get3A_325 = arith.constant 0 : index
    %get3A_326 = vector.load %arg8[%get3A_323, %get3A_324, %get3A_325] : memref<16x128x512xf32, #tpu.memory_space<vmem>>, vector<1x128x512xf32>
    %get3A_327 = vector.shape_cast %get3A_326 : vector<1x128x512xf32> to vector<128x512xf32>
    %get3A_328 = arith.constant 11 : index
    %get3A_329 = arith.constant 0 : index
    %get3A_330 = arith.constant 0 : index
    %get3A_331 = vector.load %arg8[%get3A_328, %get3A_329, %get3A_330] : memref<16x128x512xf32, #tpu.memory_space<vmem>>, vector<1x128x512xf32>
    %get3A_332 = vector.shape_cast %get3A_331 : vector<1x128x512xf32> to vector<128x512xf32>
    %get3A_333 = arith.constant 12 : index
    %get3A_334 = arith.constant 0 : index
    %get3A_335 = arith.constant 0 : index
    %get3A_336 = vector.load %arg8[%get3A_333, %get3A_334, %get3A_335] : memref<16x128x512xf32, #tpu.memory_space<vmem>>, vector<1x128x512xf32>
    %get3A_337 = vector.shape_cast %get3A_336 : vector<1x128x512xf32> to vector<128x512xf32>
    %get3A_338 = arith.constant 13 : index
    %get3A_339 = arith.constant 0 : index
    %get3A_340 = arith.constant 0 : index
    %get3A_341 = vector.load %arg8[%get3A_338, %get3A_339, %get3A_340] : memref<16x128x512xf32, #tpu.memory_space<vmem>>, vector<1x128x512xf32>
    %get3A_342 = vector.shape_cast %get3A_341 : vector<1x128x512xf32> to vector<128x512xf32>
    %get3A_343 = arith.constant 14 : index
    %get3A_344 = arith.constant 0 : index
    %get3A_345 = arith.constant 0 : index
    %get3A_346 = vector.load %arg8[%get3A_343, %get3A_344, %get3A_345] : memref<16x128x512xf32, #tpu.memory_space<vmem>>, vector<1x128x512xf32>
    %get3A_347 = vector.shape_cast %get3A_346 : vector<1x128x512xf32> to vector<128x512xf32>
    %get3A_348 = arith.constant 15 : index
    %get3A_349 = arith.constant 0 : index
    %get3A_350 = arith.constant 0 : index
    %get3A_351 = vector.load %arg8[%get3A_348, %get3A_349, %get3A_350] : memref<16x128x512xf32, #tpu.memory_space<vmem>>, vector<1x128x512xf32>
    %get3A_352 = vector.shape_cast %get3A_351 : vector<1x128x512xf32> to vector<128x512xf32>
    %get3A_353 = arith.constant 0 : index
    %get3A_354 = arith.constant 0 : index
    %get3A_355 = arith.constant 0 : index
    %get3A_356 = vector.load %arg8[%get3A_353, %get3A_354, %get3A_355] : memref<16x128x512xf32, #tpu.memory_space<vmem>>, vector<16x128x512xf32>
    %reshape3A = vector.shape_cast %get3A_356 : vector<16x128x512xf32> to vector<2048x512xf32>
    %convert_element_type3A = arith.truncf %reshape3A : vector<2048x512xf32> to vector<2048x512xbf16>
    %get3A_357 = arith.constant 0 : index
    %get3A_358 = arith.constant 0 : index
    %get3A_359 = vector.load %arg4[%get3A_357, %get3A_358] : memref<512x64xbf16, #tpu.memory_space<vmem>>, vector<512x64xbf16>
    %dot_general3A = arith.constant dense<0.000000e+00> : vector<2048x64xf32>
    %dot_general3A_360 = tpu.matmul %convert_element_type3A, %get3A_359, %dot_general3A {dimension_numbers = #tpu.dot_dimension_numbers<[1], [0], [0], [1], [0, 0, 1, 1], [], []>, transpose_lhs_hint = false} : vector<2048x512xbf16>, vector<512x64xbf16>, vector<2048x64xf32> -> vector<2048x64xf32>
    %get3A_361 = arith.constant 0 : index
    %get3A_362 = arith.constant 0 : index
    %get3A_363 = vector.load %arg6[%get3A_361, %get3A_362] : memref<8x64xf32, #tpu.memory_space<vmem>>, vector<8x64xf32>
    %convert_element_type3A_364 = arith.truncf %get3A_363 : vector<8x64xf32> to vector<8x64xbf16>
    %get3A_365 = arith.constant 0 : index
    %get3A_366 = arith.constant 0 : index
    %get3A_367 = vector.load %arg5[%get3A_365, %get3A_366] : memref<64x32xbf16, #tpu.memory_space<vmem>>, vector<64x32xbf16>
    %dot_general3A_368 = arith.constant dense<0.000000e+00> : vector<8x32xf32>
    %dot_general3A_369 = tpu.matmul %convert_element_type3A_364, %get3A_367, %dot_general3A_368 {dimension_numbers = #tpu.dot_dimension_numbers<[1], [0], [0], [1], [0, 0, 1, 1], [], []>, transpose_lhs_hint = false} : vector<8x64xbf16>, vector<64x32xbf16>, vector<8x32xf32> -> vector<8x32xf32>
    %slice3A = vector.extract_strided_slice %dot_general3A_360 {offsets = [0, 0], sizes = [2048, 32], strides = [1, 1]} : vector<2048x64xf32> to vector<2048x32xf32>
    %convert_element_type3A_370 = arith.truncf %slice3A : vector<2048x32xf32> to vector<2048x32xbf16>
    %convert_element_type3A_371 = arith.truncf %dot_general3A_369 : vector<8x32xf32> to vector<8x32xbf16>
    %dot_general3A_372 = arith.constant dense<0.000000e+00> : vector<2048x8xf32>
    %dot_general3A_373 = tpu.matmul %convert_element_type3A_370, %convert_element_type3A_371, %dot_general3A_372 {dimension_numbers = #tpu.dot_dimension_numbers<[1], [1], [0], [0], [0, 0, 1, 0], [], []>, transpose_lhs_hint = false} : vector<2048x32xbf16>, vector<8x32xbf16>, vector<2048x8xf32> -> vector<2048x8xf32>
    %slice3A_374 = vector.extract_strided_slice %dot_general3A_373 {offsets = [0, 0], sizes = [128, 8], strides = [1, 1]} : vector<2048x8xf32> to vector<128x8xf32>
    %slice3A_375 = vector.extract_strided_slice %dot_general3A_373 {offsets = [128, 0], sizes = [128, 8], strides = [1, 1]} : vector<2048x8xf32> to vector<128x8xf32>
    %slice3A_376 = vector.extract_strided_slice %dot_general3A_373 {offsets = [256, 0], sizes = [128, 8], strides = [1, 1]} : vector<2048x8xf32> to vector<128x8xf32>
    %slice3A_377 = vector.extract_strided_slice %dot_general3A_373 {offsets = [384, 0], sizes = [128, 8], strides = [1, 1]} : vector<2048x8xf32> to vector<128x8xf32>
    %slice3A_378 = vector.extract_strided_slice %dot_general3A_373 {offsets = [512, 0], sizes = [128, 8], strides = [1, 1]} : vector<2048x8xf32> to vector<128x8xf32>
    %slice3A_379 = vector.extract_strided_slice %dot_general3A_373 {offsets = [640, 0], sizes = [128, 8], strides = [1, 1]} : vector<2048x8xf32> to vector<128x8xf32>
    %slice3A_380 = vector.extract_strided_slice %dot_general3A_373 {offsets = [768, 0], sizes = [128, 8], strides = [1, 1]} : vector<2048x8xf32> to vector<128x8xf32>
    %slice3A_381 = vector.extract_strided_slice %dot_general3A_373 {offsets = [896, 0], sizes = [128, 8], strides = [1, 1]} : vector<2048x8xf32> to vector<128x8xf32>
    %slice3A_382 = vector.extract_strided_slice %dot_general3A_373 {offsets = [1024, 0], sizes = [128, 8], strides = [1, 1]} : vector<2048x8xf32> to vector<128x8xf32>
    %slice3A_383 = vector.extract_strided_slice %dot_general3A_373 {offsets = [1152, 0], sizes = [128, 8], strides = [1, 1]} : vector<2048x8xf32> to vector<128x8xf32>
    %slice3A_384 = vector.extract_strided_slice %dot_general3A_373 {offsets = [1280, 0], sizes = [128, 8], strides = [1, 1]} : vector<2048x8xf32> to vector<128x8xf32>
    %slice3A_385 = vector.extract_strided_slice %dot_general3A_373 {offsets = [1408, 0], sizes = [128, 8], strides = [1, 1]} : vector<2048x8xf32> to vector<128x8xf32>
    %slice3A_386 = vector.extract_strided_slice %dot_general3A_373 {offsets = [1536, 0], sizes = [128, 8], strides = [1, 1]} : vector<2048x8xf32> to vector<128x8xf32>
    %slice3A_387 = vector.extract_strided_slice %dot_general3A_373 {offsets = [1664, 0], sizes = [128, 8], strides = [1, 1]} : vector<2048x8xf32> to vector<128x8xf32>
    %slice3A_388 = vector.extract_strided_slice %dot_general3A_373 {offsets = [1792, 0], sizes = [128, 8], strides = [1, 1]} : vector<2048x8xf32> to vector<128x8xf32>
    %slice3A_389 = vector.extract_strided_slice %dot_general3A_373 {offsets = [1920, 0], sizes = [128, 8], strides = [1, 1]} : vector<2048x8xf32> to vector<128x8xf32>
    %concatenate3A = tpu.concatenate %slice3A_374, %slice3A_375, %slice3A_376, %slice3A_377, %slice3A_378, %slice3A_379, %slice3A_380, %slice3A_381, %slice3A_382, %slice3A_383, %slice3A_384, %slice3A_385, %slice3A_386, %slice3A_387, %slice3A_388, %slice3A_389 in 1 : vector<128x8xf32>, vector<128x8xf32>, vector<128x8xf32>, vector<128x8xf32>, vector<128x8xf32>, vector<128x8xf32>, vector<128x8xf32>, vector<128x8xf32>, vector<128x8xf32>, vector<128x8xf32>, vector<128x8xf32>, vector<128x8xf32>, vector<128x8xf32>, vector<128x8xf32>, vector<128x8xf32>, vector<128x8xf32> -> vector<128x128xf32>
    %mul3A = arith.constant 0.176776692 : f32
    %mul3A_390 = vector.broadcast %mul3A : f32 to vector<128x128xf32>
    %mul3A_391 = arith.mulf %concatenate3A, %mul3A_390 : vector<128x128xf32>
    %reduce_max3A = arith.constant dense<0xFF800000> : vector<128xf32>
    %reduce_max3A_392 = vector.multi_reduction <maximumf>, %mul3A_391, %reduce_max3A [1] : vector<128x128xf32> to vector<128xf32>
    %broadcast_in_dim3A_393 = vector.shape_cast %reduce_max3A_392 : vector<128xf32> to vector<128x1xf32>
    %iota3A = tpu.iota {dimensions = array<i32: 1>} : vector<128x128xi32>
    %eq3A_394 = vector.broadcast %broadcast_in_dim3A_393 : vector<128x1xf32> to vector<128x128xf32>
    %eq3A_395 = arith.cmpf oeq, %mul3A_391, %eq3A_394 : vector<128x128xf32>
    %jit3A = arith.constant 128 : i32
    %broadcast_in_dim3A_396 = vector.broadcast %jit3A : i32 to vector<128x128xi32>
    %select_n3A_397 = arith.select %eq3A_395, %iota3A, %broadcast_in_dim3A_396 : vector<128x128xi1>, vector<128x128xi32>
    %reduce_min3A = arith.constant dense<2147483647> : vector<128xi32>
    %reduce_min3A_398 = vector.multi_reduction <minsi>, %select_n3A_397, %reduce_min3A [1] : vector<128x128xi32> to vector<128xi32>
    %broadcast_in_dim3A_399 = vector.shape_cast %reduce_min3A_398 : vector<128xi32> to vector<128x1xi32>
    %shift_right_arithmetic3A = arith.constant 3 : i32
    %shift_right_arithmetic3A_400 = vector.broadcast %shift_right_arithmetic3A : i32 to vector<128x1xi32>
    %shift_right_arithmetic3A_401 = arith.shrsi %broadcast_in_dim3A_399, %shift_right_arithmetic3A_400 : vector<128x1xi32>
    %and3A = arith.constant 7 : i32
    %and3A_402 = vector.broadcast %and3A : i32 to vector<128x1xi32>
    %and3A_403 = arith.andi %broadcast_in_dim3A_399, %and3A_402 : vector<128x1xi32>
    %broadcast_in_dim3A_404 = arith.constant 0.000000e+00 : f32
    %broadcast_in_dim3A_405 = vector.broadcast %broadcast_in_dim3A_404 : f32 to vector<128x512xf32>
    %eq3A_406 = arith.constant 0 : i32
    %eq3A_407 = vector.broadcast %eq3A_406 : i32 to vector<128x1xi32>
    %eq3A_408 = arith.cmpi eq, %shift_right_arithmetic3A_401, %eq3A_407 : vector<128x1xi32>
    %jit3A_409 = arith.constant 0.000000e+00 : f32
    %broadcast_in_dim3A_410 = vector.shape_cast %eq3A_408 : vector<128x1xi1> to vector<128x1xi1>
    %broadcast_in_dim3A_411 = vector.broadcast %broadcast_in_dim3A_410 : vector<128x1xi1> to vector<128x512xi1>
    %broadcast_in_dim3A_412 = vector.broadcast %jit3A_409 : f32 to vector<128x512xf32>
    %select_n3A_413 = arith.select %broadcast_in_dim3A_411, %get3A_277, %broadcast_in_dim3A_412 : vector<128x512xi1>, vector<128x512xf32>
    %add3A = arith.addf %broadcast_in_dim3A_405, %select_n3A_413 : vector<128x512xf32>
    %eq3A_414 = arith.constant 1 : i32
    %eq3A_415 = vector.broadcast %eq3A_414 : i32 to vector<128x1xi32>
    %eq3A_416 = arith.cmpi eq, %shift_right_arithmetic3A_401, %eq3A_415 : vector<128x1xi32>
    %jit3A_417 = arith.constant 0.000000e+00 : f32
    %broadcast_in_dim3A_418 = vector.shape_cast %eq3A_416 : vector<128x1xi1> to vector<128x1xi1>
    %broadcast_in_dim3A_419 = vector.broadcast %broadcast_in_dim3A_418 : vector<128x1xi1> to vector<128x512xi1>
    %broadcast_in_dim3A_420 = vector.broadcast %jit3A_417 : f32 to vector<128x512xf32>
    %select_n3A_421 = arith.select %broadcast_in_dim3A_419, %get3A_282, %broadcast_in_dim3A_420 : vector<128x512xi1>, vector<128x512xf32>
    %add3A_422 = arith.addf %add3A, %select_n3A_421 : vector<128x512xf32>
    %eq3A_423 = arith.constant 2 : i32
    %eq3A_424 = vector.broadcast %eq3A_423 : i32 to vector<128x1xi32>
    %eq3A_425 = arith.cmpi eq, %shift_right_arithmetic3A_401, %eq3A_424 : vector<128x1xi32>
    %jit3A_426 = arith.constant 0.000000e+00 : f32
    %broadcast_in_dim3A_427 = vector.shape_cast %eq3A_425 : vector<128x1xi1> to vector<128x1xi1>
    %broadcast_in_dim3A_428 = vector.broadcast %broadcast_in_dim3A_427 : vector<128x1xi1> to vector<128x512xi1>
    %broadcast_in_dim3A_429 = vector.broadcast %jit3A_426 : f32 to vector<128x512xf32>
    %select_n3A_430 = arith.select %broadcast_in_dim3A_428, %get3A_287, %broadcast_in_dim3A_429 : vector<128x512xi1>, vector<128x512xf32>
    %add3A_431 = arith.addf %add3A_422, %select_n3A_430 : vector<128x512xf32>
    %eq3A_432 = arith.constant 3 : i32
    %eq3A_433 = vector.broadcast %eq3A_432 : i32 to vector<128x1xi32>
    %eq3A_434 = arith.cmpi eq, %shift_right_arithmetic3A_401, %eq3A_433 : vector<128x1xi32>
    %jit3A_435 = arith.constant 0.000000e+00 : f32
    %broadcast_in_dim3A_436 = vector.shape_cast %eq3A_434 : vector<128x1xi1> to vector<128x1xi1>
    %broadcast_in_dim3A_437 = vector.broadcast %broadcast_in_dim3A_436 : vector<128x1xi1> to vector<128x512xi1>
    %broadcast_in_dim3A_438 = vector.broadcast %jit3A_435 : f32 to vector<128x512xf32>
    %select_n3A_439 = arith.select %broadcast_in_dim3A_437, %get3A_292, %broadcast_in_dim3A_438 : vector<128x512xi1>, vector<128x512xf32>
    %add3A_440 = arith.addf %add3A_431, %select_n3A_439 : vector<128x512xf32>
    %eq3A_441 = arith.constant 4 : i32
    %eq3A_442 = vector.broadcast %eq3A_441 : i32 to vector<128x1xi32>
    %eq3A_443 = arith.cmpi eq, %shift_right_arithmetic3A_401, %eq3A_442 : vector<128x1xi32>
    %jit3A_444 = arith.constant 0.000000e+00 : f32
    %broadcast_in_dim3A_445 = vector.shape_cast %eq3A_443 : vector<128x1xi1> to vector<128x1xi1>
    %broadcast_in_dim3A_446 = vector.broadcast %broadcast_in_dim3A_445 : vector<128x1xi1> to vector<128x512xi1>
    %broadcast_in_dim3A_447 = vector.broadcast %jit3A_444 : f32 to vector<128x512xf32>
    %select_n3A_448 = arith.select %broadcast_in_dim3A_446, %get3A_297, %broadcast_in_dim3A_447 : vector<128x512xi1>, vector<128x512xf32>
    %add3A_449 = arith.addf %add3A_440, %select_n3A_448 : vector<128x512xf32>
    %eq3A_450 = arith.constant 5 : i32
    %eq3A_451 = vector.broadcast %eq3A_450 : i32 to vector<128x1xi32>
    %eq3A_452 = arith.cmpi eq, %shift_right_arithmetic3A_401, %eq3A_451 : vector<128x1xi32>
    %jit3A_453 = arith.constant 0.000000e+00 : f32
    %broadcast_in_dim3A_454 = vector.shape_cast %eq3A_452 : vector<128x1xi1> to vector<128x1xi1>
    %broadcast_in_dim3A_455 = vector.broadcast %broadcast_in_dim3A_454 : vector<128x1xi1> to vector<128x512xi1>
    %broadcast_in_dim3A_456 = vector.broadcast %jit3A_453 : f32 to vector<128x512xf32>
    %select_n3A_457 = arith.select %broadcast_in_dim3A_455, %get3A_302, %broadcast_in_dim3A_456 : vector<128x512xi1>, vector<128x512xf32>
    %add3A_458 = arith.addf %add3A_449, %select_n3A_457 : vector<128x512xf32>
    %eq3A_459 = arith.constant 6 : i32
    %eq3A_460 = vector.broadcast %eq3A_459 : i32 to vector<128x1xi32>
    %eq3A_461 = arith.cmpi eq, %shift_right_arithmetic3A_401, %eq3A_460 : vector<128x1xi32>
    %jit3A_462 = arith.constant 0.000000e+00 : f32
    %broadcast_in_dim3A_463 = vector.shape_cast %eq3A_461 : vector<128x1xi1> to vector<128x1xi1>
    %broadcast_in_dim3A_464 = vector.broadcast %broadcast_in_dim3A_463 : vector<128x1xi1> to vector<128x512xi1>
    %broadcast_in_dim3A_465 = vector.broadcast %jit3A_462 : f32 to vector<128x512xf32>
    %select_n3A_466 = arith.select %broadcast_in_dim3A_464, %get3A_307, %broadcast_in_dim3A_465 : vector<128x512xi1>, vector<128x512xf32>
    %add3A_467 = arith.addf %add3A_458, %select_n3A_466 : vector<128x512xf32>
    %eq3A_468 = arith.constant 7 : i32
    %eq3A_469 = vector.broadcast %eq3A_468 : i32 to vector<128x1xi32>
    %eq3A_470 = arith.cmpi eq, %shift_right_arithmetic3A_401, %eq3A_469 : vector<128x1xi32>
    %jit3A_471 = arith.constant 0.000000e+00 : f32
    %broadcast_in_dim3A_472 = vector.shape_cast %eq3A_470 : vector<128x1xi1> to vector<128x1xi1>
    %broadcast_in_dim3A_473 = vector.broadcast %broadcast_in_dim3A_472 : vector<128x1xi1> to vector<128x512xi1>
    %broadcast_in_dim3A_474 = vector.broadcast %jit3A_471 : f32 to vector<128x512xf32>
    %select_n3A_475 = arith.select %broadcast_in_dim3A_473, %get3A_312, %broadcast_in_dim3A_474 : vector<128x512xi1>, vector<128x512xf32>
    %add3A_476 = arith.addf %add3A_467, %select_n3A_475 : vector<128x512xf32>
    %eq3A_477 = arith.constant 8 : i32
    %eq3A_478 = vector.broadcast %eq3A_477 : i32 to vector<128x1xi32>
    %eq3A_479 = arith.cmpi eq, %shift_right_arithmetic3A_401, %eq3A_478 : vector<128x1xi32>
    %jit3A_480 = arith.constant 0.000000e+00 : f32
    %broadcast_in_dim3A_481 = vector.shape_cast %eq3A_479 : vector<128x1xi1> to vector<128x1xi1>
    %broadcast_in_dim3A_482 = vector.broadcast %broadcast_in_dim3A_481 : vector<128x1xi1> to vector<128x512xi1>
    %broadcast_in_dim3A_483 = vector.broadcast %jit3A_480 : f32 to vector<128x512xf32>
    %select_n3A_484 = arith.select %broadcast_in_dim3A_482, %get3A_317, %broadcast_in_dim3A_483 : vector<128x512xi1>, vector<128x512xf32>
    %add3A_485 = arith.addf %add3A_476, %select_n3A_484 : vector<128x512xf32>
    %eq3A_486 = arith.constant 9 : i32
    %eq3A_487 = vector.broadcast %eq3A_486 : i32 to vector<128x1xi32>
    %eq3A_488 = arith.cmpi eq, %shift_right_arithmetic3A_401, %eq3A_487 : vector<128x1xi32>
    %jit3A_489 = arith.constant 0.000000e+00 : f32
    %broadcast_in_dim3A_490 = vector.shape_cast %eq3A_488 : vector<128x1xi1> to vector<128x1xi1>
    %broadcast_in_dim3A_491 = vector.broadcast %broadcast_in_dim3A_490 : vector<128x1xi1> to vector<128x512xi1>
    %broadcast_in_dim3A_492 = vector.broadcast %jit3A_489 : f32 to vector<128x512xf32>
    %select_n3A_493 = arith.select %broadcast_in_dim3A_491, %get3A_322, %broadcast_in_dim3A_492 : vector<128x512xi1>, vector<128x512xf32>
    %add3A_494 = arith.addf %add3A_485, %select_n3A_493 : vector<128x512xf32>
    %eq3A_495 = arith.constant 10 : i32
    %eq3A_496 = vector.broadcast %eq3A_495 : i32 to vector<128x1xi32>
    %eq3A_497 = arith.cmpi eq, %shift_right_arithmetic3A_401, %eq3A_496 : vector<128x1xi32>
    %jit3A_498 = arith.constant 0.000000e+00 : f32
    %broadcast_in_dim3A_499 = vector.shape_cast %eq3A_497 : vector<128x1xi1> to vector<128x1xi1>
    %broadcast_in_dim3A_500 = vector.broadcast %broadcast_in_dim3A_499 : vector<128x1xi1> to vector<128x512xi1>
    %broadcast_in_dim3A_501 = vector.broadcast %jit3A_498 : f32 to vector<128x512xf32>
    %select_n3A_502 = arith.select %broadcast_in_dim3A_500, %get3A_327, %broadcast_in_dim3A_501 : vector<128x512xi1>, vector<128x512xf32>
    %add3A_503 = arith.addf %add3A_494, %select_n3A_502 : vector<128x512xf32>
    %eq3A_504 = arith.constant 11 : i32
    %eq3A_505 = vector.broadcast %eq3A_504 : i32 to vector<128x1xi32>
    %eq3A_506 = arith.cmpi eq, %shift_right_arithmetic3A_401, %eq3A_505 : vector<128x1xi32>
    %jit3A_507 = arith.constant 0.000000e+00 : f32
    %broadcast_in_dim3A_508 = vector.shape_cast %eq3A_506 : vector<128x1xi1> to vector<128x1xi1>
    %broadcast_in_dim3A_509 = vector.broadcast %broadcast_in_dim3A_508 : vector<128x1xi1> to vector<128x512xi1>
    %broadcast_in_dim3A_510 = vector.broadcast %jit3A_507 : f32 to vector<128x512xf32>
    %select_n3A_511 = arith.select %broadcast_in_dim3A_509, %get3A_332, %broadcast_in_dim3A_510 : vector<128x512xi1>, vector<128x512xf32>
    %add3A_512 = arith.addf %add3A_503, %select_n3A_511 : vector<128x512xf32>
    %eq3A_513 = arith.constant 12 : i32
    %eq3A_514 = vector.broadcast %eq3A_513 : i32 to vector<128x1xi32>
    %eq3A_515 = arith.cmpi eq, %shift_right_arithmetic3A_401, %eq3A_514 : vector<128x1xi32>
    %jit3A_516 = arith.constant 0.000000e+00 : f32
    %broadcast_in_dim3A_517 = vector.shape_cast %eq3A_515 : vector<128x1xi1> to vector<128x1xi1>
    %broadcast_in_dim3A_518 = vector.broadcast %broadcast_in_dim3A_517 : vector<128x1xi1> to vector<128x512xi1>
    %broadcast_in_dim3A_519 = vector.broadcast %jit3A_516 : f32 to vector<128x512xf32>
    %select_n3A_520 = arith.select %broadcast_in_dim3A_518, %get3A_337, %broadcast_in_dim3A_519 : vector<128x512xi1>, vector<128x512xf32>
    %add3A_521 = arith.addf %add3A_512, %select_n3A_520 : vector<128x512xf32>
    %eq3A_522 = arith.constant 13 : i32
    %eq3A_523 = vector.broadcast %eq3A_522 : i32 to vector<128x1xi32>
    %eq3A_524 = arith.cmpi eq, %shift_right_arithmetic3A_401, %eq3A_523 : vector<128x1xi32>
    %jit3A_525 = arith.constant 0.000000e+00 : f32
    %broadcast_in_dim3A_526 = vector.shape_cast %eq3A_524 : vector<128x1xi1> to vector<128x1xi1>
    %broadcast_in_dim3A_527 = vector.broadcast %broadcast_in_dim3A_526 : vector<128x1xi1> to vector<128x512xi1>
    %broadcast_in_dim3A_528 = vector.broadcast %jit3A_525 : f32 to vector<128x512xf32>
    %select_n3A_529 = arith.select %broadcast_in_dim3A_527, %get3A_342, %broadcast_in_dim3A_528 : vector<128x512xi1>, vector<128x512xf32>
    %add3A_530 = arith.addf %add3A_521, %select_n3A_529 : vector<128x512xf32>
    %eq3A_531 = arith.constant 14 : i32
    %eq3A_532 = vector.broadcast %eq3A_531 : i32 to vector<128x1xi32>
    %eq3A_533 = arith.cmpi eq, %shift_right_arithmetic3A_401, %eq3A_532 : vector<128x1xi32>
    %jit3A_534 = arith.constant 0.000000e+00 : f32
    %broadcast_in_dim3A_535 = vector.shape_cast %eq3A_533 : vector<128x1xi1> to vector<128x1xi1>
    %broadcast_in_dim3A_536 = vector.broadcast %broadcast_in_dim3A_535 : vector<128x1xi1> to vector<128x512xi1>
    %broadcast_in_dim3A_537 = vector.broadcast %jit3A_534 : f32 to vector<128x512xf32>
    %select_n3A_538 = arith.select %broadcast_in_dim3A_536, %get3A_347, %broadcast_in_dim3A_537 : vector<128x512xi1>, vector<128x512xf32>
    %add3A_539 = arith.addf %add3A_530, %select_n3A_538 : vector<128x512xf32>
    %eq3A_540 = arith.constant 15 : i32
    %eq3A_541 = vector.broadcast %eq3A_540 : i32 to vector<128x1xi32>
    %eq3A_542 = arith.cmpi eq, %shift_right_arithmetic3A_401, %eq3A_541 : vector<128x1xi32>
    %jit3A_543 = arith.constant 0.000000e+00 : f32
    %broadcast_in_dim3A_544 = vector.shape_cast %eq3A_542 : vector<128x1xi1> to vector<128x1xi1>
    %broadcast_in_dim3A_545 = vector.broadcast %broadcast_in_dim3A_544 : vector<128x1xi1> to vector<128x512xi1>
    %broadcast_in_dim3A_546 = vector.broadcast %jit3A_543 : f32 to vector<128x512xf32>
    %select_n3A_547 = arith.select %broadcast_in_dim3A_545, %get3A_352, %broadcast_in_dim3A_546 : vector<128x512xi1>, vector<128x512xf32>
    %add3A_548 = arith.addf %add3A_539, %select_n3A_547 : vector<128x512xf32>
    %convert_element_type3A_549 = arith.truncf %add3A_548 : vector<128x512xf32> to vector<128x512xbf16>
    %get3A_550 = arith.constant 0 : index
    %get3A_551 = arith.constant 0 : index
    %get3A_552 = vector.load %arg7[%get3A_550, %get3A_551] : memref<512x32xbf16, #tpu.memory_space<vmem>>, vector<512x32xbf16>
    %dot_general3A_553 = arith.constant dense<0.000000e+00> : vector<128x32xf32>
    %dot_general3A_554 = tpu.matmul %convert_element_type3A_549, %get3A_552, %dot_general3A_553 {dimension_numbers = #tpu.dot_dimension_numbers<[1], [0], [0], [1], [0, 0, 1, 1], [], []>, transpose_lhs_hint = false} : vector<128x512xbf16>, vector<512x32xbf16>, vector<128x32xf32> -> vector<128x32xf32>
    %convert_element_type3A_555 = arith.truncf %dot_general3A_554 : vector<128x32xf32> to vector<128x32xbf16>
    %convert_element_type3A_556 = arith.extf %convert_element_type3A_555 : vector<128x32xbf16> to vector<128x32xf32>
    %slice3A_557 = vector.extract_strided_slice %dot_general3A_360 {offsets = [0, 32], sizes = [128, 32], strides = [1, 1]} : vector<2048x64xf32> to vector<128x32xf32>
    %convert_element_type3A_558 = arith.truncf %slice3A_557 : vector<128x32xf32> to vector<128x32xbf16>
    %convert_element_type3A_559 = arith.extf %convert_element_type3A_558 : vector<128x32xbf16> to vector<128x32xf32>
    %mul3A_560 = arith.mulf %convert_element_type3A_556, %convert_element_type3A_559 : vector<128x32xf32>
    %convert_element_type3A_561 = arith.truncf %mul3A_560 : vector<128x32xf32> to vector<128x32xbf16>
    %convert_element_type3A_562 = arith.extf %convert_element_type3A_561 : vector<128x32xbf16> to vector<128x32xf32>
    %slice3A_563 = vector.extract_strided_slice %convert_element_type3A_562 {offsets = [0, 0], sizes = [128, 16], strides = [1, 1]} : vector<128x32xf32> to vector<128x16xf32>
    %slice3A_564 = vector.extract_strided_slice %convert_element_type3A_562 {offsets = [0, 16], sizes = [128, 16], strides = [1, 1]} : vector<128x32xf32> to vector<128x16xf32>
    %add3A_565 = arith.addf %slice3A_563, %slice3A_564 : vector<128x16xf32>
    %slice3A_566 = vector.extract_strided_slice %add3A_565 {offsets = [0, 0], sizes = [128, 8], strides = [1, 1]} : vector<128x16xf32> to vector<128x8xf32>
    %slice3A_567 = vector.extract_strided_slice %add3A_565 {offsets = [0, 8], sizes = [128, 8], strides = [1, 1]} : vector<128x16xf32> to vector<128x8xf32>
    %add3A_568 = arith.addf %slice3A_566, %slice3A_567 : vector<128x8xf32>
    %slice3A_569 = vector.extract_strided_slice %add3A_568 {offsets = [0, 0], sizes = [128, 4], strides = [1, 1]} : vector<128x8xf32> to vector<128x4xf32>
    %slice3A_570 = vector.extract_strided_slice %add3A_568 {offsets = [0, 4], sizes = [128, 4], strides = [1, 1]} : vector<128x8xf32> to vector<128x4xf32>
    %add3A_571 = arith.addf %slice3A_569, %slice3A_570 : vector<128x4xf32>
    %slice3A_572 = vector.extract_strided_slice %add3A_571 {offsets = [0, 0], sizes = [128, 2], strides = [1, 1]} : vector<128x4xf32> to vector<128x2xf32>
    %slice3A_573 = vector.extract_strided_slice %add3A_571 {offsets = [0, 2], sizes = [128, 2], strides = [1, 1]} : vector<128x4xf32> to vector<128x2xf32>
    %add3A_574 = arith.addf %slice3A_572, %slice3A_573 : vector<128x2xf32>
    %slice3A_575 = vector.extract_strided_slice %add3A_574 {offsets = [0, 0], sizes = [128, 1], strides = [1, 1]} : vector<128x2xf32> to vector<128x1xf32>
    %slice3A_576 = vector.extract_strided_slice %add3A_574 {offsets = [0, 1], sizes = [128, 1], strides = [1, 1]} : vector<128x2xf32> to vector<128x1xf32>
    %add3A_577 = arith.addf %slice3A_575, %slice3A_576 : vector<128x1xf32>
    %slice3A_578 = vector.extract_strided_slice %dot_general3A_360 {offsets = [128, 32], sizes = [128, 32], strides = [1, 1]} : vector<2048x64xf32> to vector<128x32xf32>
    %convert_element_type3A_579 = arith.truncf %slice3A_578 : vector<128x32xf32> to vector<128x32xbf16>
    %convert_element_type3A_580 = arith.extf %convert_element_type3A_579 : vector<128x32xbf16> to vector<128x32xf32>
    %mul3A_581 = arith.mulf %convert_element_type3A_556, %convert_element_type3A_580 : vector<128x32xf32>
    %convert_element_type3A_582 = arith.truncf %mul3A_581 : vector<128x32xf32> to vector<128x32xbf16>
    %convert_element_type3A_583 = arith.extf %convert_element_type3A_582 : vector<128x32xbf16> to vector<128x32xf32>
    %slice3A_584 = vector.extract_strided_slice %convert_element_type3A_583 {offsets = [0, 0], sizes = [128, 16], strides = [1, 1]} : vector<128x32xf32> to vector<128x16xf32>
    %slice3A_585 = vector.extract_strided_slice %convert_element_type3A_583 {offsets = [0, 16], sizes = [128, 16], strides = [1, 1]} : vector<128x32xf32> to vector<128x16xf32>
    %add3A_586 = arith.addf %slice3A_584, %slice3A_585 : vector<128x16xf32>
    %slice3A_587 = vector.extract_strided_slice %add3A_586 {offsets = [0, 0], sizes = [128, 8], strides = [1, 1]} : vector<128x16xf32> to vector<128x8xf32>
    %slice3A_588 = vector.extract_strided_slice %add3A_586 {offsets = [0, 8], sizes = [128, 8], strides = [1, 1]} : vector<128x16xf32> to vector<128x8xf32>
    %add3A_589 = arith.addf %slice3A_587, %slice3A_588 : vector<128x8xf32>
    %slice3A_590 = vector.extract_strided_slice %add3A_589 {offsets = [0, 0], sizes = [128, 4], strides = [1, 1]} : vector<128x8xf32> to vector<128x4xf32>
    %slice3A_591 = vector.extract_strided_slice %add3A_589 {offsets = [0, 4], sizes = [128, 4], strides = [1, 1]} : vector<128x8xf32> to vector<128x4xf32>
    %add3A_592 = arith.addf %slice3A_590, %slice3A_591 : vector<128x4xf32>
    %slice3A_593 = vector.extract_strided_slice %add3A_592 {offsets = [0, 0], sizes = [128, 2], strides = [1, 1]} : vector<128x4xf32> to vector<128x2xf32>
    %slice3A_594 = vector.extract_strided_slice %add3A_592 {offsets = [0, 2], sizes = [128, 2], strides = [1, 1]} : vector<128x4xf32> to vector<128x2xf32>
    %add3A_595 = arith.addf %slice3A_593, %slice3A_594 : vector<128x2xf32>
    %slice3A_596 = vector.extract_strided_slice %add3A_595 {offsets = [0, 0], sizes = [128, 1], strides = [1, 1]} : vector<128x2xf32> to vector<128x1xf32>
    %slice3A_597 = vector.extract_strided_slice %add3A_595 {offsets = [0, 1], sizes = [128, 1], strides = [1, 1]} : vector<128x2xf32> to vector<128x1xf32>
    %add3A_598 = arith.addf %slice3A_596, %slice3A_597 : vector<128x1xf32>
    %slice3A_599 = vector.extract_strided_slice %dot_general3A_360 {offsets = [256, 32], sizes = [128, 32], strides = [1, 1]} : vector<2048x64xf32> to vector<128x32xf32>
    %convert_element_type3A_600 = arith.truncf %slice3A_599 : vector<128x32xf32> to vector<128x32xbf16>
    %convert_element_type3A_601 = arith.extf %convert_element_type3A_600 : vector<128x32xbf16> to vector<128x32xf32>
    %mul3A_602 = arith.mulf %convert_element_type3A_556, %convert_element_type3A_601 : vector<128x32xf32>
    %convert_element_type3A_603 = arith.truncf %mul3A_602 : vector<128x32xf32> to vector<128x32xbf16>
    %convert_element_type3A_604 = arith.extf %convert_element_type3A_603 : vector<128x32xbf16> to vector<128x32xf32>
    %slice3A_605 = vector.extract_strided_slice %convert_element_type3A_604 {offsets = [0, 0], sizes = [128, 16], strides = [1, 1]} : vector<128x32xf32> to vector<128x16xf32>
    %slice3A_606 = vector.extract_strided_slice %convert_element_type3A_604 {offsets = [0, 16], sizes = [128, 16], strides = [1, 1]} : vector<128x32xf32> to vector<128x16xf32>
    %add3A_607 = arith.addf %slice3A_605, %slice3A_606 : vector<128x16xf32>
    %slice3A_608 = vector.extract_strided_slice %add3A_607 {offsets = [0, 0], sizes = [128, 8], strides = [1, 1]} : vector<128x16xf32> to vector<128x8xf32>
    %slice3A_609 = vector.extract_strided_slice %add3A_607 {offsets = [0, 8], sizes = [128, 8], strides = [1, 1]} : vector<128x16xf32> to vector<128x8xf32>
    %add3A_610 = arith.addf %slice3A_608, %slice3A_609 : vector<128x8xf32>
    %slice3A_611 = vector.extract_strided_slice %add3A_610 {offsets = [0, 0], sizes = [128, 4], strides = [1, 1]} : vector<128x8xf32> to vector<128x4xf32>
    %slice3A_612 = vector.extract_strided_slice %add3A_610 {offsets = [0, 4], sizes = [128, 4], strides = [1, 1]} : vector<128x8xf32> to vector<128x4xf32>
    %add3A_613 = arith.addf %slice3A_611, %slice3A_612 : vector<128x4xf32>
    %slice3A_614 = vector.extract_strided_slice %add3A_613 {offsets = [0, 0], sizes = [128, 2], strides = [1, 1]} : vector<128x4xf32> to vector<128x2xf32>
    %slice3A_615 = vector.extract_strided_slice %add3A_613 {offsets = [0, 2], sizes = [128, 2], strides = [1, 1]} : vector<128x4xf32> to vector<128x2xf32>
    %add3A_616 = arith.addf %slice3A_614, %slice3A_615 : vector<128x2xf32>
    %slice3A_617 = vector.extract_strided_slice %add3A_616 {offsets = [0, 0], sizes = [128, 1], strides = [1, 1]} : vector<128x2xf32> to vector<128x1xf32>
    %slice3A_618 = vector.extract_strided_slice %add3A_616 {offsets = [0, 1], sizes = [128, 1], strides = [1, 1]} : vector<128x2xf32> to vector<128x1xf32>
    %add3A_619 = arith.addf %slice3A_617, %slice3A_618 : vector<128x1xf32>
    %slice3A_620 = vector.extract_strided_slice %dot_general3A_360 {offsets = [384, 32], sizes = [128, 32], strides = [1, 1]} : vector<2048x64xf32> to vector<128x32xf32>
    %convert_element_type3A_621 = arith.truncf %slice3A_620 : vector<128x32xf32> to vector<128x32xbf16>
    %convert_element_type3A_622 = arith.extf %convert_element_type3A_621 : vector<128x32xbf16> to vector<128x32xf32>
    %mul3A_623 = arith.mulf %convert_element_type3A_556, %convert_element_type3A_622 : vector<128x32xf32>
    %convert_element_type3A_624 = arith.truncf %mul3A_623 : vector<128x32xf32> to vector<128x32xbf16>
    %convert_element_type3A_625 = arith.extf %convert_element_type3A_624 : vector<128x32xbf16> to vector<128x32xf32>
    %slice3A_626 = vector.extract_strided_slice %convert_element_type3A_625 {offsets = [0, 0], sizes = [128, 16], strides = [1, 1]} : vector<128x32xf32> to vector<128x16xf32>
    %slice3A_627 = vector.extract_strided_slice %convert_element_type3A_625 {offsets = [0, 16], sizes = [128, 16], strides = [1, 1]} : vector<128x32xf32> to vector<128x16xf32>
    %add3A_628 = arith.addf %slice3A_626, %slice3A_627 : vector<128x16xf32>
    %slice3A_629 = vector.extract_strided_slice %add3A_628 {offsets = [0, 0], sizes = [128, 8], strides = [1, 1]} : vector<128x16xf32> to vector<128x8xf32>
    %slice3A_630 = vector.extract_strided_slice %add3A_628 {offsets = [0, 8], sizes = [128, 8], strides = [1, 1]} : vector<128x16xf32> to vector<128x8xf32>
    %add3A_631 = arith.addf %slice3A_629, %slice3A_630 : vector<128x8xf32>
    %slice3A_632 = vector.extract_strided_slice %add3A_631 {offsets = [0, 0], sizes = [128, 4], strides = [1, 1]} : vector<128x8xf32> to vector<128x4xf32>
    %slice3A_633 = vector.extract_strided_slice %add3A_631 {offsets = [0, 4], sizes = [128, 4], strides = [1, 1]} : vector<128x8xf32> to vector<128x4xf32>
    %add3A_634 = arith.addf %slice3A_632, %slice3A_633 : vector<128x4xf32>
    %slice3A_635 = vector.extract_strided_slice %add3A_634 {offsets = [0, 0], sizes = [128, 2], strides = [1, 1]} : vector<128x4xf32> to vector<128x2xf32>
    %slice3A_636 = vector.extract_strided_slice %add3A_634 {offsets = [0, 2], sizes = [128, 2], strides = [1, 1]} : vector<128x4xf32> to vector<128x2xf32>
    %add3A_637 = arith.addf %slice3A_635, %slice3A_636 : vector<128x2xf32>
    %slice3A_638 = vector.extract_strided_slice %add3A_637 {offsets = [0, 0], sizes = [128, 1], strides = [1, 1]} : vector<128x2xf32> to vector<128x1xf32>
    %slice3A_639 = vector.extract_strided_slice %add3A_637 {offsets = [0, 1], sizes = [128, 1], strides = [1, 1]} : vector<128x2xf32> to vector<128x1xf32>
    %add3A_640 = arith.addf %slice3A_638, %slice3A_639 : vector<128x1xf32>
    %slice3A_641 = vector.extract_strided_slice %dot_general3A_360 {offsets = [512, 32], sizes = [128, 32], strides = [1, 1]} : vector<2048x64xf32> to vector<128x32xf32>
    %convert_element_type3A_642 = arith.truncf %slice3A_641 : vector<128x32xf32> to vector<128x32xbf16>
    %convert_element_type3A_643 = arith.extf %convert_element_type3A_642 : vector<128x32xbf16> to vector<128x32xf32>
    %mul3A_644 = arith.mulf %convert_element_type3A_556, %convert_element_type3A_643 : vector<128x32xf32>
    %convert_element_type3A_645 = arith.truncf %mul3A_644 : vector<128x32xf32> to vector<128x32xbf16>
    %convert_element_type3A_646 = arith.extf %convert_element_type3A_645 : vector<128x32xbf16> to vector<128x32xf32>
    %slice3A_647 = vector.extract_strided_slice %convert_element_type3A_646 {offsets = [0, 0], sizes = [128, 16], strides = [1, 1]} : vector<128x32xf32> to vector<128x16xf32>
    %slice3A_648 = vector.extract_strided_slice %convert_element_type3A_646 {offsets = [0, 16], sizes = [128, 16], strides = [1, 1]} : vector<128x32xf32> to vector<128x16xf32>
    %add3A_649 = arith.addf %slice3A_647, %slice3A_648 : vector<128x16xf32>
    %slice3A_650 = vector.extract_strided_slice %add3A_649 {offsets = [0, 0], sizes = [128, 8], strides = [1, 1]} : vector<128x16xf32> to vector<128x8xf32>
    %slice3A_651 = vector.extract_strided_slice %add3A_649 {offsets = [0, 8], sizes = [128, 8], strides = [1, 1]} : vector<128x16xf32> to vector<128x8xf32>
    %add3A_652 = arith.addf %slice3A_650, %slice3A_651 : vector<128x8xf32>
    %slice3A_653 = vector.extract_strided_slice %add3A_652 {offsets = [0, 0], sizes = [128, 4], strides = [1, 1]} : vector<128x8xf32> to vector<128x4xf32>
    %slice3A_654 = vector.extract_strided_slice %add3A_652 {offsets = [0, 4], sizes = [128, 4], strides = [1, 1]} : vector<128x8xf32> to vector<128x4xf32>
    %add3A_655 = arith.addf %slice3A_653, %slice3A_654 : vector<128x4xf32>
    %slice3A_656 = vector.extract_strided_slice %add3A_655 {offsets = [0, 0], sizes = [128, 2], strides = [1, 1]} : vector<128x4xf32> to vector<128x2xf32>
    %slice3A_657 = vector.extract_strided_slice %add3A_655 {offsets = [0, 2], sizes = [128, 2], strides = [1, 1]} : vector<128x4xf32> to vector<128x2xf32>
    %add3A_658 = arith.addf %slice3A_656, %slice3A_657 : vector<128x2xf32>
    %slice3A_659 = vector.extract_strided_slice %add3A_658 {offsets = [0, 0], sizes = [128, 1], strides = [1, 1]} : vector<128x2xf32> to vector<128x1xf32>
    %slice3A_660 = vector.extract_strided_slice %add3A_658 {offsets = [0, 1], sizes = [128, 1], strides = [1, 1]} : vector<128x2xf32> to vector<128x1xf32>
    %add3A_661 = arith.addf %slice3A_659, %slice3A_660 : vector<128x1xf32>
    %slice3A_662 = vector.extract_strided_slice %dot_general3A_360 {offsets = [640, 32], sizes = [128, 32], strides = [1, 1]} : vector<2048x64xf32> to vector<128x32xf32>
    %convert_element_type3A_663 = arith.truncf %slice3A_662 : vector<128x32xf32> to vector<128x32xbf16>
    %convert_element_type3A_664 = arith.extf %convert_element_type3A_663 : vector<128x32xbf16> to vector<128x32xf32>
    %mul3A_665 = arith.mulf %convert_element_type3A_556, %convert_element_type3A_664 : vector<128x32xf32>
    %convert_element_type3A_666 = arith.truncf %mul3A_665 : vector<128x32xf32> to vector<128x32xbf16>
    %convert_element_type3A_667 = arith.extf %convert_element_type3A_666 : vector<128x32xbf16> to vector<128x32xf32>
    %slice3A_668 = vector.extract_strided_slice %convert_element_type3A_667 {offsets = [0, 0], sizes = [128, 16], strides = [1, 1]} : vector<128x32xf32> to vector<128x16xf32>
    %slice3A_669 = vector.extract_strided_slice %convert_element_type3A_667 {offsets = [0, 16], sizes = [128, 16], strides = [1, 1]} : vector<128x32xf32> to vector<128x16xf32>
    %add3A_670 = arith.addf %slice3A_668, %slice3A_669 : vector<128x16xf32>
    %slice3A_671 = vector.extract_strided_slice %add3A_670 {offsets = [0, 0], sizes = [128, 8], strides = [1, 1]} : vector<128x16xf32> to vector<128x8xf32>
    %slice3A_672 = vector.extract_strided_slice %add3A_670 {offsets = [0, 8], sizes = [128, 8], strides = [1, 1]} : vector<128x16xf32> to vector<128x8xf32>
    %add3A_673 = arith.addf %slice3A_671, %slice3A_672 : vector<128x8xf32>
    %slice3A_674 = vector.extract_strided_slice %add3A_673 {offsets = [0, 0], sizes = [128, 4], strides = [1, 1]} : vector<128x8xf32> to vector<128x4xf32>
    %slice3A_675 = vector.extract_strided_slice %add3A_673 {offsets = [0, 4], sizes = [128, 4], strides = [1, 1]} : vector<128x8xf32> to vector<128x4xf32>
    %add3A_676 = arith.addf %slice3A_674, %slice3A_675 : vector<128x4xf32>
    %slice3A_677 = vector.extract_strided_slice %add3A_676 {offsets = [0, 0], sizes = [128, 2], strides = [1, 1]} : vector<128x4xf32> to vector<128x2xf32>
    %slice3A_678 = vector.extract_strided_slice %add3A_676 {offsets = [0, 2], sizes = [128, 2], strides = [1, 1]} : vector<128x4xf32> to vector<128x2xf32>
    %add3A_679 = arith.addf %slice3A_677, %slice3A_678 : vector<128x2xf32>
    %slice3A_680 = vector.extract_strided_slice %add3A_679 {offsets = [0, 0], sizes = [128, 1], strides = [1, 1]} : vector<128x2xf32> to vector<128x1xf32>
    %slice3A_681 = vector.extract_strided_slice %add3A_679 {offsets = [0, 1], sizes = [128, 1], strides = [1, 1]} : vector<128x2xf32> to vector<128x1xf32>
    %add3A_682 = arith.addf %slice3A_680, %slice3A_681 : vector<128x1xf32>
    %slice3A_683 = vector.extract_strided_slice %dot_general3A_360 {offsets = [768, 32], sizes = [128, 32], strides = [1, 1]} : vector<2048x64xf32> to vector<128x32xf32>
    %convert_element_type3A_684 = arith.truncf %slice3A_683 : vector<128x32xf32> to vector<128x32xbf16>
    %convert_element_type3A_685 = arith.extf %convert_element_type3A_684 : vector<128x32xbf16> to vector<128x32xf32>
    %mul3A_686 = arith.mulf %convert_element_type3A_556, %convert_element_type3A_685 : vector<128x32xf32>
    %convert_element_type3A_687 = arith.truncf %mul3A_686 : vector<128x32xf32> to vector<128x32xbf16>
    %convert_element_type3A_688 = arith.extf %convert_element_type3A_687 : vector<128x32xbf16> to vector<128x32xf32>
    %slice3A_689 = vector.extract_strided_slice %convert_element_type3A_688 {offsets = [0, 0], sizes = [128, 16], strides = [1, 1]} : vector<128x32xf32> to vector<128x16xf32>
    %slice3A_690 = vector.extract_strided_slice %convert_element_type3A_688 {offsets = [0, 16], sizes = [128, 16], strides = [1, 1]} : vector<128x32xf32> to vector<128x16xf32>
    %add3A_691 = arith.addf %slice3A_689, %slice3A_690 : vector<128x16xf32>
    %slice3A_692 = vector.extract_strided_slice %add3A_691 {offsets = [0, 0], sizes = [128, 8], strides = [1, 1]} : vector<128x16xf32> to vector<128x8xf32>
    %slice3A_693 = vector.extract_strided_slice %add3A_691 {offsets = [0, 8], sizes = [128, 8], strides = [1, 1]} : vector<128x16xf32> to vector<128x8xf32>
    %add3A_694 = arith.addf %slice3A_692, %slice3A_693 : vector<128x8xf32>
    %slice3A_695 = vector.extract_strided_slice %add3A_694 {offsets = [0, 0], sizes = [128, 4], strides = [1, 1]} : vector<128x8xf32> to vector<128x4xf32>
    %slice3A_696 = vector.extract_strided_slice %add3A_694 {offsets = [0, 4], sizes = [128, 4], strides = [1, 1]} : vector<128x8xf32> to vector<128x4xf32>
    %add3A_697 = arith.addf %slice3A_695, %slice3A_696 : vector<128x4xf32>
    %slice3A_698 = vector.extract_strided_slice %add3A_697 {offsets = [0, 0], sizes = [128, 2], strides = [1, 1]} : vector<128x4xf32> to vector<128x2xf32>
    %slice3A_699 = vector.extract_strided_slice %add3A_697 {offsets = [0, 2], sizes = [128, 2], strides = [1, 1]} : vector<128x4xf32> to vector<128x2xf32>
    %add3A_700 = arith.addf %slice3A_698, %slice3A_699 : vector<128x2xf32>
    %slice3A_701 = vector.extract_strided_slice %add3A_700 {offsets = [0, 0], sizes = [128, 1], strides = [1, 1]} : vector<128x2xf32> to vector<128x1xf32>
    %slice3A_702 = vector.extract_strided_slice %add3A_700 {offsets = [0, 1], sizes = [128, 1], strides = [1, 1]} : vector<128x2xf32> to vector<128x1xf32>
    %add3A_703 = arith.addf %slice3A_701, %slice3A_702 : vector<128x1xf32>
    %slice3A_704 = vector.extract_strided_slice %dot_general3A_360 {offsets = [896, 32], sizes = [128, 32], strides = [1, 1]} : vector<2048x64xf32> to vector<128x32xf32>
    %convert_element_type3A_705 = arith.truncf %slice3A_704 : vector<128x32xf32> to vector<128x32xbf16>
    %convert_element_type3A_706 = arith.extf %convert_element_type3A_705 : vector<128x32xbf16> to vector<128x32xf32>
    %mul3A_707 = arith.mulf %convert_element_type3A_556, %convert_element_type3A_706 : vector<128x32xf32>
    %convert_element_type3A_708 = arith.truncf %mul3A_707 : vector<128x32xf32> to vector<128x32xbf16>
    %convert_element_type3A_709 = arith.extf %convert_element_type3A_708 : vector<128x32xbf16> to vector<128x32xf32>
    %slice3A_710 = vector.extract_strided_slice %convert_element_type3A_709 {offsets = [0, 0], sizes = [128, 16], strides = [1, 1]} : vector<128x32xf32> to vector<128x16xf32>
    %slice3A_711 = vector.extract_strided_slice %convert_element_type3A_709 {offsets = [0, 16], sizes = [128, 16], strides = [1, 1]} : vector<128x32xf32> to vector<128x16xf32>
    %add3A_712 = arith.addf %slice3A_710, %slice3A_711 : vector<128x16xf32>
    %slice3A_713 = vector.extract_strided_slice %add3A_712 {offsets = [0, 0], sizes = [128, 8], strides = [1, 1]} : vector<128x16xf32> to vector<128x8xf32>
    %slice3A_714 = vector.extract_strided_slice %add3A_712 {offsets = [0, 8], sizes = [128, 8], strides = [1, 1]} : vector<128x16xf32> to vector<128x8xf32>
    %add3A_715 = arith.addf %slice3A_713, %slice3A_714 : vector<128x8xf32>
    %slice3A_716 = vector.extract_strided_slice %add3A_715 {offsets = [0, 0], sizes = [128, 4], strides = [1, 1]} : vector<128x8xf32> to vector<128x4xf32>
    %slice3A_717 = vector.extract_strided_slice %add3A_715 {offsets = [0, 4], sizes = [128, 4], strides = [1, 1]} : vector<128x8xf32> to vector<128x4xf32>
    %add3A_718 = arith.addf %slice3A_716, %slice3A_717 : vector<128x4xf32>
    %slice3A_719 = vector.extract_strided_slice %add3A_718 {offsets = [0, 0], sizes = [128, 2], strides = [1, 1]} : vector<128x4xf32> to vector<128x2xf32>
    %slice3A_720 = vector.extract_strided_slice %add3A_718 {offsets = [0, 2], sizes = [128, 2], strides = [1, 1]} : vector<128x4xf32> to vector<128x2xf32>
    %add3A_721 = arith.addf %slice3A_719, %slice3A_720 : vector<128x2xf32>
    %slice3A_722 = vector.extract_strided_slice %add3A_721 {offsets = [0, 0], sizes = [128, 1], strides = [1, 1]} : vector<128x2xf32> to vector<128x1xf32>
    %slice3A_723 = vector.extract_strided_slice %add3A_721 {offsets = [0, 1], sizes = [128, 1], strides = [1, 1]} : vector<128x2xf32> to vector<128x1xf32>
    %add3A_724 = arith.addf %slice3A_722, %slice3A_723 : vector<128x1xf32>
    %slice3A_725 = vector.extract_strided_slice %dot_general3A_360 {offsets = [1024, 32], sizes = [128, 32], strides = [1, 1]} : vector<2048x64xf32> to vector<128x32xf32>
    %convert_element_type3A_726 = arith.truncf %slice3A_725 : vector<128x32xf32> to vector<128x32xbf16>
    %convert_element_type3A_727 = arith.extf %convert_element_type3A_726 : vector<128x32xbf16> to vector<128x32xf32>
    %mul3A_728 = arith.mulf %convert_element_type3A_556, %convert_element_type3A_727 : vector<128x32xf32>
    %convert_element_type3A_729 = arith.truncf %mul3A_728 : vector<128x32xf32> to vector<128x32xbf16>
    %convert_element_type3A_730 = arith.extf %convert_element_type3A_729 : vector<128x32xbf16> to vector<128x32xf32>
    %slice3A_731 = vector.extract_strided_slice %convert_element_type3A_730 {offsets = [0, 0], sizes = [128, 16], strides = [1, 1]} : vector<128x32xf32> to vector<128x16xf32>
    %slice3A_732 = vector.extract_strided_slice %convert_element_type3A_730 {offsets = [0, 16], sizes = [128, 16], strides = [1, 1]} : vector<128x32xf32> to vector<128x16xf32>
    %add3A_733 = arith.addf %slice3A_731, %slice3A_732 : vector<128x16xf32>
    %slice3A_734 = vector.extract_strided_slice %add3A_733 {offsets = [0, 0], sizes = [128, 8], strides = [1, 1]} : vector<128x16xf32> to vector<128x8xf32>
    %slice3A_735 = vector.extract_strided_slice %add3A_733 {offsets = [0, 8], sizes = [128, 8], strides = [1, 1]} : vector<128x16xf32> to vector<128x8xf32>
    %add3A_736 = arith.addf %slice3A_734, %slice3A_735 : vector<128x8xf32>
    %slice3A_737 = vector.extract_strided_slice %add3A_736 {offsets = [0, 0], sizes = [128, 4], strides = [1, 1]} : vector<128x8xf32> to vector<128x4xf32>
    %slice3A_738 = vector.extract_strided_slice %add3A_736 {offsets = [0, 4], sizes = [128, 4], strides = [1, 1]} : vector<128x8xf32> to vector<128x4xf32>
    %add3A_739 = arith.addf %slice3A_737, %slice3A_738 : vector<128x4xf32>
    %slice3A_740 = vector.extract_strided_slice %add3A_739 {offsets = [0, 0], sizes = [128, 2], strides = [1, 1]} : vector<128x4xf32> to vector<128x2xf32>
    %slice3A_741 = vector.extract_strided_slice %add3A_739 {offsets = [0, 2], sizes = [128, 2], strides = [1, 1]} : vector<128x4xf32> to vector<128x2xf32>
    %add3A_742 = arith.addf %slice3A_740, %slice3A_741 : vector<128x2xf32>
    %slice3A_743 = vector.extract_strided_slice %add3A_742 {offsets = [0, 0], sizes = [128, 1], strides = [1, 1]} : vector<128x2xf32> to vector<128x1xf32>
    %slice3A_744 = vector.extract_strided_slice %add3A_742 {offsets = [0, 1], sizes = [128, 1], strides = [1, 1]} : vector<128x2xf32> to vector<128x1xf32>
    %add3A_745 = arith.addf %slice3A_743, %slice3A_744 : vector<128x1xf32>
    %slice3A_746 = vector.extract_strided_slice %dot_general3A_360 {offsets = [1152, 32], sizes = [128, 32], strides = [1, 1]} : vector<2048x64xf32> to vector<128x32xf32>
    %convert_element_type3A_747 = arith.truncf %slice3A_746 : vector<128x32xf32> to vector<128x32xbf16>
    %convert_element_type3A_748 = arith.extf %convert_element_type3A_747 : vector<128x32xbf16> to vector<128x32xf32>
    %mul3A_749 = arith.mulf %convert_element_type3A_556, %convert_element_type3A_748 : vector<128x32xf32>
    %convert_element_type3A_750 = arith.truncf %mul3A_749 : vector<128x32xf32> to vector<128x32xbf16>
    %convert_element_type3A_751 = arith.extf %convert_element_type3A_750 : vector<128x32xbf16> to vector<128x32xf32>
    %slice3A_752 = vector.extract_strided_slice %convert_element_type3A_751 {offsets = [0, 0], sizes = [128, 16], strides = [1, 1]} : vector<128x32xf32> to vector<128x16xf32>
    %slice3A_753 = vector.extract_strided_slice %convert_element_type3A_751 {offsets = [0, 16], sizes = [128, 16], strides = [1, 1]} : vector<128x32xf32> to vector<128x16xf32>
    %add3A_754 = arith.addf %slice3A_752, %slice3A_753 : vector<128x16xf32>
    %slice3A_755 = vector.extract_strided_slice %add3A_754 {offsets = [0, 0], sizes = [128, 8], strides = [1, 1]} : vector<128x16xf32> to vector<128x8xf32>
    %slice3A_756 = vector.extract_strided_slice %add3A_754 {offsets = [0, 8], sizes = [128, 8], strides = [1, 1]} : vector<128x16xf32> to vector<128x8xf32>
    %add3A_757 = arith.addf %slice3A_755, %slice3A_756 : vector<128x8xf32>
    %slice3A_758 = vector.extract_strided_slice %add3A_757 {offsets = [0, 0], sizes = [128, 4], strides = [1, 1]} : vector<128x8xf32> to vector<128x4xf32>
    %slice3A_759 = vector.extract_strided_slice %add3A_757 {offsets = [0, 4], sizes = [128, 4], strides = [1, 1]} : vector<128x8xf32> to vector<128x4xf32>
    %add3A_760 = arith.addf %slice3A_758, %slice3A_759 : vector<128x4xf32>
    %slice3A_761 = vector.extract_strided_slice %add3A_760 {offsets = [0, 0], sizes = [128, 2], strides = [1, 1]} : vector<128x4xf32> to vector<128x2xf32>
    %slice3A_762 = vector.extract_strided_slice %add3A_760 {offsets = [0, 2], sizes = [128, 2], strides = [1, 1]} : vector<128x4xf32> to vector<128x2xf32>
    %add3A_763 = arith.addf %slice3A_761, %slice3A_762 : vector<128x2xf32>
    %slice3A_764 = vector.extract_strided_slice %add3A_763 {offsets = [0, 0], sizes = [128, 1], strides = [1, 1]} : vector<128x2xf32> to vector<128x1xf32>
    %slice3A_765 = vector.extract_strided_slice %add3A_763 {offsets = [0, 1], sizes = [128, 1], strides = [1, 1]} : vector<128x2xf32> to vector<128x1xf32>
    %add3A_766 = arith.addf %slice3A_764, %slice3A_765 : vector<128x1xf32>
    %slice3A_767 = vector.extract_strided_slice %dot_general3A_360 {offsets = [1280, 32], sizes = [128, 32], strides = [1, 1]} : vector<2048x64xf32> to vector<128x32xf32>
    %convert_element_type3A_768 = arith.truncf %slice3A_767 : vector<128x32xf32> to vector<128x32xbf16>
    %convert_element_type3A_769 = arith.extf %convert_element_type3A_768 : vector<128x32xbf16> to vector<128x32xf32>
    %mul3A_770 = arith.mulf %convert_element_type3A_556, %convert_element_type3A_769 : vector<128x32xf32>
    %convert_element_type3A_771 = arith.truncf %mul3A_770 : vector<128x32xf32> to vector<128x32xbf16>
    %convert_element_type3A_772 = arith.extf %convert_element_type3A_771 : vector<128x32xbf16> to vector<128x32xf32>
    %slice3A_773 = vector.extract_strided_slice %convert_element_type3A_772 {offsets = [0, 0], sizes = [128, 16], strides = [1, 1]} : vector<128x32xf32> to vector<128x16xf32>
    %slice3A_774 = vector.extract_strided_slice %convert_element_type3A_772 {offsets = [0, 16], sizes = [128, 16], strides = [1, 1]} : vector<128x32xf32> to vector<128x16xf32>
    %add3A_775 = arith.addf %slice3A_773, %slice3A_774 : vector<128x16xf32>
    %slice3A_776 = vector.extract_strided_slice %add3A_775 {offsets = [0, 0], sizes = [128, 8], strides = [1, 1]} : vector<128x16xf32> to vector<128x8xf32>
    %slice3A_777 = vector.extract_strided_slice %add3A_775 {offsets = [0, 8], sizes = [128, 8], strides = [1, 1]} : vector<128x16xf32> to vector<128x8xf32>
    %add3A_778 = arith.addf %slice3A_776, %slice3A_777 : vector<128x8xf32>
    %slice3A_779 = vector.extract_strided_slice %add3A_778 {offsets = [0, 0], sizes = [128, 4], strides = [1, 1]} : vector<128x8xf32> to vector<128x4xf32>
    %slice3A_780 = vector.extract_strided_slice %add3A_778 {offsets = [0, 4], sizes = [128, 4], strides = [1, 1]} : vector<128x8xf32> to vector<128x4xf32>
    %add3A_781 = arith.addf %slice3A_779, %slice3A_780 : vector<128x4xf32>
    %slice3A_782 = vector.extract_strided_slice %add3A_781 {offsets = [0, 0], sizes = [128, 2], strides = [1, 1]} : vector<128x4xf32> to vector<128x2xf32>
    %slice3A_783 = vector.extract_strided_slice %add3A_781 {offsets = [0, 2], sizes = [128, 2], strides = [1, 1]} : vector<128x4xf32> to vector<128x2xf32>
    %add3A_784 = arith.addf %slice3A_782, %slice3A_783 : vector<128x2xf32>
    %slice3A_785 = vector.extract_strided_slice %add3A_784 {offsets = [0, 0], sizes = [128, 1], strides = [1, 1]} : vector<128x2xf32> to vector<128x1xf32>
    %slice3A_786 = vector.extract_strided_slice %add3A_784 {offsets = [0, 1], sizes = [128, 1], strides = [1, 1]} : vector<128x2xf32> to vector<128x1xf32>
    %add3A_787 = arith.addf %slice3A_785, %slice3A_786 : vector<128x1xf32>
    %slice3A_788 = vector.extract_strided_slice %dot_general3A_360 {offsets = [1408, 32], sizes = [128, 32], strides = [1, 1]} : vector<2048x64xf32> to vector<128x32xf32>
    %convert_element_type3A_789 = arith.truncf %slice3A_788 : vector<128x32xf32> to vector<128x32xbf16>
    %convert_element_type3A_790 = arith.extf %convert_element_type3A_789 : vector<128x32xbf16> to vector<128x32xf32>
    %mul3A_791 = arith.mulf %convert_element_type3A_556, %convert_element_type3A_790 : vector<128x32xf32>
    %convert_element_type3A_792 = arith.truncf %mul3A_791 : vector<128x32xf32> to vector<128x32xbf16>
    %convert_element_type3A_793 = arith.extf %convert_element_type3A_792 : vector<128x32xbf16> to vector<128x32xf32>
    %slice3A_794 = vector.extract_strided_slice %convert_element_type3A_793 {offsets = [0, 0], sizes = [128, 16], strides = [1, 1]} : vector<128x32xf32> to vector<128x16xf32>
    %slice3A_795 = vector.extract_strided_slice %convert_element_type3A_793 {offsets = [0, 16], sizes = [128, 16], strides = [1, 1]} : vector<128x32xf32> to vector<128x16xf32>
    %add3A_796 = arith.addf %slice3A_794, %slice3A_795 : vector<128x16xf32>
    %slice3A_797 = vector.extract_strided_slice %add3A_796 {offsets = [0, 0], sizes = [128, 8], strides = [1, 1]} : vector<128x16xf32> to vector<128x8xf32>
    %slice3A_798 = vector.extract_strided_slice %add3A_796 {offsets = [0, 8], sizes = [128, 8], strides = [1, 1]} : vector<128x16xf32> to vector<128x8xf32>
    %add3A_799 = arith.addf %slice3A_797, %slice3A_798 : vector<128x8xf32>
    %slice3A_800 = vector.extract_strided_slice %add3A_799 {offsets = [0, 0], sizes = [128, 4], strides = [1, 1]} : vector<128x8xf32> to vector<128x4xf32>
    %slice3A_801 = vector.extract_strided_slice %add3A_799 {offsets = [0, 4], sizes = [128, 4], strides = [1, 1]} : vector<128x8xf32> to vector<128x4xf32>
    %add3A_802 = arith.addf %slice3A_800, %slice3A_801 : vector<128x4xf32>
    %slice3A_803 = vector.extract_strided_slice %add3A_802 {offsets = [0, 0], sizes = [128, 2], strides = [1, 1]} : vector<128x4xf32> to vector<128x2xf32>
    %slice3A_804 = vector.extract_strided_slice %add3A_802 {offsets = [0, 2], sizes = [128, 2], strides = [1, 1]} : vector<128x4xf32> to vector<128x2xf32>
    %add3A_805 = arith.addf %slice3A_803, %slice3A_804 : vector<128x2xf32>
    %slice3A_806 = vector.extract_strided_slice %add3A_805 {offsets = [0, 0], sizes = [128, 1], strides = [1, 1]} : vector<128x2xf32> to vector<128x1xf32>
    %slice3A_807 = vector.extract_strided_slice %add3A_805 {offsets = [0, 1], sizes = [128, 1], strides = [1, 1]} : vector<128x2xf32> to vector<128x1xf32>
    %add3A_808 = arith.addf %slice3A_806, %slice3A_807 : vector<128x1xf32>
    %slice3A_809 = vector.extract_strided_slice %dot_general3A_360 {offsets = [1536, 32], sizes = [128, 32], strides = [1, 1]} : vector<2048x64xf32> to vector<128x32xf32>
    %convert_element_type3A_810 = arith.truncf %slice3A_809 : vector<128x32xf32> to vector<128x32xbf16>
    %convert_element_type3A_811 = arith.extf %convert_element_type3A_810 : vector<128x32xbf16> to vector<128x32xf32>
    %mul3A_812 = arith.mulf %convert_element_type3A_556, %convert_element_type3A_811 : vector<128x32xf32>
    %convert_element_type3A_813 = arith.truncf %mul3A_812 : vector<128x32xf32> to vector<128x32xbf16>
    %convert_element_type3A_814 = arith.extf %convert_element_type3A_813 : vector<128x32xbf16> to vector<128x32xf32>
    %slice3A_815 = vector.extract_strided_slice %convert_element_type3A_814 {offsets = [0, 0], sizes = [128, 16], strides = [1, 1]} : vector<128x32xf32> to vector<128x16xf32>
    %slice3A_816 = vector.extract_strided_slice %convert_element_type3A_814 {offsets = [0, 16], sizes = [128, 16], strides = [1, 1]} : vector<128x32xf32> to vector<128x16xf32>
    %add3A_817 = arith.addf %slice3A_815, %slice3A_816 : vector<128x16xf32>
    %slice3A_818 = vector.extract_strided_slice %add3A_817 {offsets = [0, 0], sizes = [128, 8], strides = [1, 1]} : vector<128x16xf32> to vector<128x8xf32>
    %slice3A_819 = vector.extract_strided_slice %add3A_817 {offsets = [0, 8], sizes = [128, 8], strides = [1, 1]} : vector<128x16xf32> to vector<128x8xf32>
    %add3A_820 = arith.addf %slice3A_818, %slice3A_819 : vector<128x8xf32>
    %slice3A_821 = vector.extract_strided_slice %add3A_820 {offsets = [0, 0], sizes = [128, 4], strides = [1, 1]} : vector<128x8xf32> to vector<128x4xf32>
    %slice3A_822 = vector.extract_strided_slice %add3A_820 {offsets = [0, 4], sizes = [128, 4], strides = [1, 1]} : vector<128x8xf32> to vector<128x4xf32>
    %add3A_823 = arith.addf %slice3A_821, %slice3A_822 : vector<128x4xf32>
    %slice3A_824 = vector.extract_strided_slice %add3A_823 {offsets = [0, 0], sizes = [128, 2], strides = [1, 1]} : vector<128x4xf32> to vector<128x2xf32>
    %slice3A_825 = vector.extract_strided_slice %add3A_823 {offsets = [0, 2], sizes = [128, 2], strides = [1, 1]} : vector<128x4xf32> to vector<128x2xf32>
    %add3A_826 = arith.addf %slice3A_824, %slice3A_825 : vector<128x2xf32>
    %slice3A_827 = vector.extract_strided_slice %add3A_826 {offsets = [0, 0], sizes = [128, 1], strides = [1, 1]} : vector<128x2xf32> to vector<128x1xf32>
    %slice3A_828 = vector.extract_strided_slice %add3A_826 {offsets = [0, 1], sizes = [128, 1], strides = [1, 1]} : vector<128x2xf32> to vector<128x1xf32>
    %add3A_829 = arith.addf %slice3A_827, %slice3A_828 : vector<128x1xf32>
    %slice3A_830 = vector.extract_strided_slice %dot_general3A_360 {offsets = [1664, 32], sizes = [128, 32], strides = [1, 1]} : vector<2048x64xf32> to vector<128x32xf32>
    %convert_element_type3A_831 = arith.truncf %slice3A_830 : vector<128x32xf32> to vector<128x32xbf16>
    %convert_element_type3A_832 = arith.extf %convert_element_type3A_831 : vector<128x32xbf16> to vector<128x32xf32>
    %mul3A_833 = arith.mulf %convert_element_type3A_556, %convert_element_type3A_832 : vector<128x32xf32>
    %convert_element_type3A_834 = arith.truncf %mul3A_833 : vector<128x32xf32> to vector<128x32xbf16>
    %convert_element_type3A_835 = arith.extf %convert_element_type3A_834 : vector<128x32xbf16> to vector<128x32xf32>
    %slice3A_836 = vector.extract_strided_slice %convert_element_type3A_835 {offsets = [0, 0], sizes = [128, 16], strides = [1, 1]} : vector<128x32xf32> to vector<128x16xf32>
    %slice3A_837 = vector.extract_strided_slice %convert_element_type3A_835 {offsets = [0, 16], sizes = [128, 16], strides = [1, 1]} : vector<128x32xf32> to vector<128x16xf32>
    %add3A_838 = arith.addf %slice3A_836, %slice3A_837 : vector<128x16xf32>
    %slice3A_839 = vector.extract_strided_slice %add3A_838 {offsets = [0, 0], sizes = [128, 8], strides = [1, 1]} : vector<128x16xf32> to vector<128x8xf32>
    %slice3A_840 = vector.extract_strided_slice %add3A_838 {offsets = [0, 8], sizes = [128, 8], strides = [1, 1]} : vector<128x16xf32> to vector<128x8xf32>
    %add3A_841 = arith.addf %slice3A_839, %slice3A_840 : vector<128x8xf32>
    %slice3A_842 = vector.extract_strided_slice %add3A_841 {offsets = [0, 0], sizes = [128, 4], strides = [1, 1]} : vector<128x8xf32> to vector<128x4xf32>
    %slice3A_843 = vector.extract_strided_slice %add3A_841 {offsets = [0, 4], sizes = [128, 4], strides = [1, 1]} : vector<128x8xf32> to vector<128x4xf32>
    %add3A_844 = arith.addf %slice3A_842, %slice3A_843 : vector<128x4xf32>
    %slice3A_845 = vector.extract_strided_slice %add3A_844 {offsets = [0, 0], sizes = [128, 2], strides = [1, 1]} : vector<128x4xf32> to vector<128x2xf32>
    %slice3A_846 = vector.extract_strided_slice %add3A_844 {offsets = [0, 2], sizes = [128, 2], strides = [1, 1]} : vector<128x4xf32> to vector<128x2xf32>
    %add3A_847 = arith.addf %slice3A_845, %slice3A_846 : vector<128x2xf32>
    %slice3A_848 = vector.extract_strided_slice %add3A_847 {offsets = [0, 0], sizes = [128, 1], strides = [1, 1]} : vector<128x2xf32> to vector<128x1xf32>
    %slice3A_849 = vector.extract_strided_slice %add3A_847 {offsets = [0, 1], sizes = [128, 1], strides = [1, 1]} : vector<128x2xf32> to vector<128x1xf32>
    %add3A_850 = arith.addf %slice3A_848, %slice3A_849 : vector<128x1xf32>
    %slice3A_851 = vector.extract_strided_slice %dot_general3A_360 {offsets = [1792, 32], sizes = [128, 32], strides = [1, 1]} : vector<2048x64xf32> to vector<128x32xf32>
    %convert_element_type3A_852 = arith.truncf %slice3A_851 : vector<128x32xf32> to vector<128x32xbf16>
    %convert_element_type3A_853 = arith.extf %convert_element_type3A_852 : vector<128x32xbf16> to vector<128x32xf32>
    %mul3A_854 = arith.mulf %convert_element_type3A_556, %convert_element_type3A_853 : vector<128x32xf32>
    %convert_element_type3A_855 = arith.truncf %mul3A_854 : vector<128x32xf32> to vector<128x32xbf16>
    %convert_element_type3A_856 = arith.extf %convert_element_type3A_855 : vector<128x32xbf16> to vector<128x32xf32>
    %slice3A_857 = vector.extract_strided_slice %convert_element_type3A_856 {offsets = [0, 0], sizes = [128, 16], strides = [1, 1]} : vector<128x32xf32> to vector<128x16xf32>
    %slice3A_858 = vector.extract_strided_slice %convert_element_type3A_856 {offsets = [0, 16], sizes = [128, 16], strides = [1, 1]} : vector<128x32xf32> to vector<128x16xf32>
    %add3A_859 = arith.addf %slice3A_857, %slice3A_858 : vector<128x16xf32>
    %slice3A_860 = vector.extract_strided_slice %add3A_859 {offsets = [0, 0], sizes = [128, 8], strides = [1, 1]} : vector<128x16xf32> to vector<128x8xf32>
    %slice3A_861 = vector.extract_strided_slice %add3A_859 {offsets = [0, 8], sizes = [128, 8], strides = [1, 1]} : vector<128x16xf32> to vector<128x8xf32>
    %add3A_862 = arith.addf %slice3A_860, %slice3A_861 : vector<128x8xf32>
    %slice3A_863 = vector.extract_strided_slice %add3A_862 {offsets = [0, 0], sizes = [128, 4], strides = [1, 1]} : vector<128x8xf32> to vector<128x4xf32>
    %slice3A_864 = vector.extract_strided_slice %add3A_862 {offsets = [0, 4], sizes = [128, 4], strides = [1, 1]} : vector<128x8xf32> to vector<128x4xf32>
    %add3A_865 = arith.addf %slice3A_863, %slice3A_864 : vector<128x4xf32>
    %slice3A_866 = vector.extract_strided_slice %add3A_865 {offsets = [0, 0], sizes = [128, 2], strides = [1, 1]} : vector<128x4xf32> to vector<128x2xf32>
    %slice3A_867 = vector.extract_strided_slice %add3A_865 {offsets = [0, 2], sizes = [128, 2], strides = [1, 1]} : vector<128x4xf32> to vector<128x2xf32>
    %add3A_868 = arith.addf %slice3A_866, %slice3A_867 : vector<128x2xf32>
    %slice3A_869 = vector.extract_strided_slice %add3A_868 {offsets = [0, 0], sizes = [128, 1], strides = [1, 1]} : vector<128x2xf32> to vector<128x1xf32>
    %slice3A_870 = vector.extract_strided_slice %add3A_868 {offsets = [0, 1], sizes = [128, 1], strides = [1, 1]} : vector<128x2xf32> to vector<128x1xf32>
    %add3A_871 = arith.addf %slice3A_869, %slice3A_870 : vector<128x1xf32>
    %slice3A_872 = vector.extract_strided_slice %dot_general3A_360 {offsets = [1920, 32], sizes = [128, 32], strides = [1, 1]} : vector<2048x64xf32> to vector<128x32xf32>
    %convert_element_type3A_873 = arith.truncf %slice3A_872 : vector<128x32xf32> to vector<128x32xbf16>
    %convert_element_type3A_874 = arith.extf %convert_element_type3A_873 : vector<128x32xbf16> to vector<128x32xf32>
    %mul3A_875 = arith.mulf %convert_element_type3A_556, %convert_element_type3A_874 : vector<128x32xf32>
    %convert_element_type3A_876 = arith.truncf %mul3A_875 : vector<128x32xf32> to vector<128x32xbf16>
    %convert_element_type3A_877 = arith.extf %convert_element_type3A_876 : vector<128x32xbf16> to vector<128x32xf32>
    %slice3A_878 = vector.extract_strided_slice %convert_element_type3A_877 {offsets = [0, 0], sizes = [128, 16], strides = [1, 1]} : vector<128x32xf32> to vector<128x16xf32>
    %slice3A_879 = vector.extract_strided_slice %convert_element_type3A_877 {offsets = [0, 16], sizes = [128, 16], strides = [1, 1]} : vector<128x32xf32> to vector<128x16xf32>
    %add3A_880 = arith.addf %slice3A_878, %slice3A_879 : vector<128x16xf32>
    %slice3A_881 = vector.extract_strided_slice %add3A_880 {offsets = [0, 0], sizes = [128, 8], strides = [1, 1]} : vector<128x16xf32> to vector<128x8xf32>
    %slice3A_882 = vector.extract_strided_slice %add3A_880 {offsets = [0, 8], sizes = [128, 8], strides = [1, 1]} : vector<128x16xf32> to vector<128x8xf32>
    %add3A_883 = arith.addf %slice3A_881, %slice3A_882 : vector<128x8xf32>
    %slice3A_884 = vector.extract_strided_slice %add3A_883 {offsets = [0, 0], sizes = [128, 4], strides = [1, 1]} : vector<128x8xf32> to vector<128x4xf32>
    %slice3A_885 = vector.extract_strided_slice %add3A_883 {offsets = [0, 4], sizes = [128, 4], strides = [1, 1]} : vector<128x8xf32> to vector<128x4xf32>
    %add3A_886 = arith.addf %slice3A_884, %slice3A_885 : vector<128x4xf32>
    %slice3A_887 = vector.extract_strided_slice %add3A_886 {offsets = [0, 0], sizes = [128, 2], strides = [1, 1]} : vector<128x4xf32> to vector<128x2xf32>
    %slice3A_888 = vector.extract_strided_slice %add3A_886 {offsets = [0, 2], sizes = [128, 2], strides = [1, 1]} : vector<128x4xf32> to vector<128x2xf32>
    %add3A_889 = arith.addf %slice3A_887, %slice3A_888 : vector<128x2xf32>
    %slice3A_890 = vector.extract_strided_slice %add3A_889 {offsets = [0, 0], sizes = [128, 1], strides = [1, 1]} : vector<128x2xf32> to vector<128x1xf32>
    %slice3A_891 = vector.extract_strided_slice %add3A_889 {offsets = [0, 1], sizes = [128, 1], strides = [1, 1]} : vector<128x2xf32> to vector<128x1xf32>
    %add3A_892 = arith.addf %slice3A_890, %slice3A_891 : vector<128x1xf32>
    %concatenate3A_893 = tpu.concatenate %add3A_577, %add3A_598, %add3A_619, %add3A_640, %add3A_661, %add3A_682, %add3A_703, %add3A_724, %add3A_745, %add3A_766, %add3A_787, %add3A_808, %add3A_829, %add3A_850, %add3A_871, %add3A_892 in 1 : vector<128x1xf32>, vector<128x1xf32>, vector<128x1xf32>, vector<128x1xf32>, vector<128x1xf32>, vector<128x1xf32>, vector<128x1xf32>, vector<128x1xf32>, vector<128x1xf32>, vector<128x1xf32>, vector<128x1xf32>, vector<128x1xf32>, vector<128x1xf32>, vector<128x1xf32>, vector<128x1xf32>, vector<128x1xf32> -> vector<128x16xf32>
    %mul3A_894 = arith.constant 0.176776692 : f32
    %mul3A_895 = vector.broadcast %mul3A_894 : f32 to vector<128x16xf32>
    %mul3A_896 = arith.mulf %concatenate3A_893, %mul3A_895 : vector<128x16xf32>
    %reduce_max3A_897 = arith.constant dense<0xFF800000> : vector<128xf32>
    %reduce_max3A_898 = vector.multi_reduction <maximumf>, %mul3A_896, %reduce_max3A_897 [1] : vector<128x16xf32> to vector<128xf32>
    %broadcast_in_dim3A_899 = vector.shape_cast %reduce_max3A_898 : vector<128xf32> to vector<128x1xf32>
    %iota3A_900 = tpu.iota {dimensions = array<i32: 1>} : vector<128x16xi32>
    %eq3A_901 = vector.broadcast %broadcast_in_dim3A_899 : vector<128x1xf32> to vector<128x16xf32>
    %eq3A_902 = arith.cmpf oeq, %mul3A_896, %eq3A_901 : vector<128x16xf32>
    %jit3A_903 = arith.constant 16 : i32
    %broadcast_in_dim3A_904 = vector.broadcast %jit3A_903 : i32 to vector<128x16xi32>
    %select_n3A_905 = arith.select %eq3A_902, %iota3A_900, %broadcast_in_dim3A_904 : vector<128x16xi1>, vector<128x16xi32>
    %reduce_min3A_906 = arith.constant dense<2147483647> : vector<128xi32>
    %reduce_min3A_907 = vector.multi_reduction <minsi>, %select_n3A_905, %reduce_min3A_906 [1] : vector<128x16xi32> to vector<128xi32>
    %broadcast_in_dim3A_908 = vector.shape_cast %reduce_min3A_907 : vector<128xi32> to vector<128x1xi32>
    %broadcast_in_dim3A_909 = arith.constant 0.000000e+00 : f32
    %broadcast_in_dim3A_910 = vector.broadcast %broadcast_in_dim3A_909 : f32 to vector<128x512xf32>
    %eq3A_911 = arith.constant 0 : i32
    %eq3A_912 = vector.broadcast %eq3A_911 : i32 to vector<128x1xi32>
    %eq3A_913 = arith.cmpi eq, %broadcast_in_dim3A_908, %eq3A_912 : vector<128x1xi32>
    %jit3A_914 = arith.constant 0.000000e+00 : f32
    %broadcast_in_dim3A_915 = vector.shape_cast %eq3A_913 : vector<128x1xi1> to vector<128x1xi1>
    %broadcast_in_dim3A_916 = vector.broadcast %broadcast_in_dim3A_915 : vector<128x1xi1> to vector<128x512xi1>
    %broadcast_in_dim3A_917 = vector.broadcast %jit3A_914 : f32 to vector<128x512xf32>
    %select_n3A_918 = arith.select %broadcast_in_dim3A_916, %get3A_277, %broadcast_in_dim3A_917 : vector<128x512xi1>, vector<128x512xf32>
    %add3A_919 = arith.addf %broadcast_in_dim3A_910, %select_n3A_918 : vector<128x512xf32>
    %eq3A_920 = arith.constant 1 : i32
    %eq3A_921 = vector.broadcast %eq3A_920 : i32 to vector<128x1xi32>
    %eq3A_922 = arith.cmpi eq, %broadcast_in_dim3A_908, %eq3A_921 : vector<128x1xi32>
    %jit3A_923 = arith.constant 0.000000e+00 : f32
    %broadcast_in_dim3A_924 = vector.shape_cast %eq3A_922 : vector<128x1xi1> to vector<128x1xi1>
    %broadcast_in_dim3A_925 = vector.broadcast %broadcast_in_dim3A_924 : vector<128x1xi1> to vector<128x512xi1>
    %broadcast_in_dim3A_926 = vector.broadcast %jit3A_923 : f32 to vector<128x512xf32>
    %select_n3A_927 = arith.select %broadcast_in_dim3A_925, %get3A_282, %broadcast_in_dim3A_926 : vector<128x512xi1>, vector<128x512xf32>
    %add3A_928 = arith.addf %add3A_919, %select_n3A_927 : vector<128x512xf32>
    %eq3A_929 = arith.constant 2 : i32
    %eq3A_930 = vector.broadcast %eq3A_929 : i32 to vector<128x1xi32>
    %eq3A_931 = arith.cmpi eq, %broadcast_in_dim3A_908, %eq3A_930 : vector<128x1xi32>
    %jit3A_932 = arith.constant 0.000000e+00 : f32
    %broadcast_in_dim3A_933 = vector.shape_cast %eq3A_931 : vector<128x1xi1> to vector<128x1xi1>
    %broadcast_in_dim3A_934 = vector.broadcast %broadcast_in_dim3A_933 : vector<128x1xi1> to vector<128x512xi1>
    %broadcast_in_dim3A_935 = vector.broadcast %jit3A_932 : f32 to vector<128x512xf32>
    %select_n3A_936 = arith.select %broadcast_in_dim3A_934, %get3A_287, %broadcast_in_dim3A_935 : vector<128x512xi1>, vector<128x512xf32>
    %add3A_937 = arith.addf %add3A_928, %select_n3A_936 : vector<128x512xf32>
    %eq3A_938 = arith.constant 3 : i32
    %eq3A_939 = vector.broadcast %eq3A_938 : i32 to vector<128x1xi32>
    %eq3A_940 = arith.cmpi eq, %broadcast_in_dim3A_908, %eq3A_939 : vector<128x1xi32>
    %jit3A_941 = arith.constant 0.000000e+00 : f32
    %broadcast_in_dim3A_942 = vector.shape_cast %eq3A_940 : vector<128x1xi1> to vector<128x1xi1>
    %broadcast_in_dim3A_943 = vector.broadcast %broadcast_in_dim3A_942 : vector<128x1xi1> to vector<128x512xi1>
    %broadcast_in_dim3A_944 = vector.broadcast %jit3A_941 : f32 to vector<128x512xf32>
    %select_n3A_945 = arith.select %broadcast_in_dim3A_943, %get3A_292, %broadcast_in_dim3A_944 : vector<128x512xi1>, vector<128x512xf32>
    %add3A_946 = arith.addf %add3A_937, %select_n3A_945 : vector<128x512xf32>
    %eq3A_947 = arith.constant 4 : i32
    %eq3A_948 = vector.broadcast %eq3A_947 : i32 to vector<128x1xi32>
    %eq3A_949 = arith.cmpi eq, %broadcast_in_dim3A_908, %eq3A_948 : vector<128x1xi32>
    %jit3A_950 = arith.constant 0.000000e+00 : f32
    %broadcast_in_dim3A_951 = vector.shape_cast %eq3A_949 : vector<128x1xi1> to vector<128x1xi1>
    %broadcast_in_dim3A_952 = vector.broadcast %broadcast_in_dim3A_951 : vector<128x1xi1> to vector<128x512xi1>
    %broadcast_in_dim3A_953 = vector.broadcast %jit3A_950 : f32 to vector<128x512xf32>
    %select_n3A_954 = arith.select %broadcast_in_dim3A_952, %get3A_297, %broadcast_in_dim3A_953 : vector<128x512xi1>, vector<128x512xf32>
    %add3A_955 = arith.addf %add3A_946, %select_n3A_954 : vector<128x512xf32>
    %eq3A_956 = arith.constant 5 : i32
    %eq3A_957 = vector.broadcast %eq3A_956 : i32 to vector<128x1xi32>
    %eq3A_958 = arith.cmpi eq, %broadcast_in_dim3A_908, %eq3A_957 : vector<128x1xi32>
    %jit3A_959 = arith.constant 0.000000e+00 : f32
    %broadcast_in_dim3A_960 = vector.shape_cast %eq3A_958 : vector<128x1xi1> to vector<128x1xi1>
    %broadcast_in_dim3A_961 = vector.broadcast %broadcast_in_dim3A_960 : vector<128x1xi1> to vector<128x512xi1>
    %broadcast_in_dim3A_962 = vector.broadcast %jit3A_959 : f32 to vector<128x512xf32>
    %select_n3A_963 = arith.select %broadcast_in_dim3A_961, %get3A_302, %broadcast_in_dim3A_962 : vector<128x512xi1>, vector<128x512xf32>
    %add3A_964 = arith.addf %add3A_955, %select_n3A_963 : vector<128x512xf32>
    %eq3A_965 = arith.constant 6 : i32
    %eq3A_966 = vector.broadcast %eq3A_965 : i32 to vector<128x1xi32>
    %eq3A_967 = arith.cmpi eq, %broadcast_in_dim3A_908, %eq3A_966 : vector<128x1xi32>
    %jit3A_968 = arith.constant 0.000000e+00 : f32
    %broadcast_in_dim3A_969 = vector.shape_cast %eq3A_967 : vector<128x1xi1> to vector<128x1xi1>
    %broadcast_in_dim3A_970 = vector.broadcast %broadcast_in_dim3A_969 : vector<128x1xi1> to vector<128x512xi1>
    %broadcast_in_dim3A_971 = vector.broadcast %jit3A_968 : f32 to vector<128x512xf32>
    %select_n3A_972 = arith.select %broadcast_in_dim3A_970, %get3A_307, %broadcast_in_dim3A_971 : vector<128x512xi1>, vector<128x512xf32>
    %add3A_973 = arith.addf %add3A_964, %select_n3A_972 : vector<128x512xf32>
    %eq3A_974 = arith.constant 7 : i32
    %eq3A_975 = vector.broadcast %eq3A_974 : i32 to vector<128x1xi32>
    %eq3A_976 = arith.cmpi eq, %broadcast_in_dim3A_908, %eq3A_975 : vector<128x1xi32>
    %jit3A_977 = arith.constant 0.000000e+00 : f32
    %broadcast_in_dim3A_978 = vector.shape_cast %eq3A_976 : vector<128x1xi1> to vector<128x1xi1>
    %broadcast_in_dim3A_979 = vector.broadcast %broadcast_in_dim3A_978 : vector<128x1xi1> to vector<128x512xi1>
    %broadcast_in_dim3A_980 = vector.broadcast %jit3A_977 : f32 to vector<128x512xf32>
    %select_n3A_981 = arith.select %broadcast_in_dim3A_979, %get3A_312, %broadcast_in_dim3A_980 : vector<128x512xi1>, vector<128x512xf32>
    %add3A_982 = arith.addf %add3A_973, %select_n3A_981 : vector<128x512xf32>
    %eq3A_983 = arith.constant 8 : i32
    %eq3A_984 = vector.broadcast %eq3A_983 : i32 to vector<128x1xi32>
    %eq3A_985 = arith.cmpi eq, %broadcast_in_dim3A_908, %eq3A_984 : vector<128x1xi32>
    %jit3A_986 = arith.constant 0.000000e+00 : f32
    %broadcast_in_dim3A_987 = vector.shape_cast %eq3A_985 : vector<128x1xi1> to vector<128x1xi1>
    %broadcast_in_dim3A_988 = vector.broadcast %broadcast_in_dim3A_987 : vector<128x1xi1> to vector<128x512xi1>
    %broadcast_in_dim3A_989 = vector.broadcast %jit3A_986 : f32 to vector<128x512xf32>
    %select_n3A_990 = arith.select %broadcast_in_dim3A_988, %get3A_317, %broadcast_in_dim3A_989 : vector<128x512xi1>, vector<128x512xf32>
    %add3A_991 = arith.addf %add3A_982, %select_n3A_990 : vector<128x512xf32>
    %eq3A_992 = arith.constant 9 : i32
    %eq3A_993 = vector.broadcast %eq3A_992 : i32 to vector<128x1xi32>
    %eq3A_994 = arith.cmpi eq, %broadcast_in_dim3A_908, %eq3A_993 : vector<128x1xi32>
    %jit3A_995 = arith.constant 0.000000e+00 : f32
    %broadcast_in_dim3A_996 = vector.shape_cast %eq3A_994 : vector<128x1xi1> to vector<128x1xi1>
    %broadcast_in_dim3A_997 = vector.broadcast %broadcast_in_dim3A_996 : vector<128x1xi1> to vector<128x512xi1>
    %broadcast_in_dim3A_998 = vector.broadcast %jit3A_995 : f32 to vector<128x512xf32>
    %select_n3A_999 = arith.select %broadcast_in_dim3A_997, %get3A_322, %broadcast_in_dim3A_998 : vector<128x512xi1>, vector<128x512xf32>
    %add3A_1000 = arith.addf %add3A_991, %select_n3A_999 : vector<128x512xf32>
    %eq3A_1001 = arith.constant 10 : i32
    %eq3A_1002 = vector.broadcast %eq3A_1001 : i32 to vector<128x1xi32>
    %eq3A_1003 = arith.cmpi eq, %broadcast_in_dim3A_908, %eq3A_1002 : vector<128x1xi32>
    %jit3A_1004 = arith.constant 0.000000e+00 : f32
    %broadcast_in_dim3A_1005 = vector.shape_cast %eq3A_1003 : vector<128x1xi1> to vector<128x1xi1>
    %broadcast_in_dim3A_1006 = vector.broadcast %broadcast_in_dim3A_1005 : vector<128x1xi1> to vector<128x512xi1>
    %broadcast_in_dim3A_1007 = vector.broadcast %jit3A_1004 : f32 to vector<128x512xf32>
    %select_n3A_1008 = arith.select %broadcast_in_dim3A_1006, %get3A_327, %broadcast_in_dim3A_1007 : vector<128x512xi1>, vector<128x512xf32>
    %add3A_1009 = arith.addf %add3A_1000, %select_n3A_1008 : vector<128x512xf32>
    %eq3A_1010 = arith.constant 11 : i32
    %eq3A_1011 = vector.broadcast %eq3A_1010 : i32 to vector<128x1xi32>
    %eq3A_1012 = arith.cmpi eq, %broadcast_in_dim3A_908, %eq3A_1011 : vector<128x1xi32>
    %jit3A_1013 = arith.constant 0.000000e+00 : f32
    %broadcast_in_dim3A_1014 = vector.shape_cast %eq3A_1012 : vector<128x1xi1> to vector<128x1xi1>
    %broadcast_in_dim3A_1015 = vector.broadcast %broadcast_in_dim3A_1014 : vector<128x1xi1> to vector<128x512xi1>
    %broadcast_in_dim3A_1016 = vector.broadcast %jit3A_1013 : f32 to vector<128x512xf32>
    %select_n3A_1017 = arith.select %broadcast_in_dim3A_1015, %get3A_332, %broadcast_in_dim3A_1016 : vector<128x512xi1>, vector<128x512xf32>
    %add3A_1018 = arith.addf %add3A_1009, %select_n3A_1017 : vector<128x512xf32>
    %eq3A_1019 = arith.constant 12 : i32
    %eq3A_1020 = vector.broadcast %eq3A_1019 : i32 to vector<128x1xi32>
    %eq3A_1021 = arith.cmpi eq, %broadcast_in_dim3A_908, %eq3A_1020 : vector<128x1xi32>
    %jit3A_1022 = arith.constant 0.000000e+00 : f32
    %broadcast_in_dim3A_1023 = vector.shape_cast %eq3A_1021 : vector<128x1xi1> to vector<128x1xi1>
    %broadcast_in_dim3A_1024 = vector.broadcast %broadcast_in_dim3A_1023 : vector<128x1xi1> to vector<128x512xi1>
    %broadcast_in_dim3A_1025 = vector.broadcast %jit3A_1022 : f32 to vector<128x512xf32>
    %select_n3A_1026 = arith.select %broadcast_in_dim3A_1024, %get3A_337, %broadcast_in_dim3A_1025 : vector<128x512xi1>, vector<128x512xf32>
    %add3A_1027 = arith.addf %add3A_1018, %select_n3A_1026 : vector<128x512xf32>
    %eq3A_1028 = arith.constant 13 : i32
    %eq3A_1029 = vector.broadcast %eq3A_1028 : i32 to vector<128x1xi32>
    %eq3A_1030 = arith.cmpi eq, %broadcast_in_dim3A_908, %eq3A_1029 : vector<128x1xi32>
    %jit3A_1031 = arith.constant 0.000000e+00 : f32
    %broadcast_in_dim3A_1032 = vector.shape_cast %eq3A_1030 : vector<128x1xi1> to vector<128x1xi1>
    %broadcast_in_dim3A_1033 = vector.broadcast %broadcast_in_dim3A_1032 : vector<128x1xi1> to vector<128x512xi1>
    %broadcast_in_dim3A_1034 = vector.broadcast %jit3A_1031 : f32 to vector<128x512xf32>
    %select_n3A_1035 = arith.select %broadcast_in_dim3A_1033, %get3A_342, %broadcast_in_dim3A_1034 : vector<128x512xi1>, vector<128x512xf32>
    %add3A_1036 = arith.addf %add3A_1027, %select_n3A_1035 : vector<128x512xf32>
    %eq3A_1037 = arith.constant 14 : i32
    %eq3A_1038 = vector.broadcast %eq3A_1037 : i32 to vector<128x1xi32>
    %eq3A_1039 = arith.cmpi eq, %broadcast_in_dim3A_908, %eq3A_1038 : vector<128x1xi32>
    %jit3A_1040 = arith.constant 0.000000e+00 : f32
    %broadcast_in_dim3A_1041 = vector.shape_cast %eq3A_1039 : vector<128x1xi1> to vector<128x1xi1>
    %broadcast_in_dim3A_1042 = vector.broadcast %broadcast_in_dim3A_1041 : vector<128x1xi1> to vector<128x512xi1>
    %broadcast_in_dim3A_1043 = vector.broadcast %jit3A_1040 : f32 to vector<128x512xf32>
    %select_n3A_1044 = arith.select %broadcast_in_dim3A_1042, %get3A_347, %broadcast_in_dim3A_1043 : vector<128x512xi1>, vector<128x512xf32>
    %add3A_1045 = arith.addf %add3A_1036, %select_n3A_1044 : vector<128x512xf32>
    %eq3A_1046 = arith.constant 15 : i32
    %eq3A_1047 = vector.broadcast %eq3A_1046 : i32 to vector<128x1xi32>
    %eq3A_1048 = arith.cmpi eq, %broadcast_in_dim3A_908, %eq3A_1047 : vector<128x1xi32>
    %jit3A_1049 = arith.constant 0.000000e+00 : f32
    %broadcast_in_dim3A_1050 = vector.shape_cast %eq3A_1048 : vector<128x1xi1> to vector<128x1xi1>
    %broadcast_in_dim3A_1051 = vector.broadcast %broadcast_in_dim3A_1050 : vector<128x1xi1> to vector<128x512xi1>
    %broadcast_in_dim3A_1052 = vector.broadcast %jit3A_1049 : f32 to vector<128x512xf32>
    %select_n3A_1053 = arith.select %broadcast_in_dim3A_1051, %get3A_352, %broadcast_in_dim3A_1052 : vector<128x512xi1>, vector<128x512xf32>
    %add3A_1054 = arith.addf %add3A_1045, %select_n3A_1053 : vector<128x512xf32>
    %concatenate3A_1055 = tpu.concatenate %add3A_548, %add3A_1054 in 1 : vector<128x512xf32>, vector<128x512xf32> -> vector<128x1024xf32>
    %swap3A_1056 = arith.constant 0 : index
    %swap3A_1057 = arith.constant 0 : index
    %swap3A_1058 = vector.load %arg9[%swap3A_1056, %swap3A_1057] : memref<128x1024xf32, #tpu.memory_space<vmem>>, vector<128x1024xf32>
    tpu.vector_store %arg9[%swap3A_1056, %swap3A_1057], %concatenate3A_1055 {strides = array<i32>} : memref<128x1024xf32, #tpu.memory_space<vmem>>, vector<128x1024xf32>,
    %swap3A_1059 = arith.constant 0 : index
    %swap3A_1060 = arith.constant 0 : index
    %swap3A_1061 = vector.load %arg10[%swap3A_1059, %swap3A_1060] : memref<128x1xi32, #tpu.memory_space<vmem>>, vector<128x1xi32>
    tpu.vector_store %arg10[%swap3A_1059, %swap3A_1060], %shift_right_arithmetic3A_401 {strides = array<i32>} : memref<128x1xi32, #tpu.memory_space<vmem>>, vector<128x1xi32>,
    %swap3A_1062 = arith.constant 0 : index
    %swap3A_1063 = arith.constant 0 : index
    %swap3A_1064 = vector.load %arg11[%swap3A_1062, %swap3A_1063] : memref<128x1xi32, #tpu.memory_space<vmem>>, vector<128x1xi32>
    tpu.vector_store %arg11[%swap3A_1062, %swap3A_1063], %and3A_403 {strides = array<i32>} : memref<128x1xi32, #tpu.memory_space<vmem>>, vector<128x1xi32>,
    %mul3A_1065 = arith.constant 128 : i32
    %mul3A_1066 = arith.muli %arg0, %mul3A_1065 : i32
    %swap3A_1067 = arith.index_cast %mul3A_1066 : i32 to index
    %swap3A_1068 = arith.constant 0 : index
    %swap3A_1069 = vector.load %arg15[%swap3A_1067, %swap3A_1068] : memref<1024x1xi32, #tpu.memory_space<vmem>>, vector<128x1xi32>
    tpu.vector_store %arg15[%swap3A_1067, %swap3A_1068], %and3A_403 {strides = array<i32>} : memref<1024x1xi32, #tpu.memory_space<vmem>>, vector<128x1xi32>,
    %eq3A_1070 = arith.constant 7 : i32
    %eq3A_1071 = arith.cmpi eq, %arg0, %eq3A_1070 : i32
    %convert_element_type3A_1072 = arith.extui %eq3A_1071 : i1 to i32
    %cond3A = arith.constant 0 : i32
    %cond3A_1073 = arith.cmpi ne, %convert_element_type3A_1072, %cond3A : i32
    scf.if %cond3A_1073 {
      %get3A_1074 = arith.constant 0 : index
      %get3A_1075 = arith.constant 0 : index
      %get3A_1076 = vector.load %arg15[%get3A_1074, %get3A_1075] : memref<1024x1xi32, #tpu.memory_space<vmem>>, vector<1024x1xi32>
      %iota3A_1077 = tpu.iota {dimensions = array<i32: 1>} : vector<1024x8xi32>
      %eq3A_1078 = vector.broadcast %get3A_1076 : vector<1024x1xi32> to vector<1024x8xi32>
      %eq3A_1079 = arith.cmpi eq, %eq3A_1078, %iota3A_1077 : vector<1024x8xi32>
      %convert_element_type3A_1080 = arith.extui %eq3A_1079 : vector<1024x8xi1> to vector<1024x8xi32>
      %convert_element_type3A_1081 = arith.sitofp %convert_element_type3A_1080 : vector<1024x8xi32> to vector<1024x8xf32>
      %iota3A_1082 = tpu.iota {dimensions = array<i32: 0>} : vector<1024x1024xi32>
      %iota3A_1083 = tpu.iota {dimensions = array<i32: 1>} : vector<1024x1024xi32>
      %ge3A = arith.cmpi sge, %iota3A_1082, %iota3A_1083 : vector<1024x1024xi32>
      %convert_element_type3A_1084 = arith.extui %ge3A : vector<1024x1024xi1> to vector<1024x1024xi32>
      %convert_element_type3A_1085 = arith.sitofp %convert_element_type3A_1084 : vector<1024x1024xi32> to vector<1024x1024xf32>
      %convert_element_type3A_1086 = arith.truncf %convert_element_type3A_1085 : vector<1024x1024xf32> to vector<1024x1024xbf16>
      %convert_element_type3A_1087 = arith.truncf %convert_element_type3A_1081 : vector<1024x8xf32> to vector<1024x8xbf16>
      %dot_general3A_1088 = arith.constant dense<0.000000e+00> : vector<1024x8xf32>
      %dot_general3A_1089 = tpu.matmul %convert_element_type3A_1086, %convert_element_type3A_1087, %dot_general3A_1088 {dimension_numbers = #tpu.dot_dimension_numbers<[1], [0], [0], [1], [0, 0, 1, 1], [], []>, transpose_lhs_hint = false} : vector<1024x1024xbf16>, vector<1024x8xbf16>, vector<1024x8xf32> -> vector<1024x8xf32>
      %mul3A_1090 = arith.mulf %convert_element_type3A_1081, %dot_general3A_1089 : vector<1024x8xf32>
      %reduce_sum3A = arith.constant dense<0.000000e+00> : vector<1024xf32>
      %reduce_sum3A_1091 = vector.multi_reduction <add>, %mul3A_1090, %reduce_sum3A [1] : vector<1024x8xf32> to vector<1024xf32>
      %broadcast_in_dim3A_1092 = vector.shape_cast %reduce_sum3A_1091 : vector<1024xf32> to vector<1024x1xf32>
      %sub3A = arith.constant 1.000000e+00 : f32
      %sub3A_1093 = vector.broadcast %sub3A : f32 to vector<1024x1xf32>
      %sub3A_1094 = arith.subf %broadcast_in_dim3A_1092, %sub3A_1093 : vector<1024x1xf32>
      %slice3A_1095 = vector.extract_strided_slice %dot_general3A_1089 {offsets = [1023, 0], sizes = [1, 8], strides = [1, 1]} : vector<1024x8xf32> to vector<1x8xf32>
      %convert_element_type3A_1096 = arith.fptosi %slice3A_1095 : vector<1x8xf32> to vector<1x8xi32>
      %add3A_1097 = arith.constant 127 : i32
      %add3A_1098 = vector.broadcast %add3A_1097 : i32 to vector<1x8xi32>
      %add3A_1099 = arith.addi %convert_element_type3A_1096, %add3A_1098 : vector<1x8xi32>
      %jit3A_1100 = arith.constant 128 : i32
      %div3A = vector.broadcast %jit3A_1100 : i32 to vector<1x8xi32>
      %div3A_1101 = arith.divsi %add3A_1099, %div3A : vector<1x8xi32>
      %sign3A = arith.constant 0 : i32
      %sign3A_1102 = vector.broadcast %sign3A : i32 to vector<1x8xi32>
      %sign3A_1103 = arith.cmpi sgt, %add3A_1099, %sign3A_1102 : vector<1x8xi32>
      %sign3A_1104 = arith.extui %sign3A_1103 : vector<1x8xi1> to vector<1x8xi32>
      %sign3A_1105 = arith.constant 0 : i32
      %sign3A_1106 = vector.broadcast %sign3A_1105 : i32 to vector<1x8xi32>
      %sign3A_1107 = arith.cmpi slt, %add3A_1099, %sign3A_1106 : vector<1x8xi32>
      %sign3A_1108 = arith.extui %sign3A_1107 : vector<1x8xi1> to vector<1x8xi32>
      %sign3A_1109 = arith.subi %sign3A_1104, %sign3A_1108 : vector<1x8xi32>
      %sign3A_1110 = arith.constant 0 : i32
      %sign3A_1111 = arith.cmpi sgt, %jit3A_1100, %sign3A_1110 : i32
      %sign3A_1112 = arith.extui %sign3A_1111 : i1 to i32
      %sign3A_1113 = arith.constant 0 : i32
      %sign3A_1114 = arith.cmpi slt, %jit3A_1100, %sign3A_1113 : i32
      %sign3A_1115 = arith.extui %sign3A_1114 : i1 to i32
      %sign3A_1116 = arith.subi %sign3A_1112, %sign3A_1115 : i32
      %ne3A = vector.broadcast %sign3A_1116 : i32 to vector<1x8xi32>
      %ne3A_1117 = arith.cmpi ne, %sign3A_1109, %ne3A : vector<1x8xi32>
      %rem3A = vector.broadcast %jit3A_1100 : i32 to vector<1x8xi32>
      %rem3A_1118 = arith.remsi %add3A_1099, %rem3A : vector<1x8xi32>
      %ne3A_1119 = arith.constant 0 : i32
      %ne3A_1120 = vector.broadcast %ne3A_1119 : i32 to vector<1x8xi32>
      %ne3A_1121 = arith.cmpi ne, %rem3A_1118, %ne3A_1120 : vector<1x8xi32>
      %and3A_1122 = arith.andi %ne3A_1117, %ne3A_1121 : vector<1x8xi1>
      %sub3A_1123 = arith.constant 1 : i32
      %sub3A_1124 = vector.broadcast %sub3A_1123 : i32 to vector<1x8xi32>
      %sub3A_1125 = arith.subi %div3A_1101, %sub3A_1124 : vector<1x8xi32>
      %select_n3A_1126 = arith.select %and3A_1122, %sub3A_1125, %div3A_1101 : vector<1x8xi1>, vector<1x8xi32>
      %iota3A_1127 = tpu.iota {dimensions = array<i32: 0>} : vector<8x8xi32>
      %iota3A_1128 = tpu.iota {dimensions = array<i32: 1>} : vector<8x8xi32>
      %lt3A = arith.cmpi slt, %iota3A_1127, %iota3A_1128 : vector<8x8xi32>
      %convert_element_type3A_1129 = arith.extui %lt3A : vector<8x8xi1> to vector<8x8xi32>
      %convert_element_type3A_1130 = arith.sitofp %convert_element_type3A_1129 : vector<8x8xi32> to vector<8x8xf32>
      %convert_element_type3A_1131 = arith.truncf %convert_element_type3A_1130 : vector<8x8xf32> to vector<8x8xbf16>
      %convert_element_type3A_1132 = arith.sitofp %select_n3A_1126 : vector<1x8xi32> to vector<1x8xf32>
      %convert_element_type3A_1133 = arith.truncf %convert_element_type3A_1132 : vector<1x8xf32> to vector<1x8xbf16>
      %dot_general3A_1134 = arith.constant dense<0.000000e+00> : vector<1x8xf32>
      %dot_general3A_1135 = tpu.matmul %convert_element_type3A_1133, %convert_element_type3A_1131, %dot_general3A_1134 {dimension_numbers = #tpu.dot_dimension_numbers<[1], [0], [0], [1], [0, 0, 1, 1], [], []>, transpose_lhs_hint = false} : vector<1x8xbf16>, vector<8x8xbf16>, vector<1x8xf32> -> vector<1x8xf32>
      %mul3A_1136 = vector.broadcast %dot_general3A_1135 : vector<1x8xf32> to vector<1024x8xf32>
      %mul3A_1137 = arith.mulf %convert_element_type3A_1081, %mul3A_1136 : vector<1024x8xf32>
      %reduce_sum3A_1138 = arith.constant dense<0.000000e+00> : vector<1024xf32>
      %reduce_sum3A_1139 = vector.multi_reduction <add>, %mul3A_1137, %reduce_sum3A_1138 [1] : vector<1024x8xf32> to vector<1024xf32>
      %broadcast_in_dim3A_1140 = vector.shape_cast %reduce_sum3A_1139 : vector<1024xf32> to vector<1024x1xf32>
      %mul3A_1141 = arith.constant 1.280000e+02 : f32
      %mul3A_1142 = vector.broadcast %mul3A_1141 : f32 to vector<1024x1xf32>
      %mul3A_1143 = arith.mulf %broadcast_in_dim3A_1140, %mul3A_1142 : vector<1024x1xf32>
      %add3A_1144 = arith.addf %mul3A_1143, %sub3A_1094 : vector<1024x1xf32>
      %convert_element_type3A_1145 = arith.fptosi %add3A_1144 : vector<1024x1xf32> to vector<1024x1xi32>
      %swap3A_1146 = arith.constant 0 : index
      %swap3A_1147 = arith.constant 0 : index
      %swap3A_1148 = vector.load %arg12[%swap3A_1146, %swap3A_1147] : memref<1024x1xi32, #tpu.memory_space<vmem>>, vector<1024x1xi32>
      tpu.vector_store %arg12[%swap3A_1146, %swap3A_1147], %convert_element_type3A_1145 {strides = array<i32>} : memref<1024x1xi32, #tpu.memory_space<vmem>>, vector<1024x1xi32>,
      %convert_element_type3A_1149 = arith.sitofp %select_n3A_1126 : vector<1x8xi32> to vector<1x8xf32>
      %reduce_sum3A_1150 = arith.constant dense<0.000000e+00> : vector<1xf32>
      %reduce_sum3A_1151 = vector.multi_reduction <add>, %convert_element_type3A_1149, %reduce_sum3A_1150 [1] : vector<1x8xf32> to vector<1xf32>
      %broadcast_in_dim3A_1152 = vector.shape_cast %reduce_sum3A_1151 : vector<1xf32> to vector<1x1xf32>
      %convert_element_type3A_1153 = arith.fptosi %broadcast_in_dim3A_1152 : vector<1x1xf32> to vector<1x1xi32>
      %swap3A_1154 = arith.constant 0 : index
      %swap3A_1155 = arith.constant 0 : index
      %swap3A_1156 = vector.load %arg14[%swap3A_1154, %swap3A_1155] : memref<1x1xi32, #tpu.memory_space<vmem>>, vector<1x1xi32>
      tpu.vector_store %arg14[%swap3A_1154, %swap3A_1155], %convert_element_type3A_1153 {strides = array<i32>} : memref<1x1xi32, #tpu.memory_space<vmem>>, vector<1x1xi32>,
      %iota3A_1157 = tpu.iota {dimensions = array<i32: 0>} : vector<16x8xi32>
      %convert_element_type3A_1158 = arith.sitofp %iota3A_1157 : vector<16x8xi32> to vector<16x8xf32>
      %broadcast_in_dim3A_1159 = vector.shape_cast %broadcast_in_dim3A_1152 : vector<1x1xf32> to vector<1x1xf32>
      %broadcast_in_dim3A_1160 = vector.broadcast %broadcast_in_dim3A_1159 : vector<1x1xf32> to vector<16x8xf32>
      %sub3A_1161 = arith.constant 1.000000e+00 : f32
      %sub3A_1162 = vector.broadcast %sub3A_1161 : f32 to vector<16x8xf32>
      %sub3A_1163 = arith.subf %broadcast_in_dim3A_1160, %sub3A_1162 : vector<16x8xf32>
      %min3A = arith.minimumf %convert_element_type3A_1158, %sub3A_1163 : vector<16x8xf32>
      %broadcast_in_dim3A_1164 = vector.shape_cast %dot_general3A_1135 : vector<1x8xf32> to vector<1x8xf32>
      %broadcast_in_dim3A_1165 = vector.broadcast %broadcast_in_dim3A_1164 : vector<1x8xf32> to vector<16x8xf32>
      %le3A = arith.cmpf ole, %broadcast_in_dim3A_1165, %min3A : vector<16x8xf32>
      %convert_element_type3A_1166 = arith.extui %le3A : vector<16x8xi1> to vector<16x8xi32>
      %convert_element_type3A_1167 = arith.sitofp %convert_element_type3A_1166 : vector<16x8xi32> to vector<16x8xf32>
      %reduce_sum3A_1168 = arith.constant dense<0.000000e+00> : vector<16xf32>
      %reduce_sum3A_1169 = vector.multi_reduction <add>, %convert_element_type3A_1167, %reduce_sum3A_1168 [1] : vector<16x8xf32> to vector<16xf32>
      %broadcast_in_dim3A_1170 = vector.shape_cast %reduce_sum3A_1169 : vector<16xf32> to vector<16x1xf32>
      %convert_element_type3A_1171 = arith.fptosi %broadcast_in_dim3A_1170 : vector<16x1xf32> to vector<16x1xi32>
      %sub3A_1172 = arith.constant 1 : i32
      %sub3A_1173 = vector.broadcast %sub3A_1172 : i32 to vector<16x1xi32>
      %sub3A_1174 = arith.subi %convert_element_type3A_1171, %sub3A_1173 : vector<16x1xi32>
      %swap3A_1175 = arith.constant 0 : index
      %swap3A_1176 = arith.constant 0 : index
      %swap3A_1177 = vector.load %arg13[%swap3A_1175, %swap3A_1176] : memref<16x1xi32, #tpu.memory_space<vmem>>, vector<16x1xi32>
      tpu.vector_store %arg13[%swap3A_1175, %swap3A_1176], %sub3A_1174 {strides = array<i32>} : memref<16x1xi32, #tpu.memory_space<vmem>>, vector<16x1xi32>,
    } else {
    }
    return
  }
  func.func @transform_0(%arg0: i32) -> (i32, i32, i32) {
    %c0_i32 = arith.constant 0 : i32
    %c0_i32_0 = arith.constant 0 : i32
    %c0_i32_1 = arith.constant 0 : i32
    return %c0_i32, %arg0, %c0_i32_0 : i32, i32, i32
  }
  func.func @transform_1(%arg0: i32) -> (i32, i32) {
    %c0_i32 = arith.constant 0 : i32
    %c0_i32_0 = arith.constant 0 : i32
    return %arg0, %c0_i32 : i32, i32
  }
  func.func @transform_2(%arg0: i32) -> (i32, i32) {
    %c0_i32 = arith.constant 0 : i32
    %c0_i32_0 = arith.constant 0 : i32
    return %arg0, %c0_i32 : i32, i32
  }
  func.func @transform_3(%arg0: i32) -> (i32, i32) {
    %c0_i32 = arith.constant 0 : i32
    %c0_i32_0 = arith.constant 0 : i32
    %c0_i32_1 = arith.constant 0 : i32
    return %c0_i32, %c0_i32_0 : i32, i32
  }
  func.func @transform_4(%arg0: i32) -> (i32, i32) {
    %c0_i32 = arith.constant 0 : i32
    %c0_i32_0 = arith.constant 0 : i32
    %c0_i32_1 = arith.constant 0 : i32
    return %c0_i32, %c0_i32_0 : i32, i32
  }
  func.func @transform_5(%arg0: i32) -> (i32, i32) {
    %c0_i32 = arith.constant 0 : i32
    %c0_i32_0 = arith.constant 0 : i32
    %c0_i32_1 = arith.constant 0 : i32
    return %c0_i32, %c0_i32_0 : i32, i32
  }
  func.func @transform_6(%arg0: i32) -> (i32, i32) {
    %c0_i32 = arith.constant 0 : i32
    %c0_i32_0 = arith.constant 0 : i32
    %c0_i32_1 = arith.constant 0 : i32
    return %c0_i32, %c0_i32_0 : i32, i32
  }
  func.func @transform_7(%arg0: i32) -> (i32, i32, i32) {
    %c0_i32 = arith.constant 0 : i32
    %c0_i32_0 = arith.constant 0 : i32
    %c0_i32_1 = arith.constant 0 : i32
    return %c0_i32, %arg0, %c0_i32_0 : i32, i32, i32
  }
  func.func @transform_8(%arg0: i32) -> (i32, i32) {
    %c0_i32 = arith.constant 0 : i32
    %c0_i32_0 = arith.constant 0 : i32
    return %arg0, %c0_i32 : i32, i32
  }
  func.func @transform_9(%arg0: i32) -> (i32, i32) {
    %c0_i32 = arith.constant 0 : i32
    %c0_i32_0 = arith.constant 0 : i32
    return %arg0, %c0_i32 : i32, i32
  }
  func.func @transform_10(%arg0: i32) -> (i32, i32) {
    %c0_i32 = arith.constant 0 : i32
    %c0_i32_0 = arith.constant 0 : i32
    return %arg0, %c0_i32 : i32, i32
  }
  func.func @transform_11(%arg0: i32) -> (i32, i32) {
    %c0_i32 = arith.constant 0 : i32
    %c0_i32_0 = arith.constant 0 : i32
    %c0_i32_1 = arith.constant 0 : i32
    return %c0_i32, %c0_i32_0 : i32, i32
  }
  func.func @transform_12(%arg0: i32) -> (i32, i32) {
    %c0_i32 = arith.constant 0 : i32
    %c0_i32_0 = arith.constant 0 : i32
    %c0_i32_1 = arith.constant 0 : i32
    return %c0_i32, %c0_i32_0 : i32, i32
  }
  func.func @transform_13(%arg0: i32) -> (i32, i32) {
    %c0_i32 = arith.constant 0 : i32
    %c0_i32_0 = arith.constant 0 : i32
    %c0_i32_1 = arith.constant 0 : i32
    return %c0_i32, %c0_i32_0 : i32, i32
  }
}

module attributes {stable_mosaic.version = 14 : i64} {
  func.func @_apply_body(%arg0: i32, %arg1: memref<16x128x512xf32, #tpu.memory_space<vmem>>, %arg2: memref<128x512xf32, #tpu.memory_space<vmem>>, %arg3: memref<128x1xi32, #tpu.memory_space<vmem>>, %arg4: memref<128x16x512xf32, #tpu.memory_space<vmem>>) attributes {dimension_semantics = [#tpu.dimension_semantics<arbitrary>], iteration_bounds = array<i64: 8>, scalar_prefetch = 0 : i64, scratch_operands = 0 : i64, tpu.core_type = #tpu.core_type<tc>, window_params = [{transform_indices = @transform_0, window_bounds = array<i64: 16, 128, 512>}, {transform_indices = @transform_1, window_bounds = array<i64: 128, 512>}, {transform_indices = @transform_2, window_bounds = array<i64: 128, 1>}, {transform_indices = @transform_3, window_bounds = array<i64: 128, 16, 512>}]} {
    %get3A = arith.constant 0 : index
    %get3A_0 = arith.constant 0 : index
    %get3A_1 = vector.load %arg3[%get3A, %get3A_0] : memref<128x1xi32, #tpu.memory_space<vmem>>, vector<128x1xi32>
    %get3A_2 = arith.constant 0 : index
    %get3A_3 = arith.constant 0 : index
    %get3A_4 = vector.load %arg2[%get3A_2, %get3A_3] : memref<128x512xf32, #tpu.memory_space<vmem>>, vector<128x512xf32>
    %eq3A = arith.constant 0 : i32
    %eq3A_5 = vector.broadcast %eq3A : i32 to vector<128x1xi32>
    %eq3A_6 = arith.cmpi eq, %get3A_1, %eq3A_5 : vector<128x1xi32>
    %get3A_7 = arith.constant 0 : index
    %get3A_8 = arith.constant 0 : index
    %get3A_9 = arith.constant 0 : index
    %get3A_10 = vector.load %arg1[%get3A_7, %get3A_8, %get3A_9] : memref<16x128x512xf32, #tpu.memory_space<vmem>>, vector<1x128x512xf32>
    %get3A_11 = vector.shape_cast %get3A_10 : vector<1x128x512xf32> to vector<128x512xf32>
    %broadcast_in_dim3A = vector.shape_cast %eq3A_6 : vector<128x1xi1> to vector<128x1xi1>
    %broadcast_in_dim3A_12 = vector.broadcast %broadcast_in_dim3A : vector<128x1xi1> to vector<128x512xi1>
    %select_n3A = arith.select %broadcast_in_dim3A_12, %get3A_4, %get3A_11 : vector<128x512xi1>, vector<128x512xf32>
    %swap3A = arith.constant 0 : index
    %swap3A_13 = arith.constant 0 : index
    %swap3A_14 = arith.constant 0 : index
    %swap3A_15 = vector.load %arg4[%swap3A, %swap3A_13, %swap3A_14] : memref<128x16x512xf32, #tpu.memory_space<vmem>>, vector<128x1x512xf32>
    %swap3A_16 = vector.shape_cast %swap3A_15 : vector<128x1x512xf32> to vector<128x512xf32>
    %swap3A_17 = vector.shape_cast %select_n3A : vector<128x512xf32> to vector<128x1x512xf32>
    tpu.vector_store %arg4[%swap3A, %swap3A_13, %swap3A_14], %swap3A_17 {strides = array<i32>} : memref<128x16x512xf32, #tpu.memory_space<vmem>>, vector<128x1x512xf32>,
    %eq3A_18 = arith.constant 1 : i32
    %eq3A_19 = vector.broadcast %eq3A_18 : i32 to vector<128x1xi32>
    %eq3A_20 = arith.cmpi eq, %get3A_1, %eq3A_19 : vector<128x1xi32>
    %get3A_21 = arith.constant 1 : index
    %get3A_22 = arith.constant 0 : index
    %get3A_23 = arith.constant 0 : index
    %get3A_24 = vector.load %arg1[%get3A_21, %get3A_22, %get3A_23] : memref<16x128x512xf32, #tpu.memory_space<vmem>>, vector<1x128x512xf32>
    %get3A_25 = vector.shape_cast %get3A_24 : vector<1x128x512xf32> to vector<128x512xf32>
    %broadcast_in_dim3A_26 = vector.shape_cast %eq3A_20 : vector<128x1xi1> to vector<128x1xi1>
    %broadcast_in_dim3A_27 = vector.broadcast %broadcast_in_dim3A_26 : vector<128x1xi1> to vector<128x512xi1>
    %select_n3A_28 = arith.select %broadcast_in_dim3A_27, %get3A_4, %get3A_25 : vector<128x512xi1>, vector<128x512xf32>
    %swap3A_29 = arith.constant 0 : index
    %swap3A_30 = arith.constant 1 : index
    %swap3A_31 = arith.constant 0 : index
    %swap3A_32 = vector.load %arg4[%swap3A_29, %swap3A_30, %swap3A_31] : memref<128x16x512xf32, #tpu.memory_space<vmem>>, vector<128x1x512xf32>
    %swap3A_33 = vector.shape_cast %swap3A_32 : vector<128x1x512xf32> to vector<128x512xf32>
    %swap3A_34 = vector.shape_cast %select_n3A_28 : vector<128x512xf32> to vector<128x1x512xf32>
    tpu.vector_store %arg4[%swap3A_29, %swap3A_30, %swap3A_31], %swap3A_34 {strides = array<i32>} : memref<128x16x512xf32, #tpu.memory_space<vmem>>, vector<128x1x512xf32>,
    %eq3A_35 = arith.constant 2 : i32
    %eq3A_36 = vector.broadcast %eq3A_35 : i32 to vector<128x1xi32>
    %eq3A_37 = arith.cmpi eq, %get3A_1, %eq3A_36 : vector<128x1xi32>
    %get3A_38 = arith.constant 2 : index
    %get3A_39 = arith.constant 0 : index
    %get3A_40 = arith.constant 0 : index
    %get3A_41 = vector.load %arg1[%get3A_38, %get3A_39, %get3A_40] : memref<16x128x512xf32, #tpu.memory_space<vmem>>, vector<1x128x512xf32>
    %get3A_42 = vector.shape_cast %get3A_41 : vector<1x128x512xf32> to vector<128x512xf32>
    %broadcast_in_dim3A_43 = vector.shape_cast %eq3A_37 : vector<128x1xi1> to vector<128x1xi1>
    %broadcast_in_dim3A_44 = vector.broadcast %broadcast_in_dim3A_43 : vector<128x1xi1> to vector<128x512xi1>
    %select_n3A_45 = arith.select %broadcast_in_dim3A_44, %get3A_4, %get3A_42 : vector<128x512xi1>, vector<128x512xf32>
    %swap3A_46 = arith.constant 0 : index
    %swap3A_47 = arith.constant 2 : index
    %swap3A_48 = arith.constant 0 : index
    %swap3A_49 = vector.load %arg4[%swap3A_46, %swap3A_47, %swap3A_48] : memref<128x16x512xf32, #tpu.memory_space<vmem>>, vector<128x1x512xf32>
    %swap3A_50 = vector.shape_cast %swap3A_49 : vector<128x1x512xf32> to vector<128x512xf32>
    %swap3A_51 = vector.shape_cast %select_n3A_45 : vector<128x512xf32> to vector<128x1x512xf32>
    tpu.vector_store %arg4[%swap3A_46, %swap3A_47, %swap3A_48], %swap3A_51 {strides = array<i32>} : memref<128x16x512xf32, #tpu.memory_space<vmem>>, vector<128x1x512xf32>,
    %eq3A_52 = arith.constant 3 : i32
    %eq3A_53 = vector.broadcast %eq3A_52 : i32 to vector<128x1xi32>
    %eq3A_54 = arith.cmpi eq, %get3A_1, %eq3A_53 : vector<128x1xi32>
    %get3A_55 = arith.constant 3 : index
    %get3A_56 = arith.constant 0 : index
    %get3A_57 = arith.constant 0 : index
    %get3A_58 = vector.load %arg1[%get3A_55, %get3A_56, %get3A_57] : memref<16x128x512xf32, #tpu.memory_space<vmem>>, vector<1x128x512xf32>
    %get3A_59 = vector.shape_cast %get3A_58 : vector<1x128x512xf32> to vector<128x512xf32>
    %broadcast_in_dim3A_60 = vector.shape_cast %eq3A_54 : vector<128x1xi1> to vector<128x1xi1>
    %broadcast_in_dim3A_61 = vector.broadcast %broadcast_in_dim3A_60 : vector<128x1xi1> to vector<128x512xi1>
    %select_n3A_62 = arith.select %broadcast_in_dim3A_61, %get3A_4, %get3A_59 : vector<128x512xi1>, vector<128x512xf32>
    %swap3A_63 = arith.constant 0 : index
    %swap3A_64 = arith.constant 3 : index
    %swap3A_65 = arith.constant 0 : index
    %swap3A_66 = vector.load %arg4[%swap3A_63, %swap3A_64, %swap3A_65] : memref<128x16x512xf32, #tpu.memory_space<vmem>>, vector<128x1x512xf32>
    %swap3A_67 = vector.shape_cast %swap3A_66 : vector<128x1x512xf32> to vector<128x512xf32>
    %swap3A_68 = vector.shape_cast %select_n3A_62 : vector<128x512xf32> to vector<128x1x512xf32>
    tpu.vector_store %arg4[%swap3A_63, %swap3A_64, %swap3A_65], %swap3A_68 {strides = array<i32>} : memref<128x16x512xf32, #tpu.memory_space<vmem>>, vector<128x1x512xf32>,
    %eq3A_69 = arith.constant 4 : i32
    %eq3A_70 = vector.broadcast %eq3A_69 : i32 to vector<128x1xi32>
    %eq3A_71 = arith.cmpi eq, %get3A_1, %eq3A_70 : vector<128x1xi32>
    %get3A_72 = arith.constant 4 : index
    %get3A_73 = arith.constant 0 : index
    %get3A_74 = arith.constant 0 : index
    %get3A_75 = vector.load %arg1[%get3A_72, %get3A_73, %get3A_74] : memref<16x128x512xf32, #tpu.memory_space<vmem>>, vector<1x128x512xf32>
    %get3A_76 = vector.shape_cast %get3A_75 : vector<1x128x512xf32> to vector<128x512xf32>
    %broadcast_in_dim3A_77 = vector.shape_cast %eq3A_71 : vector<128x1xi1> to vector<128x1xi1>
    %broadcast_in_dim3A_78 = vector.broadcast %broadcast_in_dim3A_77 : vector<128x1xi1> to vector<128x512xi1>
    %select_n3A_79 = arith.select %broadcast_in_dim3A_78, %get3A_4, %get3A_76 : vector<128x512xi1>, vector<128x512xf32>
    %swap3A_80 = arith.constant 0 : index
    %swap3A_81 = arith.constant 4 : index
    %swap3A_82 = arith.constant 0 : index
    %swap3A_83 = vector.load %arg4[%swap3A_80, %swap3A_81, %swap3A_82] : memref<128x16x512xf32, #tpu.memory_space<vmem>>, vector<128x1x512xf32>
    %swap3A_84 = vector.shape_cast %swap3A_83 : vector<128x1x512xf32> to vector<128x512xf32>
    %swap3A_85 = vector.shape_cast %select_n3A_79 : vector<128x512xf32> to vector<128x1x512xf32>
    tpu.vector_store %arg4[%swap3A_80, %swap3A_81, %swap3A_82], %swap3A_85 {strides = array<i32>} : memref<128x16x512xf32, #tpu.memory_space<vmem>>, vector<128x1x512xf32>,
    %eq3A_86 = arith.constant 5 : i32
    %eq3A_87 = vector.broadcast %eq3A_86 : i32 to vector<128x1xi32>
    %eq3A_88 = arith.cmpi eq, %get3A_1, %eq3A_87 : vector<128x1xi32>
    %get3A_89 = arith.constant 5 : index
    %get3A_90 = arith.constant 0 : index
    %get3A_91 = arith.constant 0 : index
    %get3A_92 = vector.load %arg1[%get3A_89, %get3A_90, %get3A_91] : memref<16x128x512xf32, #tpu.memory_space<vmem>>, vector<1x128x512xf32>
    %get3A_93 = vector.shape_cast %get3A_92 : vector<1x128x512xf32> to vector<128x512xf32>
    %broadcast_in_dim3A_94 = vector.shape_cast %eq3A_88 : vector<128x1xi1> to vector<128x1xi1>
    %broadcast_in_dim3A_95 = vector.broadcast %broadcast_in_dim3A_94 : vector<128x1xi1> to vector<128x512xi1>
    %select_n3A_96 = arith.select %broadcast_in_dim3A_95, %get3A_4, %get3A_93 : vector<128x512xi1>, vector<128x512xf32>
    %swap3A_97 = arith.constant 0 : index
    %swap3A_98 = arith.constant 5 : index
    %swap3A_99 = arith.constant 0 : index
    %swap3A_100 = vector.load %arg4[%swap3A_97, %swap3A_98, %swap3A_99] : memref<128x16x512xf32, #tpu.memory_space<vmem>>, vector<128x1x512xf32>
    %swap3A_101 = vector.shape_cast %swap3A_100 : vector<128x1x512xf32> to vector<128x512xf32>
    %swap3A_102 = vector.shape_cast %select_n3A_96 : vector<128x512xf32> to vector<128x1x512xf32>
    tpu.vector_store %arg4[%swap3A_97, %swap3A_98, %swap3A_99], %swap3A_102 {strides = array<i32>} : memref<128x16x512xf32, #tpu.memory_space<vmem>>, vector<128x1x512xf32>,
    %eq3A_103 = arith.constant 6 : i32
    %eq3A_104 = vector.broadcast %eq3A_103 : i32 to vector<128x1xi32>
    %eq3A_105 = arith.cmpi eq, %get3A_1, %eq3A_104 : vector<128x1xi32>
    %get3A_106 = arith.constant 6 : index
    %get3A_107 = arith.constant 0 : index
    %get3A_108 = arith.constant 0 : index
    %get3A_109 = vector.load %arg1[%get3A_106, %get3A_107, %get3A_108] : memref<16x128x512xf32, #tpu.memory_space<vmem>>, vector<1x128x512xf32>
    %get3A_110 = vector.shape_cast %get3A_109 : vector<1x128x512xf32> to vector<128x512xf32>
    %broadcast_in_dim3A_111 = vector.shape_cast %eq3A_105 : vector<128x1xi1> to vector<128x1xi1>
    %broadcast_in_dim3A_112 = vector.broadcast %broadcast_in_dim3A_111 : vector<128x1xi1> to vector<128x512xi1>
    %select_n3A_113 = arith.select %broadcast_in_dim3A_112, %get3A_4, %get3A_110 : vector<128x512xi1>, vector<128x512xf32>
    %swap3A_114 = arith.constant 0 : index
    %swap3A_115 = arith.constant 6 : index
    %swap3A_116 = arith.constant 0 : index
    %swap3A_117 = vector.load %arg4[%swap3A_114, %swap3A_115, %swap3A_116] : memref<128x16x512xf32, #tpu.memory_space<vmem>>, vector<128x1x512xf32>
    %swap3A_118 = vector.shape_cast %swap3A_117 : vector<128x1x512xf32> to vector<128x512xf32>
    %swap3A_119 = vector.shape_cast %select_n3A_113 : vector<128x512xf32> to vector<128x1x512xf32>
    tpu.vector_store %arg4[%swap3A_114, %swap3A_115, %swap3A_116], %swap3A_119 {strides = array<i32>} : memref<128x16x512xf32, #tpu.memory_space<vmem>>, vector<128x1x512xf32>,
    %eq3A_120 = arith.constant 7 : i32
    %eq3A_121 = vector.broadcast %eq3A_120 : i32 to vector<128x1xi32>
    %eq3A_122 = arith.cmpi eq, %get3A_1, %eq3A_121 : vector<128x1xi32>
    %get3A_123 = arith.constant 7 : index
    %get3A_124 = arith.constant 0 : index
    %get3A_125 = arith.constant 0 : index
    %get3A_126 = vector.load %arg1[%get3A_123, %get3A_124, %get3A_125] : memref<16x128x512xf32, #tpu.memory_space<vmem>>, vector<1x128x512xf32>
    %get3A_127 = vector.shape_cast %get3A_126 : vector<1x128x512xf32> to vector<128x512xf32>
    %broadcast_in_dim3A_128 = vector.shape_cast %eq3A_122 : vector<128x1xi1> to vector<128x1xi1>
    %broadcast_in_dim3A_129 = vector.broadcast %broadcast_in_dim3A_128 : vector<128x1xi1> to vector<128x512xi1>
    %select_n3A_130 = arith.select %broadcast_in_dim3A_129, %get3A_4, %get3A_127 : vector<128x512xi1>, vector<128x512xf32>
    %swap3A_131 = arith.constant 0 : index
    %swap3A_132 = arith.constant 7 : index
    %swap3A_133 = arith.constant 0 : index
    %swap3A_134 = vector.load %arg4[%swap3A_131, %swap3A_132, %swap3A_133] : memref<128x16x512xf32, #tpu.memory_space<vmem>>, vector<128x1x512xf32>
    %swap3A_135 = vector.shape_cast %swap3A_134 : vector<128x1x512xf32> to vector<128x512xf32>
    %swap3A_136 = vector.shape_cast %select_n3A_130 : vector<128x512xf32> to vector<128x1x512xf32>
    tpu.vector_store %arg4[%swap3A_131, %swap3A_132, %swap3A_133], %swap3A_136 {strides = array<i32>} : memref<128x16x512xf32, #tpu.memory_space<vmem>>, vector<128x1x512xf32>,
    %eq3A_137 = arith.constant 8 : i32
    %eq3A_138 = vector.broadcast %eq3A_137 : i32 to vector<128x1xi32>
    %eq3A_139 = arith.cmpi eq, %get3A_1, %eq3A_138 : vector<128x1xi32>
    %get3A_140 = arith.constant 8 : index
    %get3A_141 = arith.constant 0 : index
    %get3A_142 = arith.constant 0 : index
    %get3A_143 = vector.load %arg1[%get3A_140, %get3A_141, %get3A_142] : memref<16x128x512xf32, #tpu.memory_space<vmem>>, vector<1x128x512xf32>
    %get3A_144 = vector.shape_cast %get3A_143 : vector<1x128x512xf32> to vector<128x512xf32>
    %broadcast_in_dim3A_145 = vector.shape_cast %eq3A_139 : vector<128x1xi1> to vector<128x1xi1>
    %broadcast_in_dim3A_146 = vector.broadcast %broadcast_in_dim3A_145 : vector<128x1xi1> to vector<128x512xi1>
    %select_n3A_147 = arith.select %broadcast_in_dim3A_146, %get3A_4, %get3A_144 : vector<128x512xi1>, vector<128x512xf32>
    %swap3A_148 = arith.constant 0 : index
    %swap3A_149 = arith.constant 8 : index
    %swap3A_150 = arith.constant 0 : index
    %swap3A_151 = vector.load %arg4[%swap3A_148, %swap3A_149, %swap3A_150] : memref<128x16x512xf32, #tpu.memory_space<vmem>>, vector<128x1x512xf32>
    %swap3A_152 = vector.shape_cast %swap3A_151 : vector<128x1x512xf32> to vector<128x512xf32>
    %swap3A_153 = vector.shape_cast %select_n3A_147 : vector<128x512xf32> to vector<128x1x512xf32>
    tpu.vector_store %arg4[%swap3A_148, %swap3A_149, %swap3A_150], %swap3A_153 {strides = array<i32>} : memref<128x16x512xf32, #tpu.memory_space<vmem>>, vector<128x1x512xf32>,
    %eq3A_154 = arith.constant 9 : i32
    %eq3A_155 = vector.broadcast %eq3A_154 : i32 to vector<128x1xi32>
    %eq3A_156 = arith.cmpi eq, %get3A_1, %eq3A_155 : vector<128x1xi32>
    %get3A_157 = arith.constant 9 : index
    %get3A_158 = arith.constant 0 : index
    %get3A_159 = arith.constant 0 : index
    %get3A_160 = vector.load %arg1[%get3A_157, %get3A_158, %get3A_159] : memref<16x128x512xf32, #tpu.memory_space<vmem>>, vector<1x128x512xf32>
    %get3A_161 = vector.shape_cast %get3A_160 : vector<1x128x512xf32> to vector<128x512xf32>
    %broadcast_in_dim3A_162 = vector.shape_cast %eq3A_156 : vector<128x1xi1> to vector<128x1xi1>
    %broadcast_in_dim3A_163 = vector.broadcast %broadcast_in_dim3A_162 : vector<128x1xi1> to vector<128x512xi1>
    %select_n3A_164 = arith.select %broadcast_in_dim3A_163, %get3A_4, %get3A_161 : vector<128x512xi1>, vector<128x512xf32>
    %swap3A_165 = arith.constant 0 : index
    %swap3A_166 = arith.constant 9 : index
    %swap3A_167 = arith.constant 0 : index
    %swap3A_168 = vector.load %arg4[%swap3A_165, %swap3A_166, %swap3A_167] : memref<128x16x512xf32, #tpu.memory_space<vmem>>, vector<128x1x512xf32>
    %swap3A_169 = vector.shape_cast %swap3A_168 : vector<128x1x512xf32> to vector<128x512xf32>
    %swap3A_170 = vector.shape_cast %select_n3A_164 : vector<128x512xf32> to vector<128x1x512xf32>
    tpu.vector_store %arg4[%swap3A_165, %swap3A_166, %swap3A_167], %swap3A_170 {strides = array<i32>} : memref<128x16x512xf32, #tpu.memory_space<vmem>>, vector<128x1x512xf32>,
    %eq3A_171 = arith.constant 10 : i32
    %eq3A_172 = vector.broadcast %eq3A_171 : i32 to vector<128x1xi32>
    %eq3A_173 = arith.cmpi eq, %get3A_1, %eq3A_172 : vector<128x1xi32>
    %get3A_174 = arith.constant 10 : index
    %get3A_175 = arith.constant 0 : index
    %get3A_176 = arith.constant 0 : index
    %get3A_177 = vector.load %arg1[%get3A_174, %get3A_175, %get3A_176] : memref<16x128x512xf32, #tpu.memory_space<vmem>>, vector<1x128x512xf32>
    %get3A_178 = vector.shape_cast %get3A_177 : vector<1x128x512xf32> to vector<128x512xf32>
    %broadcast_in_dim3A_179 = vector.shape_cast %eq3A_173 : vector<128x1xi1> to vector<128x1xi1>
    %broadcast_in_dim3A_180 = vector.broadcast %broadcast_in_dim3A_179 : vector<128x1xi1> to vector<128x512xi1>
    %select_n3A_181 = arith.select %broadcast_in_dim3A_180, %get3A_4, %get3A_178 : vector<128x512xi1>, vector<128x512xf32>
    %swap3A_182 = arith.constant 0 : index
    %swap3A_183 = arith.constant 10 : index
    %swap3A_184 = arith.constant 0 : index
    %swap3A_185 = vector.load %arg4[%swap3A_182, %swap3A_183, %swap3A_184] : memref<128x16x512xf32, #tpu.memory_space<vmem>>, vector<128x1x512xf32>
    %swap3A_186 = vector.shape_cast %swap3A_185 : vector<128x1x512xf32> to vector<128x512xf32>
    %swap3A_187 = vector.shape_cast %select_n3A_181 : vector<128x512xf32> to vector<128x1x512xf32>
    tpu.vector_store %arg4[%swap3A_182, %swap3A_183, %swap3A_184], %swap3A_187 {strides = array<i32>} : memref<128x16x512xf32, #tpu.memory_space<vmem>>, vector<128x1x512xf32>,
    %eq3A_188 = arith.constant 11 : i32
    %eq3A_189 = vector.broadcast %eq3A_188 : i32 to vector<128x1xi32>
    %eq3A_190 = arith.cmpi eq, %get3A_1, %eq3A_189 : vector<128x1xi32>
    %get3A_191 = arith.constant 11 : index
    %get3A_192 = arith.constant 0 : index
    %get3A_193 = arith.constant 0 : index
    %get3A_194 = vector.load %arg1[%get3A_191, %get3A_192, %get3A_193] : memref<16x128x512xf32, #tpu.memory_space<vmem>>, vector<1x128x512xf32>
    %get3A_195 = vector.shape_cast %get3A_194 : vector<1x128x512xf32> to vector<128x512xf32>
    %broadcast_in_dim3A_196 = vector.shape_cast %eq3A_190 : vector<128x1xi1> to vector<128x1xi1>
    %broadcast_in_dim3A_197 = vector.broadcast %broadcast_in_dim3A_196 : vector<128x1xi1> to vector<128x512xi1>
    %select_n3A_198 = arith.select %broadcast_in_dim3A_197, %get3A_4, %get3A_195 : vector<128x512xi1>, vector<128x512xf32>
    %swap3A_199 = arith.constant 0 : index
    %swap3A_200 = arith.constant 11 : index
    %swap3A_201 = arith.constant 0 : index
    %swap3A_202 = vector.load %arg4[%swap3A_199, %swap3A_200, %swap3A_201] : memref<128x16x512xf32, #tpu.memory_space<vmem>>, vector<128x1x512xf32>
    %swap3A_203 = vector.shape_cast %swap3A_202 : vector<128x1x512xf32> to vector<128x512xf32>
    %swap3A_204 = vector.shape_cast %select_n3A_198 : vector<128x512xf32> to vector<128x1x512xf32>
    tpu.vector_store %arg4[%swap3A_199, %swap3A_200, %swap3A_201], %swap3A_204 {strides = array<i32>} : memref<128x16x512xf32, #tpu.memory_space<vmem>>, vector<128x1x512xf32>,
    %eq3A_205 = arith.constant 12 : i32
    %eq3A_206 = vector.broadcast %eq3A_205 : i32 to vector<128x1xi32>
    %eq3A_207 = arith.cmpi eq, %get3A_1, %eq3A_206 : vector<128x1xi32>
    %get3A_208 = arith.constant 12 : index
    %get3A_209 = arith.constant 0 : index
    %get3A_210 = arith.constant 0 : index
    %get3A_211 = vector.load %arg1[%get3A_208, %get3A_209, %get3A_210] : memref<16x128x512xf32, #tpu.memory_space<vmem>>, vector<1x128x512xf32>
    %get3A_212 = vector.shape_cast %get3A_211 : vector<1x128x512xf32> to vector<128x512xf32>
    %broadcast_in_dim3A_213 = vector.shape_cast %eq3A_207 : vector<128x1xi1> to vector<128x1xi1>
    %broadcast_in_dim3A_214 = vector.broadcast %broadcast_in_dim3A_213 : vector<128x1xi1> to vector<128x512xi1>
    %select_n3A_215 = arith.select %broadcast_in_dim3A_214, %get3A_4, %get3A_212 : vector<128x512xi1>, vector<128x512xf32>
    %swap3A_216 = arith.constant 0 : index
    %swap3A_217 = arith.constant 12 : index
    %swap3A_218 = arith.constant 0 : index
    %swap3A_219 = vector.load %arg4[%swap3A_216, %swap3A_217, %swap3A_218] : memref<128x16x512xf32, #tpu.memory_space<vmem>>, vector<128x1x512xf32>
    %swap3A_220 = vector.shape_cast %swap3A_219 : vector<128x1x512xf32> to vector<128x512xf32>
    %swap3A_221 = vector.shape_cast %select_n3A_215 : vector<128x512xf32> to vector<128x1x512xf32>
    tpu.vector_store %arg4[%swap3A_216, %swap3A_217, %swap3A_218], %swap3A_221 {strides = array<i32>} : memref<128x16x512xf32, #tpu.memory_space<vmem>>, vector<128x1x512xf32>,
    %eq3A_222 = arith.constant 13 : i32
    %eq3A_223 = vector.broadcast %eq3A_222 : i32 to vector<128x1xi32>
    %eq3A_224 = arith.cmpi eq, %get3A_1, %eq3A_223 : vector<128x1xi32>
    %get3A_225 = arith.constant 13 : index
    %get3A_226 = arith.constant 0 : index
    %get3A_227 = arith.constant 0 : index
    %get3A_228 = vector.load %arg1[%get3A_225, %get3A_226, %get3A_227] : memref<16x128x512xf32, #tpu.memory_space<vmem>>, vector<1x128x512xf32>
    %get3A_229 = vector.shape_cast %get3A_228 : vector<1x128x512xf32> to vector<128x512xf32>
    %broadcast_in_dim3A_230 = vector.shape_cast %eq3A_224 : vector<128x1xi1> to vector<128x1xi1>
    %broadcast_in_dim3A_231 = vector.broadcast %broadcast_in_dim3A_230 : vector<128x1xi1> to vector<128x512xi1>
    %select_n3A_232 = arith.select %broadcast_in_dim3A_231, %get3A_4, %get3A_229 : vector<128x512xi1>, vector<128x512xf32>
    %swap3A_233 = arith.constant 0 : index
    %swap3A_234 = arith.constant 13 : index
    %swap3A_235 = arith.constant 0 : index
    %swap3A_236 = vector.load %arg4[%swap3A_233, %swap3A_234, %swap3A_235] : memref<128x16x512xf32, #tpu.memory_space<vmem>>, vector<128x1x512xf32>
    %swap3A_237 = vector.shape_cast %swap3A_236 : vector<128x1x512xf32> to vector<128x512xf32>
    %swap3A_238 = vector.shape_cast %select_n3A_232 : vector<128x512xf32> to vector<128x1x512xf32>
    tpu.vector_store %arg4[%swap3A_233, %swap3A_234, %swap3A_235], %swap3A_238 {strides = array<i32>} : memref<128x16x512xf32, #tpu.memory_space<vmem>>, vector<128x1x512xf32>,
    %eq3A_239 = arith.constant 14 : i32
    %eq3A_240 = vector.broadcast %eq3A_239 : i32 to vector<128x1xi32>
    %eq3A_241 = arith.cmpi eq, %get3A_1, %eq3A_240 : vector<128x1xi32>
    %get3A_242 = arith.constant 14 : index
    %get3A_243 = arith.constant 0 : index
    %get3A_244 = arith.constant 0 : index
    %get3A_245 = vector.load %arg1[%get3A_242, %get3A_243, %get3A_244] : memref<16x128x512xf32, #tpu.memory_space<vmem>>, vector<1x128x512xf32>
    %get3A_246 = vector.shape_cast %get3A_245 : vector<1x128x512xf32> to vector<128x512xf32>
    %broadcast_in_dim3A_247 = vector.shape_cast %eq3A_241 : vector<128x1xi1> to vector<128x1xi1>
    %broadcast_in_dim3A_248 = vector.broadcast %broadcast_in_dim3A_247 : vector<128x1xi1> to vector<128x512xi1>
    %select_n3A_249 = arith.select %broadcast_in_dim3A_248, %get3A_4, %get3A_246 : vector<128x512xi1>, vector<128x512xf32>
    %swap3A_250 = arith.constant 0 : index
    %swap3A_251 = arith.constant 14 : index
    %swap3A_252 = arith.constant 0 : index
    %swap3A_253 = vector.load %arg4[%swap3A_250, %swap3A_251, %swap3A_252] : memref<128x16x512xf32, #tpu.memory_space<vmem>>, vector<128x1x512xf32>
    %swap3A_254 = vector.shape_cast %swap3A_253 : vector<128x1x512xf32> to vector<128x512xf32>
    %swap3A_255 = vector.shape_cast %select_n3A_249 : vector<128x512xf32> to vector<128x1x512xf32>
    tpu.vector_store %arg4[%swap3A_250, %swap3A_251, %swap3A_252], %swap3A_255 {strides = array<i32>} : memref<128x16x512xf32, #tpu.memory_space<vmem>>, vector<128x1x512xf32>,
    %eq3A_256 = arith.constant 15 : i32
    %eq3A_257 = vector.broadcast %eq3A_256 : i32 to vector<128x1xi32>
    %eq3A_258 = arith.cmpi eq, %get3A_1, %eq3A_257 : vector<128x1xi32>
    %get3A_259 = arith.constant 15 : index
    %get3A_260 = arith.constant 0 : index
    %get3A_261 = arith.constant 0 : index
    %get3A_262 = vector.load %arg1[%get3A_259, %get3A_260, %get3A_261] : memref<16x128x512xf32, #tpu.memory_space<vmem>>, vector<1x128x512xf32>
    %get3A_263 = vector.shape_cast %get3A_262 : vector<1x128x512xf32> to vector<128x512xf32>
    %broadcast_in_dim3A_264 = vector.shape_cast %eq3A_258 : vector<128x1xi1> to vector<128x1xi1>
    %broadcast_in_dim3A_265 = vector.broadcast %broadcast_in_dim3A_264 : vector<128x1xi1> to vector<128x512xi1>
    %select_n3A_266 = arith.select %broadcast_in_dim3A_265, %get3A_4, %get3A_263 : vector<128x512xi1>, vector<128x512xf32>
    %swap3A_267 = arith.constant 0 : index
    %swap3A_268 = arith.constant 15 : index
    %swap3A_269 = arith.constant 0 : index
    %swap3A_270 = vector.load %arg4[%swap3A_267, %swap3A_268, %swap3A_269] : memref<128x16x512xf32, #tpu.memory_space<vmem>>, vector<128x1x512xf32>
    %swap3A_271 = vector.shape_cast %swap3A_270 : vector<128x1x512xf32> to vector<128x512xf32>
    %swap3A_272 = vector.shape_cast %select_n3A_266 : vector<128x512xf32> to vector<128x1x512xf32>
    tpu.vector_store %arg4[%swap3A_267, %swap3A_268, %swap3A_269], %swap3A_272 {strides = array<i32>} : memref<128x16x512xf32, #tpu.memory_space<vmem>>, vector<128x1x512xf32>,
    return
  }
  func.func @transform_0(%arg0: i32) -> (i32, i32, i32) {
    %c0_i32 = arith.constant 0 : i32
    %c0_i32_0 = arith.constant 0 : i32
    %c0_i32_1 = arith.constant 0 : i32
    return %c0_i32, %arg0, %c0_i32_0 : i32, i32, i32
  }
  func.func @transform_1(%arg0: i32) -> (i32, i32) {
    %c0_i32 = arith.constant 0 : i32
    %c0_i32_0 = arith.constant 0 : i32
    return %arg0, %c0_i32 : i32, i32
  }
  func.func @transform_2(%arg0: i32) -> (i32, i32) {
    %c0_i32 = arith.constant 0 : i32
    %c0_i32_0 = arith.constant 0 : i32
    return %arg0, %c0_i32 : i32, i32
  }
  func.func @transform_3(%arg0: i32) -> (i32, i32, i32) {
    %c0_i32 = arith.constant 0 : i32
    %c0_i32_0 = arith.constant 0 : i32
    %c0_i32_1 = arith.constant 0 : i32
    return %arg0, %c0_i32, %c0_i32_0 : i32, i32, i32
  }
}

</mosaic_0001>

<sc_bundles>
// kernel: kernel.20.cloned.1.call-start
scs
__scs_entry_jumppad:
0x0: {  	(pc) =	sbr.rel $0x88, $3  }
0x1: {  	(tag) =	ssettag $0x0;
	lr =	simm.s32 $0x1  }
0x2: {  	[smem:$0x3F94] =	sst lr;
	_ =	strace $0xD0000000  }
0x3: {  	_ = 	snop  }
0x4: {  	_ = 	snop  }
0x5: {  	_ = 	snop  }
0x6: {  	_ = 	snop  }
0x7: {  	_ = 	snop  }
__scs_overlays_trampoline_lowered:
0x8: {  	[smem:$0x3FA3] =	sst s0  }
0x9: {  	[smem:$0x3FA4] =	sst s1  }
0xa: {  	[smem:$0x3FA5] =	sst s2  }
0xb: {  	[smem:$0x3FA6] =	sst s3  }
0xc: {  	[smem:$0x3FA7] =	sst s4  }
0xd: {  	[smem:$0x3FA8] =	sst s5  }
0xe: {  	[smem:$0x3FA9] =	sst s6  }
0xf: {  	[smem:$0x3FAA] =	sst s7  }
0x10: {  	[smem:$0x3FAB] =	sst s8  }
0x11: {  	[smem:$0x3FAC] =	sst s9;
	s0 =	simm.s32 @!p0 $0x0  }
0x12: {  	s1 =	sld [smem:$0x3F92];
	s0 =	simm.s32 @p0 $0x1  }
0x13: {  	[smem:$0x3FAD] =	sst s0;
	s0 =	simm.s32 @!p1 $0x0  }
0x14: {  	s2 =	sld [smem:$0x3F91];
	s0 =	simm.s32 @p1 $0x1  }
0x15: {  	[smem:$0x3FAE] =	sst s0;
	s0 =	simm.s32 @!p2 $0x0  }
0x16: {  	s3 =	sld [smem:$0x3FDB];
	s0 =	simm.s32 @p2 $0x1  }
0x17: {  	s4 =	simm.s32 $0x1BF5;
	[smem:$0x3FB0] =	sst s0  }
0x18: {  	s0 =	sld [smem:$0x3F93];
	_ =	swait.ge [sflag:s4], $0x0  }
0x19: {  	s7 =	sld [smem:$0x3F94]  }
0x1a: {  	s8 =	sadd.s32 $0xFFFFE003, lr  }
0x1b: {  	s9 =	sadd.s32 $0xFFFFFEF7, lr;
	s5 =	simm.s32 $0xFFFFFFFF;
	p2 =	slt.u32 s8, $0xFFFFF086  }
0x1c: {  	p1 =	slt.u32 s9, $0xF7A;
	s5 =	simm.s32 @!p2 $0x0  }
0x1d: {  	s5 =	simm.s32 @p1 $0x1;
	p0 =	seq.s32 s7, s2  }
0x1e: {  	s7 =	smul.u32 @!p0 $0xF7A, s2;
	p2 =	seq.s32 @!p0 s5, $0x0  }
0x1f: {  	s9 =	smul.u32 $0xF7A, s1;
	s8 =	simm.s32 @!p0 $0x1BF5;
	p2 =	por !p2, p0  }
0x20: {  	[sflag:s8] =	ssyncset.s32 @!p0 $0xFFFFF086;
	s6 =	sadd.s32 @!p0 s3, s7;
	s7 =	simm.s32 @!p0 $0x108  }
0x21: {  	s3 =	sadd.s32 s3, s9;
	s6 =	sadd.s32 @!p0 $0x88, s6;
	s7 =	simm.s32 @p2 $0x1082  }
0x22: {  	[simem:s7], [sflag:s8] =	dma.local @!p0 [hbm:s6], $0xF7A  }
0x23: {  	s9 =	sor.u32 $0xD0000000, s2;
	s6 =	simm.s32 $0x108;
	_ =	swait.ge @!p0 [sflag:s8], $0x0  }
0x24: {  	s3 =	sadd.s32 $0x88, s3;
	s6 =	simm.s32 @!p1 $0x1082;
	[sflag:s4] =	ssyncset.s32 $0xFFFFF086  }
0x25: {  	[simem:s6], [sflag:s4] =	dma.local [hbm:s3], $0xF7A  }
0x26: {  	[smem:$0x3F94] =	sst s1;
	(tag) =	ssettag s2;
	_ =	strace s9  }
0x27: {  	s1 =	sld [smem:$0x3FA4]  }
0x28: {  	s2 =	sld [smem:$0x3FA5]  }
0x29: {  	s4 =	sld [smem:$0x3FA7]  }
0x2a: {  	p0 =	seq.s32 s5, $0x0;
	s5 =	sld [smem:$0x3FA8]  }
0x2b: {  	s6 =	sld [smem:$0x3FA9]  }
0x2c: {  	s7 =	sld [smem:$0x3FAA]  }
0x2d: {  	s3 =	simm.s32 $0x108;
	s8 =	sld [smem:$0x3FAB]  }
0x2e: {  	s3 =	simm.s32 @!p0 $0x1082;
	s9 =	sld [smem:$0x3FAC]  }
0x2f: {  	lr =	sadd.s32 s0, s3;
	s0 =	sld [smem:$0x3FA3]  }
0x30: {  	s3 =	sld [smem:$0x3FA6]  }
0x31: {  	[smem:$0x3FAF] =	sst s10  }
0x32: {  	s10 =	sld [smem:$0x3FAD];
	_ =	sdelay $0x3  }
0x33: {  	p0 =	seq.s32 s10, $0x1;
	s10 =	sld [smem:$0x3FAF];
	_ =	sdelay $0x3  }
0x34: {  	[smem:$0x3FAF] =	sst s10  }
0x35: {  	s10 =	sld [smem:$0x3FAE];
	_ =	sdelay $0x3  }
0x36: {  	p1 =	seq.s32 s10, $0x1;
	s10 =	sld [smem:$0x3FAF];
	_ =	sdelay $0x3  }
0x37: {  	[smem:$0x3FAF] =	sst s10  }
0x38: {  	s10 =	sld [smem:$0x3FB0]  }
0x39: {  	_ = 	snop;
	(pc) =	sbr.ind lr, $3  }
0x3a: {  	_ = 	snop  }
0x3b: {  	_ = 	snop  }
0x3c: {  	p2 =	seq.s32 s10, $0x1;
	s10 =	sld [smem:$0x3FAF]  }
0x3d: {  	_ =	shalt  }
0x3e: {  	_ =	shalt  }
0x3f: {  	_ =	shalt  }
0x40: {  	_ =	shalt  }
0x41: {  	_ =	shalt  }
0x42: {  	_ =	shalt  }
0x43: {  	_ =	shalt  }
0x44: {  	_ =	shalt  }
0x45: {  	_ =	shalt  }
0x46: {  	_ =	shalt  }
0x47: {  	_ =	shalt  }
0x48: {  	_ =	shalt  }
0x49: {  	_ =	shalt  }
0x4a: {  	_ =	shalt  }
0x4b: {  	_ =	shalt  }
0x4c: {  	_ =	shalt  }
0x4d: {  	_ =	shalt  }
0x4e: {  	_ =	shalt  }
0x4f: {  	_ =	shalt  }
0x50: {  	_ =	shalt  }
0x51: {  	_ =	shalt  }
0x52: {  	_ =	shalt  }
0x53: {  	_ =	shalt  }
0x54: {  	_ =	shalt  }
0x55: {  	_ =	shalt  }
0x56: {  	_ =	shalt  }
0x57: {  	_ =	shalt  }
0x58: {  	_ =	shalt  }
0x59: {  	_ =	shalt  }
0x5a: {  	_ =	shalt  }
0x5b: {  	_ =	shalt  }
0x5c: {  	_ =	shalt  }
0x5d: {  	_ =	shalt  }
0x5e: {  	_ =	shalt  }
0x5f: {  	_ =	shalt  }
0x60: {  	_ =	shalt  }
0x61: {  	_ =	shalt  }
0x62: {  	_ =	shalt  }
0x63: {  	_ =	shalt  }
0x64: {  	_ =	shalt  }
0x65: {  	_ =	shalt  }
0x66: {  	_ =	shalt  }
0x67: {  	_ =	shalt  }
0x68: {  	_ =	shalt  }
0x69: {  	_ =	shalt  }
0x6a: {  	_ =	shalt  }
0x6b: {  	_ =	shalt  }
0x6c: {  	_ =	shalt  }
0x6d: {  	_ =	shalt  }
0x6e: {  	_ =	shalt  }
0x6f: {  	_ =	shalt  }
0x70: {  	_ =	shalt  }
0x71: {  	_ =	shalt  }
0x72: {  	_ =	shalt  }
0x73: {  	_ =	shalt  }
0x74: {  	_ =	shalt  }
0x75: {  	_ =	shalt  }
0x76: {  	_ =	shalt  }
0x77: {  	_ =	shalt  }
0x78: {  	_ =	shalt  }
0x79: {  	_ =	shalt  }
0x7a: {  	_ =	shalt  }
0x7b: {  	_ =	shalt  }
0x7c: {  	_ =	shalt  }
0x7d: {  	_ =	shalt  }
0x7e: {  	_ =	shalt  }
0x7f: {  	_ =	shalt  }
0x80: {  	_ =	shalt  }
0x81: {  	_ =	shalt  }
0x82: {  	_ =	shalt  }
0x83: {  	_ =	shalt  }
0x84: {  	_ =	shalt  }
0x85: {  	_ =	shalt  }
0x86: {  	_ =	shalt  }
0x87: {  	_ =	shalt  }
.Lfunc_end0:
.L_simem_size_0:
called_computation_lowered:
.L_overlay_start_0:
0x88: {  	s2 =	sld [smem:$0x3FD9]  }
0x89: {  	s3 =	sld [smem:$0x3FFE];
	_ =	sdelay $0x1  }
0x8a: {  	s1 =	srdreg.scid  }
0x8b: {  	s0 =	sand.u32 $0x1, s1  }
0x8c: {  	s16 =	sshll.u32 s0, $0xA;
	s2 =	sadd.s32 s3, s2  }
0x8d: {  	s2 =	sadd.s32 s2, s16  }
0x8e: {  	[smem:$0x3FBB] =	sst s2  }
0x8f: {  	_ = 	snop  }
0x90: {  	(tm) =	ssettm $0x1  }
0x91: {  	s17 =	sld [smem:$0x3FFB];
	_ =	sdelay $0x3  }
0x92: {  	_ =	strace s17  }
0x93: {  	s2 =	sld [smem:$0x3FFC];
	_ =	sdelay $0x3  }
0x94: {  	_ =	strace s2  }
0x95: {  	s2 =	sld [smem:$0x3FFD];
	_ =	sdelay $0x3  }
0x96: {  	_ =	strace s2  }
0x97: {  	_ =	strace $0x8FFFFFFF  }
0x98: {  	s18 =	sld [smem:$0x3FDB];
	_ =	sdelay $0x1  }
0x99: {  	s19 =	simm.s32 $_scs_section_size  }
0x9a: {  	s4 =	simm.s32 $_size__tile_overlayer_lowered;
	s5 =	simm.s32 $_tile_overlayer_lowered  }
0x9b: {  	s22 =	simm.s32 $0x1BFF;
	s21 =	sshll.u32 s5, $0x1;
	s2 =	sadd.s32 s19, s18  }
0x9c: {  	s6 =	simm.s32 $0x0;
	s20 =	sshll.u32 s4, $0x1;
	s4 =	sadd.s32 s21, s2  }
0x9d: {  	[timem:s6], [sflag:s22] =	dma.local [hbm:s4], s20  }
0x9e: {  	_ =	swait.ge [sflag:s22], s20  }
0x9f: {  	s3 =	ssub.s32 $0x0, s20;
	[sflag:s22] =	ssyncset.done $0x0  }
0xa0: {  	[sflag:s22] =	ssyncadd.s32 s3;
	_ =	sdelay $0x1  }
0xa1: {  	s23 =	simm.s32 $0x1B8B  }
0xa2: {  	_ =	swait.ge [sflag:s23], $0x1  }
0xa3: {  	[sflag:s23] =	ssyncset.done $0x0  }
0xa4: {  	s25 =	simm.s32 $0x1B8E;
	s24 =	sld [smem:$0x3FFE];
	[sflag:s23] =	ssyncadd.s32 $0xFFFFFFFF  }
0xa5: {  	s26 =	simm.s32 $execute0_lowered;
	[smem:$0x3FD2] =	sst s25  }
0xa6: {  	s4 =	sshll.u32 s26, $0x1;
	_ =	strace $0x80000046;
	[dreg:$0x1] =	wrdreg $0xFFFFFFFF  }
0xa7: {  	s28 =	simm.s32 $_size_execute0_lowered;
	s2 =	sadd.s32 s2, s4;
	[dreg:$0x0] =	wrdreg $0x0  }
0xa8: {  	s4 =	sshll.u32 s28, $0x1;
	[dreg:$0x2] =	wrdreg s2  }
0xa9: {  	[dreg:$0x3] =	wrdreg s4  }
0xaa: {  	[dreg:$0x4] =	wrdreg $0xC0  }
0xab: {  	_ =	task [dreg:s6], $0x5FFFF  }
0xac: {  	[dreg:$0x1] =	wrdreg $0xFFFFFFFF  }
0xad: {  	[dreg:$0x0] =	wrdreg $0x60  }
0xae: {  	[dreg:$0x2] =	wrdreg s24  }
0xaf: {  	[dreg:$0x3] =	wrdreg $0x9  }
0xb0: {  	_ =	task.clear_ibuf [dreg:s6], $0x4FFFF;
	_ =	strace $0x90000046  }
0xb1: {  	s29 =	simm.s32 $0x9;
	_ =	strace $0x80000048  }
0xb2: {  	_ =	swait.ge [sflag:s29], $0x1  }
0xb3: {  	[sflag:s29] =	ssyncadd.s32 $0xFFFFFFFF  }
0xb4: {  	_ =	strace $0x90000048  }
0xb5: {  	_ =	sfence  }
0xb6: {  	s30 =	sld [smem:$0x0];
	_ =	sdelay $0x2  }
0xb7: {  	s31 =	sshll.u32 s1, $0xD;
	s1 =	sshrl.u32 s1, $0x2  }
0xb8: {  	s3 =	sand.u32 $0x4000, s31;
	s1 =	sadd.s32 s1, s30  }
0xb9: {  	s0 =	sor.u32 s3, s0;
	s1 =	sshll.u32 s1, $0x11  }
0xba: {  	s0 =	sor.u32 s1, s0  }
0xbb: {  	s0 =	sadd.s32 $0x8F2B, s0  }
0xbc: {  	[sflag:s0] =	ssyncadd.remote.s32 $0x1  }
0xbd: {  	_ =	sfence.sel $0xFFFF  }
0xbe: {  	[dreg:$0x0] =	wrdreg $0xFFFFFFFF;
	(pc) =	sbr.abs _section_cstart, $3  }
0xbf: {  	[dreg:$0x1] =	wrdreg $0xFFFFFFFF  }
0xc0: {  	_ =	task.clear_ibuf [dreg:s6], $0x2FFFF;
	_ =	strace $0x9FFFFFFF  }
0xc1: {  	(tm) =	ssettm $0x7FFFFFFF  }
tec
execute0_lowered:
.L_overlay_start_1:
0x0: {  	(tag) =	ssettag $0x1  }
0x1: {  	s8 =	rddreg [dreg:$0x0];
	s2 =	srdreg.scid  }
0x2: {  	s0 =	rddreg [dreg:$0x1];
	s1 =	stileid.u32  }
0x3: {  	s10 =	simm.s32 $0x2;
	s11 =	simm.s32 $0x80;
	s12 =	simm.s32 $0x880  }
0x4: {  	s13 =	simm.s32 $0x1080;
	s14 =	simm.s32 $0x1880;
	s15 =	simm.s32 $0x2080  }
0x5: {  	s16 =	simm.s32 $0x2880;
	s17 =	simm.s32 $0x3080;
	s18 =	simm.s32 $0x3880  }
0x6: {  	s19 =	simm.s32 $0x4080;
	s20 =	simm.s32 $0x4880;
	s21 =	simm.s32 $0x5080  }
0x7: {  	s22 =	simm.s32 $0x5880;
	s23 =	simm.s32 $0x6080;
	s24 =	simm.s32 $0x6880  }
0x8: {  	s25 =	simm.s32 $0x7080;
	s26 =	simm.s32 $0x7880;
	s28 =	simm.s32 $0x1  }
0x9: {  	s3 =	sand.u32 $0x1, s2;
	s2 =	simm.s32 $0x0;
	s4 =	sshll.u32 s1, $0x6  }
0xa: {  	s5 =	sshll.u32 s3, $0x5;
	[smem:$0x7FF] =	sst s2;
	s6 =	ssub.s32 $0x2, s3  }
0xb: {  	s3 =	sadd.s32 $0x27600, s8;
	s4 =	sor.u32 s5, s4;
	_ =	strace $0x80000047  }
0xc: {  	s31 =	sshrl.u32 s6, $0x1;
	s5 =	sshll.u32 s4, $0x7;
	s30 =	sshrl.u32 s4, $0x3  }
0xd: {  	v2 =	vlaneseq.u32;
	s9 =	ssub.s32 s6, s31;
	s6 =	sadd.s32 $0x27700, s8;
	s7 =	sadd.s32 s30, s8  }
0xe: {  	vm0 =	vmmov $0xffff;
	v1 =	vshrl.u32 v2, $0x3;
	s5 =	sadd.s32 s5, s8;
	s9 =	smax.u32 s9, $0x1;
	s4 =	sadd.s32 $0x3400, s7  }
0xf: {  	v0 =	vand.u32 $0x7, v2;
	v2 =	vor.u32 $0x8, v2;
	v1 =	vmul.u32 $0x8, v1;
	s5 =	sadd.s32 $0x7600, s5;
	s7 =	sadd.s32 $0x27800, s8;
	s8 =	sadd.s32 $0x27900, s8  }
.LBB2_1:
0x10: {  	[tilespmem:s2], [sflag:$0x2] =	stream.linear.gather [hbm4b:s4+s2], $0x20, $0x38;
	[tilespmem:$0x8080] =	vst v63  }
0x11: {  	_ =	swait.ge [sflag:s10], $0x20  }
0x12: {  	[sflag:s10] =	ssyncset.done $0x0  }
0x13: {  	[sflag:s10] =	ssyncadd.s32 $0xFFFFFFE0  }
0x14: {  	[tilespmem:s11], [sflag:$0x2] =	stream.linear.gather [hbm4b:s5+s2], $0x8000, $0x38;
	[tilespmem:$0x8080] =	vst v63  }
0x15: {  	_ =	swait.ge [sflag:s10], $0x8000  }
0x16: {  	[sflag:s10] =	ssyncset.done $0x0  }
0x17: {  	[sflag:s10] =	ssyncadd.s32 $0xFFFF8000  }
0x18: {  	v3 =	vld [tilespmem:$0x0];
	_ =	sdelay $0x4  }
0x19: {  	v4 =	vshll.u32 v3, $0x3  }
0x1a: {  	v3 =	vand.u32 $0x7, v3;
	v4 =	vand.u32 $0xFFFFFFC0, v4  }
0x1b: {  	v3 =	vor.u32 v3, v4  }
0x1c: {  	v4 =	vperm.xlane v3, v0;
	_ =	sdelay $0x1  }
0x1d: {  	v4 =	vadd.s32 v1, v4;
	_ =	sdelay $0x4  }
0x1e: {  	[hbm4b:s3+s2] =	stream.indirect_vreg.scatter [tilespmem:s11], [sflag:$0x1], $0x80, v4, vm0, $0xb8;
	[tilespmem:$0x8080] =	vst v63  }
0x1f: {  	v3 =	vperm.xlane v3, v2  }
0x20: {  	[hbm4b:s6+s2] =	stream.indirect_vreg.scatter [tilespmem:s12], [sflag:$0x1], $0x80, v4, vm0, $0xb8;
	[tilespmem:$0x8080] =	vst v63  }
0x21: {  	v3 =	vadd.s32 v1, v3  }
0x22: {  	[hbm4b:s7+s2] =	stream.indirect_vreg.scatter [tilespmem:s13], [sflag:$0x1], $0x80, v4, vm0, $0xb8;
	[tilespmem:$0x8080] =	vst v63  }
0x23: {  	_ = 	snop  }
0x24: {  	[hbm4b:s8+s2] =	stream.indirect_vreg.scatter [tilespmem:s14], [sflag:$0x1], $0x80, v4, vm0, $0xb8;
	[tilespmem:$0x8080] =	vst v63  }
0x25: {  	_ = 	snop  }
0x26: {  	[hbm4b:s3+s2] =	stream.indirect_vreg.scatter [tilespmem:s15], [sflag:$0x1], $0x80, v3, vm0, $0xb8;
	[tilespmem:$0x8080] =	vst v63  }
0x27: {  	_ = 	snop  }
0x28: {  	[hbm4b:s6+s2] =	stream.indirect_vreg.scatter [tilespmem:s16], [sflag:$0x1], $0x80, v3, vm0, $0xb8;
	[tilespmem:$0x8080] =	vst v63  }
0x29: {  	_ = 	snop  }
0x2a: {  	[hbm4b:s7+s2] =	stream.indirect_vreg.scatter [tilespmem:s17], [sflag:$0x1], $0x80, v3, vm0, $0xb8;
	[tilespmem:$0x8080] =	vst v63  }
0x2b: {  	_ = 	snop  }
0x2c: {  	[hbm4b:s8+s2] =	stream.indirect_vreg.scatter [tilespmem:s18], [sflag:$0x1], $0x80, v3, vm0, $0xb8;
	[tilespmem:$0x8080] =	vst v63  }
0x2d: {  	v3 =	vld [tilespmem:$0x10];
	_ =	sdelay $0x4  }
0x2e: {  	v63 =	vshll.u32 v3, $0x3  }
0x2f: {  	v3 =	vand.u32 $0x7, v3;
	v4 =	vand.u32 $0xFFFFFFC0, v63  }
0x30: {  	v3 =	vor.u32 v3, v4  }
0x31: {  	v4 =	vperm.xlane v3, v0;
	_ =	sdelay $0x1  }
0x32: {  	v4 =	vadd.s32 v1, v4;
	_ =	sdelay $0x4  }
0x33: {  	[hbm4b:s3+s2] =	stream.indirect_vreg.scatter [tilespmem:s19], [sflag:$0x1], $0x80, v4, vm0, $0xb8;
	[tilespmem:$0x8080] =	vst v63  }
0x34: {  	v3 =	vperm.xlane v3, v2  }
0x35: {  	[hbm4b:s6+s2] =	stream.indirect_vreg.scatter [tilespmem:s20], [sflag:$0x1], $0x80, v4, vm0, $0xb8;
	[tilespmem:$0x8080] =	vst v63  }
0x36: {  	v3 =	vadd.s32 v1, v3  }
0x37: {  	[hbm4b:s7+s2] =	stream.indirect_vreg.scatter [tilespmem:s21], [sflag:$0x1], $0x80, v4, vm0, $0xb8;
	[tilespmem:$0x8080] =	vst v63  }
0x38: {  	_ = 	snop  }
0x39: {  	[hbm4b:s8+s2] =	stream.indirect_vreg.scatter [tilespmem:s22], [sflag:$0x1], $0x80, v4, vm0, $0xb8;
	[tilespmem:$0x8080] =	vst v63  }
0x3a: {  	_ = 	snop  }
0x3b: {  	[hbm4b:s3+s2] =	stream.indirect_vreg.scatter [tilespmem:s23], [sflag:$0x1], $0x80, v3, vm0, $0xb8;
	[tilespmem:$0x8080] =	vst v63  }
0x3c: {  	_ = 	snop  }
0x3d: {  	[hbm4b:s6+s2] =	stream.indirect_vreg.scatter [tilespmem:s24], [sflag:$0x1], $0x80, v3, vm0, $0xb8;
	[tilespmem:$0x8080] =	vst v63  }
0x3e: {  	p0 =	sne.s32 s9, $0x1  }
0x3f: {  	[hbm4b:s7+s2] =	stream.indirect_vreg.scatter [tilespmem:s25], [sflag:$0x1], $0x80, v3, vm0, $0xb8;
	[tilespmem:$0x8080] =	vst v63  }
.Ltmp0:
0x40: {  	_ = 	snop;
	(pc) =	sbr.rel @p0 .LBB2_1-.Ltmp0, $4  }
0x41: {  	[hbm4b:s8+s2] =	stream.indirect_vreg.scatter [tilespmem:s26], [sflag:$0x1], $0x80, v3, vm0, $0xb8;
	[tilespmem:$0x8080] =	vst v63  }
0x42: {  	_ =	swait.ge [sflag:s28], $0x8000  }
0x43: {  	[sflag:s28] =	ssyncset.done $0x0  }
0x44: {  	s9 =	sadd.s32 $0xFFFFFFFF, s9;
	[sflag:s28] =	ssyncadd.s32 $0xFFFF8000  }
0x45: {  	_ =	sfence.sel $0x180000  }
0x46: {  	[bflag:$0x0] =	sbarrier.arrive $0xFFFF  }
0x47: {  	p0 =	sne.s32 s1, $0x0;
	_ =	strace $0x90000047  }
0x48: {  	s0 =	sadd.s32 @!p0 $0x100000, s0;
	[bflag:$0x2] =	sbarrier.arrive $0xFFFF  }
0x49: {  	[sflag:s0] =	ssyncadd.tile.s32 @!p0 $0x1;
	_ =	shalt  }
.Lfunc_end2:
_tile_overlayer_lowered:
.L_overlay_start_2:
0x4a: {  	(tag) =	ssettag $0x2  }
0x4b: {  	s0 =	rddreg [dreg:$0x0];
	s2 =	stileid.u32  }
0x4c: {  	s1 =	rddreg [dreg:$0x1];
	p0 =	sne.s32 s2, $0x0  }
0x4d: {  	s3 =	rddreg [dreg:$0x2];
	[bflag:$0x3] =	sbarrier.arrive $0xFFFF;
	s2 =	simm.s32 @!p0 $0x1C02  }
0x4e: {  	[timem:s3], [sflag:s2] =	dma.local @!p0 [hbm:s0], s1  }
0x4f: {  	s0 =	simm.s32 @!p0 $0x2  }
0x50: {  	_ =	swait.ge @!p0 [sflag:s0], s1  }
0x51: {  	s1 =	ssub.s32 @!p0 $0x0, s1;
	[sflag:s0] =	ssyncset.done @!p0 $0x0  }
0x52: {  	[sflag:s0] =	ssyncadd.s32 @!p0 s1  }
0x53: {  	[bflag:$0x3] =	sbarrier.arrive $0xFFFF  }
0x54: {  	_ =	shalt  }

// kernel: kernel.23.cloned.1.call-start
scs
__scs_entry_jumppad:
0x0: {  	(pc) =	sbr.rel $0x88, $3  }
0x1: {  	(tag) =	ssettag $0x0;
	lr =	simm.s32 $0x1  }
0x2: {  	[smem:$0x3F94] =	sst lr;
	_ =	strace $0xD0000000  }
0x3: {  	_ = 	snop  }
0x4: {  	_ = 	snop  }
0x5: {  	_ = 	snop  }
0x6: {  	_ = 	snop  }
0x7: {  	_ = 	snop  }
__scs_overlays_trampoline_lowered:
0x8: {  	[smem:$0x3FA3] =	sst s0  }
0x9: {  	[smem:$0x3FA4] =	sst s1  }
0xa: {  	[smem:$0x3FA5] =	sst s2  }
0xb: {  	[smem:$0x3FA6] =	sst s3  }
0xc: {  	[smem:$0x3FA7] =	sst s4  }
0xd: {  	[smem:$0x3FA8] =	sst s5  }
0xe: {  	[smem:$0x3FA9] =	sst s6  }
0xf: {  	[smem:$0x3FAA] =	sst s7  }
0x10: {  	[smem:$0x3FAB] =	sst s8  }
0x11: {  	[smem:$0x3FAC] =	sst s9;
	s0 =	simm.s32 @!p0 $0x0  }
0x12: {  	s1 =	sld [smem:$0x3F92];
	s0 =	simm.s32 @p0 $0x1  }
0x13: {  	[smem:$0x3FAD] =	sst s0;
	s0 =	simm.s32 @!p1 $0x0  }
0x14: {  	s2 =	sld [smem:$0x3F91];
	s0 =	simm.s32 @p1 $0x1  }
0x15: {  	[smem:$0x3FAE] =	sst s0;
	s0 =	simm.s32 @!p2 $0x0  }
0x16: {  	s3 =	sld [smem:$0x3FDB];
	s0 =	simm.s32 @p2 $0x1  }
0x17: {  	s4 =	simm.s32 $0x1BF5;
	[smem:$0x3FB0] =	sst s0  }
0x18: {  	s0 =	sld [smem:$0x3F93];
	_ =	swait.ge [sflag:s4], $0x0  }
0x19: {  	s7 =	sld [smem:$0x3F94]  }
0x1a: {  	s8 =	sadd.s32 $0xFFFFE003, lr  }
0x1b: {  	s9 =	sadd.s32 $0xFFFFFEF7, lr;
	s5 =	simm.s32 $0xFFFFFFFF;
	p2 =	slt.u32 s8, $0xFFFFF086  }
0x1c: {  	p1 =	slt.u32 s9, $0xF7A;
	s5 =	simm.s32 @!p2 $0x0  }
0x1d: {  	s5 =	simm.s32 @p1 $0x1;
	p0 =	seq.s32 s7, s2  }
0x1e: {  	s7 =	smul.u32 @!p0 $0xF7A, s2;
	p2 =	seq.s32 @!p0 s5, $0x0  }
0x1f: {  	s9 =	smul.u32 $0xF7A, s1;
	s8 =	simm.s32 @!p0 $0x1BF5;
	p2 =	por !p2, p0  }
0x20: {  	[sflag:s8] =	ssyncset.s32 @!p0 $0xFFFFF086;
	s6 =	sadd.s32 @!p0 s3, s7;
	s7 =	simm.s32 @!p0 $0x108  }
0x21: {  	s3 =	sadd.s32 s3, s9;
	s6 =	sadd.s32 @!p0 $0x88, s6;
	s7 =	simm.s32 @p2 $0x1082  }
0x22: {  	[simem:s7], [sflag:s8] =	dma.local @!p0 [hbm:s6], $0xF7A  }
0x23: {  	s9 =	sor.u32 $0xD0000000, s2;
	s6 =	simm.s32 $0x108;
	_ =	swait.ge @!p0 [sflag:s8], $0x0  }
0x24: {  	s3 =	sadd.s32 $0x88, s3;
	s6 =	simm.s32 @!p1 $0x1082;
	[sflag:s4] =	ssyncset.s32 $0xFFFFF086  }
0x25: {  	[simem:s6], [sflag:s4] =	dma.local [hbm:s3], $0xF7A  }
0x26: {  	[smem:$0x3F94] =	sst s1;
	(tag) =	ssettag s2;
	_ =	strace s9  }
0x27: {  	s1 =	sld [smem:$0x3FA4]  }
0x28: {  	s2 =	sld [smem:$0x3FA5]  }
0x29: {  	s4 =	sld [smem:$0x3FA7]  }
0x2a: {  	p0 =	seq.s32 s5, $0x0;
	s5 =	sld [smem:$0x3FA8]  }
0x2b: {  	s6 =	sld [smem:$0x3FA9]  }
0x2c: {  	s7 =	sld [smem:$0x3FAA]  }
0x2d: {  	s3 =	simm.s32 $0x108;
	s8 =	sld [smem:$0x3FAB]  }
0x2e: {  	s3 =	simm.s32 @!p0 $0x1082;
	s9 =	sld [smem:$0x3FAC]  }
0x2f: {  	lr =	sadd.s32 s0, s3;
	s0 =	sld [smem:$0x3FA3]  }
0x30: {  	s3 =	sld [smem:$0x3FA6]  }
0x31: {  	[smem:$0x3FAF] =	sst s10  }
0x32: {  	s10 =	sld [smem:$0x3FAD];
	_ =	sdelay $0x3  }
0x33: {  	p0 =	seq.s32 s10, $0x1;
	s10 =	sld [smem:$0x3FAF];
	_ =	sdelay $0x3  }
0x34: {  	[smem:$0x3FAF] =	sst s10  }
0x35: {  	s10 =	sld [smem:$0x3FAE];
	_ =	sdelay $0x3  }
0x36: {  	p1 =	seq.s32 s10, $0x1;
	s10 =	sld [smem:$0x3FAF];
	_ =	sdelay $0x3  }
0x37: {  	[smem:$0x3FAF] =	sst s10  }
0x38: {  	s10 =	sld [smem:$0x3FB0]  }
0x39: {  	_ = 	snop;
	(pc) =	sbr.ind lr, $3  }
0x3a: {  	_ = 	snop  }
0x3b: {  	_ = 	snop  }
0x3c: {  	p2 =	seq.s32 s10, $0x1;
	s10 =	sld [smem:$0x3FAF]  }
0x3d: {  	_ =	shalt  }
0x3e: {  	_ =	shalt  }
0x3f: {  	_ =	shalt  }
0x40: {  	_ =	shalt  }
0x41: {  	_ =	shalt  }
0x42: {  	_ =	shalt  }
0x43: {  	_ =	shalt  }
0x44: {  	_ =	shalt  }
0x45: {  	_ =	shalt  }
0x46: {  	_ =	shalt  }
0x47: {  	_ =	shalt  }
0x48: {  	_ =	shalt  }
0x49: {  	_ =	shalt  }
0x4a: {  	_ =	shalt  }
0x4b: {  	_ =	shalt  }
0x4c: {  	_ =	shalt  }
0x4d: {  	_ =	shalt  }
0x4e: {  	_ =	shalt  }
0x4f: {  	_ =	shalt  }
0x50: {  	_ =	shalt  }
0x51: {  	_ =	shalt  }
0x52: {  	_ =	shalt  }
0x53: {  	_ =	shalt  }
0x54: {  	_ =	shalt  }
0x55: {  	_ =	shalt  }
0x56: {  	_ =	shalt  }
0x57: {  	_ =	shalt  }
0x58: {  	_ =	shalt  }
0x59: {  	_ =	shalt  }
0x5a: {  	_ =	shalt  }
0x5b: {  	_ =	shalt  }
0x5c: {  	_ =	shalt  }
0x5d: {  	_ =	shalt  }
0x5e: {  	_ =	shalt  }
0x5f: {  	_ =	shalt  }
0x60: {  	_ =	shalt  }
0x61: {  	_ =	shalt  }
0x62: {  	_ =	shalt  }
0x63: {  	_ =	shalt  }
0x64: {  	_ =	shalt  }
0x65: {  	_ =	shalt  }
0x66: {  	_ =	shalt  }
0x67: {  	_ =	shalt  }
0x68: {  	_ =	shalt  }
0x69: {  	_ =	shalt  }
0x6a: {  	_ =	shalt  }
0x6b: {  	_ =	shalt  }
0x6c: {  	_ =	shalt  }
0x6d: {  	_ =	shalt  }
0x6e: {  	_ =	shalt  }
0x6f: {  	_ =	shalt  }
0x70: {  	_ =	shalt  }
0x71: {  	_ =	shalt  }
0x72: {  	_ =	shalt  }
0x73: {  	_ =	shalt  }
0x74: {  	_ =	shalt  }
0x75: {  	_ =	shalt  }
0x76: {  	_ =	shalt  }
0x77: {  	_ =	shalt  }
0x78: {  	_ =	shalt  }
0x79: {  	_ =	shalt  }
0x7a: {  	_ =	shalt  }
0x7b: {  	_ =	shalt  }
0x7c: {  	_ =	shalt  }
0x7d: {  	_ =	shalt  }
0x7e: {  	_ =	shalt  }
0x7f: {  	_ =	shalt  }
0x80: {  	_ =	shalt  }
0x81: {  	_ =	shalt  }
0x82: {  	_ =	shalt  }
0x83: {  	_ =	shalt  }
0x84: {  	_ =	shalt  }
0x85: {  	_ =	shalt  }
0x86: {  	_ =	shalt  }
0x87: {  	_ =	shalt  }
.Lfunc_end0:
.L_simem_size_0:
called_computation.1_lowered:
.L_overlay_start_0:
0x88: {  	s2 =	sld [smem:$0x3FD9]  }
0x89: {  	s3 =	sld [smem:$0x3FFE];
	_ =	sdelay $0x1  }
0x8a: {  	s1 =	srdreg.scid  }
0x8b: {  	s0 =	sand.u32 $0x1, s1  }
0x8c: {  	s16 =	sshll.u32 s0, $0xA;
	s2 =	sadd.s32 s3, s2  }
0x8d: {  	s2 =	sadd.s32 s2, s16  }
0x8e: {  	[smem:$0x3FBB] =	sst s2  }
0x8f: {  	_ = 	snop  }
0x90: {  	(tm) =	ssettm $0x1  }
0x91: {  	s17 =	sld [smem:$0x3FFB];
	_ =	sdelay $0x3  }
0x92: {  	_ =	strace s17  }
0x93: {  	s2 =	sld [smem:$0x3FFC];
	_ =	sdelay $0x3  }
0x94: {  	_ =	strace s2  }
0x95: {  	s2 =	sld [smem:$0x3FFD];
	_ =	sdelay $0x3  }
0x96: {  	_ =	strace s2  }
0x97: {  	_ =	strace $0x8FFFFFFF  }
0x98: {  	s18 =	sld [smem:$0x3FDB];
	_ =	sdelay $0x1  }
0x99: {  	s19 =	simm.s32 $_scs_section_size  }
0x9a: {  	s4 =	simm.s32 $_size__tile_overlayer_lowered;
	s5 =	simm.s32 $_tile_overlayer_lowered  }
0x9b: {  	s22 =	simm.s32 $0x1BFF;
	s21 =	sshll.u32 s5, $0x1;
	s2 =	sadd.s32 s19, s18  }
0x9c: {  	s6 =	simm.s32 $0x0;
	s20 =	sshll.u32 s4, $0x1;
	s4 =	sadd.s32 s21, s2  }
0x9d: {  	[timem:s6], [sflag:s22] =	dma.local [hbm:s4], s20  }
0x9e: {  	_ =	swait.ge [sflag:s22], s20  }
0x9f: {  	s3 =	ssub.s32 $0x0, s20;
	[sflag:s22] =	ssyncset.done $0x0  }
0xa0: {  	[sflag:s22] =	ssyncadd.s32 s3;
	_ =	sdelay $0x1  }
0xa1: {  	s23 =	simm.s32 $0x1B8B  }
0xa2: {  	_ =	swait.ge [sflag:s23], $0x1  }
0xa3: {  	[sflag:s23] =	ssyncset.done $0x0  }
0xa4: {  	s25 =	simm.s32 $0x1B8E;
	s24 =	sld [smem:$0x3FFE];
	[sflag:s23] =	ssyncadd.s32 $0xFFFFFFFF  }
0xa5: {  	s26 =	simm.s32 $execute0_lowered;
	[smem:$0x3FD2] =	sst s25  }
0xa6: {  	s4 =	sshll.u32 s26, $0x1;
	_ =	strace $0x80000049;
	[dreg:$0x1] =	wrdreg $0xFFFFFFFF  }
0xa7: {  	s28 =	simm.s32 $_size_execute0_lowered;
	s2 =	sadd.s32 s2, s4;
	[dreg:$0x0] =	wrdreg $0x0  }
0xa8: {  	s4 =	sshll.u32 s28, $0x1;
	[dreg:$0x2] =	wrdreg s2  }
0xa9: {  	[dreg:$0x3] =	wrdreg s4  }
0xaa: {  	[dreg:$0x4] =	wrdreg $0xC0  }
0xab: {  	_ =	task [dreg:s6], $0x5FFFF  }
0xac: {  	[dreg:$0x1] =	wrdreg $0xFFFFFFFF  }
0xad: {  	[dreg:$0x0] =	wrdreg $0x60  }
0xae: {  	[dreg:$0x2] =	wrdreg s24  }
0xaf: {  	[dreg:$0x3] =	wrdreg $0x9  }
0xb0: {  	_ =	task.clear_ibuf [dreg:s6], $0x4FFFF;
	_ =	strace $0x90000049  }
0xb1: {  	s29 =	simm.s32 $0x9;
	_ =	strace $0x8000004B  }
0xb2: {  	_ =	swait.ge [sflag:s29], $0x1  }
0xb3: {  	[sflag:s29] =	ssyncadd.s32 $0xFFFFFFFF  }
0xb4: {  	_ =	strace $0x9000004B  }
0xb5: {  	_ =	sfence  }
0xb6: {  	s30 =	sld [smem:$0x0];
	_ =	sdelay $0x2  }
0xb7: {  	s31 =	sshll.u32 s1, $0xD;
	s1 =	sshrl.u32 s1, $0x2  }
0xb8: {  	s3 =	sand.u32 $0x4000, s31;
	s1 =	sadd.s32 s1, s30  }
0xb9: {  	s0 =	sor.u32 s3, s0;
	s1 =	sshll.u32 s1, $0x11  }
0xba: {  	s0 =	sor.u32 s1, s0  }
0xbb: {  	s0 =	sadd.s32 $0x8F2B, s0  }
0xbc: {  	[sflag:s0] =	ssyncadd.remote.s32 $0x1  }
0xbd: {  	_ =	sfence.sel $0xFFFF  }
0xbe: {  	[dreg:$0x0] =	wrdreg $0xFFFFFFFF;
	(pc) =	sbr.abs _section_cstart, $3  }
0xbf: {  	[dreg:$0x1] =	wrdreg $0xFFFFFFFF  }
0xc0: {  	_ =	task.clear_ibuf [dreg:s6], $0x2FFFF;
	_ =	strace $0x9FFFFFFF  }
0xc1: {  	(tm) =	ssettm $0x7FFFFFFF  }
tec
execute0_lowered:
.L_overlay_start_1:
0x0: {  	(tag) =	ssettag $0x1  }
0x1: {  	s5 =	rddreg [dreg:$0x0]  }
0x2: {  	s0 =	rddreg [dreg:$0x1];
	s3 =	srdreg.scid  }
0x3: {  	s2 =	simm.s32 $0x0;
	s1 =	stileid.u32;
	s9 =	simm.s32 $0x80  }
0x4: {  	s10 =	simm.s32 $0x880;
	s11 =	simm.s32 $0x1080;
	s12 =	simm.s32 $0x1880  }
0x5: {  	s13 =	simm.s32 $0x2080;
	s14 =	simm.s32 $0x2880;
	s15 =	simm.s32 $0x3080  }
0x6: {  	s16 =	simm.s32 $0x3880;
	s17 =	simm.s32 $0x1;
	s4 =	sand.u32 $0x1, s3  }
0x7: {  	[smem:$0x7FF] =	sst s2;
	s6 =	sshll.u32 s1, $0x6;
	s7 =	sshll.u32 s4, $0x5  }
0x8: {  	s3 =	sadd.s32 $0x3600, s5;
	s4 =	ssub.s32 $0x2, s4;
	s6 =	sor.u32 s7, s6  }
0x9: {  	_ =	strace $0x8000004A;
	s8 =	sshrl.u32 s4, $0x1;
	s7 =	sshrl.u32 s6, $0x3  }
0xa: {  	v2 =	vlaneseq.u32;
	s6 =	sshll.u32 s6, $0x6;
	s8 =	ssub.s32 s4, s8;
	s7 =	sadd.s32 s7, s5  }
0xb: {  	vm0 =	vmmov $0xffff;
	v1 =	vshrl.u32 v2, $0x3;
	s6 =	sadd.s32 s6, s5;
	s5 =	sadd.s32 $0x3700, s5;
	s4 =	sadd.s32 $0x3400, s7  }
0xc: {  	v0 =	vand.u32 $0x7, v2;
	v2 =	vor.u32 $0x8, v2;
	v1 =	vmul.u32 $0x8, v1;
	s6 =	sadd.s32 $0x23600, s6;
	s7 =	smax.u32 s8, $0x1;
	s8 =	simm.s32 $0x2  }
.LBB2_1:
0xd: {  	[tilespmem:s2], [sflag:$0x2] =	stream.linear.gather [hbm4b:s4+s2], $0x20, $0x38;
	[tilespmem:$0x4080] =	vst v63  }
0xe: {  	_ =	swait.ge [sflag:s8], $0x20  }
0xf: {  	[sflag:s8] =	ssyncset.done $0x0  }
0x10: {  	[sflag:s8] =	ssyncadd.s32 $0xFFFFFFE0  }
0x11: {  	v3 =	vld [tilespmem:$0x0];
	_ =	sdelay $0x4  }
0x12: {  	v4 =	vshll.u32 v3, $0x2  }
0x13: {  	v3 =	vand.u32 $0x7, v3;
	v4 =	vand.u32 $0xFFFFFFE0, v4  }
0x14: {  	v3 =	vor.u32 v3, v4  }
0x15: {  	v4 =	vperm.xlane v3, v0;
	_ =	sdelay $0x1  }
0x16: {  	v4 =	vadd.s32 v1, v4;
	_ =	sdelay $0x1  }
0x17: {  	v3 =	vperm.xlane v3, v2;
	_ =	sdelay $0x1  }
0x18: {  	v3 =	vadd.s32 v1, v3  }
0x19: {  	[tilespmem:s9], [sflag:$0x1] =	stream.indirect_vreg.gather [hbm4b:s3+s2], $0x80, v4, vm0, $0xb8;
	[tilespmem:$0x4080] =	vst v63  }
0x1a: {  	_ = 	snop  }
0x1b: {  	[tilespmem:s10], [sflag:$0x1] =	stream.indirect_vreg.gather [hbm4b:s5+s2], $0x80, v4, vm0, $0xb8;
	[tilespmem:$0x4080] =	vst v63  }
0x1c: {  	_ = 	snop  }
0x1d: {  	[tilespmem:s11], [sflag:$0x1] =	stream.indirect_vreg.gather [hbm4b:s3+s2], $0x80, v3, vm0, $0xb8;
	[tilespmem:$0x4080] =	vst v63  }
0x1e: {  	_ = 	snop  }
0x1f: {  	[tilespmem:s12], [sflag:$0x1] =	stream.indirect_vreg.gather [hbm4b:s5+s2], $0x80, v3, vm0, $0xb8;
	[tilespmem:$0x4080] =	vst v63  }
0x20: {  	v3 =	vld [tilespmem:$0x10];
	_ =	sdelay $0x4  }
0x21: {  	v63 =	vshll.u32 v3, $0x2  }
0x22: {  	v3 =	vand.u32 $0x7, v3;
	v4 =	vand.u32 $0xFFFFFFE0, v63  }
0x23: {  	v3 =	vor.u32 v3, v4  }
0x24: {  	v4 =	vperm.xlane v3, v0;
	_ =	sdelay $0x1  }
0x25: {  	v4 =	vadd.s32 v1, v4;
	_ =	sdelay $0x1  }
0x26: {  	v3 =	vperm.xlane v3, v2;
	_ =	sdelay $0x1  }
0x27: {  	v3 =	vadd.s32 v1, v3  }
0x28: {  	[tilespmem:s13], [sflag:$0x1] =	stream.indirect_vreg.gather [hbm4b:s3+s2], $0x80, v4, vm0, $0xb8;
	[tilespmem:$0x4080] =	vst v63  }
0x29: {  	_ = 	snop  }
0x2a: {  	[tilespmem:s14], [sflag:$0x1] =	stream.indirect_vreg.gather [hbm4b:s5+s2], $0x80, v4, vm0, $0xb8;
	[tilespmem:$0x4080] =	vst v63  }
0x2b: {  	_ = 	snop  }
0x2c: {  	[tilespmem:s15], [sflag:$0x1] =	stream.indirect_vreg.gather [hbm4b:s3+s2], $0x80, v3, vm0, $0xb8;
	[tilespmem:$0x4080] =	vst v63  }
0x2d: {  	_ = 	snop  }
0x2e: {  	[tilespmem:s16], [sflag:$0x1] =	stream.indirect_vreg.gather [hbm4b:s5+s2], $0x80, v3, vm0, $0xb8;
	[tilespmem:$0x4080] =	vst v63  }
0x2f: {  	_ =	swait.ge [sflag:s17], $0x4000  }
0x30: {  	p0 =	sne.s32 s7, $0x1;
	[sflag:s17] =	ssyncset.done $0x0  }
.Ltmp0:
0x31: {  	[sflag:s17] =	ssyncadd.s32 $0xFFFFC000;
	(pc) =	sbr.rel @p0 .LBB2_1-.Ltmp0, $4  }
0x32: {  	[hbm4b:s6+s2] =	stream.linear.scatter [tilespmem:s9], [sflag:$0x2], $0x4000, $0x38;
	[tilespmem:$0x4080] =	vst v63  }
0x33: {  	_ =	swait.ge [sflag:s8], $0x4000  }
0x34: {  	[sflag:s8] =	ssyncset.done $0x0  }
0x35: {  	s7 =	sadd.s32 $0xFFFFFFFF, s7;
	[sflag:s8] =	ssyncadd.s32 $0xFFFFC000  }
0x36: {  	_ =	sfence.sel $0x180000  }
0x37: {  	[bflag:$0x0] =	sbarrier.arrive $0xFFFF  }
0x38: {  	p0 =	sne.s32 s1, $0x0;
	_ =	strace $0x9000004A  }
0x39: {  	s0 =	sadd.s32 @!p0 $0x100000, s0;
	[bflag:$0x2] =	sbarrier.arrive $0xFFFF  }
0x3a: {  	[sflag:s0] =	ssyncadd.tile.s32 @!p0 $0x1;
	_ =	shalt  }
.Lfunc_end2:
_tile_overlayer_lowered:
.L_overlay_start_2:
0x3b: {  	(tag) =	ssettag $0x2  }
0x3c: {  	s0 =	rddreg [dreg:$0x0];
	s2 =	stileid.u32  }
0x3d: {  	s1 =	rddreg [dreg:$0x1];
	p0 =	sne.s32 s2, $0x0  }
0x3e: {  	s3 =	rddreg [dreg:$0x2];
	[bflag:$0x3] =	sbarrier.arrive $0xFFFF;
	s2 =	simm.s32 @!p0 $0x1C02  }
0x3f: {  	[timem:s3], [sflag:s2] =	dma.local @!p0 [hbm:s0], s1  }
0x40: {  	s0 =	simm.s32 @!p0 $0x2  }
0x41: {  	_ =	swait.ge @!p0 [sflag:s0], s1  }
0x42: {  	s1 =	ssub.s32 @!p0 $0x0, s1;
	[sflag:s0] =	ssyncset.done @!p0 $0x0  }
0x43: {  	[sflag:s0] =	ssyncadd.s32 @!p0 s1  }
0x44: {  	[bflag:$0x3] =	sbarrier.arrive $0xFFFF  }
0x45: {  	_ =	shalt  }

// kernel: kernel.26.cloned.1.call-start
scs
__scs_entry_jumppad:
0x0: {  	(pc) =	sbr.rel $0x88, $3  }
0x1: {  	(tag) =	ssettag $0x0;
	lr =	simm.s32 $0x1  }
0x2: {  	[smem:$0x3F94] =	sst lr;
	_ =	strace $0xD0000000  }
0x3: {  	_ = 	snop  }
0x4: {  	_ = 	snop  }
0x5: {  	_ = 	snop  }
0x6: {  	_ = 	snop  }
0x7: {  	_ = 	snop  }
__scs_overlays_trampoline_lowered:
0x8: {  	[smem:$0x3FA3] =	sst s0  }
0x9: {  	[smem:$0x3FA4] =	sst s1  }
0xa: {  	[smem:$0x3FA5] =	sst s2  }
0xb: {  	[smem:$0x3FA6] =	sst s3  }
0xc: {  	[smem:$0x3FA7] =	sst s4  }
0xd: {  	[smem:$0x3FA8] =	sst s5  }
0xe: {  	[smem:$0x3FA9] =	sst s6  }
0xf: {  	[smem:$0x3FAA] =	sst s7  }
0x10: {  	[smem:$0x3FAB] =	sst s8  }
0x11: {  	[smem:$0x3FAC] =	sst s9;
	s0 =	simm.s32 @!p0 $0x0  }
0x12: {  	s1 =	sld [smem:$0x3F92];
	s0 =	simm.s32 @p0 $0x1  }
0x13: {  	[smem:$0x3FAD] =	sst s0;
	s0 =	simm.s32 @!p1 $0x0  }
0x14: {  	s2 =	sld [smem:$0x3F91];
	s0 =	simm.s32 @p1 $0x1  }
0x15: {  	[smem:$0x3FAE] =	sst s0;
	s0 =	simm.s32 @!p2 $0x0  }
0x16: {  	s3 =	sld [smem:$0x3FDB];
	s0 =	simm.s32 @p2 $0x1  }
0x17: {  	s4 =	simm.s32 $0x1BF5;
	[smem:$0x3FB0] =	sst s0  }
0x18: {  	s0 =	sld [smem:$0x3F93];
	_ =	swait.ge [sflag:s4], $0x0  }
0x19: {  	s7 =	sld [smem:$0x3F94]  }
0x1a: {  	s8 =	sadd.s32 $0xFFFFE003, lr  }
0x1b: {  	s9 =	sadd.s32 $0xFFFFFEF7, lr;
	s5 =	simm.s32 $0xFFFFFFFF;
	p2 =	slt.u32 s8, $0xFFFFF086  }
0x1c: {  	p1 =	slt.u32 s9, $0xF7A;
	s5 =	simm.s32 @!p2 $0x0  }
0x1d: {  	s5 =	simm.s32 @p1 $0x1;
	p0 =	seq.s32 s7, s2  }
0x1e: {  	s7 =	smul.u32 @!p0 $0xF7A, s2;
	p2 =	seq.s32 @!p0 s5, $0x0  }
0x1f: {  	s9 =	smul.u32 $0xF7A, s1;
	s8 =	simm.s32 @!p0 $0x1BF5;
	p2 =	por !p2, p0  }
0x20: {  	[sflag:s8] =	ssyncset.s32 @!p0 $0xFFFFF086;
	s6 =	sadd.s32 @!p0 s3, s7;
	s7 =	simm.s32 @!p0 $0x108  }
0x21: {  	s3 =	sadd.s32 s3, s9;
	s6 =	sadd.s32 @!p0 $0x88, s6;
	s7 =	simm.s32 @p2 $0x1082  }
0x22: {  	[simem:s7], [sflag:s8] =	dma.local @!p0 [hbm:s6], $0xF7A  }
0x23: {  	s9 =	sor.u32 $0xD0000000, s2;
	s6 =	simm.s32 $0x108;
	_ =	swait.ge @!p0 [sflag:s8], $0x0  }
0x24: {  	s3 =	sadd.s32 $0x88, s3;
	s6 =	simm.s32 @!p1 $0x1082;
	[sflag:s4] =	ssyncset.s32 $0xFFFFF086  }
0x25: {  	[simem:s6], [sflag:s4] =	dma.local [hbm:s3], $0xF7A  }
0x26: {  	[smem:$0x3F94] =	sst s1;
	(tag) =	ssettag s2;
	_ =	strace s9  }
0x27: {  	s1 =	sld [smem:$0x3FA4]  }
0x28: {  	s2 =	sld [smem:$0x3FA5]  }
0x29: {  	s4 =	sld [smem:$0x3FA7]  }
0x2a: {  	p0 =	seq.s32 s5, $0x0;
	s5 =	sld [smem:$0x3FA8]  }
0x2b: {  	s6 =	sld [smem:$0x3FA9]  }
0x2c: {  	s7 =	sld [smem:$0x3FAA]  }
0x2d: {  	s3 =	simm.s32 $0x108;
	s8 =	sld [smem:$0x3FAB]  }
0x2e: {  	s3 =	simm.s32 @!p0 $0x1082;
	s9 =	sld [smem:$0x3FAC]  }
0x2f: {  	lr =	sadd.s32 s0, s3;
	s0 =	sld [smem:$0x3FA3]  }
0x30: {  	s3 =	sld [smem:$0x3FA6]  }
0x31: {  	[smem:$0x3FAF] =	sst s10  }
0x32: {  	s10 =	sld [smem:$0x3FAD];
	_ =	sdelay $0x3  }
0x33: {  	p0 =	seq.s32 s10, $0x1;
	s10 =	sld [smem:$0x3FAF];
	_ =	sdelay $0x3  }
0x34: {  	[smem:$0x3FAF] =	sst s10  }
0x35: {  	s10 =	sld [smem:$0x3FAE];
	_ =	sdelay $0x3  }
0x36: {  	p1 =	seq.s32 s10, $0x1;
	s10 =	sld [smem:$0x3FAF];
	_ =	sdelay $0x3  }
0x37: {  	[smem:$0x3FAF] =	sst s10  }
0x38: {  	s10 =	sld [smem:$0x3FB0]  }
0x39: {  	_ = 	snop;
	(pc) =	sbr.ind lr, $3  }
0x3a: {  	_ = 	snop  }
0x3b: {  	_ = 	snop  }
0x3c: {  	p2 =	seq.s32 s10, $0x1;
	s10 =	sld [smem:$0x3FAF]  }
0x3d: {  	_ =	shalt  }
0x3e: {  	_ =	shalt  }
0x3f: {  	_ =	shalt  }
0x40: {  	_ =	shalt  }
0x41: {  	_ =	shalt  }
0x42: {  	_ =	shalt  }
0x43: {  	_ =	shalt  }
0x44: {  	_ =	shalt  }
0x45: {  	_ =	shalt  }
0x46: {  	_ =	shalt  }
0x47: {  	_ =	shalt  }
0x48: {  	_ =	shalt  }
0x49: {  	_ =	shalt  }
0x4a: {  	_ =	shalt  }
0x4b: {  	_ =	shalt  }
0x4c: {  	_ =	shalt  }
0x4d: {  	_ =	shalt  }
0x4e: {  	_ =	shalt  }
0x4f: {  	_ =	shalt  }
0x50: {  	_ =	shalt  }
0x51: {  	_ =	shalt  }
0x52: {  	_ =	shalt  }
0x53: {  	_ =	shalt  }
0x54: {  	_ =	shalt  }
0x55: {  	_ =	shalt  }
0x56: {  	_ =	shalt  }
0x57: {  	_ =	shalt  }
0x58: {  	_ =	shalt  }
0x59: {  	_ =	shalt  }
0x5a: {  	_ =	shalt  }
0x5b: {  	_ =	shalt  }
0x5c: {  	_ =	shalt  }
0x5d: {  	_ =	shalt  }
0x5e: {  	_ =	shalt  }
0x5f: {  	_ =	shalt  }
0x60: {  	_ =	shalt  }
0x61: {  	_ =	shalt  }
0x62: {  	_ =	shalt  }
0x63: {  	_ =	shalt  }
0x64: {  	_ =	shalt  }
0x65: {  	_ =	shalt  }
0x66: {  	_ =	shalt  }
0x67: {  	_ =	shalt  }
0x68: {  	_ =	shalt  }
0x69: {  	_ =	shalt  }
0x6a: {  	_ =	shalt  }
0x6b: {  	_ =	shalt  }
0x6c: {  	_ =	shalt  }
0x6d: {  	_ =	shalt  }
0x6e: {  	_ =	shalt  }
0x6f: {  	_ =	shalt  }
0x70: {  	_ =	shalt  }
0x71: {  	_ =	shalt  }
0x72: {  	_ =	shalt  }
0x73: {  	_ =	shalt  }
0x74: {  	_ =	shalt  }
0x75: {  	_ =	shalt  }
0x76: {  	_ =	shalt  }
0x77: {  	_ =	shalt  }
0x78: {  	_ =	shalt  }
0x79: {  	_ =	shalt  }
0x7a: {  	_ =	shalt  }
0x7b: {  	_ =	shalt  }
0x7c: {  	_ =	shalt  }
0x7d: {  	_ =	shalt  }
0x7e: {  	_ =	shalt  }
0x7f: {  	_ =	shalt  }
0x80: {  	_ =	shalt  }
0x81: {  	_ =	shalt  }
0x82: {  	_ =	shalt  }
0x83: {  	_ =	shalt  }
0x84: {  	_ =	shalt  }
0x85: {  	_ =	shalt  }
0x86: {  	_ =	shalt  }
0x87: {  	_ =	shalt  }
.Lfunc_end0:
.L_simem_size_0:
called_computation.2_lowered:
.L_overlay_start_0:
0x88: {  	s2 =	sld [smem:$0x3FD9]  }
0x89: {  	s3 =	sld [smem:$0x3FFE];
	_ =	sdelay $0x1  }
0x8a: {  	s1 =	srdreg.scid  }
0x8b: {  	s0 =	sand.u32 $0x1, s1  }
0x8c: {  	s17 =	sshll.u32 s0, $0xA;
	s2 =	sadd.s32 s3, s2  }
0x8d: {  	s2 =	sadd.s32 s2, s17  }
0x8e: {  	[smem:$0x3FBB] =	sst s2  }
0x8f: {  	_ = 	snop  }
0x90: {  	s2 =	sld [smem:$0x3FD0];
	(tm) =	ssettm $0x1  }
0x91: {  	s18 =	sld [smem:$0x3FFB];
	_ =	sdelay $0x3  }
0x92: {  	_ =	strace s18  }
0x93: {  	s3 =	sld [smem:$0x3FFC];
	_ =	sdelay $0x3  }
0x94: {  	_ =	strace s3  }
0x95: {  	s3 =	sld [smem:$0x3FFD];
	_ =	sdelay $0x3  }
0x96: {  	_ =	strace s3  }
0x97: {  	_ =	strace $0x8FFFFFFF  }
0x98: {  	s19 =	sld [smem:$0x3FDB];
	_ =	sdelay $0x1  }
0x99: {  	s4 =	simm.s32 $_scs_section_size  }
0x9a: {  	s5 =	simm.s32 $_size__tile_overlayer_lowered;
	s6 =	simm.s32 $_tile_overlayer_lowered  }
0x9b: {  	s22 =	simm.s32 $0x1BFF;
	s21 =	sshll.u32 s6, $0x1;
	s3 =	sadd.s32 s4, s19  }
0x9c: {  	s7 =	simm.s32 $0x0;
	s20 =	sshll.u32 s5, $0x1;
	s5 =	sadd.s32 s21, s3  }
0x9d: {  	[timem:s7], [sflag:s22] =	dma.local [hbm:s5], s20  }
0x9e: {  	_ =	swait.ge [sflag:s22], s20  }
0x9f: {  	s4 =	ssub.s32 $0x0, s20;
	[sflag:s22] =	ssyncset.done $0x0  }
0xa0: {  	[sflag:s22] =	ssyncadd.s32 s4;
	_ =	sdelay $0x1  }
0xa1: {  	s23 =	simm.s32 $0x1B8B  }
0xa2: {  	_ =	swait.ge [sflag:s23], $0x1  }
0xa3: {  	[sflag:s23] =	ssyncset.done $0x0  }
0xa4: {  	s25 =	simm.s32 $0x1B8E;
	s24 =	sld [smem:$0x3FFE];
	[sflag:s23] =	ssyncadd.s32 $0xFFFFFFFF  }
0xa5: {  	s26 =	simm.s32 $execute0_lowered;
	[smem:$0x3FD2] =	sst s25  }
0xa6: {  	s5 =	sshll.u32 s26, $0x1;
	_ =	strace $0x8000004C;
	[dreg:$0x1] =	wrdreg $0xFFFFFFFF  }
0xa7: {  	s28 =	simm.s32 $_size_execute0_lowered;
	s3 =	sadd.s32 s3, s5;
	[dreg:$0x0] =	wrdreg $0x0  }
0xa8: {  	s5 =	sshll.u32 s28, $0x1;
	[dreg:$0x2] =	wrdreg s3  }
0xa9: {  	[dreg:$0x3] =	wrdreg s5  }
0xaa: {  	[dreg:$0x4] =	wrdreg $0xC0  }
0xab: {  	_ =	task [dreg:s7], $0x5FFFF  }
0xac: {  	[dreg:$0x1] =	wrdreg $0xFFFFFFFF  }
0xad: {  	[dreg:$0x0] =	wrdreg $0x60  }
0xae: {  	[dreg:$0x2] =	wrdreg s24  }
0xaf: {  	[dreg:$0x3] =	wrdreg s2  }
0xb0: {  	[dreg:$0x4] =	wrdreg $0x9  }
0xb1: {  	_ =	task.clear_ibuf [dreg:s7], $0x5FFFF;
	_ =	strace $0x9000004C  }
0xb2: {  	s29 =	simm.s32 $0x9;
	_ =	strace $0x8000004E  }
0xb3: {  	_ =	swait.ge [sflag:s29], $0x1  }
0xb4: {  	[sflag:s29] =	ssyncadd.s32 $0xFFFFFFFF  }
0xb5: {  	_ =	strace $0x9000004E  }
0xb6: {  	_ =	sfence  }
0xb7: {  	s30 =	sld [smem:$0x0];
	_ =	sdelay $0x2  }
0xb8: {  	s31 =	sshll.u32 s1, $0xD;
	s1 =	sshrl.u32 s1, $0x2  }
0xb9: {  	s3 =	sand.u32 $0x4000, s31;
	s1 =	sadd.s32 s1, s30  }
0xba: {  	s0 =	sor.u32 s3, s0;
	s1 =	sshll.u32 s1, $0x11  }
0xbb: {  	s0 =	sor.u32 s1, s0  }
0xbc: {  	s0 =	sadd.s32 $0x8F2B, s0  }
0xbd: {  	[sflag:s0] =	ssyncadd.remote.s32 $0x1  }
0xbe: {  	_ =	sfence.sel $0xFFFF  }
0xbf: {  	[dreg:$0x0] =	wrdreg $0xFFFFFFFF;
	(pc) =	sbr.abs _section_cstart, $3  }
0xc0: {  	[dreg:$0x1] =	wrdreg $0xFFFFFFFF  }
0xc1: {  	_ =	task.clear_ibuf [dreg:s7], $0x2FFFF;
	_ =	strace $0x9FFFFFFF  }
0xc2: {  	(tm) =	ssettm $0x7FFFFFFF  }
0xc3: {  	_ =	shalt  }
tec
execute0_lowered:
.L_overlay_start_1:
0x0: {  	(tag) =	ssettag $0x1  }
0x1: {  	s4 =	rddreg [dreg:$0x0]  }
0x2: {  	s2 =	rddreg [dreg:$0x1]  }
0x3: {  	s0 =	rddreg [dreg:$0x2];
	s5 =	srdreg.scid  }
0x4: {  	s3 =	simm.s32 $0x0;
	s1 =	stileid.u32;
	s10 =	simm.s32 $0x2  }
0x5: {  	s11 =	simm.s32 $0x80;
	s12 =	simm.s32 $0x880;
	s13 =	simm.s32 $0x1080  }
0x6: {  	s14 =	simm.s32 $0x1880;
	s15 =	simm.s32 $0x2080;
	s16 =	simm.s32 $0x2880  }
0x7: {  	s17 =	simm.s32 $0x3080;
	s18 =	simm.s32 $0x3880;
	s19 =	simm.s32 $0x4080  }
0x8: {  	s20 =	simm.s32 $0x4880;
	s21 =	simm.s32 $0x5080;
	s22 =	simm.s32 $0x5880  }
0x9: {  	s23 =	simm.s32 $0x6080;
	s24 =	simm.s32 $0x6880;
	s25 =	simm.s32 $0x7080  }
0xa: {  	s26 =	simm.s32 $0x7880;
	s28 =	simm.s32 $0x1;
	s5 =	sand.u32 $0x1, s5  }
0xb: {  	[smem:$0x7FF] =	sst s3;
	s6 =	sshll.u32 s1, $0x6;
	s7 =	sshll.u32 s5, $0x5  }
0xc: {  	_ =	strace $0x8000004D;
	s5 =	ssub.s32 $0x2, s5;
	s6 =	sor.u32 s7, s6  }
0xd: {  	s8 =	sshrl.u32 s5, $0x1;
	s7 =	sshll.u32 s6, $0x7;
	s6 =	sshrl.u32 s6, $0x3  }
0xe: {  	v2 =	vlaneseq.u32;
	s9 =	ssub.s32 s5, s8;
	s8 =	sadd.s32 $0x300, s2;
	s7 =	sadd.s32 s7, s4  }
0xf: {  	vm0 =	vmmov $0xffff;
	v1 =	vshrl.u32 v2, $0x3;
	s4 =	sadd.s32 s6, s4;
	s6 =	sadd.s32 $0x100, s2;
	s9 =	smax.u32 s9, $0x1  }
0x10: {  	v0 =	vand.u32 $0x7, v2;
	v2 =	vor.u32 $0x8, v2;
	v1 =	vmul.u32 $0x8, v1;
	s4 =	sadd.s32 $0x3400, s4;
	s5 =	sadd.s32 $0x7600, s7;
	s7 =	sadd.s32 $0x200, s2  }
.LBB2_1:
0x11: {  	[tilespmem:s3], [sflag:$0x2] =	stream.linear.gather [hbm4b:s4+s3], $0x20, $0x38;
	[tilespmem:$0x8080] =	vst v63  }
0x12: {  	_ =	swait.ge [sflag:s10], $0x20  }
0x13: {  	[sflag:s10] =	ssyncset.done $0x0  }
0x14: {  	[sflag:s10] =	ssyncadd.s32 $0xFFFFFFE0  }
0x15: {  	[tilespmem:s11], [sflag:$0x2] =	stream.linear.gather [hbm4b:s5+s3], $0x8000, $0x38;
	[tilespmem:$0x8080] =	vst v63  }
0x16: {  	_ =	swait.ge [sflag:s10], $0x8000  }
0x17: {  	[sflag:s10] =	ssyncset.done $0x0  }
0x18: {  	[sflag:s10] =	ssyncadd.s32 $0xFFFF8000  }
0x19: {  	v3 =	vld [tilespmem:$0x0];
	_ =	sdelay $0x4  }
0x1a: {  	v4 =	vshll.u32 v3, $0x3  }
0x1b: {  	v3 =	vand.u32 $0x7, v3;
	v4 =	vand.u32 $0xFFFFFFC0, v4  }
0x1c: {  	v3 =	vor.u32 v3, v4  }
0x1d: {  	v4 =	vperm.xlane v3, v0;
	_ =	sdelay $0x1  }
0x1e: {  	v4 =	vadd.s32 v1, v4;
	_ =	sdelay $0x4  }
0x1f: {  	[hbm4b:s2+s3] =	stream.indirect_vreg.scatter [tilespmem:s11], [sflag:$0x1], $0x80, v4, vm0, $0xb8;
	[tilespmem:$0x8080] =	vst v63  }
0x20: {  	v3 =	vperm.xlane v3, v2  }
0x21: {  	[hbm4b:s6+s3] =	stream.indirect_vreg.scatter [tilespmem:s12], [sflag:$0x1], $0x80, v4, vm0, $0xb8;
	[tilespmem:$0x8080] =	vst v63  }
0x22: {  	v3 =	vadd.s32 v1, v3  }
0x23: {  	[hbm4b:s7+s3] =	stream.indirect_vreg.scatter [tilespmem:s13], [sflag:$0x1], $0x80, v4, vm0, $0xb8;
	[tilespmem:$0x8080] =	vst v63  }
0x24: {  	_ = 	snop  }
0x25: {  	[hbm4b:s8+s3] =	stream.indirect_vreg.scatter [tilespmem:s14], [sflag:$0x1], $0x80, v4, vm0, $0xb8;
	[tilespmem:$0x8080] =	vst v63  }
0x26: {  	_ = 	snop  }
0x27: {  	[hbm4b:s2+s3] =	stream.indirect_vreg.scatter [tilespmem:s15], [sflag:$0x1], $0x80, v3, vm0, $0xb8;
	[tilespmem:$0x8080] =	vst v63  }
0x28: {  	_ = 	snop  }
0x29: {  	[hbm4b:s6+s3] =	stream.indirect_vreg.scatter [tilespmem:s16], [sflag:$0x1], $0x80, v3, vm0, $0xb8;
	[tilespmem:$0x8080] =	vst v63  }
0x2a: {  	_ = 	snop  }
0x2b: {  	[hbm4b:s7+s3] =	stream.indirect_vreg.scatter [tilespmem:s17], [sflag:$0x1], $0x80, v3, vm0, $0xb8;
	[tilespmem:$0x8080] =	vst v63  }
0x2c: {  	_ = 	snop  }
0x2d: {  	[hbm4b:s8+s3] =	stream.indirect_vreg.scatter [tilespmem:s18], [sflag:$0x1], $0x80, v3, vm0, $0xb8;
	[tilespmem:$0x8080] =	vst v63  }
0x2e: {  	v3 =	vld [tilespmem:$0x10];
	_ =	sdelay $0x4  }
0x2f: {  	v63 =	vshll.u32 v3, $0x3  }
0x30: {  	v3 =	vand.u32 $0x7, v3;
	v4 =	vand.u32 $0xFFFFFFC0, v63  }
0x31: {  	v3 =	vor.u32 v3, v4  }
0x32: {  	v4 =	vperm.xlane v3, v0;
	_ =	sdelay $0x1  }
0x33: {  	v4 =	vadd.s32 v1, v4;
	_ =	sdelay $0x4  }
0x34: {  	[hbm4b:s2+s3] =	stream.indirect_vreg.scatter [tilespmem:s19], [sflag:$0x1], $0x80, v4, vm0, $0xb8;
	[tilespmem:$0x8080] =	vst v63  }
0x35: {  	v3 =	vperm.xlane v3, v2  }
0x36: {  	[hbm4b:s6+s3] =	stream.indirect_vreg.scatter [tilespmem:s20], [sflag:$0x1], $0x80, v4, vm0, $0xb8;
	[tilespmem:$0x8080] =	vst v63  }
0x37: {  	v3 =	vadd.s32 v1, v3  }
0x38: {  	[hbm4b:s7+s3] =	stream.indirect_vreg.scatter [tilespmem:s21], [sflag:$0x1], $0x80, v4, vm0, $0xb8;
	[tilespmem:$0x8080] =	vst v63  }
0x39: {  	_ = 	snop  }
0x3a: {  	[hbm4b:s8+s3] =	stream.indirect_vreg.scatter [tilespmem:s22], [sflag:$0x1], $0x80, v4, vm0, $0xb8;
	[tilespmem:$0x8080] =	vst v63  }
0x3b: {  	_ = 	snop  }
0x3c: {  	[hbm4b:s2+s3] =	stream.indirect_vreg.scatter [tilespmem:s23], [sflag:$0x1], $0x80, v3, vm0, $0xb8;
	[tilespmem:$0x8080] =	vst v63  }
0x3d: {  	_ = 	snop  }
0x3e: {  	[hbm4b:s6+s3] =	stream.indirect_vreg.scatter [tilespmem:s24], [sflag:$0x1], $0x80, v3, vm0, $0xb8;
	[tilespmem:$0x8080] =	vst v63  }
0x3f: {  	p0 =	sne.s32 s9, $0x1  }
0x40: {  	[hbm4b:s7+s3] =	stream.indirect_vreg.scatter [tilespmem:s25], [sflag:$0x1], $0x80, v3, vm0, $0xb8;
	[tilespmem:$0x8080] =	vst v63  }
.Ltmp0:
0x41: {  	_ = 	snop;
	(pc) =	sbr.rel @p0 .LBB2_1-.Ltmp0, $4  }
0x42: {  	[hbm4b:s8+s3] =	stream.indirect_vreg.scatter [tilespmem:s26], [sflag:$0x1], $0x80, v3, vm0, $0xb8;
	[tilespmem:$0x8080] =	vst v63  }
0x43: {  	_ =	swait.ge [sflag:s28], $0x8000  }
0x44: {  	[sflag:s28] =	ssyncset.done $0x0  }
0x45: {  	s9 =	sadd.s32 $0xFFFFFFFF, s9;
	[sflag:s28] =	ssyncadd.s32 $0xFFFF8000  }
0x46: {  	_ =	sfence.sel $0x180000  }
0x47: {  	[bflag:$0x0] =	sbarrier.arrive $0xFFFF  }
0x48: {  	p0 =	sne.s32 s1, $0x0;
	_ =	strace $0x9000004D  }
0x49: {  	s0 =	sadd.s32 @!p0 $0x100000, s0;
	[bflag:$0x2] =	sbarrier.arrive $0xFFFF  }
0x4a: {  	[sflag:s0] =	ssyncadd.tile.s32 @!p0 $0x1;
	_ =	shalt  }
.Lfunc_end2:
_tile_overlayer_lowered:
.L_overlay_start_2:
0x4b: {  	(tag) =	ssettag $0x2  }
0x4c: {  	s0 =	rddreg [dreg:$0x0];
	s2 =	stileid.u32  }
0x4d: {  	s1 =	rddreg [dreg:$0x1];
	p0 =	sne.s32 s2, $0x0  }
0x4e: {  	s3 =	rddreg [dreg:$0x2];
	[bflag:$0x3] =	sbarrier.arrive $0xFFFF;
	s2 =	simm.s32 @!p0 $0x1C02  }
0x4f: {  	[timem:s3], [sflag:s2] =	dma.local @!p0 [hbm:s0], s1  }
0x50: {  	s0 =	simm.s32 @!p0 $0x2  }
0x51: {  	_ =	swait.ge @!p0 [sflag:s0], s1  }
0x52: {  	s1 =	ssub.s32 @!p0 $0x0, s1;
	[sflag:s0] =	ssyncset.done @!p0 $0x0  }
0x53: {  	[sflag:s0] =	ssyncadd.s32 @!p0 s1  }
0x54: {  	[bflag:$0x3] =	sbarrier.arrive $0xFFFF  }
0x55: {  	_ =	shalt  }

// kernel: kernel.29.cloned.1.call-start
scs
__scs_entry_jumppad:
0x0: {  	(pc) =	sbr.rel $0x88, $3  }
0x1: {  	(tag) =	ssettag $0x0;
	lr =	simm.s32 $0x1  }
0x2: {  	[smem:$0x3F94] =	sst lr;
	_ =	strace $0xD0000000  }
0x3: {  	_ = 	snop  }
0x4: {  	_ = 	snop  }
0x5: {  	_ = 	snop  }
0x6: {  	_ = 	snop  }
0x7: {  	_ = 	snop  }
__scs_overlays_trampoline_lowered:
0x8: {  	[smem:$0x3FA3] =	sst s0  }
0x9: {  	[smem:$0x3FA4] =	sst s1  }
0xa: {  	[smem:$0x3FA5] =	sst s2  }
0xb: {  	[smem:$0x3FA6] =	sst s3  }
0xc: {  	[smem:$0x3FA7] =	sst s4  }
0xd: {  	[smem:$0x3FA8] =	sst s5  }
0xe: {  	[smem:$0x3FA9] =	sst s6  }
0xf: {  	[smem:$0x3FAA] =	sst s7  }
0x10: {  	[smem:$0x3FAB] =	sst s8  }
0x11: {  	[smem:$0x3FAC] =	sst s9;
	s0 =	simm.s32 @!p0 $0x0  }
0x12: {  	s1 =	sld [smem:$0x3F92];
	s0 =	simm.s32 @p0 $0x1  }
0x13: {  	[smem:$0x3FAD] =	sst s0;
	s0 =	simm.s32 @!p1 $0x0  }
0x14: {  	s2 =	sld [smem:$0x3F91];
	s0 =	simm.s32 @p1 $0x1  }
0x15: {  	[smem:$0x3FAE] =	sst s0;
	s0 =	simm.s32 @!p2 $0x0  }
0x16: {  	s3 =	sld [smem:$0x3FDB];
	s0 =	simm.s32 @p2 $0x1  }
0x17: {  	s4 =	simm.s32 $0x1BF5;
	[smem:$0x3FB0] =	sst s0  }
0x18: {  	s0 =	sld [smem:$0x3F93];
	_ =	swait.ge [sflag:s4], $0x0  }
0x19: {  	s7 =	sld [smem:$0x3F94]  }
0x1a: {  	s8 =	sadd.s32 $0xFFFFE003, lr  }
0x1b: {  	s9 =	sadd.s32 $0xFFFFFEF7, lr;
	s5 =	simm.s32 $0xFFFFFFFF;
	p2 =	slt.u32 s8, $0xFFFFF086  }
0x1c: {  	p1 =	slt.u32 s9, $0xF7A;
	s5 =	simm.s32 @!p2 $0x0  }
0x1d: {  	s5 =	simm.s32 @p1 $0x1;
	p0 =	seq.s32 s7, s2  }
0x1e: {  	s7 =	smul.u32 @!p0 $0xF7A, s2;
	p2 =	seq.s32 @!p0 s5, $0x0  }
0x1f: {  	s9 =	smul.u32 $0xF7A, s1;
	s8 =	simm.s32 @!p0 $0x1BF5;
	p2 =	por !p2, p0  }
0x20: {  	[sflag:s8] =	ssyncset.s32 @!p0 $0xFFFFF086;
	s6 =	sadd.s32 @!p0 s3, s7;
	s7 =	simm.s32 @!p0 $0x108  }
0x21: {  	s3 =	sadd.s32 s3, s9;
	s6 =	sadd.s32 @!p0 $0x88, s6;
	s7 =	simm.s32 @p2 $0x1082  }
0x22: {  	[simem:s7], [sflag:s8] =	dma.local @!p0 [hbm:s6], $0xF7A  }
0x23: {  	s9 =	sor.u32 $0xD0000000, s2;
	s6 =	simm.s32 $0x108;
	_ =	swait.ge @!p0 [sflag:s8], $0x0  }
0x24: {  	s3 =	sadd.s32 $0x88, s3;
	s6 =	simm.s32 @!p1 $0x1082;
	[sflag:s4] =	ssyncset.s32 $0xFFFFF086  }
0x25: {  	[simem:s6], [sflag:s4] =	dma.local [hbm:s3], $0xF7A  }
0x26: {  	[smem:$0x3F94] =	sst s1;
	(tag) =	ssettag s2;
	_ =	strace s9  }
0x27: {  	s1 =	sld [smem:$0x3FA4]  }
0x28: {  	s2 =	sld [smem:$0x3FA5]  }
0x29: {  	s4 =	sld [smem:$0x3FA7]  }
0x2a: {  	p0 =	seq.s32 s5, $0x0;
	s5 =	sld [smem:$0x3FA8]  }
0x2b: {  	s6 =	sld [smem:$0x3FA9]  }
0x2c: {  	s7 =	sld [smem:$0x3FAA]  }
0x2d: {  	s3 =	simm.s32 $0x108;
	s8 =	sld [smem:$0x3FAB]  }
0x2e: {  	s3 =	simm.s32 @!p0 $0x1082;
	s9 =	sld [smem:$0x3FAC]  }
0x2f: {  	lr =	sadd.s32 s0, s3;
	s0 =	sld [smem:$0x3FA3]  }
0x30: {  	s3 =	sld [smem:$0x3FA6]  }
0x31: {  	[smem:$0x3FAF] =	sst s10  }
0x32: {  	s10 =	sld [smem:$0x3FAD];
	_ =	sdelay $0x3  }
0x33: {  	p0 =	seq.s32 s10, $0x1;
	s10 =	sld [smem:$0x3FAF];
	_ =	sdelay $0x3  }
0x34: {  	[smem:$0x3FAF] =	sst s10  }
0x35: {  	s10 =	sld [smem:$0x3FAE];
	_ =	sdelay $0x3  }
0x36: {  	p1 =	seq.s32 s10, $0x1;
	s10 =	sld [smem:$0x3FAF];
	_ =	sdelay $0x3  }
0x37: {  	[smem:$0x3FAF] =	sst s10  }
0x38: {  	s10 =	sld [smem:$0x3FB0]  }
0x39: {  	_ = 	snop;
	(pc) =	sbr.ind lr, $3  }
0x3a: {  	_ = 	snop  }
0x3b: {  	_ = 	snop  }
0x3c: {  	p2 =	seq.s32 s10, $0x1;
	s10 =	sld [smem:$0x3FAF]  }
0x3d: {  	_ =	shalt  }
0x3e: {  	_ =	shalt  }
0x3f: {  	_ =	shalt  }
0x40: {  	_ =	shalt  }
0x41: {  	_ =	shalt  }
0x42: {  	_ =	shalt  }
0x43: {  	_ =	shalt  }
0x44: {  	_ =	shalt  }
0x45: {  	_ =	shalt  }
0x46: {  	_ =	shalt  }
0x47: {  	_ =	shalt  }
0x48: {  	_ =	shalt  }
0x49: {  	_ =	shalt  }
0x4a: {  	_ =	shalt  }
0x4b: {  	_ =	shalt  }
0x4c: {  	_ =	shalt  }
0x4d: {  	_ =	shalt  }
0x4e: {  	_ =	shalt  }
0x4f: {  	_ =	shalt  }
0x50: {  	_ =	shalt  }
0x51: {  	_ =	shalt  }
0x52: {  	_ =	shalt  }
0x53: {  	_ =	shalt  }
0x54: {  	_ =	shalt  }
0x55: {  	_ =	shalt  }
0x56: {  	_ =	shalt  }
0x57: {  	_ =	shalt  }
0x58: {  	_ =	shalt  }
0x59: {  	_ =	shalt  }
0x5a: {  	_ =	shalt  }
0x5b: {  	_ =	shalt  }
0x5c: {  	_ =	shalt  }
0x5d: {  	_ =	shalt  }
0x5e: {  	_ =	shalt  }
0x5f: {  	_ =	shalt  }
0x60: {  	_ =	shalt  }
0x61: {  	_ =	shalt  }
0x62: {  	_ =	shalt  }
0x63: {  	_ =	shalt  }
0x64: {  	_ =	shalt  }
0x65: {  	_ =	shalt  }
0x66: {  	_ =	shalt  }
0x67: {  	_ =	shalt  }
0x68: {  	_ =	shalt  }
0x69: {  	_ =	shalt  }
0x6a: {  	_ =	shalt  }
0x6b: {  	_ =	shalt  }
0x6c: {  	_ =	shalt  }
0x6d: {  	_ =	shalt  }
0x6e: {  	_ =	shalt  }
0x6f: {  	_ =	shalt  }
0x70: {  	_ =	shalt  }
0x71: {  	_ =	shalt  }
0x72: {  	_ =	shalt  }
0x73: {  	_ =	shalt  }
0x74: {  	_ =	shalt  }
0x75: {  	_ =	shalt  }
0x76: {  	_ =	shalt  }
0x77: {  	_ =	shalt  }
0x78: {  	_ =	shalt  }
0x79: {  	_ =	shalt  }
0x7a: {  	_ =	shalt  }
0x7b: {  	_ =	shalt  }
0x7c: {  	_ =	shalt  }
0x7d: {  	_ =	shalt  }
0x7e: {  	_ =	shalt  }
0x7f: {  	_ =	shalt  }
0x80: {  	_ =	shalt  }
0x81: {  	_ =	shalt  }
0x82: {  	_ =	shalt  }
0x83: {  	_ =	shalt  }
0x84: {  	_ =	shalt  }
0x85: {  	_ =	shalt  }
0x86: {  	_ =	shalt  }
0x87: {  	_ =	shalt  }
.Lfunc_end0:
.L_simem_size_0:
called_computation.3_lowered:
.L_overlay_start_0:
0x88: {  	s2 =	sld [smem:$0x3FD9]  }
0x89: {  	s3 =	sld [smem:$0x3FFE];
	_ =	sdelay $0x1  }
0x8a: {  	s1 =	srdreg.scid  }
0x8b: {  	s0 =	sand.u32 $0x1, s1  }
0x8c: {  	s17 =	sshll.u32 s0, $0xA;
	s2 =	sadd.s32 s3, s2  }
0x8d: {  	s2 =	sadd.s32 s2, s17  }
0x8e: {  	[smem:$0x3FBB] =	sst s2  }
0x8f: {  	_ = 	snop  }
0x90: {  	s2 =	sld [smem:$0x3FD0];
	(tm) =	ssettm $0x1  }
0x91: {  	s18 =	sld [smem:$0x3FFB];
	_ =	sdelay $0x3  }
0x92: {  	_ =	strace s18  }
0x93: {  	s3 =	sld [smem:$0x3FFC];
	_ =	sdelay $0x3  }
0x94: {  	_ =	strace s3  }
0x95: {  	s3 =	sld [smem:$0x3FFD];
	_ =	sdelay $0x3  }
0x96: {  	_ =	strace s3  }
0x97: {  	_ =	strace $0x8FFFFFFF  }
0x98: {  	s19 =	sld [smem:$0x3FDB];
	_ =	sdelay $0x1  }
0x99: {  	s4 =	simm.s32 $_scs_section_size  }
0x9a: {  	s5 =	simm.s32 $_size__tile_overlayer_lowered;
	s6 =	simm.s32 $_tile_overlayer_lowered  }
0x9b: {  	s22 =	simm.s32 $0x1BFF;
	s21 =	sshll.u32 s6, $0x1;
	s3 =	sadd.s32 s4, s19  }
0x9c: {  	s7 =	simm.s32 $0x0;
	s20 =	sshll.u32 s5, $0x1;
	s5 =	sadd.s32 s21, s3  }
0x9d: {  	[timem:s7], [sflag:s22] =	dma.local [hbm:s5], s20  }
0x9e: {  	_ =	swait.ge [sflag:s22], s20  }
0x9f: {  	s4 =	ssub.s32 $0x0, s20;
	[sflag:s22] =	ssyncset.done $0x0  }
0xa0: {  	[sflag:s22] =	ssyncadd.s32 s4;
	_ =	sdelay $0x1  }
0xa1: {  	s23 =	simm.s32 $0x1B8B  }
0xa2: {  	_ =	swait.ge [sflag:s23], $0x1  }
0xa3: {  	[sflag:s23] =	ssyncset.done $0x0  }
0xa4: {  	s25 =	simm.s32 $0x1B8E;
	s24 =	sld [smem:$0x3FFE];
	[sflag:s23] =	ssyncadd.s32 $0xFFFFFFFF  }
0xa5: {  	s26 =	simm.s32 $execute0_lowered;
	[smem:$0x3FD2] =	sst s25  }
0xa6: {  	s5 =	sshll.u32 s26, $0x1;
	_ =	strace $0x8000004F;
	[dreg:$0x1] =	wrdreg $0xFFFFFFFF  }
0xa7: {  	s28 =	simm.s32 $_size_execute0_lowered;
	s3 =	sadd.s32 s3, s5;
	[dreg:$0x0] =	wrdreg $0x0  }
0xa8: {  	s5 =	sshll.u32 s28, $0x1;
	[dreg:$0x2] =	wrdreg s3  }
0xa9: {  	[dreg:$0x3] =	wrdreg s5  }
0xaa: {  	[dreg:$0x4] =	wrdreg $0xC0  }
0xab: {  	_ =	task [dreg:s7], $0x5FFFF  }
0xac: {  	[dreg:$0x1] =	wrdreg $0xFFFFFFFF  }
0xad: {  	[dreg:$0x0] =	wrdreg $0x60  }
0xae: {  	[dreg:$0x2] =	wrdreg s2  }
0xaf: {  	[dreg:$0x3] =	wrdreg s24  }
0xb0: {  	[dreg:$0x4] =	wrdreg $0x9  }
0xb1: {  	_ =	task.clear_ibuf [dreg:s7], $0x5FFFF;
	_ =	strace $0x9000004F  }
0xb2: {  	s29 =	simm.s32 $0x9;
	_ =	strace $0x80000051  }
0xb3: {  	_ =	swait.ge [sflag:s29], $0x1  }
0xb4: {  	[sflag:s29] =	ssyncadd.s32 $0xFFFFFFFF  }
0xb5: {  	_ =	strace $0x90000051  }
0xb6: {  	_ =	sfence  }
0xb7: {  	s30 =	sld [smem:$0x0];
	_ =	sdelay $0x2  }
0xb8: {  	s31 =	sshll.u32 s1, $0xD;
	s1 =	sshrl.u32 s1, $0x2  }
0xb9: {  	s3 =	sand.u32 $0x4000, s31;
	s1 =	sadd.s32 s1, s30  }
0xba: {  	s0 =	sor.u32 s3, s0;
	s1 =	sshll.u32 s1, $0x11  }
0xbb: {  	s0 =	sor.u32 s1, s0  }
0xbc: {  	s0 =	sadd.s32 $0x8F2B, s0  }
0xbd: {  	[sflag:s0] =	ssyncadd.remote.s32 $0x1  }
0xbe: {  	_ =	sfence.sel $0xFFFF  }
0xbf: {  	[dreg:$0x0] =	wrdreg $0xFFFFFFFF;
	(pc) =	sbr.abs _section_cstart, $3  }
0xc0: {  	[dreg:$0x1] =	wrdreg $0xFFFFFFFF  }
0xc1: {  	_ =	task.clear_ibuf [dreg:s7], $0x2FFFF;
	_ =	strace $0x9FFFFFFF  }
0xc2: {  	(tm) =	ssettm $0x7FFFFFFF  }
0xc3: {  	_ =	shalt  }
tec
execute0_lowered:
.L_overlay_start_1:
0x0: {  	(tag) =	ssettag $0x1  }
0x1: {  	s1 =	rddreg [dreg:$0x0]  }
0x2: {  	s4 =	rddreg [dreg:$0x1]  }
0x3: {  	s0 =	rddreg [dreg:$0x2]  }
0x4: {  	s5 =	srdreg.scid;
	s3 =	simm.s32 $0x0;
	s2 =	stileid.u32  }
0x5: {  	s9 =	simm.s32 $0x80;
	s10 =	simm.s32 $0x880;
	s11 =	simm.s32 $0x1080  }
0x6: {  	s12 =	simm.s32 $0x1880;
	s13 =	simm.s32 $0x2080;
	s14 =	simm.s32 $0x2880  }
0x7: {  	s15 =	simm.s32 $0x3080;
	s16 =	simm.s32 $0x3880;
	s5 =	sand.u32 $0x1, s5  }
0x8: {  	s17 =	simm.s32 $0x1;
	s6 =	sshll.u32 s2, $0x6;
	s7 =	sshll.u32 s5, $0x5  }
0x9: {  	[smem:$0x7FF] =	sst s3;
	s5 =	ssub.s32 $0x2, s5;
	s6 =	sor.u32 s7, s6  }
0xa: {  	_ =	strace $0x80000050;
	s31 =	sshrl.u32 s5, $0x1;
	s7 =	sshrl.u32 s6, $0x3  }
0xb: {  	v2 =	vlaneseq.u32;
	s6 =	sshll.u32 s6, $0x6;
	s8 =	ssub.s32 s5, s31;
	s7 =	sadd.s32 s7, s4  }
0xc: {  	vm0 =	vmmov $0xffff;
	v1 =	vshrl.u32 v2, $0x3;
	s5 =	sadd.s32 $0x100, s1;
	s6 =	sadd.s32 s6, s4;
	s4 =	sadd.s32 $0x3400, s7  }
0xd: {  	v0 =	vand.u32 $0x7, v2;
	v2 =	vor.u32 $0x8, v2;
	v1 =	vmul.u32 $0x8, v1;
	s6 =	sadd.s32 $0x3600, s6;
	s7 =	smax.u32 s8, $0x1;
	s8 =	simm.s32 $0x2  }
.LBB2_1:
0xe: {  	[tilespmem:s3], [sflag:$0x2] =	stream.linear.gather [hbm4b:s4+s3], $0x20, $0x38;
	[tilespmem:$0x4080] =	vst v63  }
0xf: {  	_ =	swait.ge [sflag:s8], $0x20  }
0x10: {  	[sflag:s8] =	ssyncset.done $0x0  }
0x11: {  	[sflag:s8] =	ssyncadd.s32 $0xFFFFFFE0  }
0x12: {  	v3 =	vld [tilespmem:$0x0];
	_ =	sdelay $0x4  }
0x13: {  	v4 =	vshll.u32 v3, $0x2  }
0x14: {  	v3 =	vand.u32 $0x7, v3;
	v4 =	vand.u32 $0xFFFFFFE0, v4  }
0x15: {  	v3 =	vor.u32 v3, v4  }
0x16: {  	v4 =	vperm.xlane v3, v0;
	_ =	sdelay $0x1  }
0x17: {  	v4 =	vadd.s32 v1, v4;
	_ =	sdelay $0x1  }
0x18: {  	v3 =	vperm.xlane v3, v2;
	_ =	sdelay $0x1  }
0x19: {  	v3 =	vadd.s32 v1, v3  }
0x1a: {  	[tilespmem:s9], [sflag:$0x1] =	stream.indirect_vreg.gather [hbm4b:s1+s3], $0x80, v4, vm0, $0xb8;
	[tilespmem:$0x4080] =	vst v63  }
0x1b: {  	_ = 	snop  }
0x1c: {  	[tilespmem:s10], [sflag:$0x1] =	stream.indirect_vreg.gather [hbm4b:s5+s3], $0x80, v4, vm0, $0xb8;
	[tilespmem:$0x4080] =	vst v63  }
0x1d: {  	_ = 	snop  }
0x1e: {  	[tilespmem:s11], [sflag:$0x1] =	stream.indirect_vreg.gather [hbm4b:s1+s3], $0x80, v3, vm0, $0xb8;
	[tilespmem:$0x4080] =	vst v63  }
0x1f: {  	_ = 	snop  }
0x20: {  	[tilespmem:s12], [sflag:$0x1] =	stream.indirect_vreg.gather [hbm4b:s5+s3], $0x80, v3, vm0, $0xb8;
	[tilespmem:$0x4080] =	vst v63  }
0x21: {  	v3 =	vld [tilespmem:$0x10];
	_ =	sdelay $0x4  }
0x22: {  	v63 =	vshll.u32 v3, $0x2  }
0x23: {  	v3 =	vand.u32 $0x7, v3;
	v4 =	vand.u32 $0xFFFFFFE0, v63  }
0x24: {  	v3 =	vor.u32 v3, v4  }
0x25: {  	v4 =	vperm.xlane v3, v0;
	_ =	sdelay $0x1  }
0x26: {  	v4 =	vadd.s32 v1, v4;
	_ =	sdelay $0x1  }
0x27: {  	v3 =	vperm.xlane v3, v2;
	_ =	sdelay $0x1  }
0x28: {  	v3 =	vadd.s32 v1, v3  }
0x29: {  	[tilespmem:s13], [sflag:$0x1] =	stream.indirect_vreg.gather [hbm4b:s1+s3], $0x80, v4, vm0, $0xb8;
	[tilespmem:$0x4080] =	vst v63  }
0x2a: {  	_ = 	snop  }
0x2b: {  	[tilespmem:s14], [sflag:$0x1] =	stream.indirect_vreg.gather [hbm4b:s5+s3], $0x80, v4, vm0, $0xb8;
	[tilespmem:$0x4080] =	vst v63  }
0x2c: {  	_ = 	snop  }
0x2d: {  	[tilespmem:s15], [sflag:$0x1] =	stream.indirect_vreg.gather [hbm4b:s1+s3], $0x80, v3, vm0, $0xb8;
	[tilespmem:$0x4080] =	vst v63  }
0x2e: {  	_ = 	snop  }
0x2f: {  	[tilespmem:s16], [sflag:$0x1] =	stream.indirect_vreg.gather [hbm4b:s5+s3], $0x80, v3, vm0, $0xb8;
	[tilespmem:$0x4080] =	vst v63  }
0x30: {  	_ =	swait.ge [sflag:s17], $0x4000  }
0x31: {  	p0 =	sne.s32 s7, $0x1;
	[sflag:s17] =	ssyncset.done $0x0  }
.Ltmp0:
0x32: {  	[sflag:s17] =	ssyncadd.s32 $0xFFFFC000;
	(pc) =	sbr.rel @p0 .LBB2_1-.Ltmp0, $4  }
0x33: {  	[hbm4b:s6+s3] =	stream.linear.scatter [tilespmem:s9], [sflag:$0x2], $0x4000, $0x38;
	[tilespmem:$0x4080] =	vst v63  }
0x34: {  	_ =	swait.ge [sflag:s8], $0x4000  }
0x35: {  	[sflag:s8] =	ssyncset.done $0x0  }
0x36: {  	s7 =	sadd.s32 $0xFFFFFFFF, s7;
	[sflag:s8] =	ssyncadd.s32 $0xFFFFC000  }
0x37: {  	_ =	sfence.sel $0x180000  }
0x38: {  	[bflag:$0x0] =	sbarrier.arrive $0xFFFF  }
0x39: {  	p0 =	sne.s32 s2, $0x0;
	_ =	strace $0x90000050  }
0x3a: {  	s0 =	sadd.s32 @!p0 $0x100000, s0;
	[bflag:$0x2] =	sbarrier.arrive $0xFFFF  }
0x3b: {  	[sflag:s0] =	ssyncadd.tile.s32 @!p0 $0x1;
	_ =	shalt  }
.Lfunc_end2:
_tile_overlayer_lowered:
.L_overlay_start_2:
0x3c: {  	(tag) =	ssettag $0x2  }
0x3d: {  	s0 =	rddreg [dreg:$0x0];
	s2 =	stileid.u32  }
0x3e: {  	s1 =	rddreg [dreg:$0x1];
	p0 =	sne.s32 s2, $0x0  }
0x3f: {  	s3 =	rddreg [dreg:$0x2];
	[bflag:$0x3] =	sbarrier.arrive $0xFFFF;
	s2 =	simm.s32 @!p0 $0x1C02  }
0x40: {  	[timem:s3], [sflag:s2] =	dma.local @!p0 [hbm:s0], s1  }
0x41: {  	s0 =	simm.s32 @!p0 $0x2  }
0x42: {  	_ =	swait.ge @!p0 [sflag:s0], s1  }
0x43: {  	s1 =	ssub.s32 @!p0 $0x0, s1;
	[sflag:s0] =	ssyncset.done @!p0 $0x0  }
0x44: {  	[sflag:s0] =	ssyncadd.s32 @!p0 s1  }
0x45: {  	[bflag:$0x3] =	sbarrier.arrive $0xFFFF  }
0x46: {  	_ =	shalt  }

// kernel: kernel.32.cloned.1.call-start
scs
__scs_entry_jumppad:
0x0: {  	(pc) =	sbr.rel $0x88, $3  }
0x1: {  	(tag) =	ssettag $0x0;
	lr =	simm.s32 $0x1  }
0x2: {  	[smem:$0x3F94] =	sst lr;
	_ =	strace $0xD0000000  }
0x3: {  	_ = 	snop  }
0x4: {  	_ = 	snop  }
0x5: {  	_ = 	snop  }
0x6: {  	_ = 	snop  }
0x7: {  	_ = 	snop  }
__scs_overlays_trampoline_lowered:
0x8: {  	[smem:$0x3FA3] =	sst s0  }
0x9: {  	[smem:$0x3FA4] =	sst s1  }
0xa: {  	[smem:$0x3FA5] =	sst s2  }
0xb: {  	[smem:$0x3FA6] =	sst s3  }
0xc: {  	[smem:$0x3FA7] =	sst s4  }
0xd: {  	[smem:$0x3FA8] =	sst s5  }
0xe: {  	[smem:$0x3FA9] =	sst s6  }
0xf: {  	[smem:$0x3FAA] =	sst s7  }
0x10: {  	[smem:$0x3FAB] =	sst s8  }
0x11: {  	[smem:$0x3FAC] =	sst s9;
	s0 =	simm.s32 @!p0 $0x0  }
0x12: {  	s1 =	sld [smem:$0x3F92];
	s0 =	simm.s32 @p0 $0x1  }
0x13: {  	[smem:$0x3FAD] =	sst s0;
	s0 =	simm.s32 @!p1 $0x0  }
0x14: {  	s2 =	sld [smem:$0x3F91];
	s0 =	simm.s32 @p1 $0x1  }
0x15: {  	[smem:$0x3FAE] =	sst s0;
	s0 =	simm.s32 @!p2 $0x0  }
0x16: {  	s3 =	sld [smem:$0x3FDB];
	s0 =	simm.s32 @p2 $0x1  }
0x17: {  	s4 =	simm.s32 $0x1BF5;
	[smem:$0x3FB0] =	sst s0  }
0x18: {  	s0 =	sld [smem:$0x3F93];
	_ =	swait.ge [sflag:s4], $0x0  }
0x19: {  	s7 =	sld [smem:$0x3F94]  }
0x1a: {  	s8 =	sadd.s32 $0xFFFFE003, lr  }
0x1b: {  	s9 =	sadd.s32 $0xFFFFFEF7, lr;
	s5 =	simm.s32 $0xFFFFFFFF;
	p2 =	slt.u32 s8, $0xFFFFF086  }
0x1c: {  	p1 =	slt.u32 s9, $0xF7A;
	s5 =	simm.s32 @!p2 $0x0  }
0x1d: {  	s5 =	simm.s32 @p1 $0x1;
	p0 =	seq.s32 s7, s2  }
0x1e: {  	s7 =	smul.u32 @!p0 $0xF7A, s2;
	p2 =	seq.s32 @!p0 s5, $0x0  }
0x1f: {  	s9 =	smul.u32 $0xF7A, s1;
	s8 =	simm.s32 @!p0 $0x1BF5;
	p2 =	por !p2, p0  }
0x20: {  	[sflag:s8] =	ssyncset.s32 @!p0 $0xFFFFF086;
	s6 =	sadd.s32 @!p0 s3, s7;
	s7 =	simm.s32 @!p0 $0x108  }
0x21: {  	s3 =	sadd.s32 s3, s9;
	s6 =	sadd.s32 @!p0 $0x88, s6;
	s7 =	simm.s32 @p2 $0x1082  }
0x22: {  	[simem:s7], [sflag:s8] =	dma.local @!p0 [hbm:s6], $0xF7A  }
0x23: {  	s9 =	sor.u32 $0xD0000000, s2;
	s6 =	simm.s32 $0x108;
	_ =	swait.ge @!p0 [sflag:s8], $0x0  }
0x24: {  	s3 =	sadd.s32 $0x88, s3;
	s6 =	simm.s32 @!p1 $0x1082;
	[sflag:s4] =	ssyncset.s32 $0xFFFFF086  }
0x25: {  	[simem:s6], [sflag:s4] =	dma.local [hbm:s3], $0xF7A  }
0x26: {  	[smem:$0x3F94] =	sst s1;
	(tag) =	ssettag s2;
	_ =	strace s9  }
0x27: {  	s1 =	sld [smem:$0x3FA4]  }
0x28: {  	s2 =	sld [smem:$0x3FA5]  }
0x29: {  	s4 =	sld [smem:$0x3FA7]  }
0x2a: {  	p0 =	seq.s32 s5, $0x0;
	s5 =	sld [smem:$0x3FA8]  }
0x2b: {  	s6 =	sld [smem:$0x3FA9]  }
0x2c: {  	s7 =	sld [smem:$0x3FAA]  }
0x2d: {  	s3 =	simm.s32 $0x108;
	s8 =	sld [smem:$0x3FAB]  }
0x2e: {  	s3 =	simm.s32 @!p0 $0x1082;
	s9 =	sld [smem:$0x3FAC]  }
0x2f: {  	lr =	sadd.s32 s0, s3;
	s0 =	sld [smem:$0x3FA3]  }
0x30: {  	s3 =	sld [smem:$0x3FA6]  }
0x31: {  	[smem:$0x3FAF] =	sst s10  }
0x32: {  	s10 =	sld [smem:$0x3FAD];
	_ =	sdelay $0x3  }
0x33: {  	p0 =	seq.s32 s10, $0x1;
	s10 =	sld [smem:$0x3FAF];
	_ =	sdelay $0x3  }
0x34: {  	[smem:$0x3FAF] =	sst s10  }
0x35: {  	s10 =	sld [smem:$0x3FAE];
	_ =	sdelay $0x3  }
0x36: {  	p1 =	seq.s32 s10, $0x1;
	s10 =	sld [smem:$0x3FAF];
	_ =	sdelay $0x3  }
0x37: {  	[smem:$0x3FAF] =	sst s10  }
0x38: {  	s10 =	sld [smem:$0x3FB0]  }
0x39: {  	_ = 	snop;
	(pc) =	sbr.ind lr, $3  }
0x3a: {  	_ = 	snop  }
0x3b: {  	_ = 	snop  }
0x3c: {  	p2 =	seq.s32 s10, $0x1;
	s10 =	sld [smem:$0x3FAF]  }
0x3d: {  	_ =	shalt  }
0x3e: {  	_ =	shalt  }
0x3f: {  	_ =	shalt  }
0x40: {  	_ =	shalt  }
0x41: {  	_ =	shalt  }
0x42: {  	_ =	shalt  }
0x43: {  	_ =	shalt  }
0x44: {  	_ =	shalt  }
0x45: {  	_ =	shalt  }
0x46: {  	_ =	shalt  }
0x47: {  	_ =	shalt  }
0x48: {  	_ =	shalt  }
0x49: {  	_ =	shalt  }
0x4a: {  	_ =	shalt  }
0x4b: {  	_ =	shalt  }
0x4c: {  	_ =	shalt  }
0x4d: {  	_ =	shalt  }
0x4e: {  	_ =	shalt  }
0x4f: {  	_ =	shalt  }
0x50: {  	_ =	shalt  }
0x51: {  	_ =	shalt  }
0x52: {  	_ =	shalt  }
0x53: {  	_ =	shalt  }
0x54: {  	_ =	shalt  }
0x55: {  	_ =	shalt  }
0x56: {  	_ =	shalt  }
0x57: {  	_ =	shalt  }
0x58: {  	_ =	shalt  }
0x59: {  	_ =	shalt  }
0x5a: {  	_ =	shalt  }
0x5b: {  	_ =	shalt  }
0x5c: {  	_ =	shalt  }
0x5d: {  	_ =	shalt  }
0x5e: {  	_ =	shalt  }
0x5f: {  	_ =	shalt  }
0x60: {  	_ =	shalt  }
0x61: {  	_ =	shalt  }
0x62: {  	_ =	shalt  }
0x63: {  	_ =	shalt  }
0x64: {  	_ =	shalt  }
0x65: {  	_ =	shalt  }
0x66: {  	_ =	shalt  }
0x67: {  	_ =	shalt  }
0x68: {  	_ =	shalt  }
0x69: {  	_ =	shalt  }
0x6a: {  	_ =	shalt  }
0x6b: {  	_ =	shalt  }
0x6c: {  	_ =	shalt  }
0x6d: {  	_ =	shalt  }
0x6e: {  	_ =	shalt  }
0x6f: {  	_ =	shalt  }
0x70: {  	_ =	shalt  }
0x71: {  	_ =	shalt  }
0x72: {  	_ =	shalt  }
0x73: {  	_ =	shalt  }
0x74: {  	_ =	shalt  }
0x75: {  	_ =	shalt  }
0x76: {  	_ =	shalt  }
0x77: {  	_ =	shalt  }
0x78: {  	_ =	shalt  }
0x79: {  	_ =	shalt  }
0x7a: {  	_ =	shalt  }
0x7b: {  	_ =	shalt  }
0x7c: {  	_ =	shalt  }
0x7d: {  	_ =	shalt  }
0x7e: {  	_ =	shalt  }
0x7f: {  	_ =	shalt  }
0x80: {  	_ =	shalt  }
0x81: {  	_ =	shalt  }
0x82: {  	_ =	shalt  }
0x83: {  	_ =	shalt  }
0x84: {  	_ =	shalt  }
0x85: {  	_ =	shalt  }
0x86: {  	_ =	shalt  }
0x87: {  	_ =	shalt  }
.Lfunc_end0:
.L_simem_size_0:
called_computation.4_lowered:
.L_overlay_start_0:
0x88: {  	s2 =	sld [smem:$0x3FD9]  }
0x89: {  	s3 =	sld [smem:$0x3FFE];
	_ =	sdelay $0x1  }
0x8a: {  	s1 =	srdreg.scid  }
0x8b: {  	s0 =	sand.u32 $0x1, s1  }
0x8c: {  	s16 =	sshll.u32 s0, $0xA;
	s2 =	sadd.s32 s3, s2  }
0x8d: {  	s2 =	sadd.s32 s2, s16  }
0x8e: {  	[smem:$0x3FBB] =	sst s2  }
0x8f: {  	_ = 	snop  }
0x90: {  	(tm) =	ssettm $0x1  }
0x91: {  	s17 =	sld [smem:$0x3FFB];
	_ =	sdelay $0x3  }
0x92: {  	_ =	strace s17  }
0x93: {  	s2 =	sld [smem:$0x3FFC];
	_ =	sdelay $0x3  }
0x94: {  	_ =	strace s2  }
0x95: {  	s2 =	sld [smem:$0x3FFD];
	_ =	sdelay $0x3  }
0x96: {  	_ =	strace s2  }
0x97: {  	_ =	strace $0x8FFFFFFF  }
0x98: {  	s18 =	sld [smem:$0x3FDB];
	_ =	sdelay $0x1  }
0x99: {  	s19 =	simm.s32 $_scs_section_size  }
0x9a: {  	s4 =	simm.s32 $_size__tile_overlayer_lowered;
	s5 =	simm.s32 $_tile_overlayer_lowered  }
0x9b: {  	s22 =	simm.s32 $0x1BFF;
	s21 =	sshll.u32 s5, $0x1;
	s2 =	sadd.s32 s19, s18  }
0x9c: {  	s6 =	simm.s32 $0x0;
	s20 =	sshll.u32 s4, $0x1;
	s4 =	sadd.s32 s21, s2  }
0x9d: {  	[timem:s6], [sflag:s22] =	dma.local [hbm:s4], s20  }
0x9e: {  	_ =	swait.ge [sflag:s22], s20  }
0x9f: {  	s3 =	ssub.s32 $0x0, s20;
	[sflag:s22] =	ssyncset.done $0x0  }
0xa0: {  	[sflag:s22] =	ssyncadd.s32 s3;
	_ =	sdelay $0x1  }
0xa1: {  	s23 =	simm.s32 $0x1B8B  }
0xa2: {  	_ =	swait.ge [sflag:s23], $0x1  }
0xa3: {  	[sflag:s23] =	ssyncset.done $0x0  }
0xa4: {  	s25 =	simm.s32 $0x1B8E;
	s24 =	sld [smem:$0x3FFE];
	[sflag:s23] =	ssyncadd.s32 $0xFFFFFFFF  }
0xa5: {  	s26 =	simm.s32 $execute0_lowered;
	[smem:$0x3FD2] =	sst s25  }
0xa6: {  	s4 =	sshll.u32 s26, $0x1;
	_ =	strace $0x80000052;
	[dreg:$0x1] =	wrdreg $0xFFFFFFFF  }
0xa7: {  	s28 =	simm.s32 $_size_execute0_lowered;
	s2 =	sadd.s32 s2, s4;
	[dreg:$0x0] =	wrdreg $0x0  }
0xa8: {  	s4 =	sshll.u32 s28, $0x1;
	[dreg:$0x2] =	wrdreg s2  }
0xa9: {  	[dreg:$0x3] =	wrdreg s4  }
0xaa: {  	[dreg:$0x4] =	wrdreg $0xC0  }
0xab: {  	_ =	task [dreg:s6], $0x5FFFF  }
0xac: {  	[dreg:$0x1] =	wrdreg $0xFFFFFFFF  }
0xad: {  	[dreg:$0x0] =	wrdreg $0x60  }
0xae: {  	[dreg:$0x2] =	wrdreg s24  }
0xaf: {  	[dreg:$0x3] =	wrdreg $0x9  }
0xb0: {  	_ =	task.clear_ibuf [dreg:s6], $0x4FFFF;
	_ =	strace $0x90000052  }
0xb1: {  	s29 =	simm.s32 $0x9;
	_ =	strace $0x80000054  }
0xb2: {  	_ =	swait.ge [sflag:s29], $0x1  }
0xb3: {  	[sflag:s29] =	ssyncadd.s32 $0xFFFFFFFF  }
0xb4: {  	_ =	strace $0x90000054  }
0xb5: {  	_ =	sfence  }
0xb6: {  	s30 =	sld [smem:$0x0];
	_ =	sdelay $0x2  }
0xb7: {  	s31 =	sshll.u32 s1, $0xD;
	s1 =	sshrl.u32 s1, $0x2  }
0xb8: {  	s3 =	sand.u32 $0x4000, s31;
	s1 =	sadd.s32 s1, s30  }
0xb9: {  	s0 =	sor.u32 s3, s0;
	s1 =	sshll.u32 s1, $0x11  }
0xba: {  	s0 =	sor.u32 s1, s0  }
0xbb: {  	s0 =	sadd.s32 $0x8F2B, s0  }
0xbc: {  	[sflag:s0] =	ssyncadd.remote.s32 $0x1  }
0xbd: {  	_ =	sfence.sel $0xFFFF  }
0xbe: {  	[dreg:$0x0] =	wrdreg $0xFFFFFFFF;
	(pc) =	sbr.abs _section_cstart, $3  }
0xbf: {  	[dreg:$0x1] =	wrdreg $0xFFFFFFFF  }
0xc0: {  	_ =	task.clear_ibuf [dreg:s6], $0x2FFFF;
	_ =	strace $0x9FFFFFFF  }
0xc1: {  	(tm) =	ssettm $0x7FFFFFFF  }
tec
execute0_lowered:
.L_overlay_start_1:
0x0: {  	(tag) =	ssettag $0x1  }
0x1: {  	s8 =	rddreg [dreg:$0x0];
	s2 =	srdreg.scid  }
0x2: {  	s0 =	rddreg [dreg:$0x1];
	s1 =	stileid.u32  }
0x3: {  	s10 =	simm.s32 $0x2;
	s11 =	simm.s32 $0x80;
	s12 =	simm.s32 $0x880  }
0x4: {  	s13 =	simm.s32 $0x1080;
	s14 =	simm.s32 $0x1880;
	s15 =	simm.s32 $0x2080  }
0x5: {  	s16 =	simm.s32 $0x2880;
	s17 =	simm.s32 $0x3080;
	s18 =	simm.s32 $0x3880  }
0x6: {  	s19 =	simm.s32 $0x4080;
	s20 =	simm.s32 $0x4880;
	s21 =	simm.s32 $0x5080  }
0x7: {  	s22 =	simm.s32 $0x5880;
	s23 =	simm.s32 $0x6080;
	s24 =	simm.s32 $0x6880  }
0x8: {  	s25 =	simm.s32 $0x7080;
	s26 =	simm.s32 $0x7880;
	s28 =	simm.s32 $0x1  }
0x9: {  	s3 =	sand.u32 $0x1, s2;
	s2 =	simm.s32 $0x0;
	s4 =	sshll.u32 s1, $0x6  }
0xa: {  	s5 =	sshll.u32 s3, $0x5;
	[smem:$0x7FF] =	sst s2;
	s6 =	ssub.s32 $0x2, s3  }
0xb: {  	s3 =	sadd.s32 $0x27600, s8;
	s4 =	sor.u32 s5, s4;
	_ =	strace $0x80000053  }
0xc: {  	s31 =	sshrl.u32 s6, $0x1;
	s5 =	sshll.u32 s4, $0x7;
	s30 =	sshrl.u32 s4, $0x3  }
0xd: {  	v2 =	vlaneseq.u32;
	s9 =	ssub.s32 s6, s31;
	s6 =	sadd.s32 $0x27700, s8;
	s7 =	sadd.s32 s30, s8  }
0xe: {  	vm0 =	vmmov $0xffff;
	v1 =	vshrl.u32 v2, $0x3;
	s5 =	sadd.s32 s5, s8;
	s9 =	smax.u32 s9, $0x1;
	s4 =	sadd.s32 $0x3400, s7  }
0xf: {  	v0 =	vand.u32 $0x7, v2;
	v2 =	vor.u32 $0x8, v2;
	v1 =	vmul.u32 $0x8, v1;
	s5 =	sadd.s32 $0x7600, s5;
	s7 =	sadd.s32 $0x27800, s8;
	s8 =	sadd.s32 $0x27900, s8  }
.LBB2_1:
0x10: {  	[tilespmem:s2], [sflag:$0x2] =	stream.linear.gather [hbm4b:s4+s2], $0x20, $0x38;
	[tilespmem:$0x8080] =	vst v63  }
0x11: {  	_ =	swait.ge [sflag:s10], $0x20  }
0x12: {  	[sflag:s10] =	ssyncset.done $0x0  }
0x13: {  	[sflag:s10] =	ssyncadd.s32 $0xFFFFFFE0  }
0x14: {  	[tilespmem:s11], [sflag:$0x2] =	stream.linear.gather [hbm4b:s5+s2], $0x8000, $0x38;
	[tilespmem:$0x8080] =	vst v63  }
0x15: {  	_ =	swait.ge [sflag:s10], $0x8000  }
0x16: {  	[sflag:s10] =	ssyncset.done $0x0  }
0x17: {  	[sflag:s10] =	ssyncadd.s32 $0xFFFF8000  }
0x18: {  	v3 =	vld [tilespmem:$0x0];
	_ =	sdelay $0x4  }
0x19: {  	v4 =	vshll.u32 v3, $0x3  }
0x1a: {  	v3 =	vand.u32 $0x7, v3;
	v4 =	vand.u32 $0xFFFFFFC0, v4  }
0x1b: {  	v3 =	vor.u32 v3, v4  }
0x1c: {  	v4 =	vperm.xlane v3, v0;
	_ =	sdelay $0x1  }
0x1d: {  	v4 =	vadd.s32 v1, v4;
	_ =	sdelay $0x4  }
0x1e: {  	[hbm4b:s3+s2] =	stream.indirect_vreg.scatter [tilespmem:s11], [sflag:$0x1], $0x80, v4, vm0, $0xb8;
	[tilespmem:$0x8080] =	vst v63  }
0x1f: {  	v3 =	vperm.xlane v3, v2  }
0x20: {  	[hbm4b:s6+s2] =	stream.indirect_vreg.scatter [tilespmem:s12], [sflag:$0x1], $0x80, v4, vm0, $0xb8;
	[tilespmem:$0x8080] =	vst v63  }
0x21: {  	v3 =	vadd.s32 v1, v3  }
0x22: {  	[hbm4b:s7+s2] =	stream.indirect_vreg.scatter [tilespmem:s13], [sflag:$0x1], $0x80, v4, vm0, $0xb8;
	[tilespmem:$0x8080] =	vst v63  }
0x23: {  	_ = 	snop  }
0x24: {  	[hbm4b:s8+s2] =	stream.indirect_vreg.scatter [tilespmem:s14], [sflag:$0x1], $0x80, v4, vm0, $0xb8;
	[tilespmem:$0x8080] =	vst v63  }
0x25: {  	_ = 	snop  }
0x26: {  	[hbm4b:s3+s2] =	stream.indirect_vreg.scatter [tilespmem:s15], [sflag:$0x1], $0x80, v3, vm0, $0xb8;
	[tilespmem:$0x8080] =	vst v63  }
0x27: {  	_ = 	snop  }
0x28: {  	[hbm4b:s6+s2] =	stream.indirect_vreg.scatter [tilespmem:s16], [sflag:$0x1], $0x80, v3, vm0, $0xb8;
	[tilespmem:$0x8080] =	vst v63  }
0x29: {  	_ = 	snop  }
0x2a: {  	[hbm4b:s7+s2] =	stream.indirect_vreg.scatter [tilespmem:s17], [sflag:$0x1], $0x80, v3, vm0, $0xb8;
	[tilespmem:$0x8080] =	vst v63  }
0x2b: {  	_ = 	snop  }
0x2c: {  	[hbm4b:s8+s2] =	stream.indirect_vreg.scatter [tilespmem:s18], [sflag:$0x1], $0x80, v3, vm0, $0xb8;
	[tilespmem:$0x8080] =	vst v63  }
0x2d: {  	v3 =	vld [tilespmem:$0x10];
	_ =	sdelay $0x4  }
0x2e: {  	v63 =	vshll.u32 v3, $0x3  }
0x2f: {  	v3 =	vand.u32 $0x7, v3;
	v4 =	vand.u32 $0xFFFFFFC0, v63  }
0x30: {  	v3 =	vor.u32 v3, v4  }
0x31: {  	v4 =	vperm.xlane v3, v0;
	_ =	sdelay $0x1  }
0x32: {  	v4 =	vadd.s32 v1, v4;
	_ =	sdelay $0x4  }
0x33: {  	[hbm4b:s3+s2] =	stream.indirect_vreg.scatter [tilespmem:s19], [sflag:$0x1], $0x80, v4, vm0, $0xb8;
	[tilespmem:$0x8080] =	vst v63  }
0x34: {  	v3 =	vperm.xlane v3, v2  }
0x35: {  	[hbm4b:s6+s2] =	stream.indirect_vreg.scatter [tilespmem:s20], [sflag:$0x1], $0x80, v4, vm0, $0xb8;
	[tilespmem:$0x8080] =	vst v63  }
0x36: {  	v3 =	vadd.s32 v1, v3  }
0x37: {  	[hbm4b:s7+s2] =	stream.indirect_vreg.scatter [tilespmem:s21], [sflag:$0x1], $0x80, v4, vm0, $0xb8;
	[tilespmem:$0x8080] =	vst v63  }
0x38: {  	_ = 	snop  }
0x39: {  	[hbm4b:s8+s2] =	stream.indirect_vreg.scatter [tilespmem:s22], [sflag:$0x1], $0x80, v4, vm0, $0xb8;
	[tilespmem:$0x8080] =	vst v63  }
0x3a: {  	_ = 	snop  }
0x3b: {  	[hbm4b:s3+s2] =	stream.indirect_vreg.scatter [tilespmem:s23], [sflag:$0x1], $0x80, v3, vm0, $0xb8;
	[tilespmem:$0x8080] =	vst v63  }
0x3c: {  	_ = 	snop  }
0x3d: {  	[hbm4b:s6+s2] =	stream.indirect_vreg.scatter [tilespmem:s24], [sflag:$0x1], $0x80, v3, vm0, $0xb8;
	[tilespmem:$0x8080] =	vst v63  }
0x3e: {  	p0 =	sne.s32 s9, $0x1  }
0x3f: {  	[hbm4b:s7+s2] =	stream.indirect_vreg.scatter [tilespmem:s25], [sflag:$0x1], $0x80, v3, vm0, $0xb8;
	[tilespmem:$0x8080] =	vst v63  }
.Ltmp0:
0x40: {  	_ = 	snop;
	(pc) =	sbr.rel @p0 .LBB2_1-.Ltmp0, $4  }
0x41: {  	[hbm4b:s8+s2] =	stream.indirect_vreg.scatter [tilespmem:s26], [sflag:$0x1], $0x80, v3, vm0, $0xb8;
	[tilespmem:$0x8080] =	vst v63  }
0x42: {  	_ =	swait.ge [sflag:s28], $0x8000  }
0x43: {  	[sflag:s28] =	ssyncset.done $0x0  }
0x44: {  	s9 =	sadd.s32 $0xFFFFFFFF, s9;
	[sflag:s28] =	ssyncadd.s32 $0xFFFF8000  }
0x45: {  	_ =	sfence.sel $0x180000  }
0x46: {  	[bflag:$0x0] =	sbarrier.arrive $0xFFFF  }
0x47: {  	p0 =	sne.s32 s1, $0x0;
	_ =	strace $0x90000053  }
0x48: {  	s0 =	sadd.s32 @!p0 $0x100000, s0;
	[bflag:$0x2] =	sbarrier.arrive $0xFFFF  }
0x49: {  	[sflag:s0] =	ssyncadd.tile.s32 @!p0 $0x1;
	_ =	shalt  }
.Lfunc_end2:
_tile_overlayer_lowered:
.L_overlay_start_2:
0x4a: {  	(tag) =	ssettag $0x2  }
0x4b: {  	s0 =	rddreg [dreg:$0x0];
	s2 =	stileid.u32  }
0x4c: {  	s1 =	rddreg [dreg:$0x1];
	p0 =	sne.s32 s2, $0x0  }
0x4d: {  	s3 =	rddreg [dreg:$0x2];
	[bflag:$0x3] =	sbarrier.arrive $0xFFFF;
	s2 =	simm.s32 @!p0 $0x1C02  }
0x4e: {  	[timem:s3], [sflag:s2] =	dma.local @!p0 [hbm:s0], s1  }
0x4f: {  	s0 =	simm.s32 @!p0 $0x2  }
0x50: {  	_ =	swait.ge @!p0 [sflag:s0], s1  }
0x51: {  	s1 =	ssub.s32 @!p0 $0x0, s1;
	[sflag:s0] =	ssyncset.done @!p0 $0x0  }
0x52: {  	[sflag:s0] =	ssyncadd.s32 @!p0 s1  }
0x53: {  	[bflag:$0x3] =	sbarrier.arrive $0xFFFF  }
0x54: {  	_ =	shalt  }

// kernel: kernel.35.cloned.1.call-start
scs
__scs_entry_jumppad:
0x0: {  	(pc) =	sbr.rel $0x88, $3  }
0x1: {  	(tag) =	ssettag $0x0;
	lr =	simm.s32 $0x1  }
0x2: {  	[smem:$0x3F94] =	sst lr;
	_ =	strace $0xD0000000  }
0x3: {  	_ = 	snop  }
0x4: {  	_ = 	snop  }
0x5: {  	_ = 	snop  }
0x6: {  	_ = 	snop  }
0x7: {  	_ = 	snop  }
__scs_overlays_trampoline_lowered:
0x8: {  	[smem:$0x3FA3] =	sst s0  }
0x9: {  	[smem:$0x3FA4] =	sst s1  }
0xa: {  	[smem:$0x3FA5] =	sst s2  }
0xb: {  	[smem:$0x3FA6] =	sst s3  }
0xc: {  	[smem:$0x3FA7] =	sst s4  }
0xd: {  	[smem:$0x3FA8] =	sst s5  }
0xe: {  	[smem:$0x3FA9] =	sst s6  }
0xf: {  	[smem:$0x3FAA] =	sst s7  }
0x10: {  	[smem:$0x3FAB] =	sst s8  }
0x11: {  	[smem:$0x3FAC] =	sst s9;
	s0 =	simm.s32 @!p0 $0x0  }
0x12: {  	s1 =	sld [smem:$0x3F92];
	s0 =	simm.s32 @p0 $0x1  }
0x13: {  	[smem:$0x3FAD] =	sst s0;
	s0 =	simm.s32 @!p1 $0x0  }
0x14: {  	s2 =	sld [smem:$0x3F91];
	s0 =	simm.s32 @p1 $0x1  }
0x15: {  	[smem:$0x3FAE] =	sst s0;
	s0 =	simm.s32 @!p2 $0x0  }
0x16: {  	s3 =	sld [smem:$0x3FDB];
	s0 =	simm.s32 @p2 $0x1  }
0x17: {  	s4 =	simm.s32 $0x1BF5;
	[smem:$0x3FB0] =	sst s0  }
0x18: {  	s0 =	sld [smem:$0x3F93];
	_ =	swait.ge [sflag:s4], $0x0  }
0x19: {  	s7 =	sld [smem:$0x3F94]  }
0x1a: {  	s8 =	sadd.s32 $0xFFFFE003, lr  }
0x1b: {  	s9 =	sadd.s32 $0xFFFFFEF7, lr;
	s5 =	simm.s32 $0xFFFFFFFF;
	p2 =	slt.u32 s8, $0xFFFFF086  }
0x1c: {  	p1 =	slt.u32 s9, $0xF7A;
	s5 =	simm.s32 @!p2 $0x0  }
0x1d: {  	s5 =	simm.s32 @p1 $0x1;
	p0 =	seq.s32 s7, s2  }
0x1e: {  	s7 =	smul.u32 @!p0 $0xF7A, s2;
	p2 =	seq.s32 @!p0 s5, $0x0  }
0x1f: {  	s9 =	smul.u32 $0xF7A, s1;
	s8 =	simm.s32 @!p0 $0x1BF5;
	p2 =	por !p2, p0  }
0x20: {  	[sflag:s8] =	ssyncset.s32 @!p0 $0xFFFFF086;
	s6 =	sadd.s32 @!p0 s3, s7;
	s7 =	simm.s32 @!p0 $0x108  }
0x21: {  	s3 =	sadd.s32 s3, s9;
	s6 =	sadd.s32 @!p0 $0x88, s6;
	s7 =	simm.s32 @p2 $0x1082  }
0x22: {  	[simem:s7], [sflag:s8] =	dma.local @!p0 [hbm:s6], $0xF7A  }
0x23: {  	s9 =	sor.u32 $0xD0000000, s2;
	s6 =	simm.s32 $0x108;
	_ =	swait.ge @!p0 [sflag:s8], $0x0  }
0x24: {  	s3 =	sadd.s32 $0x88, s3;
	s6 =	simm.s32 @!p1 $0x1082;
	[sflag:s4] =	ssyncset.s32 $0xFFFFF086  }
0x25: {  	[simem:s6], [sflag:s4] =	dma.local [hbm:s3], $0xF7A  }
0x26: {  	[smem:$0x3F94] =	sst s1;
	(tag) =	ssettag s2;
	_ =	strace s9  }
0x27: {  	s1 =	sld [smem:$0x3FA4]  }
0x28: {  	s2 =	sld [smem:$0x3FA5]  }
0x29: {  	s4 =	sld [smem:$0x3FA7]  }
0x2a: {  	p0 =	seq.s32 s5, $0x0;
	s5 =	sld [smem:$0x3FA8]  }
0x2b: {  	s6 =	sld [smem:$0x3FA9]  }
0x2c: {  	s7 =	sld [smem:$0x3FAA]  }
0x2d: {  	s3 =	simm.s32 $0x108;
	s8 =	sld [smem:$0x3FAB]  }
0x2e: {  	s3 =	simm.s32 @!p0 $0x1082;
	s9 =	sld [smem:$0x3FAC]  }
0x2f: {  	lr =	sadd.s32 s0, s3;
	s0 =	sld [smem:$0x3FA3]  }
0x30: {  	s3 =	sld [smem:$0x3FA6]  }
0x31: {  	[smem:$0x3FAF] =	sst s10  }
0x32: {  	s10 =	sld [smem:$0x3FAD];
	_ =	sdelay $0x3  }
0x33: {  	p0 =	seq.s32 s10, $0x1;
	s10 =	sld [smem:$0x3FAF];
	_ =	sdelay $0x3  }
0x34: {  	[smem:$0x3FAF] =	sst s10  }
0x35: {  	s10 =	sld [smem:$0x3FAE];
	_ =	sdelay $0x3  }
0x36: {  	p1 =	seq.s32 s10, $0x1;
	s10 =	sld [smem:$0x3FAF];
	_ =	sdelay $0x3  }
0x37: {  	[smem:$0x3FAF] =	sst s10  }
0x38: {  	s10 =	sld [smem:$0x3FB0]  }
0x39: {  	_ = 	snop;
	(pc) =	sbr.ind lr, $3  }
0x3a: {  	_ = 	snop  }
0x3b: {  	_ = 	snop  }
0x3c: {  	p2 =	seq.s32 s10, $0x1;
	s10 =	sld [smem:$0x3FAF]  }
0x3d: {  	_ =	shalt  }
0x3e: {  	_ =	shalt  }
0x3f: {  	_ =	shalt  }
0x40: {  	_ =	shalt  }
0x41: {  	_ =	shalt  }
0x42: {  	_ =	shalt  }
0x43: {  	_ =	shalt  }
0x44: {  	_ =	shalt  }
0x45: {  	_ =	shalt  }
0x46: {  	_ =	shalt  }
0x47: {  	_ =	shalt  }
0x48: {  	_ =	shalt  }
0x49: {  	_ =	shalt  }
0x4a: {  	_ =	shalt  }
0x4b: {  	_ =	shalt  }
0x4c: {  	_ =	shalt  }
0x4d: {  	_ =	shalt  }
0x4e: {  	_ =	shalt  }
0x4f: {  	_ =	shalt  }
0x50: {  	_ =	shalt  }
0x51: {  	_ =	shalt  }
0x52: {  	_ =	shalt  }
0x53: {  	_ =	shalt  }
0x54: {  	_ =	shalt  }
0x55: {  	_ =	shalt  }
0x56: {  	_ =	shalt  }
0x57: {  	_ =	shalt  }
0x58: {  	_ =	shalt  }
0x59: {  	_ =	shalt  }
0x5a: {  	_ =	shalt  }
0x5b: {  	_ =	shalt  }
0x5c: {  	_ =	shalt  }
0x5d: {  	_ =	shalt  }
0x5e: {  	_ =	shalt  }
0x5f: {  	_ =	shalt  }
0x60: {  	_ =	shalt  }
0x61: {  	_ =	shalt  }
0x62: {  	_ =	shalt  }
0x63: {  	_ =	shalt  }
0x64: {  	_ =	shalt  }
0x65: {  	_ =	shalt  }
0x66: {  	_ =	shalt  }
0x67: {  	_ =	shalt  }
0x68: {  	_ =	shalt  }
0x69: {  	_ =	shalt  }
0x6a: {  	_ =	shalt  }
0x6b: {  	_ =	shalt  }
0x6c: {  	_ =	shalt  }
0x6d: {  	_ =	shalt  }
0x6e: {  	_ =	shalt  }
0x6f: {  	_ =	shalt  }
0x70: {  	_ =	shalt  }
0x71: {  	_ =	shalt  }
0x72: {  	_ =	shalt  }
0x73: {  	_ =	shalt  }
0x74: {  	_ =	shalt  }
0x75: {  	_ =	shalt  }
0x76: {  	_ =	shalt  }
0x77: {  	_ =	shalt  }
0x78: {  	_ =	shalt  }
0x79: {  	_ =	shalt  }
0x7a: {  	_ =	shalt  }
0x7b: {  	_ =	shalt  }
0x7c: {  	_ =	shalt  }
0x7d: {  	_ =	shalt  }
0x7e: {  	_ =	shalt  }
0x7f: {  	_ =	shalt  }
0x80: {  	_ =	shalt  }
0x81: {  	_ =	shalt  }
0x82: {  	_ =	shalt  }
0x83: {  	_ =	shalt  }
0x84: {  	_ =	shalt  }
0x85: {  	_ =	shalt  }
0x86: {  	_ =	shalt  }
0x87: {  	_ =	shalt  }
.Lfunc_end0:
.L_simem_size_0:
called_computation.5_lowered:
.L_overlay_start_0:
0x88: {  	s2 =	sld [smem:$0x3FD9]  }
0x89: {  	s3 =	sld [smem:$0x3FFE];
	_ =	sdelay $0x1  }
0x8a: {  	s1 =	srdreg.scid  }
0x8b: {  	s0 =	sand.u32 $0x1, s1  }
0x8c: {  	s16 =	sshll.u32 s0, $0xA;
	s2 =	sadd.s32 s3, s2  }
0x8d: {  	s2 =	sadd.s32 s2, s16  }
0x8e: {  	[smem:$0x3FBB] =	sst s2  }
0x8f: {  	_ = 	snop  }
0x90: {  	(tm) =	ssettm $0x1  }
0x91: {  	s17 =	sld [smem:$0x3FFB];
	_ =	sdelay $0x3  }
0x92: {  	_ =	strace s17  }
0x93: {  	s2 =	sld [smem:$0x3FFC];
	_ =	sdelay $0x3  }
0x94: {  	_ =	strace s2  }
0x95: {  	s2 =	sld [smem:$0x3FFD];
	_ =	sdelay $0x3  }
0x96: {  	_ =	strace s2  }
0x97: {  	_ =	strace $0x8FFFFFFF  }
0x98: {  	s18 =	sld [smem:$0x3FDB];
	_ =	sdelay $0x1  }
0x99: {  	s19 =	simm.s32 $_scs_section_size  }
0x9a: {  	s4 =	simm.s32 $_size__tile_overlayer_lowered;
	s5 =	simm.s32 $_tile_overlayer_lowered  }
0x9b: {  	s22 =	simm.s32 $0x1BFF;
	s21 =	sshll.u32 s5, $0x1;
	s2 =	sadd.s32 s19, s18  }
0x9c: {  	s6 =	simm.s32 $0x0;
	s20 =	sshll.u32 s4, $0x1;
	s4 =	sadd.s32 s21, s2  }
0x9d: {  	[timem:s6], [sflag:s22] =	dma.local [hbm:s4], s20  }
0x9e: {  	_ =	swait.ge [sflag:s22], s20  }
0x9f: {  	s3 =	ssub.s32 $0x0, s20;
	[sflag:s22] =	ssyncset.done $0x0  }
0xa0: {  	[sflag:s22] =	ssyncadd.s32 s3;
	_ =	sdelay $0x1  }
0xa1: {  	s23 =	simm.s32 $0x1B8B  }
0xa2: {  	_ =	swait.ge [sflag:s23], $0x1  }
0xa3: {  	[sflag:s23] =	ssyncset.done $0x0  }
0xa4: {  	s25 =	simm.s32 $0x1B8E;
	s24 =	sld [smem:$0x3FFE];
	[sflag:s23] =	ssyncadd.s32 $0xFFFFFFFF  }
0xa5: {  	s26 =	simm.s32 $execute0_lowered;
	[smem:$0x3FD2] =	sst s25  }
0xa6: {  	s4 =	sshll.u32 s26, $0x1;
	_ =	strace $0x80000055;
	[dreg:$0x1] =	wrdreg $0xFFFFFFFF  }
0xa7: {  	s28 =	simm.s32 $_size_execute0_lowered;
	s2 =	sadd.s32 s2, s4;
	[dreg:$0x0] =	wrdreg $0x0  }
0xa8: {  	s4 =	sshll.u32 s28, $0x1;
	[dreg:$0x2] =	wrdreg s2  }
0xa9: {  	[dreg:$0x3] =	wrdreg s4  }
0xaa: {  	[dreg:$0x4] =	wrdreg $0xC0  }
0xab: {  	_ =	task [dreg:s6], $0x5FFFF  }
0xac: {  	[dreg:$0x1] =	wrdreg $0xFFFFFFFF  }
0xad: {  	[dreg:$0x0] =	wrdreg $0x60  }
0xae: {  	[dreg:$0x2] =	wrdreg s24  }
0xaf: {  	[dreg:$0x3] =	wrdreg $0x9  }
0xb0: {  	_ =	task.clear_ibuf [dreg:s6], $0x4FFFF;
	_ =	strace $0x90000055  }
0xb1: {  	s29 =	simm.s32 $0x9;
	_ =	strace $0x80000057  }
0xb2: {  	_ =	swait.ge [sflag:s29], $0x1  }
0xb3: {  	[sflag:s29] =	ssyncadd.s32 $0xFFFFFFFF  }
0xb4: {  	_ =	strace $0x90000057  }
0xb5: {  	_ =	sfence  }
0xb6: {  	s30 =	sld [smem:$0x0];
	_ =	sdelay $0x2  }
0xb7: {  	s31 =	sshll.u32 s1, $0xD;
	s1 =	sshrl.u32 s1, $0x2  }
0xb8: {  	s3 =	sand.u32 $0x4000, s31;
	s1 =	sadd.s32 s1, s30  }
0xb9: {  	s0 =	sor.u32 s3, s0;
	s1 =	sshll.u32 s1, $0x11  }
0xba: {  	s0 =	sor.u32 s1, s0  }
0xbb: {  	s0 =	sadd.s32 $0x8F2B, s0  }
0xbc: {  	[sflag:s0] =	ssyncadd.remote.s32 $0x1  }
0xbd: {  	_ =	sfence.sel $0xFFFF  }
0xbe: {  	[dreg:$0x0] =	wrdreg $0xFFFFFFFF;
	(pc) =	sbr.abs _section_cstart, $3  }
0xbf: {  	[dreg:$0x1] =	wrdreg $0xFFFFFFFF  }
0xc0: {  	_ =	task.clear_ibuf [dreg:s6], $0x2FFFF;
	_ =	strace $0x9FFFFFFF  }
0xc1: {  	(tm) =	ssettm $0x7FFFFFFF  }
tec
execute0_lowered:
.L_overlay_start_1:
0x0: {  	(tag) =	ssettag $0x1  }
0x1: {  	s5 =	rddreg [dreg:$0x0]  }
0x2: {  	s0 =	rddreg [dreg:$0x1];
	s3 =	srdreg.scid  }
0x3: {  	s2 =	simm.s32 $0x0;
	s1 =	stileid.u32;
	s9 =	simm.s32 $0x80  }
0x4: {  	s10 =	simm.s32 $0x880;
	s11 =	simm.s32 $0x1080;
	s12 =	simm.s32 $0x1880  }
0x5: {  	s13 =	simm.s32 $0x2080;
	s14 =	simm.s32 $0x2880;
	s15 =	simm.s32 $0x3080  }
0x6: {  	s16 =	simm.s32 $0x3880;
	s17 =	simm.s32 $0x1;
	s4 =	sand.u32 $0x1, s3  }
0x7: {  	[smem:$0x7FF] =	sst s2;
	s6 =	sshll.u32 s1, $0x6;
	s7 =	sshll.u32 s4, $0x5  }
0x8: {  	s3 =	sadd.s32 $0x3600, s5;
	s4 =	ssub.s32 $0x2, s4;
	s6 =	sor.u32 s7, s6  }
0x9: {  	_ =	strace $0x80000056;
	s8 =	sshrl.u32 s4, $0x1;
	s7 =	sshrl.u32 s6, $0x3  }
0xa: {  	v2 =	vlaneseq.u32;
	s6 =	sshll.u32 s6, $0x6;
	s8 =	ssub.s32 s4, s8;
	s7 =	sadd.s32 s7, s5  }
0xb: {  	vm0 =	vmmov $0xffff;
	v1 =	vshrl.u32 v2, $0x3;
	s6 =	sadd.s32 s6, s5;
	s5 =	sadd.s32 $0x3700, s5;
	s4 =	sadd.s32 $0x3400, s7  }
0xc: {  	v0 =	vand.u32 $0x7, v2;
	v2 =	vor.u32 $0x8, v2;
	v1 =	vmul.u32 $0x8, v1;
	s6 =	sadd.s32 $0x23600, s6;
	s7 =	smax.u32 s8, $0x1;
	s8 =	simm.s32 $0x2  }
.LBB2_1:
0xd: {  	[tilespmem:s2], [sflag:$0x2] =	stream.linear.gather [hbm4b:s4+s2], $0x20, $0x38;
	[tilespmem:$0x4080] =	vst v63  }
0xe: {  	_ =	swait.ge [sflag:s8], $0x20  }
0xf: {  	[sflag:s8] =	ssyncset.done $0x0  }
0x10: {  	[sflag:s8] =	ssyncadd.s32 $0xFFFFFFE0  }
0x11: {  	v3 =	vld [tilespmem:$0x0];
	_ =	sdelay $0x4  }
0x12: {  	v4 =	vshll.u32 v3, $0x2  }
0x13: {  	v3 =	vand.u32 $0x7, v3;
	v4 =	vand.u32 $0xFFFFFFE0, v4  }
0x14: {  	v3 =	vor.u32 v3, v4  }
0x15: {  	v4 =	vperm.xlane v3, v0;
	_ =	sdelay $0x1  }
0x16: {  	v4 =	vadd.s32 v1, v4;
	_ =	sdelay $0x1  }
0x17: {  	v3 =	vperm.xlane v3, v2;
	_ =	sdelay $0x1  }
0x18: {  	v3 =	vadd.s32 v1, v3  }
0x19: {  	[tilespmem:s9], [sflag:$0x1] =	stream.indirect_vreg.gather [hbm4b:s3+s2], $0x80, v4, vm0, $0xb8;
	[tilespmem:$0x4080] =	vst v63  }
0x1a: {  	_ = 	snop  }
0x1b: {  	[tilespmem:s10], [sflag:$0x1] =	stream.indirect_vreg.gather [hbm4b:s5+s2], $0x80, v4, vm0, $0xb8;
	[tilespmem:$0x4080] =	vst v63  }
0x1c: {  	_ = 	snop  }
0x1d: {  	[tilespmem:s11], [sflag:$0x1] =	stream.indirect_vreg.gather [hbm4b:s3+s2], $0x80, v3, vm0, $0xb8;
	[tilespmem:$0x4080] =	vst v63  }
0x1e: {  	_ = 	snop  }
0x1f: {  	[tilespmem:s12], [sflag:$0x1] =	stream.indirect_vreg.gather [hbm4b:s5+s2], $0x80, v3, vm0, $0xb8;
	[tilespmem:$0x4080] =	vst v63  }
0x20: {  	v3 =	vld [tilespmem:$0x10];
	_ =	sdelay $0x4  }
0x21: {  	v63 =	vshll.u32 v3, $0x2  }
0x22: {  	v3 =	vand.u32 $0x7, v3;
	v4 =	vand.u32 $0xFFFFFFE0, v63  }
0x23: {  	v3 =	vor.u32 v3, v4  }
0x24: {  	v4 =	vperm.xlane v3, v0;
	_ =	sdelay $0x1  }
0x25: {  	v4 =	vadd.s32 v1, v4;
	_ =	sdelay $0x1  }
0x26: {  	v3 =	vperm.xlane v3, v2;
	_ =	sdelay $0x1  }
0x27: {  	v3 =	vadd.s32 v1, v3  }
0x28: {  	[tilespmem:s13], [sflag:$0x1] =	stream.indirect_vreg.gather [hbm4b:s3+s2], $0x80, v4, vm0, $0xb8;
	[tilespmem:$0x4080] =	vst v63  }
0x29: {  	_ = 	snop  }
0x2a: {  	[tilespmem:s14], [sflag:$0x1] =	stream.indirect_vreg.gather [hbm4b:s5+s2], $0x80, v4, vm0, $0xb8;
	[tilespmem:$0x4080] =	vst v63  }
0x2b: {  	_ = 	snop  }
0x2c: {  	[tilespmem:s15], [sflag:$0x1] =	stream.indirect_vreg.gather [hbm4b:s3+s2], $0x80, v3, vm0, $0xb8;
	[tilespmem:$0x4080] =	vst v63  }
0x2d: {  	_ = 	snop  }
0x2e: {  	[tilespmem:s16], [sflag:$0x1] =	stream.indirect_vreg.gather [hbm4b:s5+s2], $0x80, v3, vm0, $0xb8;
	[tilespmem:$0x4080] =	vst v63  }
0x2f: {  	_ =	swait.ge [sflag:s17], $0x4000  }
0x30: {  	p0 =	sne.s32 s7, $0x1;
	[sflag:s17] =	ssyncset.done $0x0  }
.Ltmp0:
0x31: {  	[sflag:s17] =	ssyncadd.s32 $0xFFFFC000;
	(pc) =	sbr.rel @p0 .LBB2_1-.Ltmp0, $4  }
0x32: {  	[hbm4b:s6+s2] =	stream.linear.scatter [tilespmem:s9], [sflag:$0x2], $0x4000, $0x38;
	[tilespmem:$0x4080] =	vst v63  }
0x33: {  	_ =	swait.ge [sflag:s8], $0x4000  }
0x34: {  	[sflag:s8] =	ssyncset.done $0x0  }
0x35: {  	s7 =	sadd.s32 $0xFFFFFFFF, s7;
	[sflag:s8] =	ssyncadd.s32 $0xFFFFC000  }
0x36: {  	_ =	sfence.sel $0x180000  }
0x37: {  	[bflag:$0x0] =	sbarrier.arrive $0xFFFF  }
0x38: {  	p0 =	sne.s32 s1, $0x0;
	_ =	strace $0x90000056  }
0x39: {  	s0 =	sadd.s32 @!p0 $0x100000, s0;
	[bflag:$0x2] =	sbarrier.arrive $0xFFFF  }
0x3a: {  	[sflag:s0] =	ssyncadd.tile.s32 @!p0 $0x1;
	_ =	shalt  }
.Lfunc_end2:
_tile_overlayer_lowered:
.L_overlay_start_2:
0x3b: {  	(tag) =	ssettag $0x2  }
0x3c: {  	s0 =	rddreg [dreg:$0x0];
	s2 =	stileid.u32  }
0x3d: {  	s1 =	rddreg [dreg:$0x1];
	p0 =	sne.s32 s2, $0x0  }
0x3e: {  	s3 =	rddreg [dreg:$0x2];
	[bflag:$0x3] =	sbarrier.arrive $0xFFFF;
	s2 =	simm.s32 @!p0 $0x1C02  }
0x3f: {  	[timem:s3], [sflag:s2] =	dma.local @!p0 [hbm:s0], s1  }
0x40: {  	s0 =	simm.s32 @!p0 $0x2  }
0x41: {  	_ =	swait.ge @!p0 [sflag:s0], s1  }
0x42: {  	s1 =	ssub.s32 @!p0 $0x0, s1;
	[sflag:s0] =	ssyncset.done @!p0 $0x0  }
0x43: {  	[sflag:s0] =	ssyncadd.s32 @!p0 s1  }
0x44: {  	[bflag:$0x3] =	sbarrier.arrive $0xFFFF  }
0x45: {  	_ =	shalt  }

// kernel: kernel.38.cloned.1.call-start
scs
__scs_entry_jumppad:
0x0: {  	(pc) =	sbr.rel $0x88, $3  }
0x1: {  	(tag) =	ssettag $0x0;
	lr =	simm.s32 $0x1  }
0x2: {  	[smem:$0x3F94] =	sst lr;
	_ =	strace $0xD0000000  }
0x3: {  	_ = 	snop  }
0x4: {  	_ = 	snop  }
0x5: {  	_ = 	snop  }
0x6: {  	_ = 	snop  }
0x7: {  	_ = 	snop  }
__scs_overlays_trampoline_lowered:
0x8: {  	[smem:$0x3FA3] =	sst s0  }
0x9: {  	[smem:$0x3FA4] =	sst s1  }
0xa: {  	[smem:$0x3FA5] =	sst s2  }
0xb: {  	[smem:$0x3FA6] =	sst s3  }
0xc: {  	[smem:$0x3FA7] =	sst s4  }
0xd: {  	[smem:$0x3FA8] =	sst s5  }
0xe: {  	[smem:$0x3FA9] =	sst s6  }
0xf: {  	[smem:$0x3FAA] =	sst s7  }
0x10: {  	[smem:$0x3FAB] =	sst s8  }
0x11: {  	[smem:$0x3FAC] =	sst s9;
	s0 =	simm.s32 @!p0 $0x0  }
0x12: {  	s1 =	sld [smem:$0x3F92];
	s0 =	simm.s32 @p0 $0x1  }
0x13: {  	[smem:$0x3FAD] =	sst s0;
	s0 =	simm.s32 @!p1 $0x0  }
0x14: {  	s2 =	sld [smem:$0x3F91];
	s0 =	simm.s32 @p1 $0x1  }
0x15: {  	[smem:$0x3FAE] =	sst s0;
	s0 =	simm.s32 @!p2 $0x0  }
0x16: {  	s3 =	sld [smem:$0x3FDB];
	s0 =	simm.s32 @p2 $0x1  }
0x17: {  	s4 =	simm.s32 $0x1BF5;
	[smem:$0x3FB0] =	sst s0  }
0x18: {  	s0 =	sld [smem:$0x3F93];
	_ =	swait.ge [sflag:s4], $0x0  }
0x19: {  	s7 =	sld [smem:$0x3F94]  }
0x1a: {  	s8 =	sadd.s32 $0xFFFFE003, lr  }
0x1b: {  	s9 =	sadd.s32 $0xFFFFFEF7, lr;
	s5 =	simm.s32 $0xFFFFFFFF;
	p2 =	slt.u32 s8, $0xFFFFF086  }
0x1c: {  	p1 =	slt.u32 s9, $0xF7A;
	s5 =	simm.s32 @!p2 $0x0  }
0x1d: {  	s5 =	simm.s32 @p1 $0x1;
	p0 =	seq.s32 s7, s2  }
0x1e: {  	s7 =	smul.u32 @!p0 $0xF7A, s2;
	p2 =	seq.s32 @!p0 s5, $0x0  }
0x1f: {  	s9 =	smul.u32 $0xF7A, s1;
	s8 =	simm.s32 @!p0 $0x1BF5;
	p2 =	por !p2, p0  }
0x20: {  	[sflag:s8] =	ssyncset.s32 @!p0 $0xFFFFF086;
	s6 =	sadd.s32 @!p0 s3, s7;
	s7 =	simm.s32 @!p0 $0x108  }
0x21: {  	s3 =	sadd.s32 s3, s9;
	s6 =	sadd.s32 @!p0 $0x88, s6;
	s7 =	simm.s32 @p2 $0x1082  }
0x22: {  	[simem:s7], [sflag:s8] =	dma.local @!p0 [hbm:s6], $0xF7A  }
0x23: {  	s9 =	sor.u32 $0xD0000000, s2;
	s6 =	simm.s32 $0x108;
	_ =	swait.ge @!p0 [sflag:s8], $0x0  }
0x24: {  	s3 =	sadd.s32 $0x88, s3;
	s6 =	simm.s32 @!p1 $0x1082;
	[sflag:s4] =	ssyncset.s32 $0xFFFFF086  }
0x25: {  	[simem:s6], [sflag:s4] =	dma.local [hbm:s3], $0xF7A  }
0x26: {  	[smem:$0x3F94] =	sst s1;
	(tag) =	ssettag s2;
	_ =	strace s9  }
0x27: {  	s1 =	sld [smem:$0x3FA4]  }
0x28: {  	s2 =	sld [smem:$0x3FA5]  }
0x29: {  	s4 =	sld [smem:$0x3FA7]  }
0x2a: {  	p0 =	seq.s32 s5, $0x0;
	s5 =	sld [smem:$0x3FA8]  }
0x2b: {  	s6 =	sld [smem:$0x3FA9]  }
0x2c: {  	s7 =	sld [smem:$0x3FAA]  }
0x2d: {  	s3 =	simm.s32 $0x108;
	s8 =	sld [smem:$0x3FAB]  }
0x2e: {  	s3 =	simm.s32 @!p0 $0x1082;
	s9 =	sld [smem:$0x3FAC]  }
0x2f: {  	lr =	sadd.s32 s0, s3;
	s0 =	sld [smem:$0x3FA3]  }
0x30: {  	s3 =	sld [smem:$0x3FA6]  }
0x31: {  	[smem:$0x3FAF] =	sst s10  }
0x32: {  	s10 =	sld [smem:$0x3FAD];
	_ =	sdelay $0x3  }
0x33: {  	p0 =	seq.s32 s10, $0x1;
	s10 =	sld [smem:$0x3FAF];
	_ =	sdelay $0x3  }
0x34: {  	[smem:$0x3FAF] =	sst s10  }
0x35: {  	s10 =	sld [smem:$0x3FAE];
	_ =	sdelay $0x3  }
0x36: {  	p1 =	seq.s32 s10, $0x1;
	s10 =	sld [smem:$0x3FAF];
	_ =	sdelay $0x3  }
0x37: {  	[smem:$0x3FAF] =	sst s10  }
0x38: {  	s10 =	sld [smem:$0x3FB0]  }
0x39: {  	_ = 	snop;
	(pc) =	sbr.ind lr, $3  }
0x3a: {  	_ = 	snop  }
0x3b: {  	_ = 	snop  }
0x3c: {  	p2 =	seq.s32 s10, $0x1;
	s10 =	sld [smem:$0x3FAF]  }
0x3d: {  	_ =	shalt  }
0x3e: {  	_ =	shalt  }
0x3f: {  	_ =	shalt  }
0x40: {  	_ =	shalt  }
0x41: {  	_ =	shalt  }
0x42: {  	_ =	shalt  }
0x43: {  	_ =	shalt  }
0x44: {  	_ =	shalt  }
0x45: {  	_ =	shalt  }
0x46: {  	_ =	shalt  }
0x47: {  	_ =	shalt  }
0x48: {  	_ =	shalt  }
0x49: {  	_ =	shalt  }
0x4a: {  	_ =	shalt  }
0x4b: {  	_ =	shalt  }
0x4c: {  	_ =	shalt  }
0x4d: {  	_ =	shalt  }
0x4e: {  	_ =	shalt  }
0x4f: {  	_ =	shalt  }
0x50: {  	_ =	shalt  }
0x51: {  	_ =	shalt  }
0x52: {  	_ =	shalt  }
0x53: {  	_ =	shalt  }
0x54: {  	_ =	shalt  }
0x55: {  	_ =	shalt  }
0x56: {  	_ =	shalt  }
0x57: {  	_ =	shalt  }
0x58: {  	_ =	shalt  }
0x59: {  	_ =	shalt  }
0x5a: {  	_ =	shalt  }
0x5b: {  	_ =	shalt  }
0x5c: {  	_ =	shalt  }
0x5d: {  	_ =	shalt  }
0x5e: {  	_ =	shalt  }
0x5f: {  	_ =	shalt  }
0x60: {  	_ =	shalt  }
0x61: {  	_ =	shalt  }
0x62: {  	_ =	shalt  }
0x63: {  	_ =	shalt  }
0x64: {  	_ =	shalt  }
0x65: {  	_ =	shalt  }
0x66: {  	_ =	shalt  }
0x67: {  	_ =	shalt  }
0x68: {  	_ =	shalt  }
0x69: {  	_ =	shalt  }
0x6a: {  	_ =	shalt  }
0x6b: {  	_ =	shalt  }
0x6c: {  	_ =	shalt  }
0x6d: {  	_ =	shalt  }
0x6e: {  	_ =	shalt  }
0x6f: {  	_ =	shalt  }
0x70: {  	_ =	shalt  }
0x71: {  	_ =	shalt  }
0x72: {  	_ =	shalt  }
0x73: {  	_ =	shalt  }
0x74: {  	_ =	shalt  }
0x75: {  	_ =	shalt  }
0x76: {  	_ =	shalt  }
0x77: {  	_ =	shalt  }
0x78: {  	_ =	shalt  }
0x79: {  	_ =	shalt  }
0x7a: {  	_ =	shalt  }
0x7b: {  	_ =	shalt  }
0x7c: {  	_ =	shalt  }
0x7d: {  	_ =	shalt  }
0x7e: {  	_ =	shalt  }
0x7f: {  	_ =	shalt  }
0x80: {  	_ =	shalt  }
0x81: {  	_ =	shalt  }
0x82: {  	_ =	shalt  }
0x83: {  	_ =	shalt  }
0x84: {  	_ =	shalt  }
0x85: {  	_ =	shalt  }
0x86: {  	_ =	shalt  }
0x87: {  	_ =	shalt  }
.Lfunc_end0:
.L_simem_size_0:
called_computation.6_lowered:
.L_overlay_start_0:
0x88: {  	s2 =	sld [smem:$0x3FD9]  }
0x89: {  	s3 =	sld [smem:$0x3FFE];
	_ =	sdelay $0x1  }
0x8a: {  	s1 =	srdreg.scid  }
0x8b: {  	s0 =	sand.u32 $0x1, s1  }
0x8c: {  	s17 =	sshll.u32 s0, $0xA;
	s2 =	sadd.s32 s3, s2  }
0x8d: {  	s2 =	sadd.s32 s2, s17  }
0x8e: {  	[smem:$0x3FBB] =	sst s2  }
0x8f: {  	_ = 	snop  }
0x90: {  	s2 =	sld [smem:$0x3FD0];
	(tm) =	ssettm $0x1  }
0x91: {  	s18 =	sld [smem:$0x3FFB];
	_ =	sdelay $0x3  }
0x92: {  	_ =	strace s18  }
0x93: {  	s3 =	sld [smem:$0x3FFC];
	_ =	sdelay $0x3  }
0x94: {  	_ =	strace s3  }
0x95: {  	s3 =	sld [smem:$0x3FFD];
	_ =	sdelay $0x3  }
0x96: {  	_ =	strace s3  }
0x97: {  	_ =	strace $0x8FFFFFFF  }
0x98: {  	s19 =	sld [smem:$0x3FDB];
	_ =	sdelay $0x1  }
0x99: {  	s4 =	simm.s32 $_scs_section_size  }
0x9a: {  	s5 =	simm.s32 $_size__tile_overlayer_lowered;
	s6 =	simm.s32 $_tile_overlayer_lowered  }
0x9b: {  	s22 =	simm.s32 $0x1BFF;
	s21 =	sshll.u32 s6, $0x1;
	s3 =	sadd.s32 s4, s19  }
0x9c: {  	s7 =	simm.s32 $0x0;
	s20 =	sshll.u32 s5, $0x1;
	s5 =	sadd.s32 s21, s3  }
0x9d: {  	[timem:s7], [sflag:s22] =	dma.local [hbm:s5], s20  }
0x9e: {  	_ =	swait.ge [sflag:s22], s20  }
0x9f: {  	s4 =	ssub.s32 $0x0, s20;
	[sflag:s22] =	ssyncset.done $0x0  }
0xa0: {  	[sflag:s22] =	ssyncadd.s32 s4;
	_ =	sdelay $0x1  }
0xa1: {  	s23 =	simm.s32 $0x1B8B  }
0xa2: {  	_ =	swait.ge [sflag:s23], $0x1  }
0xa3: {  	[sflag:s23] =	ssyncset.done $0x0  }
0xa4: {  	s25 =	simm.s32 $0x1B8E;
	s24 =	sld [smem:$0x3FFE];
	[sflag:s23] =	ssyncadd.s32 $0xFFFFFFFF  }
0xa5: {  	s26 =	simm.s32 $execute0_lowered;
	[smem:$0x3FD2] =	sst s25  }
0xa6: {  	s5 =	sshll.u32 s26, $0x1;
	_ =	strace $0x80000058;
	[dreg:$0x1] =	wrdreg $0xFFFFFFFF  }
0xa7: {  	s28 =	simm.s32 $_size_execute0_lowered;
	s3 =	sadd.s32 s3, s5;
	[dreg:$0x0] =	wrdreg $0x0  }
0xa8: {  	s5 =	sshll.u32 s28, $0x1;
	[dreg:$0x2] =	wrdreg s3  }
0xa9: {  	[dreg:$0x3] =	wrdreg s5  }
0xaa: {  	[dreg:$0x4] =	wrdreg $0xC0  }
0xab: {  	_ =	task [dreg:s7], $0x5FFFF  }
0xac: {  	[dreg:$0x1] =	wrdreg $0xFFFFFFFF  }
0xad: {  	[dreg:$0x0] =	wrdreg $0x60  }
0xae: {  	[dreg:$0x2] =	wrdreg s24  }
0xaf: {  	[dreg:$0x3] =	wrdreg s2  }
0xb0: {  	[dreg:$0x4] =	wrdreg $0x9  }
0xb1: {  	_ =	task.clear_ibuf [dreg:s7], $0x5FFFF;
	_ =	strace $0x90000058  }
0xb2: {  	s29 =	simm.s32 $0x9;
	_ =	strace $0x8000005A  }
0xb3: {  	_ =	swait.ge [sflag:s29], $0x1  }
0xb4: {  	[sflag:s29] =	ssyncadd.s32 $0xFFFFFFFF  }
0xb5: {  	_ =	strace $0x9000005A  }
0xb6: {  	_ =	sfence  }
0xb7: {  	s30 =	sld [smem:$0x0];
	_ =	sdelay $0x2  }
0xb8: {  	s31 =	sshll.u32 s1, $0xD;
	s1 =	sshrl.u32 s1, $0x2  }
0xb9: {  	s3 =	sand.u32 $0x4000, s31;
	s1 =	sadd.s32 s1, s30  }
0xba: {  	s0 =	sor.u32 s3, s0;
	s1 =	sshll.u32 s1, $0x11  }
0xbb: {  	s0 =	sor.u32 s1, s0  }
0xbc: {  	s0 =	sadd.s32 $0x8F2B, s0  }
0xbd: {  	[sflag:s0] =	ssyncadd.remote.s32 $0x1  }
0xbe: {  	_ =	sfence.sel $0xFFFF  }
0xbf: {  	[dreg:$0x0] =	wrdreg $0xFFFFFFFF;
	(pc) =	sbr.abs _section_cstart, $3  }
0xc0: {  	[dreg:$0x1] =	wrdreg $0xFFFFFFFF  }
0xc1: {  	_ =	task.clear_ibuf [dreg:s7], $0x2FFFF;
	_ =	strace $0x9FFFFFFF  }
0xc2: {  	(tm) =	ssettm $0x7FFFFFFF  }
0xc3: {  	_ =	shalt  }
tec
execute0_lowered:
.L_overlay_start_1:
0x0: {  	(tag) =	ssettag $0x1  }
0x1: {  	s4 =	rddreg [dreg:$0x0]  }
0x2: {  	s2 =	rddreg [dreg:$0x1]  }
0x3: {  	s0 =	rddreg [dreg:$0x2];
	s5 =	srdreg.scid  }
0x4: {  	s3 =	simm.s32 $0x0;
	s1 =	stileid.u32;
	s10 =	simm.s32 $0x2  }
0x5: {  	s11 =	simm.s32 $0x80;
	s12 =	simm.s32 $0x880;
	s13 =	simm.s32 $0x1080  }
0x6: {  	s14 =	simm.s32 $0x1880;
	s15 =	simm.s32 $0x2080;
	s16 =	simm.s32 $0x2880  }
0x7: {  	s17 =	simm.s32 $0x3080;
	s18 =	simm.s32 $0x3880;
	s19 =	simm.s32 $0x4080  }
0x8: {  	s20 =	simm.s32 $0x4880;
	s21 =	simm.s32 $0x5080;
	s22 =	simm.s32 $0x5880  }
0x9: {  	s23 =	simm.s32 $0x6080;
	s24 =	simm.s32 $0x6880;
	s25 =	simm.s32 $0x7080  }
0xa: {  	s26 =	simm.s32 $0x7880;
	s28 =	simm.s32 $0x1;
	s5 =	sand.u32 $0x1, s5  }
0xb: {  	[smem:$0x7FF] =	sst s3;
	s6 =	sshll.u32 s1, $0x6;
	s7 =	sshll.u32 s5, $0x5  }
0xc: {  	_ =	strace $0x80000059;
	s5 =	ssub.s32 $0x2, s5;
	s6 =	sor.u32 s7, s6  }
0xd: {  	s8 =	sshrl.u32 s5, $0x1;
	s7 =	sshll.u32 s6, $0x7;
	s6 =	sshrl.u32 s6, $0x3  }
0xe: {  	v2 =	vlaneseq.u32;
	s9 =	ssub.s32 s5, s8;
	s8 =	sadd.s32 $0x300, s2;
	s7 =	sadd.s32 s7, s4  }
0xf: {  	vm0 =	vmmov $0xffff;
	v1 =	vshrl.u32 v2, $0x3;
	s4 =	sadd.s32 s6, s4;
	s6 =	sadd.s32 $0x100, s2;
	s9 =	smax.u32 s9, $0x1  }
0x10: {  	v0 =	vand.u32 $0x7, v2;
	v2 =	vor.u32 $0x8, v2;
	v1 =	vmul.u32 $0x8, v1;
	s4 =	sadd.s32 $0x3400, s4;
	s5 =	sadd.s32 $0x7600, s7;
	s7 =	sadd.s32 $0x200, s2  }
.LBB2_1:
0x11: {  	[tilespmem:s3], [sflag:$0x2] =	stream.linear.gather [hbm4b:s4+s3], $0x20, $0x38;
	[tilespmem:$0x8080] =	vst v63  }
0x12: {  	_ =	swait.ge [sflag:s10], $0x20  }
0x13: {  	[sflag:s10] =	ssyncset.done $0x0  }
0x14: {  	[sflag:s10] =	ssyncadd.s32 $0xFFFFFFE0  }
0x15: {  	[tilespmem:s11], [sflag:$0x2] =	stream.linear.gather [hbm4b:s5+s3], $0x8000, $0x38;
	[tilespmem:$0x8080] =	vst v63  }
0x16: {  	_ =	swait.ge [sflag:s10], $0x8000  }
0x17: {  	[sflag:s10] =	ssyncset.done $0x0  }
0x18: {  	[sflag:s10] =	ssyncadd.s32 $0xFFFF8000  }
0x19: {  	v3 =	vld [tilespmem:$0x0];
	_ =	sdelay $0x4  }
0x1a: {  	v4 =	vshll.u32 v3, $0x3  }
0x1b: {  	v3 =	vand.u32 $0x7, v3;
	v4 =	vand.u32 $0xFFFFFFC0, v4  }
0x1c: {  	v3 =	vor.u32 v3, v4  }
0x1d: {  	v4 =	vperm.xlane v3, v0;
	_ =	sdelay $0x1  }
0x1e: {  	v4 =	vadd.s32 v1, v4;
	_ =	sdelay $0x4  }
0x1f: {  	[hbm4b:s2+s3] =	stream.indirect_vreg.scatter [tilespmem:s11], [sflag:$0x1], $0x80, v4, vm0, $0xb8;
	[tilespmem:$0x8080] =	vst v63  }
0x20: {  	v3 =	vperm.xlane v3, v2  }
0x21: {  	[hbm4b:s6+s3] =	stream.indirect_vreg.scatter [tilespmem:s12], [sflag:$0x1], $0x80, v4, vm0, $0xb8;
	[tilespmem:$0x8080] =	vst v63  }
0x22: {  	v3 =	vadd.s32 v1, v3  }
0x23: {  	[hbm4b:s7+s3] =	stream.indirect_vreg.scatter [tilespmem:s13], [sflag:$0x1], $0x80, v4, vm0, $0xb8;
	[tilespmem:$0x8080] =	vst v63  }
0x24: {  	_ = 	snop  }
0x25: {  	[hbm4b:s8+s3] =	stream.indirect_vreg.scatter [tilespmem:s14], [sflag:$0x1], $0x80, v4, vm0, $0xb8;
	[tilespmem:$0x8080] =	vst v63  }
0x26: {  	_ = 	snop  }
0x27: {  	[hbm4b:s2+s3] =	stream.indirect_vreg.scatter [tilespmem:s15], [sflag:$0x1], $0x80, v3, vm0, $0xb8;
	[tilespmem:$0x8080] =	vst v63  }
0x28: {  	_ = 	snop  }
0x29: {  	[hbm4b:s6+s3] =	stream.indirect_vreg.scatter [tilespmem:s16], [sflag:$0x1], $0x80, v3, vm0, $0xb8;
	[tilespmem:$0x8080] =	vst v63  }
0x2a: {  	_ = 	snop  }
0x2b: {  	[hbm4b:s7+s3] =	stream.indirect_vreg.scatter [tilespmem:s17], [sflag:$0x1], $0x80, v3, vm0, $0xb8;
	[tilespmem:$0x8080] =	vst v63  }
0x2c: {  	_ = 	snop  }
0x2d: {  	[hbm4b:s8+s3] =	stream.indirect_vreg.scatter [tilespmem:s18], [sflag:$0x1], $0x80, v3, vm0, $0xb8;
	[tilespmem:$0x8080] =	vst v63  }
0x2e: {  	v3 =	vld [tilespmem:$0x10];
	_ =	sdelay $0x4  }
0x2f: {  	v63 =	vshll.u32 v3, $0x3  }
0x30: {  	v3 =	vand.u32 $0x7, v3;
	v4 =	vand.u32 $0xFFFFFFC0, v63  }
0x31: {  	v3 =	vor.u32 v3, v4  }
0x32: {  	v4 =	vperm.xlane v3, v0;
	_ =	sdelay $0x1  }
0x33: {  	v4 =	vadd.s32 v1, v4;
	_ =	sdelay $0x4  }
0x34: {  	[hbm4b:s2+s3] =	stream.indirect_vreg.scatter [tilespmem:s19], [sflag:$0x1], $0x80, v4, vm0, $0xb8;
	[tilespmem:$0x8080] =	vst v63  }
0x35: {  	v3 =	vperm.xlane v3, v2  }
0x36: {  	[hbm4b:s6+s3] =	stream.indirect_vreg.scatter [tilespmem:s20], [sflag:$0x1], $0x80, v4, vm0, $0xb8;
	[tilespmem:$0x8080] =	vst v63  }
0x37: {  	v3 =	vadd.s32 v1, v3  }
0x38: {  	[hbm4b:s7+s3] =	stream.indirect_vreg.scatter [tilespmem:s21], [sflag:$0x1], $0x80, v4, vm0, $0xb8;
	[tilespmem:$0x8080] =	vst v63  }
0x39: {  	_ = 	snop  }
0x3a: {  	[hbm4b:s8+s3] =	stream.indirect_vreg.scatter [tilespmem:s22], [sflag:$0x1], $0x80, v4, vm0, $0xb8;
	[tilespmem:$0x8080] =	vst v63  }
0x3b: {  	_ = 	snop  }
0x3c: {  	[hbm4b:s2+s3] =	stream.indirect_vreg.scatter [tilespmem:s23], [sflag:$0x1], $0x80, v3, vm0, $0xb8;
	[tilespmem:$0x8080] =	vst v63  }
0x3d: {  	_ = 	snop  }
0x3e: {  	[hbm4b:s6+s3] =	stream.indirect_vreg.scatter [tilespmem:s24], [sflag:$0x1], $0x80, v3, vm0, $0xb8;
	[tilespmem:$0x8080] =	vst v63  }
0x3f: {  	p0 =	sne.s32 s9, $0x1  }
0x40: {  	[hbm4b:s7+s3] =	stream.indirect_vreg.scatter [tilespmem:s25], [sflag:$0x1], $0x80, v3, vm0, $0xb8;
	[tilespmem:$0x8080] =	vst v63  }
.Ltmp0:
0x41: {  	_ = 	snop;
	(pc) =	sbr.rel @p0 .LBB2_1-.Ltmp0, $4  }
0x42: {  	[hbm4b:s8+s3] =	stream.indirect_vreg.scatter [tilespmem:s26], [sflag:$0x1], $0x80, v3, vm0, $0xb8;
	[tilespmem:$0x8080] =	vst v63  }
0x43: {  	_ =	swait.ge [sflag:s28], $0x8000  }
0x44: {  	[sflag:s28] =	ssyncset.done $0x0  }
0x45: {  	s9 =	sadd.s32 $0xFFFFFFFF, s9;
	[sflag:s28] =	ssyncadd.s32 $0xFFFF8000  }
0x46: {  	_ =	sfence.sel $0x180000  }
0x47: {  	[bflag:$0x0] =	sbarrier.arrive $0xFFFF  }
0x48: {  	p0 =	sne.s32 s1, $0x0;
	_ =	strace $0x90000059  }
0x49: {  	s0 =	sadd.s32 @!p0 $0x100000, s0;
	[bflag:$0x2] =	sbarrier.arrive $0xFFFF  }
0x4a: {  	[sflag:s0] =	ssyncadd.tile.s32 @!p0 $0x1;
	_ =	shalt  }
.Lfunc_end2:
_tile_overlayer_lowered:
.L_overlay_start_2:
0x4b: {  	(tag) =	ssettag $0x2  }
0x4c: {  	s0 =	rddreg [dreg:$0x0];
	s2 =	stileid.u32  }
0x4d: {  	s1 =	rddreg [dreg:$0x1];
	p0 =	sne.s32 s2, $0x0  }
0x4e: {  	s3 =	rddreg [dreg:$0x2];
	[bflag:$0x3] =	sbarrier.arrive $0xFFFF;
	s2 =	simm.s32 @!p0 $0x1C02  }
0x4f: {  	[timem:s3], [sflag:s2] =	dma.local @!p0 [hbm:s0], s1  }
0x50: {  	s0 =	simm.s32 @!p0 $0x2  }
0x51: {  	_ =	swait.ge @!p0 [sflag:s0], s1  }
0x52: {  	s1 =	ssub.s32 @!p0 $0x0, s1;
	[sflag:s0] =	ssyncset.done @!p0 $0x0  }
0x53: {  	[sflag:s0] =	ssyncadd.s32 @!p0 s1  }
0x54: {  	[bflag:$0x3] =	sbarrier.arrive $0xFFFF  }
0x55: {  	_ =	shalt  }

// kernel: kernel.41.cloned.1.call-start
scs
__scs_entry_jumppad:
0x0: {  	(pc) =	sbr.rel $0x88, $3  }
0x1: {  	(tag) =	ssettag $0x0;
	lr =	simm.s32 $0x1  }
0x2: {  	[smem:$0x3F94] =	sst lr;
	_ =	strace $0xD0000000  }
0x3: {  	_ = 	snop  }
0x4: {  	_ = 	snop  }
0x5: {  	_ = 	snop  }
0x6: {  	_ = 	snop  }
0x7: {  	_ = 	snop  }
__scs_overlays_trampoline_lowered:
0x8: {  	[smem:$0x3FA3] =	sst s0  }
0x9: {  	[smem:$0x3FA4] =	sst s1  }
0xa: {  	[smem:$0x3FA5] =	sst s2  }
0xb: {  	[smem:$0x3FA6] =	sst s3  }
0xc: {  	[smem:$0x3FA7] =	sst s4  }
0xd: {  	[smem:$0x3FA8] =	sst s5  }
0xe: {  	[smem:$0x3FA9] =	sst s6  }
0xf: {  	[smem:$0x3FAA] =	sst s7  }
0x10: {  	[smem:$0x3FAB] =	sst s8  }
0x11: {  	[smem:$0x3FAC] =	sst s9;
	s0 =	simm.s32 @!p0 $0x0  }
0x12: {  	s1 =	sld [smem:$0x3F92];
	s0 =	simm.s32 @p0 $0x1  }
0x13: {  	[smem:$0x3FAD] =	sst s0;
	s0 =	simm.s32 @!p1 $0x0  }
0x14: {  	s2 =	sld [smem:$0x3F91];
	s0 =	simm.s32 @p1 $0x1  }
0x15: {  	[smem:$0x3FAE] =	sst s0;
	s0 =	simm.s32 @!p2 $0x0  }
0x16: {  	s3 =	sld [smem:$0x3FDB];
	s0 =	simm.s32 @p2 $0x1  }
0x17: {  	s4 =	simm.s32 $0x1BF5;
	[smem:$0x3FB0] =	sst s0  }
0x18: {  	s0 =	sld [smem:$0x3F93];
	_ =	swait.ge [sflag:s4], $0x0  }
0x19: {  	s7 =	sld [smem:$0x3F94]  }
0x1a: {  	s8 =	sadd.s32 $0xFFFFE003, lr  }
0x1b: {  	s9 =	sadd.s32 $0xFFFFFEF7, lr;
	s5 =	simm.s32 $0xFFFFFFFF;
	p2 =	slt.u32 s8, $0xFFFFF086  }
0x1c: {  	p1 =	slt.u32 s9, $0xF7A;
	s5 =	simm.s32 @!p2 $0x0  }
0x1d: {  	s5 =	simm.s32 @p1 $0x1;
	p0 =	seq.s32 s7, s2  }
0x1e: {  	s7 =	smul.u32 @!p0 $0xF7A, s2;
	p2 =	seq.s32 @!p0 s5, $0x0  }
0x1f: {  	s9 =	smul.u32 $0xF7A, s1;
	s8 =	simm.s32 @!p0 $0x1BF5;
	p2 =	por !p2, p0  }
0x20: {  	[sflag:s8] =	ssyncset.s32 @!p0 $0xFFFFF086;
	s6 =	sadd.s32 @!p0 s3, s7;
	s7 =	simm.s32 @!p0 $0x108  }
0x21: {  	s3 =	sadd.s32 s3, s9;
	s6 =	sadd.s32 @!p0 $0x88, s6;
	s7 =	simm.s32 @p2 $0x1082  }
0x22: {  	[simem:s7], [sflag:s8] =	dma.local @!p0 [hbm:s6], $0xF7A  }
0x23: {  	s9 =	sor.u32 $0xD0000000, s2;
	s6 =	simm.s32 $0x108;
	_ =	swait.ge @!p0 [sflag:s8], $0x0  }
0x24: {  	s3 =	sadd.s32 $0x88, s3;
	s6 =	simm.s32 @!p1 $0x1082;
	[sflag:s4] =	ssyncset.s32 $0xFFFFF086  }
0x25: {  	[simem:s6], [sflag:s4] =	dma.local [hbm:s3], $0xF7A  }
0x26: {  	[smem:$0x3F94] =	sst s1;
	(tag) =	ssettag s2;
	_ =	strace s9  }
0x27: {  	s1 =	sld [smem:$0x3FA4]  }
0x28: {  	s2 =	sld [smem:$0x3FA5]  }
0x29: {  	s4 =	sld [smem:$0x3FA7]  }
0x2a: {  	p0 =	seq.s32 s5, $0x0;
	s5 =	sld [smem:$0x3FA8]  }
0x2b: {  	s6 =	sld [smem:$0x3FA9]  }
0x2c: {  	s7 =	sld [smem:$0x3FAA]  }
0x2d: {  	s3 =	simm.s32 $0x108;
	s8 =	sld [smem:$0x3FAB]  }
0x2e: {  	s3 =	simm.s32 @!p0 $0x1082;
	s9 =	sld [smem:$0x3FAC]  }
0x2f: {  	lr =	sadd.s32 s0, s3;
	s0 =	sld [smem:$0x3FA3]  }
0x30: {  	s3 =	sld [smem:$0x3FA6]  }
0x31: {  	[smem:$0x3FAF] =	sst s10  }
0x32: {  	s10 =	sld [smem:$0x3FAD];
	_ =	sdelay $0x3  }
0x33: {  	p0 =	seq.s32 s10, $0x1;
	s10 =	sld [smem:$0x3FAF];
	_ =	sdelay $0x3  }
0x34: {  	[smem:$0x3FAF] =	sst s10  }
0x35: {  	s10 =	sld [smem:$0x3FAE];
	_ =	sdelay $0x3  }
0x36: {  	p1 =	seq.s32 s10, $0x1;
	s10 =	sld [smem:$0x3FAF];
	_ =	sdelay $0x3  }
0x37: {  	[smem:$0x3FAF] =	sst s10  }
0x38: {  	s10 =	sld [smem:$0x3FB0]  }
0x39: {  	_ = 	snop;
	(pc) =	sbr.ind lr, $3  }
0x3a: {  	_ = 	snop  }
0x3b: {  	_ = 	snop  }
0x3c: {  	p2 =	seq.s32 s10, $0x1;
	s10 =	sld [smem:$0x3FAF]  }
0x3d: {  	_ =	shalt  }
0x3e: {  	_ =	shalt  }
0x3f: {  	_ =	shalt  }
0x40: {  	_ =	shalt  }
0x41: {  	_ =	shalt  }
0x42: {  	_ =	shalt  }
0x43: {  	_ =	shalt  }
0x44: {  	_ =	shalt  }
0x45: {  	_ =	shalt  }
0x46: {  	_ =	shalt  }
0x47: {  	_ =	shalt  }
0x48: {  	_ =	shalt  }
0x49: {  	_ =	shalt  }
0x4a: {  	_ =	shalt  }
0x4b: {  	_ =	shalt  }
0x4c: {  	_ =	shalt  }
0x4d: {  	_ =	shalt  }
0x4e: {  	_ =	shalt  }
0x4f: {  	_ =	shalt  }
0x50: {  	_ =	shalt  }
0x51: {  	_ =	shalt  }
0x52: {  	_ =	shalt  }
0x53: {  	_ =	shalt  }
0x54: {  	_ =	shalt  }
0x55: {  	_ =	shalt  }
0x56: {  	_ =	shalt  }
0x57: {  	_ =	shalt  }
0x58: {  	_ =	shalt  }
0x59: {  	_ =	shalt  }
0x5a: {  	_ =	shalt  }
0x5b: {  	_ =	shalt  }
0x5c: {  	_ =	shalt  }
0x5d: {  	_ =	shalt  }
0x5e: {  	_ =	shalt  }
0x5f: {  	_ =	shalt  }
0x60: {  	_ =	shalt  }
0x61: {  	_ =	shalt  }
0x62: {  	_ =	shalt  }
0x63: {  	_ =	shalt  }
0x64: {  	_ =	shalt  }
0x65: {  	_ =	shalt  }
0x66: {  	_ =	shalt  }
0x67: {  	_ =	shalt  }
0x68: {  	_ =	shalt  }
0x69: {  	_ =	shalt  }
0x6a: {  	_ =	shalt  }
0x6b: {  	_ =	shalt  }
0x6c: {  	_ =	shalt  }
0x6d: {  	_ =	shalt  }
0x6e: {  	_ =	shalt  }
0x6f: {  	_ =	shalt  }
0x70: {  	_ =	shalt  }
0x71: {  	_ =	shalt  }
0x72: {  	_ =	shalt  }
0x73: {  	_ =	shalt  }
0x74: {  	_ =	shalt  }
0x75: {  	_ =	shalt  }
0x76: {  	_ =	shalt  }
0x77: {  	_ =	shalt  }
0x78: {  	_ =	shalt  }
0x79: {  	_ =	shalt  }
0x7a: {  	_ =	shalt  }
0x7b: {  	_ =	shalt  }
0x7c: {  	_ =	shalt  }
0x7d: {  	_ =	shalt  }
0x7e: {  	_ =	shalt  }
0x7f: {  	_ =	shalt  }
0x80: {  	_ =	shalt  }
0x81: {  	_ =	shalt  }
0x82: {  	_ =	shalt  }
0x83: {  	_ =	shalt  }
0x84: {  	_ =	shalt  }
0x85: {  	_ =	shalt  }
0x86: {  	_ =	shalt  }
0x87: {  	_ =	shalt  }
.Lfunc_end0:
.L_simem_size_0:
called_computation.7_lowered:
.L_overlay_start_0:
0x88: {  	s2 =	sld [smem:$0x3FD9]  }
0x89: {  	s3 =	sld [smem:$0x3FFE];
	_ =	sdelay $0x1  }
0x8a: {  	s1 =	srdreg.scid  }
0x8b: {  	s0 =	sand.u32 $0x1, s1  }
0x8c: {  	s17 =	sshll.u32 s0, $0xA;
	s2 =	sadd.s32 s3, s2  }
0x8d: {  	s2 =	sadd.s32 s2, s17  }
0x8e: {  	[smem:$0x3FBB] =	sst s2  }
0x8f: {  	_ = 	snop  }
0x90: {  	s2 =	sld [smem:$0x3FD0];
	(tm) =	ssettm $0x1  }
0x91: {  	s18 =	sld [smem:$0x3FFB];
	_ =	sdelay $0x3  }
0x92: {  	_ =	strace s18  }
0x93: {  	s3 =	sld [smem:$0x3FFC];
	_ =	sdelay $0x3  }
0x94: {  	_ =	strace s3  }
0x95: {  	s3 =	sld [smem:$0x3FFD];
	_ =	sdelay $0x3  }
0x96: {  	_ =	strace s3  }
0x97: {  	_ =	strace $0x8FFFFFFF  }
0x98: {  	s19 =	sld [smem:$0x3FDB];
	_ =	sdelay $0x1  }
0x99: {  	s4 =	simm.s32 $_scs_section_size  }
0x9a: {  	s5 =	simm.s32 $_size__tile_overlayer_lowered;
	s6 =	simm.s32 $_tile_overlayer_lowered  }
0x9b: {  	s22 =	simm.s32 $0x1BFF;
	s21 =	sshll.u32 s6, $0x1;
	s3 =	sadd.s32 s4, s19  }
0x9c: {  	s7 =	simm.s32 $0x0;
	s20 =	sshll.u32 s5, $0x1;
	s5 =	sadd.s32 s21, s3  }
0x9d: {  	[timem:s7], [sflag:s22] =	dma.local [hbm:s5], s20  }
0x9e: {  	_ =	swait.ge [sflag:s22], s20  }
0x9f: {  	s4 =	ssub.s32 $0x0, s20;
	[sflag:s22] =	ssyncset.done $0x0  }
0xa0: {  	[sflag:s22] =	ssyncadd.s32 s4;
	_ =	sdelay $0x1  }
0xa1: {  	s23 =	simm.s32 $0x1B8B  }
0xa2: {  	_ =	swait.ge [sflag:s23], $0x1  }
0xa3: {  	[sflag:s23] =	ssyncset.done $0x0  }
0xa4: {  	s25 =	simm.s32 $0x1B8E;
	s24 =	sld [smem:$0x3FFE];
	[sflag:s23] =	ssyncadd.s32 $0xFFFFFFFF  }
0xa5: {  	s26 =	simm.s32 $execute0_lowered;
	[smem:$0x3FD2] =	sst s25  }
0xa6: {  	s5 =	sshll.u32 s26, $0x1;
	_ =	strace $0x8000005B;
	[dreg:$0x1] =	wrdreg $0xFFFFFFFF  }
0xa7: {  	s28 =	simm.s32 $_size_execute0_lowered;
	s3 =	sadd.s32 s3, s5;
	[dreg:$0x0] =	wrdreg $0x0  }
0xa8: {  	s5 =	sshll.u32 s28, $0x1;
	[dreg:$0x2] =	wrdreg s3  }
0xa9: {  	[dreg:$0x3] =	wrdreg s5  }
0xaa: {  	[dreg:$0x4] =	wrdreg $0xC0  }
0xab: {  	_ =	task [dreg:s7], $0x5FFFF  }
0xac: {  	[dreg:$0x1] =	wrdreg $0xFFFFFFFF  }
0xad: {  	[dreg:$0x0] =	wrdreg $0x60  }
0xae: {  	[dreg:$0x2] =	wrdreg s2  }
0xaf: {  	[dreg:$0x3] =	wrdreg s24  }
0xb0: {  	[dreg:$0x4] =	wrdreg $0x9  }
0xb1: {  	_ =	task.clear_ibuf [dreg:s7], $0x5FFFF;
	_ =	strace $0x9000005B  }
0xb2: {  	s29 =	simm.s32 $0x9;
	_ =	strace $0x8000005D  }
0xb3: {  	_ =	swait.ge [sflag:s29], $0x1  }
0xb4: {  	[sflag:s29] =	ssyncadd.s32 $0xFFFFFFFF  }
0xb5: {  	_ =	strace $0x9000005D  }
0xb6: {  	_ =	sfence  }
0xb7: {  	s30 =	sld [smem:$0x0];
	_ =	sdelay $0x2  }
0xb8: {  	s31 =	sshll.u32 s1, $0xD;
	s1 =	sshrl.u32 s1, $0x2  }
0xb9: {  	s3 =	sand.u32 $0x4000, s31;
	s1 =	sadd.s32 s1, s30  }
0xba: {  	s0 =	sor.u32 s3, s0;
	s1 =	sshll.u32 s1, $0x11  }
0xbb: {  	s0 =	sor.u32 s1, s0  }
0xbc: {  	s0 =	sadd.s32 $0x8F2B, s0  }
0xbd: {  	[sflag:s0] =	ssyncadd.remote.s32 $0x1  }
0xbe: {  	_ =	sfence.sel $0xFFFF  }
0xbf: {  	[dreg:$0x0] =	wrdreg $0xFFFFFFFF;
	(pc) =	sbr.abs _section_cstart, $3  }
0xc0: {  	[dreg:$0x1] =	wrdreg $0xFFFFFFFF  }
0xc1: {  	_ =	task.clear_ibuf [dreg:s7], $0x2FFFF;
	_ =	strace $0x9FFFFFFF  }
0xc2: {  	(tm) =	ssettm $0x7FFFFFFF  }
0xc3: {  	_ =	shalt  }
tec
execute0_lowered:
.L_overlay_start_1:
0x0: {  	(tag) =	ssettag $0x1  }
0x1: {  	s1 =	rddreg [dreg:$0x0]  }
0x2: {  	s4 =	rddreg [dreg:$0x1]  }
0x3: {  	s0 =	rddreg [dreg:$0x2]  }
0x4: {  	s5 =	srdreg.scid;
	s3 =	simm.s32 $0x0;
	s2 =	stileid.u32  }
0x5: {  	s9 =	simm.s32 $0x80;
	s10 =	simm.s32 $0x880;
	s11 =	simm.s32 $0x1080  }
0x6: {  	s12 =	simm.s32 $0x1880;
	s13 =	simm.s32 $0x2080;
	s14 =	simm.s32 $0x2880  }
0x7: {  	s15 =	simm.s32 $0x3080;
	s16 =	simm.s32 $0x3880;
	s5 =	sand.u32 $0x1, s5  }
0x8: {  	s17 =	simm.s32 $0x1;
	s6 =	sshll.u32 s2, $0x6;
	s7 =	sshll.u32 s5, $0x5  }
0x9: {  	[smem:$0x7FF] =	sst s3;
	s5 =	ssub.s32 $0x2, s5;
	s6 =	sor.u32 s7, s6  }
0xa: {  	_ =	strace $0x8000005C;
	s31 =	sshrl.u32 s5, $0x1;
	s7 =	sshrl.u32 s6, $0x3  }
0xb: {  	v2 =	vlaneseq.u32;
	s6 =	sshll.u32 s6, $0x6;
	s8 =	ssub.s32 s5, s31;
	s7 =	sadd.s32 s7, s4  }
0xc: {  	vm0 =	vmmov $0xffff;
	v1 =	vshrl.u32 v2, $0x3;
	s5 =	sadd.s32 $0x100, s1;
	s6 =	sadd.s32 s6, s4;
	s4 =	sadd.s32 $0x3400, s7  }
0xd: {  	v0 =	vand.u32 $0x7, v2;
	v2 =	vor.u32 $0x8, v2;
	v1 =	vmul.u32 $0x8, v1;
	s6 =	sadd.s32 $0x3600, s6;
	s7 =	smax.u32 s8, $0x1;
	s8 =	simm.s32 $0x2  }
.LBB2_1:
0xe: {  	[tilespmem:s3], [sflag:$0x2] =	stream.linear.gather [hbm4b:s4+s3], $0x20, $0x38;
	[tilespmem:$0x4080] =	vst v63  }
0xf: {  	_ =	swait.ge [sflag:s8], $0x20  }
0x10: {  	[sflag:s8] =	ssyncset.done $0x0  }
0x11: {  	[sflag:s8] =	ssyncadd.s32 $0xFFFFFFE0  }
0x12: {  	v3 =	vld [tilespmem:$0x0];
	_ =	sdelay $0x4  }
0x13: {  	v4 =	vshll.u32 v3, $0x2  }
0x14: {  	v3 =	vand.u32 $0x7, v3;
	v4 =	vand.u32 $0xFFFFFFE0, v4  }
0x15: {  	v3 =	vor.u32 v3, v4  }
0x16: {  	v4 =	vperm.xlane v3, v0;
	_ =	sdelay $0x1  }
0x17: {  	v4 =	vadd.s32 v1, v4;
	_ =	sdelay $0x1  }
0x18: {  	v3 =	vperm.xlane v3, v2;
	_ =	sdelay $0x1  }
0x19: {  	v3 =	vadd.s32 v1, v3  }
0x1a: {  	[tilespmem:s9], [sflag:$0x1] =	stream.indirect_vreg.gather [hbm4b:s1+s3], $0x80, v4, vm0, $0xb8;
	[tilespmem:$0x4080] =	vst v63  }
0x1b: {  	_ = 	snop  }
0x1c: {  	[tilespmem:s10], [sflag:$0x1] =	stream.indirect_vreg.gather [hbm4b:s5+s3], $0x80, v4, vm0, $0xb8;
	[tilespmem:$0x4080] =	vst v63  }
0x1d: {  	_ = 	snop  }
0x1e: {  	[tilespmem:s11], [sflag:$0x1] =	stream.indirect_vreg.gather [hbm4b:s1+s3], $0x80, v3, vm0, $0xb8;
	[tilespmem:$0x4080] =	vst v63  }
0x1f: {  	_ = 	snop  }
0x20: {  	[tilespmem:s12], [sflag:$0x1] =	stream.indirect_vreg.gather [hbm4b:s5+s3], $0x80, v3, vm0, $0xb8;
	[tilespmem:$0x4080] =	vst v63  }
0x21: {  	v3 =	vld [tilespmem:$0x10];
	_ =	sdelay $0x4  }
0x22: {  	v63 =	vshll.u32 v3, $0x2  }
0x23: {  	v3 =	vand.u32 $0x7, v3;
	v4 =	vand.u32 $0xFFFFFFE0, v63  }
0x24: {  	v3 =	vor.u32 v3, v4  }
0x25: {  	v4 =	vperm.xlane v3, v0;
	_ =	sdelay $0x1  }
0x26: {  	v4 =	vadd.s32 v1, v4;
	_ =	sdelay $0x1  }
0x27: {  	v3 =	vperm.xlane v3, v2;
	_ =	sdelay $0x1  }
0x28: {  	v3 =	vadd.s32 v1, v3  }
0x29: {  	[tilespmem:s13], [sflag:$0x1] =	stream.indirect_vreg.gather [hbm4b:s1+s3], $0x80, v4, vm0, $0xb8;
	[tilespmem:$0x4080] =	vst v63  }
0x2a: {  	_ = 	snop  }
0x2b: {  	[tilespmem:s14], [sflag:$0x1] =	stream.indirect_vreg.gather [hbm4b:s5+s3], $0x80, v4, vm0, $0xb8;
	[tilespmem:$0x4080] =	vst v63  }
0x2c: {  	_ = 	snop  }
0x2d: {  	[tilespmem:s15], [sflag:$0x1] =	stream.indirect_vreg.gather [hbm4b:s1+s3], $0x80, v3, vm0, $0xb8;
	[tilespmem:$0x4080] =	vst v63  }
0x2e: {  	_ = 	snop  }
0x2f: {  	[tilespmem:s16], [sflag:$0x1] =	stream.indirect_vreg.gather [hbm4b:s5+s3], $0x80, v3, vm0, $0xb8;
	[tilespmem:$0x4080] =	vst v63  }
0x30: {  	_ =	swait.ge [sflag:s17], $0x4000  }
0x31: {  	p0 =	sne.s32 s7, $0x1;
	[sflag:s17] =	ssyncset.done $0x0  }
.Ltmp0:
0x32: {  	[sflag:s17] =	ssyncadd.s32 $0xFFFFC000;
	(pc) =	sbr.rel @p0 .LBB2_1-.Ltmp0, $4  }
0x33: {  	[hbm4b:s6+s3] =	stream.linear.scatter [tilespmem:s9], [sflag:$0x2], $0x4000, $0x38;
	[tilespmem:$0x4080] =	vst v63  }
0x34: {  	_ =	swait.ge [sflag:s8], $0x4000  }
0x35: {  	[sflag:s8] =	ssyncset.done $0x0  }
0x36: {  	s7 =	sadd.s32 $0xFFFFFFFF, s7;
	[sflag:s8] =	ssyncadd.s32 $0xFFFFC000  }
0x37: {  	_ =	sfence.sel $0x180000  }
0x38: {  	[bflag:$0x0] =	sbarrier.arrive $0xFFFF  }
0x39: {  	p0 =	sne.s32 s2, $0x0;
	_ =	strace $0x9000005C  }
0x3a: {  	s0 =	sadd.s32 @!p0 $0x100000, s0;
	[bflag:$0x2] =	sbarrier.arrive $0xFFFF  }
0x3b: {  	[sflag:s0] =	ssyncadd.tile.s32 @!p0 $0x1;
	_ =	shalt  }
.Lfunc_end2:
_tile_overlayer_lowered:
.L_overlay_start_2:
0x3c: {  	(tag) =	ssettag $0x2  }
0x3d: {  	s0 =	rddreg [dreg:$0x0];
	s2 =	stileid.u32  }
0x3e: {  	s1 =	rddreg [dreg:$0x1];
	p0 =	sne.s32 s2, $0x0  }
0x3f: {  	s3 =	rddreg [dreg:$0x2];
	[bflag:$0x3] =	sbarrier.arrive $0xFFFF;
	s2 =	simm.s32 @!p0 $0x1C02  }
0x40: {  	[timem:s3], [sflag:s2] =	dma.local @!p0 [hbm:s0], s1  }
0x41: {  	s0 =	simm.s32 @!p0 $0x2  }
0x42: {  	_ =	swait.ge @!p0 [sflag:s0], s1  }
0x43: {  	s1 =	ssub.s32 @!p0 $0x0, s1;
	[sflag:s0] =	ssyncset.done @!p0 $0x0  }
0x44: {  	[sflag:s0] =	ssyncadd.s32 @!p0 s1  }
0x45: {  	[bflag:$0x3] =	sbarrier.arrive $0xFFFF  }
0x46: {  	_ =	shalt  }

</sc_bundles>
